<compile_context>
chip_gen: v7x
topology: tpu7x:2x2x1
jax: 0.10.2.dev20260603
libtpu: 0.0.44.dev20260713+nightly
codegen_flags: <defaults>
</compile_context>

<pallas_src>
import functools

import jax
import jax.numpy as jnp
from jax import lax
from jax.experimental import pallas as pl
from jax.experimental.pallas import tpu as pltpu
from jax.experimental.pallas import tpu_sc as plsc

F32 = jnp.float32
I32 = jnp.int32

_NC = 2
_NS = 16
_NW = _NC * _NS


def _sc_mesh():
    return plsc.VectorSubcoreMesh(core_axis_name="c", subcore_axis_name="s",
                                  num_cores=_NC, num_subcores=_NS)


def _chunk_of(per_worker, cap=448):
    for c in range(min(per_worker, cap), 0, -1):
        if per_worker % c == 0 and c % 8 == 0:
            return c
    return per_worker


def _pad_rows(n):
    per = -(-n // (_NS * 8)) * 8
    return per * _NS


def _pick_block(n, target):
    b = min(n, target)
    while n % b or b % 8:
        b -= 1
    return b


def _ln(v):
    m = jnp.mean(v, axis=-1, keepdims=True)
    var = jnp.mean((v - m) ** 2, axis=-1, keepdims=True)
    return (v - m) * lax.rsqrt(var + 1e-5)


def _dot(a, b):
    return jnp.dot(a, b, preferred_element_type=F32)



def _k_node_enc(x_ref, wn_ref, bn_ref, deg_ref, h_ref, ent_ref):
    h = _ln(_dot(x_ref[...], wn_ref[...]) + bn_ref[...])
    h_ref[...] = h
    deg = deg_ref[:, 0]
    p = 1.0 / (deg + 1e-6)
    s = jnp.sum(deg * (-p * jnp.log(p + 1e-6)))
    ent_ref[0, 0, :] = jnp.broadcast_to(s, (ent_ref.shape[-1],))


def _k_edge_enc(ea_ref, we_ref, be_ref, e_ref):
    e_ref[...] = _ln(_dot(ea_ref[...], we_ref[...]) + be_ref[...])


def _k_node1(h_ref, agg_ref, deg_ref, ws_ref, wnn_ref, sb_ref,
             mac_ref, st_ref):
    h = h_ref[...]
    agg = (agg_ref[0] + agg_ref[1]) / (deg_ref[...] + 1e-6)
    mac = _dot(h, ws_ref[...]) + _dot(agg, wnn_ref[...]) + sb_ref[...]
    mac_ref[...] = mac
    st_ref[0, 0, :] = jnp.sum(mac, axis=0)
    st_ref[0, 1, :] = jnp.sum(mac * mac, axis=0)


def _k_edge_score(e_ref, hs_ref, hd_ref, we_ref, wq_ref, wk_ref, wv_ref,
                  g_ref, gt_ref, t_ref, sc_ref, mx_ref):
    ee = _dot(e_ref[...], we_ref[...])
    hs = hs_ref[...]
    q = _dot(hd_ref[...], wq_ref[...])
    k = _dot(hs, wk_ref[...]) + ee
    v = _dot(hs, wv_ref[...]) + ee
    sc = _dot(q * k, g_ref[...]) * 0.25
    t_ref[...] = v
    sc_ref[...] = sc
    mx8 = jnp.max(sc, axis=0, keepdims=True)
    mx_ref[0] = _dot(mx8, gt_ref[...])


def _k_edge_exp(t_ref, sc_ref, gmx_ref, gt_ref, msg_ref, z_ref):
    z8 = jnp.exp(sc_ref[...] - gmx_ref[...])
    z = _dot(z8, gt_ref[...])
    msg_ref[...] = z * t_ref[...]
    z_ref[...] = z


def _k_node2(s_ref, den_ref, h_ref, wo_ref, bo_ref, z_ref, st_ref):
    s = s_ref[0] + s_ref[1]
    den = den_ref[0] + den_ref[1] + 1e-16
    outn = _dot(s / den, wo_ref[...]) + bo_ref[...]
    z = outn + h_ref[...]
    z_ref[...] = z
    st_ref[0, 0, :] = jnp.sum(z, axis=0)
    st_ref[0, 1, :] = jnp.sum(z * z, axis=0)


def _k_node3(mac_ref, z_ref, mu_ref, var_ref, h_ref, ent_ref,
             a1_ref, eb_ref, w2_ref, b2_ref,
             hnew_ref, hmic_ref):
    mu = mu_ref[...]
    var = var_ref[...]
    hmac = jax.nn.gelu((mac_ref[...] - mu[0:1, :]) *
                       lax.rsqrt(var[0:1, :] + 1e-5)) + h_ref[...]
    hmic = jax.nn.gelu((z_ref[...] - mu[1:2, :]) *
                       lax.rsqrt(var[1:2, :] + 1e-5))
    dh2 = a1_ref.shape[1] // 2
    gi = (_dot(hmac, a1_ref[:, :dh2]) + _dot(hmic, a1_ref[:, dh2:])
          + ent_ref[0, 0] * eb_ref[0:1, :dh2] + eb_ref[1:2, :dh2])
    sg = jax.nn.silu(gi)
    a = jax.nn.sigmoid(_dot(sg, w2_ref[...]) + b2_ref[...])
    hnew_ref[...] = a * hmac + (1.0 - a) * hmic
    hmic_ref[...] = hmic


def _k_edge_mlp(hs_ref, hd_ref, e_ref, w1_ref, b1_ref, w2_ref, b2_ref,
                wg_ref, bg_ref, eo_ref):
    hs = hs_ref[...]
    hd = hd_ref[...]
    e = e_ref[...]
    d = e.shape[1]
    w1 = w1_ref[...]
    wg = wg_ref[...]
    c1 = (_dot(hs, w1[:d]) + _dot(hd, w1[d:2 * d]) + _dot(e, w1[2 * d:])
          + b1_ref[...])
    u = jax.nn.gelu(_ln(c1))
    upd = _dot(u, w2_ref[...]) + b2_ref[...]
    g = jax.nn.sigmoid(_dot(hs, wg[:d]) + _dot(hd, wg[d:2 * d])
                       + _dot(e, wg[2 * d:]) + bg_ref[...])
    eo_ref[...] = _ln(upd * g + e)



def _rows(block, ncols):
    return pl.BlockSpec((block, ncols), lambda i: (i, 0))


def _bcast(shape):
    nd = len(shape)
    return pl.BlockSpec(shape, lambda i: (0,) * nd)


def _call(body, grid, in_specs, out_specs, out_shapes, *args):
    r = pl.pallas_call(
        body,
        grid=(grid,),
        in_specs=in_specs,
        out_specs=out_specs,
        out_shape=out_shapes,
    )(*args)
    return r[0] if len(out_shapes) == 1 else r



def _sc_gather_scatter(h, src, dst, zeros):
    n, d = h.shape
    e = src.shape[0]
    ew = e // _NW
    c = _chunk_of(ew, cap=96)
    iters = ew // c
    n_pad = zeros.shape[0]
    rps = n_pad // _NS

    def body(h_hbm, src_hbm, dst_hbm, zer_hbm, hs_out, hd_out, agg_out,
             sidx0, didx0, sidx1, didx1, r00, r01, r10, r11, acc,
             g00, g01, g10, g11, i00, i01, i10, i11):
        ci = lax.axis_index("c")
        si = lax.axis_index("s")
        wid = si * _NC + ci
        pltpu.sync_copy(zer_hbm.at[pl.ds(si * rps, rps)],
                        acc.at[pl.ds(si * rps, rps)])
        plsc.subcore_barrier()
        base0 = wid * ew

        def one(b, sidx, didx, rs, rd, gs, gd, js, jd):
            ais = pltpu.async_copy(src_hbm.at[pl.ds(b, c)], sidx, js)
            aid = pltpu.async_copy(dst_hbm.at[pl.ds(b, c)], didx, jd)
            ais.wait()
            cs = pltpu.async_copy(h_hbm.at[sidx], rs, gs)
            aid.wait()
            cd = pltpu.async_copy(h_hbm.at[didx], rd, gd)
            return cs, cd

        def fin(b, didx, rs, rd, cs, cd):
            cs.wait()
            pltpu.sync_copy(rs, hs_out.at[pl.ds(b, c)])
            pltpu.sync_copy(rs, acc.at[didx], add=True)
            cd.wait()
            pltpu.sync_copy(rd, hd_out.at[pl.ds(b, c)])

        def step(j, carry):
            b0 = base0 + (2 * j) * c
            b1 = b0 + c
            cs0, cd0 = one(b0, sidx0, didx0, r00, r01, g00, g01, i00, i01)
            cs1, cd1 = one(b1, sidx1, didx1, r10, r11, g10, g11, i10, i11)
            fin(b0, didx0, r00, r01, cs0, cd0)
            fin(b1, didx1, r10, r11, cs1, cd1)
            return carry

        lax.fori_loop(0, iters // 2, step, 0)
        if iters % 2:
            bt = base0 + (iters - 1) * c
            cs0, cd0 = one(bt, sidx0, didx0, r00, r01, g00, g01, i00, i01)
            fin(bt, didx0, r00, r01, cs0, cd0)
        plsc.subcore_barrier()
        pltpu.sync_copy(acc.at[pl.ds(si * rps, rps)],
                        agg_out.at[ci].at[pl.ds(si * rps, rps)])

    f = pl.kernel(
        body,
        out_type=[jax.ShapeDtypeStruct((e, d), F32),
                  jax.ShapeDtypeStruct((e, d), F32),
                  jax.ShapeDtypeStruct((_NC, n_pad, d), F32)],
        mesh=_sc_mesh(),
        scratch_types=[pltpu.VMEM((c,), I32), pltpu.VMEM((c,), I32),
                       pltpu.VMEM((c,), I32), pltpu.VMEM((c,), I32),
                       pltpu.VMEM((c, d), F32), pltpu.VMEM((c, d), F32),
                       pltpu.VMEM((c, d), F32), pltpu.VMEM((c, d), F32),
                       pltpu.VMEM_SHARED((n_pad, d), F32),
                       pltpu.SemaphoreType.DMA, pltpu.SemaphoreType.DMA,
                       pltpu.SemaphoreType.DMA, pltpu.SemaphoreType.DMA,
                       pltpu.SemaphoreType.DMA, pltpu.SemaphoreType.DMA,
                       pltpu.SemaphoreType.DMA, pltpu.SemaphoreType.DMA],
    )
    return f(h, src, dst, zeros)


def _sc_scatter(p, dst, zeros):
    n_pad, w = zeros.shape
    e, _ = p.shape
    ew = e // _NW
    c = _chunk_of(ew, cap=200)
    iters = ew // c
    rps = n_pad // _NS

    def body(p_hbm, dst_hbm, zer_hbm, out, pbuf0, didx0, didx1,
             acc, s0, si0, si1):
        ci = lax.axis_index("c")
        si = lax.axis_index("s")
        wid = si * _NC + ci
        pltpu.sync_copy(zer_hbm.at[pl.ds(si * rps, rps)],
                        acc.at[pl.ds(si * rps, rps)])
        plsc.subcore_barrier()
        base0 = wid * ew

        def step(j, carry):
            b0 = base0 + (2 * j) * c
            b1 = b0 + c
            ai0 = pltpu.async_copy(dst_hbm.at[pl.ds(b0, c)], didx0, si0)
            ai1 = pltpu.async_copy(dst_hbm.at[pl.ds(b1, c)], didx1, si1)
            ap0 = pltpu.async_copy(p_hbm.at[pl.ds(b0, c)], pbuf0, s0)
            ai0.wait()
            ap0.wait()
            pltpu.sync_copy(pbuf0, acc.at[didx0], add=True)
            ap1 = pltpu.async_copy(p_hbm.at[pl.ds(b1, c)], pbuf0, s0)
            ai1.wait()
            ap1.wait()
            pltpu.sync_copy(pbuf0, acc.at[didx1], add=True)
            return carry

        lax.fori_loop(0, iters // 2, step, 0)
        plsc.subcore_barrier()
        pltpu.sync_copy(acc.at[pl.ds(si * rps, rps)],
                        out.at[ci].at[pl.ds(si * rps, rps)])

    f = pl.kernel(
        body,
        out_type=[jax.ShapeDtypeStruct((_NC, n_pad, w), F32)],
        mesh=_sc_mesh(),
        scratch_types=[pltpu.VMEM((c, w), F32),
                       pltpu.VMEM((c,), I32), pltpu.VMEM((c,), I32),
                       pltpu.VMEM_SHARED((n_pad, w), F32),
                       pltpu.SemaphoreType.DMA,
                       pltpu.SemaphoreType.DMA, pltpu.SemaphoreType.DMA],
    )
    return f(p, dst, zeros)[0]


def _sc_dual_gather(tab, src, dst):
    n, d = tab.shape
    e = src.shape[0]
    ew = e // _NW
    c = _chunk_of(ew, cap=200)
    iters = ew // c

    def body(t_hbm, src_hbm, dst_hbm, s_out, d_out,
             sidx0, didx0, sidx1, didx1, r00, r01, r10, r11,
             g00, g01, g10, g11, i00, i01, i10, i11):
        ci = lax.axis_index("c")
        si = lax.axis_index("s")
        wid = si * _NC + ci
        base0 = wid * ew

        def step(j, carry):
            b0 = base0 + (2 * j) * c
            b1 = b0 + c
            a00 = pltpu.async_copy(src_hbm.at[pl.ds(b0, c)], sidx0, i00)
            a01 = pltpu.async_copy(dst_hbm.at[pl.ds(b0, c)], didx0, i01)
            a10 = pltpu.async_copy(src_hbm.at[pl.ds(b1, c)], sidx1, i10)
            a11 = pltpu.async_copy(dst_hbm.at[pl.ds(b1, c)], didx1, i11)
            a00.wait()
            c00 = pltpu.async_copy(t_hbm.at[sidx0], r00, g00)
            a01.wait()
            c01 = pltpu.async_copy(t_hbm.at[didx0], r01, g01)
            a10.wait()
            c10 = pltpu.async_copy(t_hbm.at[sidx1], r10, g10)
            a11.wait()
            c11 = pltpu.async_copy(t_hbm.at[didx1], r11, g11)
            c00.wait()
            pltpu.sync_copy(r00, s_out.at[pl.ds(b0, c)])
            c01.wait()
            pltpu.sync_copy(r01, d_out.at[pl.ds(b0, c)])
            c10.wait()
            pltpu.sync_copy(r10, s_out.at[pl.ds(b1, c)])
            c11.wait()
            pltpu.sync_copy(r11, d_out.at[pl.ds(b1, c)])
            return carry

        lax.fori_loop(0, iters // 2, step, 0)

    f = pl.kernel(
        body,
        out_type=[jax.ShapeDtypeStruct((e, d), F32),
                  jax.ShapeDtypeStruct((e, d), F32)],
        mesh=_sc_mesh(),
        scratch_types=[pltpu.VMEM((c,), I32), pltpu.VMEM((c,), I32),
                       pltpu.VMEM((c,), I32), pltpu.VMEM((c,), I32),
                       pltpu.VMEM((c, d), F32), pltpu.VMEM((c, d), F32),
                       pltpu.VMEM((c, d), F32), pltpu.VMEM((c, d), F32),
                       pltpu.SemaphoreType.DMA, pltpu.SemaphoreType.DMA,
                       pltpu.SemaphoreType.DMA, pltpu.SemaphoreType.DMA,
                       pltpu.SemaphoreType.DMA, pltpu.SemaphoreType.DMA,
                       pltpu.SemaphoreType.DMA, pltpu.SemaphoreType.DMA],
    )
    return f(tab, src, dst)



def kernel(x, edge_index, edge_attr, Wn, bn, We_enc, be_enc, sage_Ws,
           sage_Wn, sage_b, WQ, WK, WV, WE, Wout, bout, Wm1, bm1, Wm2,
           bm2, Wg, bg, Wsg1, bsg1, Wsg2, bsg2):
    n, d = x.shape
    e_cnt = edge_index.shape[1]
    nheads = 8
    dh = d // nheads
    src = edge_index[0]
    dst = edge_index[1]

    bn_rows = _pick_block(n, 1024)
    be_rows = _pick_block(e_cnt, 2048)
    gn = n // bn_rows
    ge = e_cnt // be_rows

    hid = jnp.arange(d, dtype=jnp.int32) // dh
    g_sum = (hid[:, None] == jnp.arange(nheads)[None, :]).astype(F32)
    g_bc = g_sum.T

    n_pad = _pad_rows(n)
    z128 = jnp.zeros((n_pad, d), F32)
    ones_e = jnp.ones((e_cnt,), F32)
    deg_src = jax.ops.segment_sum(ones_e, src, n).reshape(n, 1)
    deg_dst = jax.ops.segment_sum(ones_e, dst, n).reshape(n, 1)

    h, ent_part = _call(
        _k_node_enc, gn,
        [_rows(bn_rows, d), _bcast((d, d)), _bcast((1, d)),
         _rows(bn_rows, 1)],
        [_rows(bn_rows, d), pl.BlockSpec((1, 1, d), lambda i: (i, 0, 0))],
        [jax.ShapeDtypeStruct((n, d), F32),
         jax.ShapeDtypeStruct((gn, 1, d), F32)],
        x, Wn, bn.reshape(1, d), deg_src)
    graph_entropy = jnp.sum(ent_part[:, 0, 0]) / e_cnt

    ed = edge_attr.shape[1]
    e = _call(
        _k_edge_enc, ge,
        [_rows(be_rows, ed), _bcast((ed, d)), _bcast((1, d))],
        [_rows(be_rows, d)],
        [jax.ShapeDtypeStruct((e_cnt, d), F32)],
        edge_attr, We_enc, be_enc.reshape(1, d))

    nlayers = sage_Ws.shape[0]
    for l in range(nlayers):
        h_src, h_dst, agg_p = _sc_gather_scatter(h, src, dst, z128)
        mac, st = _call(
            _k_node1, gn,
            [_rows(bn_rows, d),
             pl.BlockSpec((2, bn_rows, d), lambda i: (0, i, 0)),
             _rows(bn_rows, 1),
             _bcast((d, d)), _bcast((d, d)), _bcast((1, d))],
            [_rows(bn_rows, d),
             pl.BlockSpec((1, 2, d), lambda i: (i, 0, 0))],
            [jax.ShapeDtypeStruct((n, d), F32),
             jax.ShapeDtypeStruct((gn, 2, d), F32)],
            h, agg_p, deg_dst, sage_Ws[l], sage_Wn[l],
            sage_b[l].reshape(1, d))
        mu1 = jnp.sum(st[:, 0, :], axis=0) / n
        var1 = jnp.sum(st[:, 1, :], axis=0) / n - mu1 * mu1

        t, sc, mxp = _call(
            _k_edge_score, ge,
            [_rows(be_rows, d), _rows(be_rows, d), _rows(be_rows, d),
             _bcast((d, d)), _bcast((d, d)), _bcast((d, d)),
             _bcast((d, d)),
             _bcast((d, nheads)), _bcast((nheads, d))],
            [_rows(be_rows, d), _rows(be_rows, nheads),
             pl.BlockSpec((1, 1, d), lambda i: (i, 0, 0))],
            [jax.ShapeDtypeStruct((e_cnt, d), F32),
             jax.ShapeDtypeStruct((e_cnt, nheads), F32),
             jax.ShapeDtypeStruct((ge, 1, d), F32)],
            e, h_src, h_dst, WE[l], WQ[l], WK[l], WV[l], g_sum, g_bc)
        gmx8 = jnp.max(mxp[:, 0, ::dh], axis=0).reshape(1, nheads)
        msg, zx = _call(
            _k_edge_exp, ge,
            [_rows(be_rows, d), _rows(be_rows, nheads),
             _bcast((1, nheads)), _bcast((nheads, d))],
            [_rows(be_rows, d), _rows(be_rows, d)],
            [jax.ShapeDtypeStruct((e_cnt, d), F32),
             jax.ShapeDtypeStruct((e_cnt, d), F32)],
            t, sc, gmx8, g_bc)

        s_acc = _sc_scatter(msg, dst, z128)
        den_p = _sc_scatter(zx, dst, z128)

        z, st2 = _call(
            _k_node2, gn,
            [pl.BlockSpec((2, bn_rows, d), lambda i: (0, i, 0)),
             pl.BlockSpec((2, bn_rows, d), lambda i: (0, i, 0)),
             _rows(bn_rows, d),
             _bcast((d, d)), _bcast((1, d))],
            [_rows(bn_rows, d), pl.BlockSpec((1, 2, d), lambda i: (i, 0, 0))],
            [jax.ShapeDtypeStruct((n, d), F32),
             jax.ShapeDtypeStruct((gn, 2, d), F32)],
            s_acc, den_p, h, Wout[l], bout[l].reshape(1, d))
        mu2 = jnp.sum(st2[:, 0, :], axis=0) / n
        var2 = jnp.sum(st2[:, 1, :], axis=0) / n - mu2 * mu2

        mu_st = jnp.stack([mu1, mu2], axis=0)
        var_st = jnp.stack([var1, var2], axis=0)
        dhalf = Wsg1.shape[2]
        a1 = jnp.concatenate([Wsg1[l, :d], Wsg1[l, d:2 * d]], axis=1)
        eb = jnp.stack(
            [jnp.pad(Wsg1[l, 2 * d], (0, d - dhalf)),
             jnp.pad(bsg1[l], (0, d - dhalf))], axis=0)

        h, h_mic = _call(
            _k_node3, gn,
            [_rows(bn_rows, d), _rows(bn_rows, d), _bcast((2, d)),
             _bcast((2, d)), _rows(bn_rows, d), _bcast((1, 1)),
             _bcast((d, 2 * dhalf)), _bcast((2, d)),
             _bcast((dhalf, 1)), _bcast((1, 1))],
            [_rows(bn_rows, d), _rows(bn_rows, d)],
            [jax.ShapeDtypeStruct((n, d), F32),
             jax.ShapeDtypeStruct((n, d), F32)],
            mac, z, mu_st, var_st, h,
            graph_entropy.reshape(1, 1), a1, eb, Wsg2[l],
            bsg2[l].reshape(1, 1))

        hm_src, hm_dst = _sc_dual_gather(h_mic, src, dst)
        e = _call(
            _k_edge_mlp, ge,
            [_rows(be_rows, d), _rows(be_rows, d), _rows(be_rows, d),
             _bcast((3 * d, d)), _bcast((1, d)), _bcast((d, d)),
             _bcast((1, d)), _bcast((3 * d, d)), _bcast((1, d))],
            [_rows(be_rows, d)],
            [jax.ShapeDtypeStruct((e_cnt, d), F32)],
            hm_src, hm_dst, e, Wm1[l], bm1[l].reshape(1, d), Wm2[l],
            bm2[l].reshape(1, d), Wg[l], bg[l].reshape(1, d))
    return h

# --- scband reference (transcript-rebuilt; emitter-appended) ---
"""Pipeline reference for scband-aegis-72335839200051 (READ-ONLY COPY).

The authoritative reference and input builder live on the scoring server;
editing this copy changes nothing except your own understanding.
"""

import jax, jax.numpy as jnp
import numpy as np

N = 10000
E = 320000
D = 128
ED = 16
H = 8
DH = 16
L = 2

def _w(k, shape, scale):
    return jax.random.normal(k, shape, dtype=jnp.float32) * scale

def setup_inputs(seed: int = 0):
    key = jax.random.key(seed)
    ks = jax.random.split(key, 20)
    inp = {}
    inp['x'] = jax.random.normal(ks[0], (N, D), dtype=jnp.float32)
    inp['edge_index'] = jax.random.randint(ks[1], (2, E), 0, N, dtype=jnp.int32)
    inp['edge_attr'] = jax.random.normal(ks[2], (E, ED), dtype=jnp.float32)
    inp['Wn'] = _w(ks[3], (D, D), 0.08)
    inp['bn'] = jnp.zeros((D,), jnp.float32)
    inp['We_enc'] = _w(ks[4], (ED, D), 0.2)
    inp['be_enc'] = jnp.zeros((D,), jnp.float32)
    inp['sage_Ws'] = _w(ks[5], (L, D, D), 0.08)
    inp['sage_Wn'] = _w(ks[6], (L, D, D), 0.08)
    inp['sage_b'] = jnp.zeros((L, D), jnp.float32)
    inp['WQ'] = _w(ks[7], (L, D, D), 0.08)
    inp['WK'] = _w(ks[8], (L, D, D), 0.08)
    inp['WV'] = _w(ks[9], (L, D, D), 0.08)
    inp['WE'] = _w(ks[10], (L, D, D), 0.08)
    inp['Wout'] = _w(ks[11], (L, D, D), 0.08)
    inp['bout'] = jnp.zeros((L, D), jnp.float32)
    inp['Wm1'] = _w(ks[12], (L, 3 * D, D), 0.05)
    inp['bm1'] = jnp.zeros((L, D), jnp.float32)
    inp['Wm2'] = _w(ks[13], (L, D, D), 0.08)
    inp['bm2'] = jnp.zeros((L, D), jnp.float32)
    inp['Wg'] = _w(ks[14], (L, 3 * D, D), 0.05)
    inp['bg'] = jnp.zeros((L, D), jnp.float32)
    inp['Wsg1'] = _w(ks[15], (L, 2 * D + 1, D // 2), 0.06)
    inp['bsg1'] = jnp.zeros((L, D // 2), jnp.float32)
    inp['Wsg2'] = _w(ks[16], (L, D // 2, 1), 0.1)
    inp['bsg2'] = jnp.zeros((L, 1), jnp.float32)
    return inp

def _layernorm(v):
    m = jnp.mean(v, axis=-1, keepdims=True)
    var = jnp.var(v, axis=-1, keepdims=True)
    return (v - m) * jax.lax.rsqrt(var + 1e-5)

def _graphnorm(v):
    m = jnp.mean(v, axis=0, keepdims=True)
    var = jnp.var(v, axis=0, keepdims=True)
    return (v - m) * jax.lax.rsqrt(var + 1e-5)

def reference(x, edge_index, edge_attr, Wn, bn, We_enc, be_enc, sage_Ws, sage_Wn, sage_b, WQ, WK, WV, WE, Wout, bout, Wm1, bm1, Wm2, bm2, Wg, bg, Wsg1, bsg1, Wsg2, bsg2):
    src = edge_index[0]
    dst = edge_index[1]
    n = x.shape[0]
    h = _layernorm(x @ Wn + bn)
    e = _layernorm(edge_attr @ We_enc + be_enc)
    ones = jnp.ones(src.shape[0], jnp.float32)
    deg_src = jax.ops.segment_sum(ones, src, n)
    p_i = 1.0 / (deg_src[src] + 1e-6)
    graph_entropy = jnp.mean(-p_i * jnp.log(p_i + 1e-6))
    deg_dst = jax.ops.segment_sum(ones, dst, n)
    for l in range(L):
        agg = jax.ops.segment_sum(h[src], dst, n) / (deg_dst[:, None] + 1e-6)
        mac = h @ sage_Ws[l] + agg @ sage_Wn[l] + sage_b[l]
        h_macro = jax.nn.gelu(_graphnorm(mac)) + h
        q = (h @ WQ[l]).reshape(n, H, DH)
        k = (h @ WK[l]).reshape(n, H, DH)
        v = (h @ WV[l]).reshape(n, H, DH)
        ee = (e @ WE[l]).reshape(-1, H, DH)
        score = jnp.sum(q[dst] * (k[src] + ee), axis=-1) / jnp.sqrt(float(DH))
        mx = jax.ops.segment_max(score, dst, n)
        exs = jnp.exp(score - mx[dst])
        den = jax.ops.segment_sum(exs, dst, n)
        alpha = exs / (den[dst] + 1e-16)
        msg = alpha[..., None] * (v[src] + ee)
        outn = jax.ops.segment_sum(msg, dst, n).reshape(n, D)
        outn = outn @ Wout[l] + bout[l]
        h_micro = jax.nn.gelu(_graphnorm(outn + h))
        cat = jnp.concatenate([h_micro[src], h_micro[dst], e], axis=-1)
        upd = jax.nn.gelu(_layernorm(cat @ Wm1[l] + bm1[l])) @ Wm2[l] + bm2[l]
        gate = jax.nn.sigmoid(cat @ Wg[l] + bg[l])
        e = _layernorm(upd * gate + e)
        ent = jnp.broadcast_to(graph_entropy.reshape(1, 1), (n, 1))
        gi = jnp.concatenate([h_macro, h_micro, ent], axis=-1)
        a = jax.nn.sigmoid(jax.nn.silu(gi @ Wsg1[l] + bsg1[l]) @ Wsg2[l] + bsg2[l])
        h = a * h_macro + (1.0 - a) * h_micro
    return h

if __name__ == "__main__":
    import jax
    _d = setup_inputs()
    print(jax.jit(kernel)(*tuple(_d.values())))

</pallas_src>

<mosaic_0001>
#map = affine_map<(d0, d1) -> (0, 0)>
#map1 = affine_map<(d0, d1) -> (0)>
#map2 = affine_map<(d0, d1) -> (0, 0, 0)>
module attributes {stable_mosaic.version = 14 : i64} {
  func.func @body(%arg0: i32, %arg1: i32, %arg2: memref<10000x128xf32, #tpu.memory_space<hbm>>, %arg3: memref<320000xi32, #tpu.memory_space<hbm>>, %arg4: memref<320000xi32, #tpu.memory_space<hbm>>, %arg5: memref<10112x128xf32, #tpu.memory_space<hbm>>, %arg6: memref<320000x128xf32, #tpu.memory_space<hbm>>, %arg7: memref<320000x128xf32, #tpu.memory_space<hbm>>, %arg8: memref<2x10112x128xf32, #tpu.memory_space<hbm>>, %arg9: memref<80xi32, #tpu.memory_space<vmem>>, %arg10: memref<80xi32, #tpu.memory_space<vmem>>, %arg11: memref<80xi32, #tpu.memory_space<vmem>>, %arg12: memref<80xi32, #tpu.memory_space<vmem>>, %arg13: memref<80x128xf32, #tpu.memory_space<vmem>>, %arg14: memref<80x128xf32, #tpu.memory_space<vmem>>, %arg15: memref<80x128xf32, #tpu.memory_space<vmem>>, %arg16: memref<80x128xf32, #tpu.memory_space<vmem>>, %arg17: memref<10112x128xf32, #tpu.memory_space<vmem_shared>>, %arg18: memref<!tpu.dma_semaphore, #tpu.memory_space<semaphore_mem>>, %arg19: memref<!tpu.dma_semaphore, #tpu.memory_space<semaphore_mem>>, %arg20: memref<!tpu.dma_semaphore, #tpu.memory_space<semaphore_mem>>, %arg21: memref<!tpu.dma_semaphore, #tpu.memory_space<semaphore_mem>>, %arg22: memref<!tpu.dma_semaphore, #tpu.memory_space<semaphore_mem>>, %arg23: memref<!tpu.dma_semaphore, #tpu.memory_space<semaphore_mem>>, %arg24: memref<!tpu.dma_semaphore, #tpu.memory_space<semaphore_mem>>, %arg25: memref<!tpu.dma_semaphore, #tpu.memory_space<semaphore_mem>>) attributes {dimension_semantics = [#tpu.dimension_semantics<core_parallel>, #tpu.dimension_semantics<subcore_parallel>], iteration_bounds = array<i64: 2, 16>, scalar_prefetch = 0 : i64, scratch_operands = 17 : i64, tpu.core_type = #tpu.core_type<sc_vector_subcore>, window_params = [{transform_indices = #map}, {transform_indices = #map1}, {transform_indices = #map1}, {transform_indices = #map}, {transform_indices = #map}, {transform_indices = #map}, {transform_indices = #map2}]} {
    %mul3A = arith.constant 2 : i32
    %mul3A_0 = arith.muli %arg1, %mul3A : i32
    %add3A = arith.addi %mul3A_0, %arg0 : i32
    %mul3A_1 = arith.constant 632 : i32
    %mul3A_2 = arith.muli %arg1, %mul3A_1 : i32
    %mul3A_3 = arith.constant 632 : i32
    %mul3A_4 = arith.muli %arg1, %mul3A_3 : i32
    "tpu.region"() ({
      %run_scoped3A = tpu.sem_alloc : memref<!tpu.dma_semaphore, #tpu.memory_space<semaphore_mem>>
      %dma_start3A_37 = arith.constant 0 : i32
      %dma_start3A_38 = tpu.memref_slice %arg17[%mul3A_4, %dma_start3A_37] : memref<10112x128xf32, #tpu.memory_space<vmem_shared>> -> memref<632x128xf32, #tpu.memory_space<vmem_shared>>
      %dma_start3A_39 = arith.constant 0 : i32
      %dma_start3A_40 = tpu.memref_slice %arg5[%mul3A_2, %dma_start3A_39] : memref<10112x128xf32, #tpu.memory_space<hbm>> -> memref<632x128xf32, #tpu.memory_space<hbm>>
      tpu.enqueue_dma source(%dma_start3A_40 : memref<632x128xf32, #tpu.memory_space<hbm>>) target(%dma_start3A_38 : memref<632x128xf32, #tpu.memory_space<vmem_shared>>) target_semaphore(%run_scoped3A : memref<!tpu.dma_semaphore, #tpu.memory_space<semaphore_mem>>)
      %dma_wait3A_41 = arith.constant 0 : i32
      %dma_wait3A_42 = tpu.memref_slice %arg17[%mul3A_4, %dma_wait3A_41] : memref<10112x128xf32, #tpu.memory_space<vmem_shared>> -> memref<632x128xf32, #tpu.memory_space<vmem_shared>>
      %dma_wait3A_43 = arith.constant 0 : i32
      %dma_wait3A_44 = tpu.memref_slice %arg5[%mul3A_2, %dma_wait3A_43] : memref<10112x128xf32, #tpu.memory_space<hbm>> -> memref<632x128xf32, #tpu.memory_space<hbm>>
      tpu.wait_dma2 semaphore(%run_scoped3A : memref<!tpu.dma_semaphore, #tpu.memory_space<semaphore_mem>>) src(%dma_wait3A_44 : memref<632x128xf32, #tpu.memory_space<hbm>>) dst(%dma_wait3A_42 : memref<632x128xf32, #tpu.memory_space<vmem_shared>>)
      tpu.yield
    }) : () -> ()
    %barrier3A = arith.constant 0 : index
    tpu.barrier barrier_id(%barrier3A)
    %mul3A_5 = arith.constant 10000 : i32
    %mul3A_6 = arith.muli %add3A, %mul3A_5 : i32
    %scan3A = arith.constant 0 : i32
    %scan3A_7 = arith.constant 0 : i32
    %scan3A_8 = arith.constant 62 : i32
    %scan3A_9 = arith.addi %scan3A_7, %scan3A_8 : i32
    %scan3A_10 = arith.constant 1 : i32
    scf.for %scan3A_37 = %scan3A_7 to %scan3A_9 step %scan3A_10  : i32 {
      %mul3A_38 = arith.constant 2 : i32
      %mul3A_39 = arith.muli %mul3A_38, %scan3A_37 : i32
      %mul3A_40 = arith.constant 80 : i32
      %mul3A_41 = arith.muli %mul3A_39, %mul3A_40 : i32
      %add3A_42 = arith.addi %mul3A_6, %mul3A_41 : i32
      %add3A_43 = arith.constant 80 : i32
      %add3A_44 = arith.addi %add3A_42, %add3A_43 : i32
      %dma_start3A_45 = tpu.memref_slice %arg3[%add3A_42] : memref<320000xi32, #tpu.memory_space<hbm>> -> memref<80xi32, #tpu.memory_space<hbm>>
      %dma_start3A_46 = tpu.memref_slice %arg3[%add3A_42] : memref<320000xi32, #tpu.memory_space<hbm>> -> memref<80xi32, #tpu.memory_space<hbm>>
      tpu.enqueue_dma source(%dma_start3A_46 : memref<80xi32, #tpu.memory_space<hbm>>) target(%arg9 : memref<80xi32, #tpu.memory_space<vmem>>) target_semaphore(%arg22 : memref<!tpu.dma_semaphore, #tpu.memory_space<semaphore_mem>>)
      %dma_start3A_47 = tpu.memref_slice %arg4[%add3A_42] : memref<320000xi32, #tpu.memory_space<hbm>> -> memref<80xi32, #tpu.memory_space<hbm>>
      %dma_start3A_48 = tpu.memref_slice %arg4[%add3A_42] : memref<320000xi32, #tpu.memory_space<hbm>> -> memref<80xi32, #tpu.memory_space<hbm>>
      tpu.enqueue_dma source(%dma_start3A_48 : memref<80xi32, #tpu.memory_space<hbm>>) target(%arg10 : memref<80xi32, #tpu.memory_space<vmem>>) target_semaphore(%arg23 : memref<!tpu.dma_semaphore, #tpu.memory_space<semaphore_mem>>)
      %dma_wait3A_49 = tpu.memref_slice %arg3[%add3A_42] : memref<320000xi32, #tpu.memory_space<hbm>> -> memref<80xi32, #tpu.memory_space<hbm>>
      %dma_wait3A_50 = tpu.memref_slice %arg3[%add3A_42] : memref<320000xi32, #tpu.memory_space<hbm>> -> memref<80xi32, #tpu.memory_space<hbm>>
      tpu.wait_dma2 semaphore(%arg22 : memref<!tpu.dma_semaphore, #tpu.memory_space<semaphore_mem>>) src(%dma_wait3A_50 : memref<80xi32, #tpu.memory_space<hbm>>) dst(%arg9 : memref<80xi32, #tpu.memory_space<vmem>>)
      %dma_start3A_51 = arith.constant 0 : i32
      %dma_start3A_52 = arith.constant 0 : i32
      %dma_start3A_53 = tpu.memref_slice %arg2[%dma_start3A_51, %dma_start3A_52] : memref<10000x128xf32, #tpu.memory_space<hbm>> -> memref<10000x128xf32, #tpu.memory_space<hbm>>
      tpu.enqueue_indirect_dma source(%dma_start3A_53 : memref<10000x128xf32, #tpu.memory_space<hbm>>) target(%arg13 : memref<80x128xf32, #tpu.memory_space<vmem>>) offsets(%arg9 : memref<80xi32, #tpu.memory_space<vmem>>) semaphore(%arg18 : memref<!tpu.dma_semaphore, #tpu.memory_space<semaphore_mem>>)
      %dma_wait3A_54 = tpu.memref_slice %arg4[%add3A_42] : memref<320000xi32, #tpu.memory_space<hbm>> -> memref<80xi32, #tpu.memory_space<hbm>>
      %dma_wait3A_55 = tpu.memref_slice %arg4[%add3A_42] : memref<320000xi32, #tpu.memory_space<hbm>> -> memref<80xi32, #tpu.memory_space<hbm>>
      tpu.wait_dma2 semaphore(%arg23 : memref<!tpu.dma_semaphore, #tpu.memory_space<semaphore_mem>>) src(%dma_wait3A_55 : memref<80xi32, #tpu.memory_space<hbm>>) dst(%arg10 : memref<80xi32, #tpu.memory_space<vmem>>)
      %dma_start3A_56 = arith.constant 0 : i32
      %dma_start3A_57 = arith.constant 0 : i32
      %dma_start3A_58 = tpu.memref_slice %arg2[%dma_start3A_56, %dma_start3A_57] : memref<10000x128xf32, #tpu.memory_space<hbm>> -> memref<10000x128xf32, #tpu.memory_space<hbm>>
      tpu.enqueue_indirect_dma source(%dma_start3A_58 : memref<10000x128xf32, #tpu.memory_space<hbm>>) target(%arg14 : memref<80x128xf32, #tpu.memory_space<vmem>>) offsets(%arg10 : memref<80xi32, #tpu.memory_space<vmem>>) semaphore(%arg19 : memref<!tpu.dma_semaphore, #tpu.memory_space<semaphore_mem>>)
      %dma_start3A_59 = tpu.memref_slice %arg3[%add3A_44] : memref<320000xi32, #tpu.memory_space<hbm>> -> memref<80xi32, #tpu.memory_space<hbm>>
      %dma_start3A_60 = tpu.memref_slice %arg3[%add3A_44] : memref<320000xi32, #tpu.memory_space<hbm>> -> memref<80xi32, #tpu.memory_space<hbm>>
      tpu.enqueue_dma source(%dma_start3A_60 : memref<80xi32, #tpu.memory_space<hbm>>) target(%arg11 : memref<80xi32, #tpu.memory_space<vmem>>) target_semaphore(%arg24 : memref<!tpu.dma_semaphore, #tpu.memory_space<semaphore_mem>>)
      %dma_start3A_61 = tpu.memref_slice %arg4[%add3A_44] : memref<320000xi32, #tpu.memory_space<hbm>> -> memref<80xi32, #tpu.memory_space<hbm>>
      %dma_start3A_62 = tpu.memref_slice %arg4[%add3A_44] : memref<320000xi32, #tpu.memory_space<hbm>> -> memref<80xi32, #tpu.memory_space<hbm>>
      tpu.enqueue_dma source(%dma_start3A_62 : memref<80xi32, #tpu.memory_space<hbm>>) target(%arg12 : memref<80xi32, #tpu.memory_space<vmem>>) target_semaphore(%arg25 : memref<!tpu.dma_semaphore, #tpu.memory_space<semaphore_mem>>)
      %dma_wait3A_63 = tpu.memref_slice %arg3[%add3A_44] : memref<320000xi32, #tpu.memory_space<hbm>> -> memref<80xi32, #tpu.memory_space<hbm>>
      %dma_wait3A_64 = tpu.memref_slice %arg3[%add3A_44] : memref<320000xi32, #tpu.memory_space<hbm>> -> memref<80xi32, #tpu.memory_space<hbm>>
      tpu.wait_dma2 semaphore(%arg24 : memref<!tpu.dma_semaphore, #tpu.memory_space<semaphore_mem>>) src(%dma_wait3A_64 : memref<80xi32, #tpu.memory_space<hbm>>) dst(%arg11 : memref<80xi32, #tpu.memory_space<vmem>>)
      %dma_start3A_65 = arith.constant 0 : i32
      %dma_start3A_66 = arith.constant 0 : i32
      %dma_start3A_67 = tpu.memref_slice %arg2[%dma_start3A_65, %dma_start3A_66] : memref<10000x128xf32, #tpu.memory_space<hbm>> -> memref<10000x128xf32, #tpu.memory_space<hbm>>
      tpu.enqueue_indirect_dma source(%dma_start3A_67 : memref<10000x128xf32, #tpu.memory_space<hbm>>) target(%arg15 : memref<80x128xf32, #tpu.memory_space<vmem>>) offsets(%arg11 : memref<80xi32, #tpu.memory_space<vmem>>) semaphore(%arg20 : memref<!tpu.dma_semaphore, #tpu.memory_space<semaphore_mem>>)
      %dma_wait3A_68 = tpu.memref_slice %arg4[%add3A_44] : memref<320000xi32, #tpu.memory_space<hbm>> -> memref<80xi32, #tpu.memory_space<hbm>>
      %dma_wait3A_69 = tpu.memref_slice %arg4[%add3A_44] : memref<320000xi32, #tpu.memory_space<hbm>> -> memref<80xi32, #tpu.memory_space<hbm>>
      tpu.wait_dma2 semaphore(%arg25 : memref<!tpu.dma_semaphore, #tpu.memory_space<semaphore_mem>>) src(%dma_wait3A_69 : memref<80xi32, #tpu.memory_space<hbm>>) dst(%arg12 : memref<80xi32, #tpu.memory_space<vmem>>)
      %dma_start3A_70 = arith.constant 0 : i32
      %dma_start3A_71 = arith.constant 0 : i32
      %dma_start3A_72 = tpu.memref_slice %arg2[%dma_start3A_70, %dma_start3A_71] : memref<10000x128xf32, #tpu.memory_space<hbm>> -> memref<10000x128xf32, #tpu.memory_space<hbm>>
      tpu.enqueue_indirect_dma source(%dma_start3A_72 : memref<10000x128xf32, #tpu.memory_space<hbm>>) target(%arg16 : memref<80x128xf32, #tpu.memory_space<vmem>>) offsets(%arg12 : memref<80xi32, #tpu.memory_space<vmem>>) semaphore(%arg21 : memref<!tpu.dma_semaphore, #tpu.memory_space<semaphore_mem>>)
      %dma_wait3A_73 = arith.constant 0 : i32
      %dma_wait3A_74 = arith.constant 0 : i32
      %dma_wait3A_75 = tpu.memref_slice %arg2[%dma_wait3A_73, %dma_wait3A_74] : memref<10000x128xf32, #tpu.memory_space<hbm>> -> memref<10000x128xf32, #tpu.memory_space<hbm>>
      tpu.wait_indirect_dma semaphore(%arg18 : memref<!tpu.dma_semaphore, #tpu.memory_space<semaphore_mem>>) src(%dma_wait3A_75 : memref<10000x128xf32, #tpu.memory_space<hbm>>) dst(%arg13 : memref<80x128xf32, #tpu.memory_space<vmem>>)
      "tpu.region"() ({
        %run_scoped3A = tpu.sem_alloc : memref<!tpu.dma_semaphore, #tpu.memory_space<semaphore_mem>>
        %dma_start3A_85 = arith.constant 0 : i32
        %dma_start3A_86 = tpu.memref_slice %arg6[%add3A_42, %dma_start3A_85] : memref<320000x128xf32, #tpu.memory_space<hbm>> -> memref<80x128xf32, #tpu.memory_space<hbm>>
        %dma_start3A_87 = arith.constant 0 : i32
        %dma_start3A_88 = tpu.memref_slice %arg6[%add3A_42, %dma_start3A_87] : memref<320000x128xf32, #tpu.memory_space<hbm>> -> memref<80x128xf32, #tpu.memory_space<hbm>>
        tpu.enqueue_dma source(%arg13 : memref<80x128xf32, #tpu.memory_space<vmem>>) target(%dma_start3A_88 : memref<80x128xf32, #tpu.memory_space<hbm>>) target_semaphore(%run_scoped3A : memref<!tpu.dma_semaphore, #tpu.memory_space<semaphore_mem>>)
        %dma_wait3A_89 = arith.constant 0 : i32
        %dma_wait3A_90 = tpu.memref_slice %arg6[%add3A_42, %dma_wait3A_89] : memref<320000x128xf32, #tpu.memory_space<hbm>> -> memref<80x128xf32, #tpu.memory_space<hbm>>
        %dma_wait3A_91 = arith.constant 0 : i32
        %dma_wait3A_92 = tpu.memref_slice %arg6[%add3A_42, %dma_wait3A_91] : memref<320000x128xf32, #tpu.memory_space<hbm>> -> memref<80x128xf32, #tpu.memory_space<hbm>>
        tpu.wait_dma2 semaphore(%run_scoped3A : memref<!tpu.dma_semaphore, #tpu.memory_space<semaphore_mem>>) src(%arg13 : memref<80x128xf32, #tpu.memory_space<vmem>>) dst(%dma_wait3A_92 : memref<80x128xf32, #tpu.memory_space<hbm>>)
        tpu.yield
      }) : () -> ()
      "tpu.region"() ({
        %run_scoped3A = tpu.sem_alloc : memref<!tpu.dma_semaphore, #tpu.memory_space<semaphore_mem>>
        %dma_start3A_85 = arith.constant 0 : i32
        %dma_start3A_86 = arith.constant 0 : i32
        %dma_start3A_87 = tpu.memref_slice %arg17[%dma_start3A_85, %dma_start3A_86] : memref<10112x128xf32, #tpu.memory_space<vmem_shared>> -> memref<10112x128xf32, #tpu.memory_space<vmem_shared>>
        tpu.enqueue_indirect_dma source(%arg13 : memref<80x128xf32, #tpu.memory_space<vmem>>) target(%dma_start3A_87 : memref<10112x128xf32, #tpu.memory_space<vmem_shared>>) offsets(%arg10 : memref<80xi32, #tpu.memory_space<vmem>>) semaphore(%run_scoped3A : memref<!tpu.dma_semaphore, #tpu.memory_space<semaphore_mem>>) {add = true}
        %dma_wait3A_88 = arith.constant 0 : i32
        %dma_wait3A_89 = arith.constant 0 : i32
        %dma_wait3A_90 = tpu.memref_slice %arg17[%dma_wait3A_88, %dma_wait3A_89] : memref<10112x128xf32, #tpu.memory_space<vmem_shared>> -> memref<10112x128xf32, #tpu.memory_space<vmem_shared>>
        tpu.wait_indirect_dma semaphore(%run_scoped3A : memref<!tpu.dma_semaphore, #tpu.memory_space<semaphore_mem>>) src(%arg13 : memref<80x128xf32, #tpu.memory_space<vmem>>) dst(%dma_wait3A_90 : memref<10112x128xf32, #tpu.memory_space<vmem_shared>>)
        tpu.yield
      }) : () -> ()
      %dma_wait3A_76 = arith.constant 0 : i32
      %dma_wait3A_77 = arith.constant 0 : i32
      %dma_wait3A_78 = tpu.memref_slice %arg2[%dma_wait3A_76, %dma_wait3A_77] : memref<10000x128xf32, #tpu.memory_space<hbm>> -> memref<10000x128xf32, #tpu.memory_space<hbm>>
      tpu.wait_indirect_dma semaphore(%arg19 : memref<!tpu.dma_semaphore, #tpu.memory_space<semaphore_mem>>) src(%dma_wait3A_78 : memref<10000x128xf32, #tpu.memory_space<hbm>>) dst(%arg14 : memref<80x128xf32, #tpu.memory_space<vmem>>)
      "tpu.region"() ({
        %run_scoped3A = tpu.sem_alloc : memref<!tpu.dma_semaphore, #tpu.memory_space<semaphore_mem>>
        %dma_start3A_85 = arith.constant 0 : i32
        %dma_start3A_86 = tpu.memref_slice %arg7[%add3A_42, %dma_start3A_85] : memref<320000x128xf32, #tpu.memory_space<hbm>> -> memref<80x128xf32, #tpu.memory_space<hbm>>
        %dma_start3A_87 = arith.constant 0 : i32
        %dma_start3A_88 = tpu.memref_slice %arg7[%add3A_42, %dma_start3A_87] : memref<320000x128xf32, #tpu.memory_space<hbm>> -> memref<80x128xf32, #tpu.memory_space<hbm>>
        tpu.enqueue_dma source(%arg14 : memref<80x128xf32, #tpu.memory_space<vmem>>) target(%dma_start3A_88 : memref<80x128xf32, #tpu.memory_space<hbm>>) target_semaphore(%run_scoped3A : memref<!tpu.dma_semaphore, #tpu.memory_space<semaphore_mem>>)
        %dma_wait3A_89 = arith.constant 0 : i32
        %dma_wait3A_90 = tpu.memref_slice %arg7[%add3A_42, %dma_wait3A_89] : memref<320000x128xf32, #tpu.memory_space<hbm>> -> memref<80x128xf32, #tpu.memory_space<hbm>>
        %dma_wait3A_91 = arith.constant 0 : i32
        %dma_wait3A_92 = tpu.memref_slice %arg7[%add3A_42, %dma_wait3A_91] : memref<320000x128xf32, #tpu.memory_space<hbm>> -> memref<80x128xf32, #tpu.memory_space<hbm>>
        tpu.wait_dma2 semaphore(%run_scoped3A : memref<!tpu.dma_semaphore, #tpu.memory_space<semaphore_mem>>) src(%arg14 : memref<80x128xf32, #tpu.memory_space<vmem>>) dst(%dma_wait3A_92 : memref<80x128xf32, #tpu.memory_space<hbm>>)
        tpu.yield
      }) : () -> ()
      %dma_wait3A_79 = arith.constant 0 : i32
      %dma_wait3A_80 = arith.constant 0 : i32
      %dma_wait3A_81 = tpu.memref_slice %arg2[%dma_wait3A_79, %dma_wait3A_80] : memref<10000x128xf32, #tpu.memory_space<hbm>> -> memref<10000x128xf32, #tpu.memory_space<hbm>>
      tpu.wait_indirect_dma semaphore(%arg20 : memref<!tpu.dma_semaphore, #tpu.memory_space<semaphore_mem>>) src(%dma_wait3A_81 : memref<10000x128xf32, #tpu.memory_space<hbm>>) dst(%arg15 : memref<80x128xf32, #tpu.memory_space<vmem>>)
      "tpu.region"() ({
        %run_scoped3A = tpu.sem_alloc : memref<!tpu.dma_semaphore, #tpu.memory_space<semaphore_mem>>
        %dma_start3A_85 = arith.constant 0 : i32
        %dma_start3A_86 = tpu.memref_slice %arg6[%add3A_44, %dma_start3A_85] : memref<320000x128xf32, #tpu.memory_space<hbm>> -> memref<80x128xf32, #tpu.memory_space<hbm>>
        %dma_start3A_87 = arith.constant 0 : i32
        %dma_start3A_88 = tpu.memref_slice %arg6[%add3A_44, %dma_start3A_87] : memref<320000x128xf32, #tpu.memory_space<hbm>> -> memref<80x128xf32, #tpu.memory_space<hbm>>
        tpu.enqueue_dma source(%arg15 : memref<80x128xf32, #tpu.memory_space<vmem>>) target(%dma_start3A_88 : memref<80x128xf32, #tpu.memory_space<hbm>>) target_semaphore(%run_scoped3A : memref<!tpu.dma_semaphore, #tpu.memory_space<semaphore_mem>>)
        %dma_wait3A_89 = arith.constant 0 : i32
        %dma_wait3A_90 = tpu.memref_slice %arg6[%add3A_44, %dma_wait3A_89] : memref<320000x128xf32, #tpu.memory_space<hbm>> -> memref<80x128xf32, #tpu.memory_space<hbm>>
        %dma_wait3A_91 = arith.constant 0 : i32
        %dma_wait3A_92 = tpu.memref_slice %arg6[%add3A_44, %dma_wait3A_91] : memref<320000x128xf32, #tpu.memory_space<hbm>> -> memref<80x128xf32, #tpu.memory_space<hbm>>
        tpu.wait_dma2 semaphore(%run_scoped3A : memref<!tpu.dma_semaphore, #tpu.memory_space<semaphore_mem>>) src(%arg15 : memref<80x128xf32, #tpu.memory_space<vmem>>) dst(%dma_wait3A_92 : memref<80x128xf32, #tpu.memory_space<hbm>>)
        tpu.yield
      }) : () -> ()
      "tpu.region"() ({
        %run_scoped3A = tpu.sem_alloc : memref<!tpu.dma_semaphore, #tpu.memory_space<semaphore_mem>>
        %dma_start3A_85 = arith.constant 0 : i32
        %dma_start3A_86 = arith.constant 0 : i32
        %dma_start3A_87 = tpu.memref_slice %arg17[%dma_start3A_85, %dma_start3A_86] : memref<10112x128xf32, #tpu.memory_space<vmem_shared>> -> memref<10112x128xf32, #tpu.memory_space<vmem_shared>>
        tpu.enqueue_indirect_dma source(%arg15 : memref<80x128xf32, #tpu.memory_space<vmem>>) target(%dma_start3A_87 : memref<10112x128xf32, #tpu.memory_space<vmem_shared>>) offsets(%arg12 : memref<80xi32, #tpu.memory_space<vmem>>) semaphore(%run_scoped3A : memref<!tpu.dma_semaphore, #tpu.memory_space<semaphore_mem>>) {add = true}
        %dma_wait3A_88 = arith.constant 0 : i32
        %dma_wait3A_89 = arith.constant 0 : i32
        %dma_wait3A_90 = tpu.memref_slice %arg17[%dma_wait3A_88, %dma_wait3A_89] : memref<10112x128xf32, #tpu.memory_space<vmem_shared>> -> memref<10112x128xf32, #tpu.memory_space<vmem_shared>>
        tpu.wait_indirect_dma semaphore(%run_scoped3A : memref<!tpu.dma_semaphore, #tpu.memory_space<semaphore_mem>>) src(%arg15 : memref<80x128xf32, #tpu.memory_space<vmem>>) dst(%dma_wait3A_90 : memref<10112x128xf32, #tpu.memory_space<vmem_shared>>)
        tpu.yield
      }) : () -> ()
      %dma_wait3A_82 = arith.constant 0 : i32
      %dma_wait3A_83 = arith.constant 0 : i32
      %dma_wait3A_84 = tpu.memref_slice %arg2[%dma_wait3A_82, %dma_wait3A_83] : memref<10000x128xf32, #tpu.memory_space<hbm>> -> memref<10000x128xf32, #tpu.memory_space<hbm>>
      tpu.wait_indirect_dma semaphore(%arg21 : memref<!tpu.dma_semaphore, #tpu.memory_space<semaphore_mem>>) src(%dma_wait3A_84 : memref<10000x128xf32, #tpu.memory_space<hbm>>) dst(%arg16 : memref<80x128xf32, #tpu.memory_space<vmem>>)
      "tpu.region"() ({
        %run_scoped3A = tpu.sem_alloc : memref<!tpu.dma_semaphore, #tpu.memory_space<semaphore_mem>>
        %dma_start3A_85 = arith.constant 0 : i32
        %dma_start3A_86 = tpu.memref_slice %arg7[%add3A_44, %dma_start3A_85] : memref<320000x128xf32, #tpu.memory_space<hbm>> -> memref<80x128xf32, #tpu.memory_space<hbm>>
        %dma_start3A_87 = arith.constant 0 : i32
        %dma_start3A_88 = tpu.memref_slice %arg7[%add3A_44, %dma_start3A_87] : memref<320000x128xf32, #tpu.memory_space<hbm>> -> memref<80x128xf32, #tpu.memory_space<hbm>>
        tpu.enqueue_dma source(%arg16 : memref<80x128xf32, #tpu.memory_space<vmem>>) target(%dma_start3A_88 : memref<80x128xf32, #tpu.memory_space<hbm>>) target_semaphore(%run_scoped3A : memref<!tpu.dma_semaphore, #tpu.memory_space<semaphore_mem>>)
        %dma_wait3A_89 = arith.constant 0 : i32
        %dma_wait3A_90 = tpu.memref_slice %arg7[%add3A_44, %dma_wait3A_89] : memref<320000x128xf32, #tpu.memory_space<hbm>> -> memref<80x128xf32, #tpu.memory_space<hbm>>
        %dma_wait3A_91 = arith.constant 0 : i32
        %dma_wait3A_92 = tpu.memref_slice %arg7[%add3A_44, %dma_wait3A_91] : memref<320000x128xf32, #tpu.memory_space<hbm>> -> memref<80x128xf32, #tpu.memory_space<hbm>>
        tpu.wait_dma2 semaphore(%run_scoped3A : memref<!tpu.dma_semaphore, #tpu.memory_space<semaphore_mem>>) src(%arg16 : memref<80x128xf32, #tpu.memory_space<vmem>>) dst(%dma_wait3A_92 : memref<80x128xf32, #tpu.memory_space<hbm>>)
        tpu.yield
      }) : () -> ()
    }
    %scan3A_11 = arith.constant 62 : i32
    %add3A_12 = arith.constant 9920 : i32
    %add3A_13 = arith.addi %mul3A_6, %add3A_12 : i32
    %dma_start3A = tpu.memref_slice %arg3[%add3A_13] : memref<320000xi32, #tpu.memory_space<hbm>> -> memref<80xi32, #tpu.memory_space<hbm>>
    %dma_start3A_14 = tpu.memref_slice %arg3[%add3A_13] : memref<320000xi32, #tpu.memory_space<hbm>> -> memref<80xi32, #tpu.memory_space<hbm>>
    tpu.enqueue_dma source(%dma_start3A_14 : memref<80xi32, #tpu.memory_space<hbm>>) target(%arg9 : memref<80xi32, #tpu.memory_space<vmem>>) target_semaphore(%arg22 : memref<!tpu.dma_semaphore, #tpu.memory_space<semaphore_mem>>)
    %dma_start3A_15 = tpu.memref_slice %arg4[%add3A_13] : memref<320000xi32, #tpu.memory_space<hbm>> -> memref<80xi32, #tpu.memory_space<hbm>>
    %dma_start3A_16 = tpu.memref_slice %arg4[%add3A_13] : memref<320000xi32, #tpu.memory_space<hbm>> -> memref<80xi32, #tpu.memory_space<hbm>>
    tpu.enqueue_dma source(%dma_start3A_16 : memref<80xi32, #tpu.memory_space<hbm>>) target(%arg10 : memref<80xi32, #tpu.memory_space<vmem>>) target_semaphore(%arg23 : memref<!tpu.dma_semaphore, #tpu.memory_space<semaphore_mem>>)
    %dma_wait3A = tpu.memref_slice %arg3[%add3A_13] : memref<320000xi32, #tpu.memory_space<hbm>> -> memref<80xi32, #tpu.memory_space<hbm>>
    %dma_wait3A_17 = tpu.memref_slice %arg3[%add3A_13] : memref<320000xi32, #tpu.memory_space<hbm>> -> memref<80xi32, #tpu.memory_space<hbm>>
    tpu.wait_dma2 semaphore(%arg22 : memref<!tpu.dma_semaphore, #tpu.memory_space<semaphore_mem>>) src(%dma_wait3A_17 : memref<80xi32, #tpu.memory_space<hbm>>) dst(%arg9 : memref<80xi32, #tpu.memory_space<vmem>>)
    %dma_start3A_18 = arith.constant 0 : i32
    %dma_start3A_19 = arith.constant 0 : i32
    %dma_start3A_20 = tpu.memref_slice %arg2[%dma_start3A_18, %dma_start3A_19] : memref<10000x128xf32, #tpu.memory_space<hbm>> -> memref<10000x128xf32, #tpu.memory_space<hbm>>
    tpu.enqueue_indirect_dma source(%dma_start3A_20 : memref<10000x128xf32, #tpu.memory_space<hbm>>) target(%arg13 : memref<80x128xf32, #tpu.memory_space<vmem>>) offsets(%arg9 : memref<80xi32, #tpu.memory_space<vmem>>) semaphore(%arg18 : memref<!tpu.dma_semaphore, #tpu.memory_space<semaphore_mem>>)
    %dma_wait3A_21 = tpu.memref_slice %arg4[%add3A_13] : memref<320000xi32, #tpu.memory_space<hbm>> -> memref<80xi32, #tpu.memory_space<hbm>>
    %dma_wait3A_22 = tpu.memref_slice %arg4[%add3A_13] : memref<320000xi32, #tpu.memory_space<hbm>> -> memref<80xi32, #tpu.memory_space<hbm>>
    tpu.wait_dma2 semaphore(%arg23 : memref<!tpu.dma_semaphore, #tpu.memory_space<semaphore_mem>>) src(%dma_wait3A_22 : memref<80xi32, #tpu.memory_space<hbm>>) dst(%arg10 : memref<80xi32, #tpu.memory_space<vmem>>)
    %dma_start3A_23 = arith.constant 0 : i32
    %dma_start3A_24 = arith.constant 0 : i32
    %dma_start3A_25 = tpu.memref_slice %arg2[%dma_start3A_23, %dma_start3A_24] : memref<10000x128xf32, #tpu.memory_space<hbm>> -> memref<10000x128xf32, #tpu.memory_space<hbm>>
    tpu.enqueue_indirect_dma source(%dma_start3A_25 : memref<10000x128xf32, #tpu.memory_space<hbm>>) target(%arg14 : memref<80x128xf32, #tpu.memory_space<vmem>>) offsets(%arg10 : memref<80xi32, #tpu.memory_space<vmem>>) semaphore(%arg19 : memref<!tpu.dma_semaphore, #tpu.memory_space<semaphore_mem>>)
    %dma_wait3A_26 = arith.constant 0 : i32
    %dma_wait3A_27 = arith.constant 0 : i32
    %dma_wait3A_28 = tpu.memref_slice %arg2[%dma_wait3A_26, %dma_wait3A_27] : memref<10000x128xf32, #tpu.memory_space<hbm>> -> memref<10000x128xf32, #tpu.memory_space<hbm>>
    tpu.wait_indirect_dma semaphore(%arg18 : memref<!tpu.dma_semaphore, #tpu.memory_space<semaphore_mem>>) src(%dma_wait3A_28 : memref<10000x128xf32, #tpu.memory_space<hbm>>) dst(%arg13 : memref<80x128xf32, #tpu.memory_space<vmem>>)
    "tpu.region"() ({
      %run_scoped3A = tpu.sem_alloc : memref<!tpu.dma_semaphore, #tpu.memory_space<semaphore_mem>>
      %dma_start3A_37 = arith.constant 0 : i32
      %dma_start3A_38 = tpu.memref_slice %arg6[%add3A_13, %dma_start3A_37] : memref<320000x128xf32, #tpu.memory_space<hbm>> -> memref<80x128xf32, #tpu.memory_space<hbm>>
      %dma_start3A_39 = arith.constant 0 : i32
      %dma_start3A_40 = tpu.memref_slice %arg6[%add3A_13, %dma_start3A_39] : memref<320000x128xf32, #tpu.memory_space<hbm>> -> memref<80x128xf32, #tpu.memory_space<hbm>>
      tpu.enqueue_dma source(%arg13 : memref<80x128xf32, #tpu.memory_space<vmem>>) target(%dma_start3A_40 : memref<80x128xf32, #tpu.memory_space<hbm>>) target_semaphore(%run_scoped3A : memref<!tpu.dma_semaphore, #tpu.memory_space<semaphore_mem>>)
      %dma_wait3A_41 = arith.constant 0 : i32
      %dma_wait3A_42 = tpu.memref_slice %arg6[%add3A_13, %dma_wait3A_41] : memref<320000x128xf32, #tpu.memory_space<hbm>> -> memref<80x128xf32, #tpu.memory_space<hbm>>
      %dma_wait3A_43 = arith.constant 0 : i32
      %dma_wait3A_44 = tpu.memref_slice %arg6[%add3A_13, %dma_wait3A_43] : memref<320000x128xf32, #tpu.memory_space<hbm>> -> memref<80x128xf32, #tpu.memory_space<hbm>>
      tpu.wait_dma2 semaphore(%run_scoped3A : memref<!tpu.dma_semaphore, #tpu.memory_space<semaphore_mem>>) src(%arg13 : memref<80x128xf32, #tpu.memory_space<vmem>>) dst(%dma_wait3A_44 : memref<80x128xf32, #tpu.memory_space<hbm>>)
      tpu.yield
    }) : () -> ()
    "tpu.region"() ({
      %run_scoped3A = tpu.sem_alloc : memref<!tpu.dma_semaphore, #tpu.memory_space<semaphore_mem>>
      %dma_start3A_37 = arith.constant 0 : i32
      %dma_start3A_38 = arith.constant 0 : i32
      %dma_start3A_39 = tpu.memref_slice %arg17[%dma_start3A_37, %dma_start3A_38] : memref<10112x128xf32, #tpu.memory_space<vmem_shared>> -> memref<10112x128xf32, #tpu.memory_space<vmem_shared>>
      tpu.enqueue_indirect_dma source(%arg13 : memref<80x128xf32, #tpu.memory_space<vmem>>) target(%dma_start3A_39 : memref<10112x128xf32, #tpu.memory_space<vmem_shared>>) offsets(%arg10 : memref<80xi32, #tpu.memory_space<vmem>>) semaphore(%run_scoped3A : memref<!tpu.dma_semaphore, #tpu.memory_space<semaphore_mem>>) {add = true}
      %dma_wait3A_40 = arith.constant 0 : i32
      %dma_wait3A_41 = arith.constant 0 : i32
      %dma_wait3A_42 = tpu.memref_slice %arg17[%dma_wait3A_40, %dma_wait3A_41] : memref<10112x128xf32, #tpu.memory_space<vmem_shared>> -> memref<10112x128xf32, #tpu.memory_space<vmem_shared>>
      tpu.wait_indirect_dma semaphore(%run_scoped3A : memref<!tpu.dma_semaphore, #tpu.memory_space<semaphore_mem>>) src(%arg13 : memref<80x128xf32, #tpu.memory_space<vmem>>) dst(%dma_wait3A_42 : memref<10112x128xf32, #tpu.memory_space<vmem_shared>>)
      tpu.yield
    }) : () -> ()
    %dma_wait3A_29 = arith.constant 0 : i32
    %dma_wait3A_30 = arith.constant 0 : i32
    %dma_wait3A_31 = tpu.memref_slice %arg2[%dma_wait3A_29, %dma_wait3A_30] : memref<10000x128xf32, #tpu.memory_space<hbm>> -> memref<10000x128xf32, #tpu.memory_space<hbm>>
    tpu.wait_indirect_dma semaphore(%arg19 : memref<!tpu.dma_semaphore, #tpu.memory_space<semaphore_mem>>) src(%dma_wait3A_31 : memref<10000x128xf32, #tpu.memory_space<hbm>>) dst(%arg14 : memref<80x128xf32, #tpu.memory_space<vmem>>)
    "tpu.region"() ({
      %run_scoped3A = tpu.sem_alloc : memref<!tpu.dma_semaphore, #tpu.memory_space<semaphore_mem>>
      %dma_start3A_37 = arith.constant 0 : i32
      %dma_start3A_38 = tpu.memref_slice %arg7[%add3A_13, %dma_start3A_37] : memref<320000x128xf32, #tpu.memory_space<hbm>> -> memref<80x128xf32, #tpu.memory_space<hbm>>
      %dma_start3A_39 = arith.constant 0 : i32
      %dma_start3A_40 = tpu.memref_slice %arg7[%add3A_13, %dma_start3A_39] : memref<320000x128xf32, #tpu.memory_space<hbm>> -> memref<80x128xf32, #tpu.memory_space<hbm>>
      tpu.enqueue_dma source(%arg14 : memref<80x128xf32, #tpu.memory_space<vmem>>) target(%dma_start3A_40 : memref<80x128xf32, #tpu.memory_space<hbm>>) target_semaphore(%run_scoped3A : memref<!tpu.dma_semaphore, #tpu.memory_space<semaphore_mem>>)
      %dma_wait3A_41 = arith.constant 0 : i32
      %dma_wait3A_42 = tpu.memref_slice %arg7[%add3A_13, %dma_wait3A_41] : memref<320000x128xf32, #tpu.memory_space<hbm>> -> memref<80x128xf32, #tpu.memory_space<hbm>>
      %dma_wait3A_43 = arith.constant 0 : i32
      %dma_wait3A_44 = tpu.memref_slice %arg7[%add3A_13, %dma_wait3A_43] : memref<320000x128xf32, #tpu.memory_space<hbm>> -> memref<80x128xf32, #tpu.memory_space<hbm>>
      tpu.wait_dma2 semaphore(%run_scoped3A : memref<!tpu.dma_semaphore, #tpu.memory_space<semaphore_mem>>) src(%arg14 : memref<80x128xf32, #tpu.memory_space<vmem>>) dst(%dma_wait3A_44 : memref<80x128xf32, #tpu.memory_space<hbm>>)
      tpu.yield
    }) : () -> ()
    %barrier3A_32 = arith.constant 0 : index
    tpu.barrier barrier_id(%barrier3A_32)
    %mul3A_33 = arith.constant 632 : i32
    %mul3A_34 = arith.muli %arg1, %mul3A_33 : i32
    %mul3A_35 = arith.constant 632 : i32
    %mul3A_36 = arith.muli %arg1, %mul3A_35 : i32
    "tpu.region"() ({
      %run_scoped3A = tpu.sem_alloc : memref<!tpu.dma_semaphore, #tpu.memory_space<semaphore_mem>>
      %dma_start3A_37 = arith.constant 0 : i32
      %dma_start3A_38 = arith.constant 0 : i32
      %dma_start3A_39 = tpu.memref_slice %arg8[%arg0, %dma_start3A_37, %dma_start3A_38] : memref<2x10112x128xf32, #tpu.memory_space<hbm>> -> memref<1x10112x128xf32, #tpu.memory_space<hbm>>
      %dma_start3A_40 = tpu.memref_squeeze %dma_start3A_39 : memref<1x10112x128xf32, #tpu.memory_space<hbm>> -> memref<10112x128xf32, #tpu.memory_space<hbm>>
      %dma_start3A_41 = arith.constant 0 : i32
      %dma_start3A_42 = tpu.memref_slice %dma_start3A_40[%mul3A_36, %dma_start3A_41] : memref<10112x128xf32, #tpu.memory_space<hbm>> -> memref<632x128xf32, #tpu.memory_space<hbm>>
      %dma_start3A_43 = arith.constant 0 : i32
      %dma_start3A_44 = tpu.memref_slice %arg17[%mul3A_34, %dma_start3A_43] : memref<10112x128xf32, #tpu.memory_space<vmem_shared>> -> memref<632x128xf32, #tpu.memory_space<vmem_shared>>
      tpu.enqueue_dma source(%dma_start3A_44 : memref<632x128xf32, #tpu.memory_space<vmem_shared>>) target(%dma_start3A_42 : memref<632x128xf32, #tpu.memory_space<hbm>>) target_semaphore(%run_scoped3A : memref<!tpu.dma_semaphore, #tpu.memory_space<semaphore_mem>>)
      %dma_wait3A_45 = arith.constant 0 : i32
      %dma_wait3A_46 = arith.constant 0 : i32
      %dma_wait3A_47 = tpu.memref_slice %arg8[%arg0, %dma_wait3A_45, %dma_wait3A_46] : memref<2x10112x128xf32, #tpu.memory_space<hbm>> -> memref<1x10112x128xf32, #tpu.memory_space<hbm>>
      %dma_wait3A_48 = tpu.memref_squeeze %dma_wait3A_47 : memref<1x10112x128xf32, #tpu.memory_space<hbm>> -> memref<10112x128xf32, #tpu.memory_space<hbm>>
      %dma_wait3A_49 = arith.constant 0 : i32
      %dma_wait3A_50 = tpu.memref_slice %dma_wait3A_48[%mul3A_36, %dma_wait3A_49] : memref<10112x128xf32, #tpu.memory_space<hbm>> -> memref<632x128xf32, #tpu.memory_space<hbm>>
      %dma_wait3A_51 = arith.constant 0 : i32
      %dma_wait3A_52 = tpu.memref_slice %arg17[%mul3A_34, %dma_wait3A_51] : memref<10112x128xf32, #tpu.memory_space<vmem_shared>> -> memref<632x128xf32, #tpu.memory_space<vmem_shared>>
      tpu.wait_dma2 semaphore(%run_scoped3A : memref<!tpu.dma_semaphore, #tpu.memory_space<semaphore_mem>>) src(%dma_wait3A_52 : memref<632x128xf32, #tpu.memory_space<vmem_shared>>) dst(%dma_wait3A_50 : memref<632x128xf32, #tpu.memory_space<hbm>>)
      tpu.yield
    }) : () -> ()
    return
  }
}

#map = affine_map<(d0, d1) -> (0, 0)>
#map1 = affine_map<(d0, d1) -> (0)>
#map2 = affine_map<(d0, d1) -> (0, 0, 0)>
module attributes {stable_mosaic.version = 14 : i64} {
  func.func @body(%arg0: i32, %arg1: i32, %arg2: memref<320000x128xf32, #tpu.memory_space<hbm>>, %arg3: memref<320000xi32, #tpu.memory_space<hbm>>, %arg4: memref<10112x128xf32, #tpu.memory_space<hbm>>, %arg5: memref<2x10112x128xf32, #tpu.memory_space<hbm>>, %arg6: memref<200x128xf32, #tpu.memory_space<vmem>>, %arg7: memref<200xi32, #tpu.memory_space<vmem>>, %arg8: memref<200xi32, #tpu.memory_space<vmem>>, %arg9: memref<10112x128xf32, #tpu.memory_space<vmem_shared>>, %arg10: memref<!tpu.dma_semaphore, #tpu.memory_space<semaphore_mem>>, %arg11: memref<!tpu.dma_semaphore, #tpu.memory_space<semaphore_mem>>, %arg12: memref<!tpu.dma_semaphore, #tpu.memory_space<semaphore_mem>>) attributes {dimension_semantics = [#tpu.dimension_semantics<core_parallel>, #tpu.dimension_semantics<subcore_parallel>], iteration_bounds = array<i64: 2, 16>, scalar_prefetch = 0 : i64, scratch_operands = 7 : i64, tpu.core_type = #tpu.core_type<sc_vector_subcore>, window_params = [{transform_indices = #map}, {transform_indices = #map1}, {transform_indices = #map}, {transform_indices = #map2}]} {
    %mul3A = arith.constant 2 : i32
    %mul3A_0 = arith.muli %arg1, %mul3A : i32
    %add3A = arith.addi %mul3A_0, %arg0 : i32
    %mul3A_1 = arith.constant 632 : i32
    %mul3A_2 = arith.muli %arg1, %mul3A_1 : i32
    %mul3A_3 = arith.constant 632 : i32
    %mul3A_4 = arith.muli %arg1, %mul3A_3 : i32
    "tpu.region"() ({
      %run_scoped3A = tpu.sem_alloc : memref<!tpu.dma_semaphore, #tpu.memory_space<semaphore_mem>>
      %dma_start3A = arith.constant 0 : i32
      %dma_start3A_17 = tpu.memref_slice %arg9[%mul3A_4, %dma_start3A] : memref<10112x128xf32, #tpu.memory_space<vmem_shared>> -> memref<632x128xf32, #tpu.memory_space<vmem_shared>>
      %dma_start3A_18 = arith.constant 0 : i32
      %dma_start3A_19 = tpu.memref_slice %arg4[%mul3A_2, %dma_start3A_18] : memref<10112x128xf32, #tpu.memory_space<hbm>> -> memref<632x128xf32, #tpu.memory_space<hbm>>
      tpu.enqueue_dma source(%dma_start3A_19 : memref<632x128xf32, #tpu.memory_space<hbm>>) target(%dma_start3A_17 : memref<632x128xf32, #tpu.memory_space<vmem_shared>>) target_semaphore(%run_scoped3A : memref<!tpu.dma_semaphore, #tpu.memory_space<semaphore_mem>>)
      %dma_wait3A = arith.constant 0 : i32
      %dma_wait3A_20 = tpu.memref_slice %arg9[%mul3A_4, %dma_wait3A] : memref<10112x128xf32, #tpu.memory_space<vmem_shared>> -> memref<632x128xf32, #tpu.memory_space<vmem_shared>>
      %dma_wait3A_21 = arith.constant 0 : i32
      %dma_wait3A_22 = tpu.memref_slice %arg4[%mul3A_2, %dma_wait3A_21] : memref<10112x128xf32, #tpu.memory_space<hbm>> -> memref<632x128xf32, #tpu.memory_space<hbm>>
      tpu.wait_dma2 semaphore(%run_scoped3A : memref<!tpu.dma_semaphore, #tpu.memory_space<semaphore_mem>>) src(%dma_wait3A_22 : memref<632x128xf32, #tpu.memory_space<hbm>>) dst(%dma_wait3A_20 : memref<632x128xf32, #tpu.memory_space<vmem_shared>>)
      tpu.yield
    }) : () -> ()
    %barrier3A = arith.constant 0 : index
    tpu.barrier barrier_id(%barrier3A)
    %mul3A_5 = arith.constant 10000 : i32
    %mul3A_6 = arith.muli %add3A, %mul3A_5 : i32
    %scan3A = arith.constant 0 : i32
    %scan3A_7 = arith.constant 0 : i32
    %scan3A_8 = arith.constant 25 : i32
    %scan3A_9 = arith.addi %scan3A_7, %scan3A_8 : i32
    %scan3A_10 = arith.constant 1 : i32
    scf.for %scan3A_17 = %scan3A_7 to %scan3A_9 step %scan3A_10  : i32 {
      %mul3A_18 = arith.constant 2 : i32
      %mul3A_19 = arith.muli %mul3A_18, %scan3A_17 : i32
      %mul3A_20 = arith.constant 200 : i32
      %mul3A_21 = arith.muli %mul3A_19, %mul3A_20 : i32
      %add3A_22 = arith.addi %mul3A_6, %mul3A_21 : i32
      %add3A_23 = arith.constant 200 : i32
      %add3A_24 = arith.addi %add3A_22, %add3A_23 : i32
      %dma_start3A = tpu.memref_slice %arg3[%add3A_22] : memref<320000xi32, #tpu.memory_space<hbm>> -> memref<200xi32, #tpu.memory_space<hbm>>
      %dma_start3A_25 = tpu.memref_slice %arg3[%add3A_22] : memref<320000xi32, #tpu.memory_space<hbm>> -> memref<200xi32, #tpu.memory_space<hbm>>
      tpu.enqueue_dma source(%dma_start3A_25 : memref<200xi32, #tpu.memory_space<hbm>>) target(%arg7 : memref<200xi32, #tpu.memory_space<vmem>>) target_semaphore(%arg11 : memref<!tpu.dma_semaphore, #tpu.memory_space<semaphore_mem>>)
      %dma_start3A_26 = tpu.memref_slice %arg3[%add3A_24] : memref<320000xi32, #tpu.memory_space<hbm>> -> memref<200xi32, #tpu.memory_space<hbm>>
      %dma_start3A_27 = tpu.memref_slice %arg3[%add3A_24] : memref<320000xi32, #tpu.memory_space<hbm>> -> memref<200xi32, #tpu.memory_space<hbm>>
      tpu.enqueue_dma source(%dma_start3A_27 : memref<200xi32, #tpu.memory_space<hbm>>) target(%arg8 : memref<200xi32, #tpu.memory_space<vmem>>) target_semaphore(%arg12 : memref<!tpu.dma_semaphore, #tpu.memory_space<semaphore_mem>>)
      %dma_start3A_28 = arith.constant 0 : i32
      %dma_start3A_29 = tpu.memref_slice %arg2[%add3A_22, %dma_start3A_28] : memref<320000x128xf32, #tpu.memory_space<hbm>> -> memref<200x128xf32, #tpu.memory_space<hbm>>
      %dma_start3A_30 = arith.constant 0 : i32
      %dma_start3A_31 = tpu.memref_slice %arg2[%add3A_22, %dma_start3A_30] : memref<320000x128xf32, #tpu.memory_space<hbm>> -> memref<200x128xf32, #tpu.memory_space<hbm>>
      tpu.enqueue_dma source(%dma_start3A_31 : memref<200x128xf32, #tpu.memory_space<hbm>>) target(%arg6 : memref<200x128xf32, #tpu.memory_space<vmem>>) target_semaphore(%arg10 : memref<!tpu.dma_semaphore, #tpu.memory_space<semaphore_mem>>)
      %dma_wait3A = tpu.memref_slice %arg3[%add3A_22] : memref<320000xi32, #tpu.memory_space<hbm>> -> memref<200xi32, #tpu.memory_space<hbm>>
      %dma_wait3A_32 = tpu.memref_slice %arg3[%add3A_22] : memref<320000xi32, #tpu.memory_space<hbm>> -> memref<200xi32, #tpu.memory_space<hbm>>
      tpu.wait_dma2 semaphore(%arg11 : memref<!tpu.dma_semaphore, #tpu.memory_space<semaphore_mem>>) src(%dma_wait3A_32 : memref<200xi32, #tpu.memory_space<hbm>>) dst(%arg7 : memref<200xi32, #tpu.memory_space<vmem>>)
      %dma_wait3A_33 = arith.constant 0 : i32
      %dma_wait3A_34 = tpu.memref_slice %arg2[%add3A_22, %dma_wait3A_33] : memref<320000x128xf32, #tpu.memory_space<hbm>> -> memref<200x128xf32, #tpu.memory_space<hbm>>
      %dma_wait3A_35 = arith.constant 0 : i32
      %dma_wait3A_36 = tpu.memref_slice %arg2[%add3A_22, %dma_wait3A_35] : memref<320000x128xf32, #tpu.memory_space<hbm>> -> memref<200x128xf32, #tpu.memory_space<hbm>>
      tpu.wait_dma2 semaphore(%arg10 : memref<!tpu.dma_semaphore, #tpu.memory_space<semaphore_mem>>) src(%dma_wait3A_36 : memref<200x128xf32, #tpu.memory_space<hbm>>) dst(%arg6 : memref<200x128xf32, #tpu.memory_space<vmem>>)
      "tpu.region"() ({
        %run_scoped3A = tpu.sem_alloc : memref<!tpu.dma_semaphore, #tpu.memory_space<semaphore_mem>>
        %dma_start3A_47 = arith.constant 0 : i32
        %dma_start3A_48 = arith.constant 0 : i32
        %dma_start3A_49 = tpu.memref_slice %arg9[%dma_start3A_47, %dma_start3A_48] : memref<10112x128xf32, #tpu.memory_space<vmem_shared>> -> memref<10112x128xf32, #tpu.memory_space<vmem_shared>>
        tpu.enqueue_indirect_dma source(%arg6 : memref<200x128xf32, #tpu.memory_space<vmem>>) target(%dma_start3A_49 : memref<10112x128xf32, #tpu.memory_space<vmem_shared>>) offsets(%arg7 : memref<200xi32, #tpu.memory_space<vmem>>) semaphore(%run_scoped3A : memref<!tpu.dma_semaphore, #tpu.memory_space<semaphore_mem>>) {add = true}
        %dma_wait3A_50 = arith.constant 0 : i32
        %dma_wait3A_51 = arith.constant 0 : i32
        %dma_wait3A_52 = tpu.memref_slice %arg9[%dma_wait3A_50, %dma_wait3A_51] : memref<10112x128xf32, #tpu.memory_space<vmem_shared>> -> memref<10112x128xf32, #tpu.memory_space<vmem_shared>>
        tpu.wait_indirect_dma semaphore(%run_scoped3A : memref<!tpu.dma_semaphore, #tpu.memory_space<semaphore_mem>>) src(%arg6 : memref<200x128xf32, #tpu.memory_space<vmem>>) dst(%dma_wait3A_52 : memref<10112x128xf32, #tpu.memory_space<vmem_shared>>)
        tpu.yield
      }) : () -> ()
      %dma_start3A_37 = arith.constant 0 : i32
      %dma_start3A_38 = tpu.memref_slice %arg2[%add3A_24, %dma_start3A_37] : memref<320000x128xf32, #tpu.memory_space<hbm>> -> memref<200x128xf32, #tpu.memory_space<hbm>>
      %dma_start3A_39 = arith.constant 0 : i32
      %dma_start3A_40 = tpu.memref_slice %arg2[%add3A_24, %dma_start3A_39] : memref<320000x128xf32, #tpu.memory_space<hbm>> -> memref<200x128xf32, #tpu.memory_space<hbm>>
      tpu.enqueue_dma source(%dma_start3A_40 : memref<200x128xf32, #tpu.memory_space<hbm>>) target(%arg6 : memref<200x128xf32, #tpu.memory_space<vmem>>) target_semaphore(%arg10 : memref<!tpu.dma_semaphore, #tpu.memory_space<semaphore_mem>>)
      %dma_wait3A_41 = tpu.memref_slice %arg3[%add3A_24] : memref<320000xi32, #tpu.memory_space<hbm>> -> memref<200xi32, #tpu.memory_space<hbm>>
      %dma_wait3A_42 = tpu.memref_slice %arg3[%add3A_24] : memref<320000xi32, #tpu.memory_space<hbm>> -> memref<200xi32, #tpu.memory_space<hbm>>
      tpu.wait_dma2 semaphore(%arg12 : memref<!tpu.dma_semaphore, #tpu.memory_space<semaphore_mem>>) src(%dma_wait3A_42 : memref<200xi32, #tpu.memory_space<hbm>>) dst(%arg8 : memref<200xi32, #tpu.memory_space<vmem>>)
      %dma_wait3A_43 = arith.constant 0 : i32
      %dma_wait3A_44 = tpu.memref_slice %arg2[%add3A_24, %dma_wait3A_43] : memref<320000x128xf32, #tpu.memory_space<hbm>> -> memref<200x128xf32, #tpu.memory_space<hbm>>
      %dma_wait3A_45 = arith.constant 0 : i32
      %dma_wait3A_46 = tpu.memref_slice %arg2[%add3A_24, %dma_wait3A_45] : memref<320000x128xf32, #tpu.memory_space<hbm>> -> memref<200x128xf32, #tpu.memory_space<hbm>>
      tpu.wait_dma2 semaphore(%arg10 : memref<!tpu.dma_semaphore, #tpu.memory_space<semaphore_mem>>) src(%dma_wait3A_46 : memref<200x128xf32, #tpu.memory_space<hbm>>) dst(%arg6 : memref<200x128xf32, #tpu.memory_space<vmem>>)
      "tpu.region"() ({
        %run_scoped3A = tpu.sem_alloc : memref<!tpu.dma_semaphore, #tpu.memory_space<semaphore_mem>>
        %dma_start3A_47 = arith.constant 0 : i32
        %dma_start3A_48 = arith.constant 0 : i32
        %dma_start3A_49 = tpu.memref_slice %arg9[%dma_start3A_47, %dma_start3A_48] : memref<10112x128xf32, #tpu.memory_space<vmem_shared>> -> memref<10112x128xf32, #tpu.memory_space<vmem_shared>>
        tpu.enqueue_indirect_dma source(%arg6 : memref<200x128xf32, #tpu.memory_space<vmem>>) target(%dma_start3A_49 : memref<10112x128xf32, #tpu.memory_space<vmem_shared>>) offsets(%arg8 : memref<200xi32, #tpu.memory_space<vmem>>) semaphore(%run_scoped3A : memref<!tpu.dma_semaphore, #tpu.memory_space<semaphore_mem>>) {add = true}
        %dma_wait3A_50 = arith.constant 0 : i32
        %dma_wait3A_51 = arith.constant 0 : i32
        %dma_wait3A_52 = tpu.memref_slice %arg9[%dma_wait3A_50, %dma_wait3A_51] : memref<10112x128xf32, #tpu.memory_space<vmem_shared>> -> memref<10112x128xf32, #tpu.memory_space<vmem_shared>>
        tpu.wait_indirect_dma semaphore(%run_scoped3A : memref<!tpu.dma_semaphore, #tpu.memory_space<semaphore_mem>>) src(%arg6 : memref<200x128xf32, #tpu.memory_space<vmem>>) dst(%dma_wait3A_52 : memref<10112x128xf32, #tpu.memory_space<vmem_shared>>)
        tpu.yield
      }) : () -> ()
    }
    %scan3A_11 = arith.constant 25 : i32
    %barrier3A_12 = arith.constant 0 : index
    tpu.barrier barrier_id(%barrier3A_12)
    %mul3A_13 = arith.constant 632 : i32
    %mul3A_14 = arith.muli %arg1, %mul3A_13 : i32
    %mul3A_15 = arith.constant 632 : i32
    %mul3A_16 = arith.muli %arg1, %mul3A_15 : i32
    "tpu.region"() ({
      %run_scoped3A = tpu.sem_alloc : memref<!tpu.dma_semaphore, #tpu.memory_space<semaphore_mem>>
      %dma_start3A = arith.constant 0 : i32
      %dma_start3A_17 = arith.constant 0 : i32
      %dma_start3A_18 = tpu.memref_slice %arg5[%arg0, %dma_start3A, %dma_start3A_17] : memref<2x10112x128xf32, #tpu.memory_space<hbm>> -> memref<1x10112x128xf32, #tpu.memory_space<hbm>>
      %dma_start3A_19 = tpu.memref_squeeze %dma_start3A_18 : memref<1x10112x128xf32, #tpu.memory_space<hbm>> -> memref<10112x128xf32, #tpu.memory_space<hbm>>
      %dma_start3A_20 = arith.constant 0 : i32
      %dma_start3A_21 = tpu.memref_slice %dma_start3A_19[%mul3A_16, %dma_start3A_20] : memref<10112x128xf32, #tpu.memory_space<hbm>> -> memref<632x128xf32, #tpu.memory_space<hbm>>
      %dma_start3A_22 = arith.constant 0 : i32
      %dma_start3A_23 = tpu.memref_slice %arg9[%mul3A_14, %dma_start3A_22] : memref<10112x128xf32, #tpu.memory_space<vmem_shared>> -> memref<632x128xf32, #tpu.memory_space<vmem_shared>>
      tpu.enqueue_dma source(%dma_start3A_23 : memref<632x128xf32, #tpu.memory_space<vmem_shared>>) target(%dma_start3A_21 : memref<632x128xf32, #tpu.memory_space<hbm>>) target_semaphore(%run_scoped3A : memref<!tpu.dma_semaphore, #tpu.memory_space<semaphore_mem>>)
      %dma_wait3A = arith.constant 0 : i32
      %dma_wait3A_24 = arith.constant 0 : i32
      %dma_wait3A_25 = tpu.memref_slice %arg5[%arg0, %dma_wait3A, %dma_wait3A_24] : memref<2x10112x128xf32, #tpu.memory_space<hbm>> -> memref<1x10112x128xf32, #tpu.memory_space<hbm>>
      %dma_wait3A_26 = tpu.memref_squeeze %dma_wait3A_25 : memref<1x10112x128xf32, #tpu.memory_space<hbm>> -> memref<10112x128xf32, #tpu.memory_space<hbm>>
      %dma_wait3A_27 = arith.constant 0 : i32
      %dma_wait3A_28 = tpu.memref_slice %dma_wait3A_26[%mul3A_16, %dma_wait3A_27] : memref<10112x128xf32, #tpu.memory_space<hbm>> -> memref<632x128xf32, #tpu.memory_space<hbm>>
      %dma_wait3A_29 = arith.constant 0 : i32
      %dma_wait3A_30 = tpu.memref_slice %arg9[%mul3A_14, %dma_wait3A_29] : memref<10112x128xf32, #tpu.memory_space<vmem_shared>> -> memref<632x128xf32, #tpu.memory_space<vmem_shared>>
      tpu.wait_dma2 semaphore(%run_scoped3A : memref<!tpu.dma_semaphore, #tpu.memory_space<semaphore_mem>>) src(%dma_wait3A_30 : memref<632x128xf32, #tpu.memory_space<vmem_shared>>) dst(%dma_wait3A_28 : memref<632x128xf32, #tpu.memory_space<hbm>>)
      tpu.yield
    }) : () -> ()
    return
  }
}

#map = affine_map<(d0, d1) -> (0, 0)>
#map1 = affine_map<(d0, d1) -> (0)>
module attributes {stable_mosaic.version = 14 : i64} {
  func.func @body(%arg0: i32, %arg1: i32, %arg2: memref<10000x128xf32, #tpu.memory_space<hbm>>, %arg3: memref<320000xi32, #tpu.memory_space<hbm>>, %arg4: memref<320000xi32, #tpu.memory_space<hbm>>, %arg5: memref<320000x128xf32, #tpu.memory_space<hbm>>, %arg6: memref<320000x128xf32, #tpu.memory_space<hbm>>, %arg7: memref<200xi32, #tpu.memory_space<vmem>>, %arg8: memref<200xi32, #tpu.memory_space<vmem>>, %arg9: memref<200xi32, #tpu.memory_space<vmem>>, %arg10: memref<200xi32, #tpu.memory_space<vmem>>, %arg11: memref<200x128xf32, #tpu.memory_space<vmem>>, %arg12: memref<200x128xf32, #tpu.memory_space<vmem>>, %arg13: memref<200x128xf32, #tpu.memory_space<vmem>>, %arg14: memref<200x128xf32, #tpu.memory_space<vmem>>, %arg15: memref<!tpu.dma_semaphore, #tpu.memory_space<semaphore_mem>>, %arg16: memref<!tpu.dma_semaphore, #tpu.memory_space<semaphore_mem>>, %arg17: memref<!tpu.dma_semaphore, #tpu.memory_space<semaphore_mem>>, %arg18: memref<!tpu.dma_semaphore, #tpu.memory_space<semaphore_mem>>, %arg19: memref<!tpu.dma_semaphore, #tpu.memory_space<semaphore_mem>>, %arg20: memref<!tpu.dma_semaphore, #tpu.memory_space<semaphore_mem>>, %arg21: memref<!tpu.dma_semaphore, #tpu.memory_space<semaphore_mem>>, %arg22: memref<!tpu.dma_semaphore, #tpu.memory_space<semaphore_mem>>) attributes {dimension_semantics = [#tpu.dimension_semantics<core_parallel>, #tpu.dimension_semantics<subcore_parallel>], iteration_bounds = array<i64: 2, 16>, scalar_prefetch = 0 : i64, scratch_operands = 16 : i64, tpu.core_type = #tpu.core_type<sc_vector_subcore>, window_params = [{transform_indices = #map}, {transform_indices = #map1}, {transform_indices = #map1}, {transform_indices = #map}, {transform_indices = #map}]} {
    %mul3A = arith.constant 2 : i32
    %mul3A_0 = arith.muli %arg1, %mul3A : i32
    %add3A = arith.addi %mul3A_0, %arg0 : i32
    %mul3A_1 = arith.constant 10000 : i32
    %mul3A_2 = arith.muli %add3A, %mul3A_1 : i32
    %scan3A = arith.constant 0 : i32
    %scan3A_3 = arith.constant 0 : i32
    %scan3A_4 = arith.constant 25 : i32
    %scan3A_5 = arith.addi %scan3A_3, %scan3A_4 : i32
    %scan3A_6 = arith.constant 1 : i32
    scf.for %scan3A_8 = %scan3A_3 to %scan3A_5 step %scan3A_6  : i32 {
      %mul3A_9 = arith.constant 2 : i32
      %mul3A_10 = arith.muli %mul3A_9, %scan3A_8 : i32
      %mul3A_11 = arith.constant 200 : i32
      %mul3A_12 = arith.muli %mul3A_10, %mul3A_11 : i32
      %add3A_13 = arith.addi %mul3A_2, %mul3A_12 : i32
      %add3A_14 = arith.constant 200 : i32
      %add3A_15 = arith.addi %add3A_13, %add3A_14 : i32
      %dma_start3A = tpu.memref_slice %arg3[%add3A_13] : memref<320000xi32, #tpu.memory_space<hbm>> -> memref<200xi32, #tpu.memory_space<hbm>>
      %dma_start3A_16 = tpu.memref_slice %arg3[%add3A_13] : memref<320000xi32, #tpu.memory_space<hbm>> -> memref<200xi32, #tpu.memory_space<hbm>>
      tpu.enqueue_dma source(%dma_start3A_16 : memref<200xi32, #tpu.memory_space<hbm>>) target(%arg7 : memref<200xi32, #tpu.memory_space<vmem>>) target_semaphore(%arg19 : memref<!tpu.dma_semaphore, #tpu.memory_space<semaphore_mem>>)
      %dma_start3A_17 = tpu.memref_slice %arg4[%add3A_13] : memref<320000xi32, #tpu.memory_space<hbm>> -> memref<200xi32, #tpu.memory_space<hbm>>
      %dma_start3A_18 = tpu.memref_slice %arg4[%add3A_13] : memref<320000xi32, #tpu.memory_space<hbm>> -> memref<200xi32, #tpu.memory_space<hbm>>
      tpu.enqueue_dma source(%dma_start3A_18 : memref<200xi32, #tpu.memory_space<hbm>>) target(%arg8 : memref<200xi32, #tpu.memory_space<vmem>>) target_semaphore(%arg20 : memref<!tpu.dma_semaphore, #tpu.memory_space<semaphore_mem>>)
      %dma_start3A_19 = tpu.memref_slice %arg3[%add3A_15] : memref<320000xi32, #tpu.memory_space<hbm>> -> memref<200xi32, #tpu.memory_space<hbm>>
      %dma_start3A_20 = tpu.memref_slice %arg3[%add3A_15] : memref<320000xi32, #tpu.memory_space<hbm>> -> memref<200xi32, #tpu.memory_space<hbm>>
      tpu.enqueue_dma source(%dma_start3A_20 : memref<200xi32, #tpu.memory_space<hbm>>) target(%arg9 : memref<200xi32, #tpu.memory_space<vmem>>) target_semaphore(%arg21 : memref<!tpu.dma_semaphore, #tpu.memory_space<semaphore_mem>>)
      %dma_start3A_21 = tpu.memref_slice %arg4[%add3A_15] : memref<320000xi32, #tpu.memory_space<hbm>> -> memref<200xi32, #tpu.memory_space<hbm>>
      %dma_start3A_22 = tpu.memref_slice %arg4[%add3A_15] : memref<320000xi32, #tpu.memory_space<hbm>> -> memref<200xi32, #tpu.memory_space<hbm>>
      tpu.enqueue_dma source(%dma_start3A_22 : memref<200xi32, #tpu.memory_space<hbm>>) target(%arg10 : memref<200xi32, #tpu.memory_space<vmem>>) target_semaphore(%arg22 : memref<!tpu.dma_semaphore, #tpu.memory_space<semaphore_mem>>)
      %dma_wait3A = tpu.memref_slice %arg3[%add3A_13] : memref<320000xi32, #tpu.memory_space<hbm>> -> memref<200xi32, #tpu.memory_space<hbm>>
      %dma_wait3A_23 = tpu.memref_slice %arg3[%add3A_13] : memref<320000xi32, #tpu.memory_space<hbm>> -> memref<200xi32, #tpu.memory_space<hbm>>
      tpu.wait_dma2 semaphore(%arg19 : memref<!tpu.dma_semaphore, #tpu.memory_space<semaphore_mem>>) src(%dma_wait3A_23 : memref<200xi32, #tpu.memory_space<hbm>>) dst(%arg7 : memref<200xi32, #tpu.memory_space<vmem>>)
      %dma_start3A_24 = arith.constant 0 : i32
      %dma_start3A_25 = arith.constant 0 : i32
      %dma_start3A_26 = tpu.memref_slice %arg2[%dma_start3A_24, %dma_start3A_25] : memref<10000x128xf32, #tpu.memory_space<hbm>> -> memref<10000x128xf32, #tpu.memory_space<hbm>>
      tpu.enqueue_indirect_dma source(%dma_start3A_26 : memref<10000x128xf32, #tpu.memory_space<hbm>>) target(%arg11 : memref<200x128xf32, #tpu.memory_space<vmem>>) offsets(%arg7 : memref<200xi32, #tpu.memory_space<vmem>>) semaphore(%arg15 : memref<!tpu.dma_semaphore, #tpu.memory_space<semaphore_mem>>)
      %dma_wait3A_27 = tpu.memref_slice %arg4[%add3A_13] : memref<320000xi32, #tpu.memory_space<hbm>> -> memref<200xi32, #tpu.memory_space<hbm>>
      %dma_wait3A_28 = tpu.memref_slice %arg4[%add3A_13] : memref<320000xi32, #tpu.memory_space<hbm>> -> memref<200xi32, #tpu.memory_space<hbm>>
      tpu.wait_dma2 semaphore(%arg20 : memref<!tpu.dma_semaphore, #tpu.memory_space<semaphore_mem>>) src(%dma_wait3A_28 : memref<200xi32, #tpu.memory_space<hbm>>) dst(%arg8 : memref<200xi32, #tpu.memory_space<vmem>>)
      %dma_start3A_29 = arith.constant 0 : i32
      %dma_start3A_30 = arith.constant 0 : i32
      %dma_start3A_31 = tpu.memref_slice %arg2[%dma_start3A_29, %dma_start3A_30] : memref<10000x128xf32, #tpu.memory_space<hbm>> -> memref<10000x128xf32, #tpu.memory_space<hbm>>
      tpu.enqueue_indirect_dma source(%dma_start3A_31 : memref<10000x128xf32, #tpu.memory_space<hbm>>) target(%arg12 : memref<200x128xf32, #tpu.memory_space<vmem>>) offsets(%arg8 : memref<200xi32, #tpu.memory_space<vmem>>) semaphore(%arg16 : memref<!tpu.dma_semaphore, #tpu.memory_space<semaphore_mem>>)
      %dma_wait3A_32 = tpu.memref_slice %arg3[%add3A_15] : memref<320000xi32, #tpu.memory_space<hbm>> -> memref<200xi32, #tpu.memory_space<hbm>>
      %dma_wait3A_33 = tpu.memref_slice %arg3[%add3A_15] : memref<320000xi32, #tpu.memory_space<hbm>> -> memref<200xi32, #tpu.memory_space<hbm>>
      tpu.wait_dma2 semaphore(%arg21 : memref<!tpu.dma_semaphore, #tpu.memory_space<semaphore_mem>>) src(%dma_wait3A_33 : memref<200xi32, #tpu.memory_space<hbm>>) dst(%arg9 : memref<200xi32, #tpu.memory_space<vmem>>)
      %dma_start3A_34 = arith.constant 0 : i32
      %dma_start3A_35 = arith.constant 0 : i32
      %dma_start3A_36 = tpu.memref_slice %arg2[%dma_start3A_34, %dma_start3A_35] : memref<10000x128xf32, #tpu.memory_space<hbm>> -> memref<10000x128xf32, #tpu.memory_space<hbm>>
      tpu.enqueue_indirect_dma source(%dma_start3A_36 : memref<10000x128xf32, #tpu.memory_space<hbm>>) target(%arg13 : memref<200x128xf32, #tpu.memory_space<vmem>>) offsets(%arg9 : memref<200xi32, #tpu.memory_space<vmem>>) semaphore(%arg17 : memref<!tpu.dma_semaphore, #tpu.memory_space<semaphore_mem>>)
      %dma_wait3A_37 = tpu.memref_slice %arg4[%add3A_15] : memref<320000xi32, #tpu.memory_space<hbm>> -> memref<200xi32, #tpu.memory_space<hbm>>
      %dma_wait3A_38 = tpu.memref_slice %arg4[%add3A_15] : memref<320000xi32, #tpu.memory_space<hbm>> -> memref<200xi32, #tpu.memory_space<hbm>>
      tpu.wait_dma2 semaphore(%arg22 : memref<!tpu.dma_semaphore, #tpu.memory_space<semaphore_mem>>) src(%dma_wait3A_38 : memref<200xi32, #tpu.memory_space<hbm>>) dst(%arg10 : memref<200xi32, #tpu.memory_space<vmem>>)
      %dma_start3A_39 = arith.constant 0 : i32
      %dma_start3A_40 = arith.constant 0 : i32
      %dma_start3A_41 = tpu.memref_slice %arg2[%dma_start3A_39, %dma_start3A_40] : memref<10000x128xf32, #tpu.memory_space<hbm>> -> memref<10000x128xf32, #tpu.memory_space<hbm>>
      tpu.enqueue_indirect_dma source(%dma_start3A_41 : memref<10000x128xf32, #tpu.memory_space<hbm>>) target(%arg14 : memref<200x128xf32, #tpu.memory_space<vmem>>) offsets(%arg10 : memref<200xi32, #tpu.memory_space<vmem>>) semaphore(%arg18 : memref<!tpu.dma_semaphore, #tpu.memory_space<semaphore_mem>>)
      %dma_wait3A_42 = arith.constant 0 : i32
      %dma_wait3A_43 = arith.constant 0 : i32
      %dma_wait3A_44 = tpu.memref_slice %arg2[%dma_wait3A_42, %dma_wait3A_43] : memref<10000x128xf32, #tpu.memory_space<hbm>> -> memref<10000x128xf32, #tpu.memory_space<hbm>>
      tpu.wait_indirect_dma semaphore(%arg15 : memref<!tpu.dma_semaphore, #tpu.memory_space<semaphore_mem>>) src(%dma_wait3A_44 : memref<10000x128xf32, #tpu.memory_space<hbm>>) dst(%arg11 : memref<200x128xf32, #tpu.memory_space<vmem>>)
      "tpu.region"() ({
        %run_scoped3A = tpu.sem_alloc : memref<!tpu.dma_semaphore, #tpu.memory_space<semaphore_mem>>
        %dma_start3A_54 = arith.constant 0 : i32
        %dma_start3A_55 = tpu.memref_slice %arg5[%add3A_13, %dma_start3A_54] : memref<320000x128xf32, #tpu.memory_space<hbm>> -> memref<200x128xf32, #tpu.memory_space<hbm>>
        %dma_start3A_56 = arith.constant 0 : i32
        %dma_start3A_57 = tpu.memref_slice %arg5[%add3A_13, %dma_start3A_56] : memref<320000x128xf32, #tpu.memory_space<hbm>> -> memref<200x128xf32, #tpu.memory_space<hbm>>
        tpu.enqueue_dma source(%arg11 : memref<200x128xf32, #tpu.memory_space<vmem>>) target(%dma_start3A_57 : memref<200x128xf32, #tpu.memory_space<hbm>>) target_semaphore(%run_scoped3A : memref<!tpu.dma_semaphore, #tpu.memory_space<semaphore_mem>>)
        %dma_wait3A_58 = arith.constant 0 : i32
        %dma_wait3A_59 = tpu.memref_slice %arg5[%add3A_13, %dma_wait3A_58] : memref<320000x128xf32, #tpu.memory_space<hbm>> -> memref<200x128xf32, #tpu.memory_space<hbm>>
        %dma_wait3A_60 = arith.constant 0 : i32
        %dma_wait3A_61 = tpu.memref_slice %arg5[%add3A_13, %dma_wait3A_60] : memref<320000x128xf32, #tpu.memory_space<hbm>> -> memref<200x128xf32, #tpu.memory_space<hbm>>
        tpu.wait_dma2 semaphore(%run_scoped3A : memref<!tpu.dma_semaphore, #tpu.memory_space<semaphore_mem>>) src(%arg11 : memref<200x128xf32, #tpu.memory_space<vmem>>) dst(%dma_wait3A_61 : memref<200x128xf32, #tpu.memory_space<hbm>>)
        tpu.yield
      }) : () -> ()
      %dma_wait3A_45 = arith.constant 0 : i32
      %dma_wait3A_46 = arith.constant 0 : i32
      %dma_wait3A_47 = tpu.memref_slice %arg2[%dma_wait3A_45, %dma_wait3A_46] : memref<10000x128xf32, #tpu.memory_space<hbm>> -> memref<10000x128xf32, #tpu.memory_space<hbm>>
      tpu.wait_indirect_dma semaphore(%arg16 : memref<!tpu.dma_semaphore, #tpu.memory_space<semaphore_mem>>) src(%dma_wait3A_47 : memref<10000x128xf32, #tpu.memory_space<hbm>>) dst(%arg12 : memref<200x128xf32, #tpu.memory_space<vmem>>)
      "tpu.region"() ({
        %run_scoped3A = tpu.sem_alloc : memref<!tpu.dma_semaphore, #tpu.memory_space<semaphore_mem>>
        %dma_start3A_54 = arith.constant 0 : i32
        %dma_start3A_55 = tpu.memref_slice %arg6[%add3A_13, %dma_start3A_54] : memref<320000x128xf32, #tpu.memory_space<hbm>> -> memref<200x128xf32, #tpu.memory_space<hbm>>
        %dma_start3A_56 = arith.constant 0 : i32
        %dma_start3A_57 = tpu.memref_slice %arg6[%add3A_13, %dma_start3A_56] : memref<320000x128xf32, #tpu.memory_space<hbm>> -> memref<200x128xf32, #tpu.memory_space<hbm>>
        tpu.enqueue_dma source(%arg12 : memref<200x128xf32, #tpu.memory_space<vmem>>) target(%dma_start3A_57 : memref<200x128xf32, #tpu.memory_space<hbm>>) target_semaphore(%run_scoped3A : memref<!tpu.dma_semaphore, #tpu.memory_space<semaphore_mem>>)
        %dma_wait3A_58 = arith.constant 0 : i32
        %dma_wait3A_59 = tpu.memref_slice %arg6[%add3A_13, %dma_wait3A_58] : memref<320000x128xf32, #tpu.memory_space<hbm>> -> memref<200x128xf32, #tpu.memory_space<hbm>>
        %dma_wait3A_60 = arith.constant 0 : i32
        %dma_wait3A_61 = tpu.memref_slice %arg6[%add3A_13, %dma_wait3A_60] : memref<320000x128xf32, #tpu.memory_space<hbm>> -> memref<200x128xf32, #tpu.memory_space<hbm>>
        tpu.wait_dma2 semaphore(%run_scoped3A : memref<!tpu.dma_semaphore, #tpu.memory_space<semaphore_mem>>) src(%arg12 : memref<200x128xf32, #tpu.memory_space<vmem>>) dst(%dma_wait3A_61 : memref<200x128xf32, #tpu.memory_space<hbm>>)
        tpu.yield
      }) : () -> ()
      %dma_wait3A_48 = arith.constant 0 : i32
      %dma_wait3A_49 = arith.constant 0 : i32
      %dma_wait3A_50 = tpu.memref_slice %arg2[%dma_wait3A_48, %dma_wait3A_49] : memref<10000x128xf32, #tpu.memory_space<hbm>> -> memref<10000x128xf32, #tpu.memory_space<hbm>>
      tpu.wait_indirect_dma semaphore(%arg17 : memref<!tpu.dma_semaphore, #tpu.memory_space<semaphore_mem>>) src(%dma_wait3A_50 : memref<10000x128xf32, #tpu.memory_space<hbm>>) dst(%arg13 : memref<200x128xf32, #tpu.memory_space<vmem>>)
      "tpu.region"() ({
        %run_scoped3A = tpu.sem_alloc : memref<!tpu.dma_semaphore, #tpu.memory_space<semaphore_mem>>
        %dma_start3A_54 = arith.constant 0 : i32
        %dma_start3A_55 = tpu.memref_slice %arg5[%add3A_15, %dma_start3A_54] : memref<320000x128xf32, #tpu.memory_space<hbm>> -> memref<200x128xf32, #tpu.memory_space<hbm>>
        %dma_start3A_56 = arith.constant 0 : i32
        %dma_start3A_57 = tpu.memref_slice %arg5[%add3A_15, %dma_start3A_56] : memref<320000x128xf32, #tpu.memory_space<hbm>> -> memref<200x128xf32, #tpu.memory_space<hbm>>
        tpu.enqueue_dma source(%arg13 : memref<200x128xf32, #tpu.memory_space<vmem>>) target(%dma_start3A_57 : memref<200x128xf32, #tpu.memory_space<hbm>>) target_semaphore(%run_scoped3A : memref<!tpu.dma_semaphore, #tpu.memory_space<semaphore_mem>>)
        %dma_wait3A_58 = arith.constant 0 : i32
        %dma_wait3A_59 = tpu.memref_slice %arg5[%add3A_15, %dma_wait3A_58] : memref<320000x128xf32, #tpu.memory_space<hbm>> -> memref<200x128xf32, #tpu.memory_space<hbm>>
        %dma_wait3A_60 = arith.constant 0 : i32
        %dma_wait3A_61 = tpu.memref_slice %arg5[%add3A_15, %dma_wait3A_60] : memref<320000x128xf32, #tpu.memory_space<hbm>> -> memref<200x128xf32, #tpu.memory_space<hbm>>
        tpu.wait_dma2 semaphore(%run_scoped3A : memref<!tpu.dma_semaphore, #tpu.memory_space<semaphore_mem>>) src(%arg13 : memref<200x128xf32, #tpu.memory_space<vmem>>) dst(%dma_wait3A_61 : memref<200x128xf32, #tpu.memory_space<hbm>>)
        tpu.yield
      }) : () -> ()
      %dma_wait3A_51 = arith.constant 0 : i32
      %dma_wait3A_52 = arith.constant 0 : i32
      %dma_wait3A_53 = tpu.memref_slice %arg2[%dma_wait3A_51, %dma_wait3A_52] : memref<10000x128xf32, #tpu.memory_space<hbm>> -> memref<10000x128xf32, #tpu.memory_space<hbm>>
      tpu.wait_indirect_dma semaphore(%arg18 : memref<!tpu.dma_semaphore, #tpu.memory_space<semaphore_mem>>) src(%dma_wait3A_53 : memref<10000x128xf32, #tpu.memory_space<hbm>>) dst(%arg14 : memref<200x128xf32, #tpu.memory_space<vmem>>)
      "tpu.region"() ({
        %run_scoped3A = tpu.sem_alloc : memref<!tpu.dma_semaphore, #tpu.memory_space<semaphore_mem>>
        %dma_start3A_54 = arith.constant 0 : i32
        %dma_start3A_55 = tpu.memref_slice %arg6[%add3A_15, %dma_start3A_54] : memref<320000x128xf32, #tpu.memory_space<hbm>> -> memref<200x128xf32, #tpu.memory_space<hbm>>
        %dma_start3A_56 = arith.constant 0 : i32
        %dma_start3A_57 = tpu.memref_slice %arg6[%add3A_15, %dma_start3A_56] : memref<320000x128xf32, #tpu.memory_space<hbm>> -> memref<200x128xf32, #tpu.memory_space<hbm>>
        tpu.enqueue_dma source(%arg14 : memref<200x128xf32, #tpu.memory_space<vmem>>) target(%dma_start3A_57 : memref<200x128xf32, #tpu.memory_space<hbm>>) target_semaphore(%run_scoped3A : memref<!tpu.dma_semaphore, #tpu.memory_space<semaphore_mem>>)
        %dma_wait3A_58 = arith.constant 0 : i32
        %dma_wait3A_59 = tpu.memref_slice %arg6[%add3A_15, %dma_wait3A_58] : memref<320000x128xf32, #tpu.memory_space<hbm>> -> memref<200x128xf32, #tpu.memory_space<hbm>>
        %dma_wait3A_60 = arith.constant 0 : i32
        %dma_wait3A_61 = tpu.memref_slice %arg6[%add3A_15, %dma_wait3A_60] : memref<320000x128xf32, #tpu.memory_space<hbm>> -> memref<200x128xf32, #tpu.memory_space<hbm>>
        tpu.wait_dma2 semaphore(%run_scoped3A : memref<!tpu.dma_semaphore, #tpu.memory_space<semaphore_mem>>) src(%arg14 : memref<200x128xf32, #tpu.memory_space<vmem>>) dst(%dma_wait3A_61 : memref<200x128xf32, #tpu.memory_space<hbm>>)
        tpu.yield
      }) : () -> ()
    }
    %scan3A_7 = arith.constant 25 : i32
    return
  }
}

#map = affine_map<(d0, d1) -> (0, 0)>
#map1 = affine_map<(d0, d1) -> (0)>
#map2 = affine_map<(d0, d1) -> (0, 0, 0)>
module attributes {stable_mosaic.version = 14 : i64} {
  func.func @body(%arg0: i32, %arg1: i32, %arg2: memref<320000x128xf32, #tpu.memory_space<hbm>>, %arg3: memref<320000xi32, #tpu.memory_space<hbm>>, %arg4: memref<10112x128xf32, #tpu.memory_space<hbm>>, %arg5: memref<2x10112x128xf32, #tpu.memory_space<hbm>>, %arg6: memref<200x128xf32, #tpu.memory_space<vmem>>, %arg7: memref<200xi32, #tpu.memory_space<vmem>>, %arg8: memref<200xi32, #tpu.memory_space<vmem>>, %arg9: memref<10112x128xf32, #tpu.memory_space<vmem_shared>>, %arg10: memref<!tpu.dma_semaphore, #tpu.memory_space<semaphore_mem>>, %arg11: memref<!tpu.dma_semaphore, #tpu.memory_space<semaphore_mem>>, %arg12: memref<!tpu.dma_semaphore, #tpu.memory_space<semaphore_mem>>) attributes {dimension_semantics = [#tpu.dimension_semantics<core_parallel>, #tpu.dimension_semantics<subcore_parallel>], iteration_bounds = array<i64: 2, 16>, scalar_prefetch = 0 : i64, scratch_operands = 7 : i64, tpu.core_type = #tpu.core_type<sc_vector_subcore>, window_params = [{transform_indices = #map}, {transform_indices = #map1}, {transform_indices = #map}, {transform_indices = #map2}]} {
    %mul3A = arith.constant 2 : i32
    %mul3A_0 = arith.muli %arg1, %mul3A : i32
    %add3A = arith.addi %mul3A_0, %arg0 : i32
    %mul3A_1 = arith.constant 632 : i32
    %mul3A_2 = arith.muli %arg1, %mul3A_1 : i32
    %mul3A_3 = arith.constant 632 : i32
    %mul3A_4 = arith.muli %arg1, %mul3A_3 : i32
    "tpu.region"() ({
      %run_scoped3A = tpu.sem_alloc : memref<!tpu.dma_semaphore, #tpu.memory_space<semaphore_mem>>
      %dma_start3A = arith.constant 0 : i32
      %dma_start3A_17 = tpu.memref_slice %arg9[%mul3A_4, %dma_start3A] : memref<10112x128xf32, #tpu.memory_space<vmem_shared>> -> memref<632x128xf32, #tpu.memory_space<vmem_shared>>
      %dma_start3A_18 = arith.constant 0 : i32
      %dma_start3A_19 = tpu.memref_slice %arg4[%mul3A_2, %dma_start3A_18] : memref<10112x128xf32, #tpu.memory_space<hbm>> -> memref<632x128xf32, #tpu.memory_space<hbm>>
      tpu.enqueue_dma source(%dma_start3A_19 : memref<632x128xf32, #tpu.memory_space<hbm>>) target(%dma_start3A_17 : memref<632x128xf32, #tpu.memory_space<vmem_shared>>) target_semaphore(%run_scoped3A : memref<!tpu.dma_semaphore, #tpu.memory_space<semaphore_mem>>)
      %dma_wait3A = arith.constant 0 : i32
      %dma_wait3A_20 = tpu.memref_slice %arg9[%mul3A_4, %dma_wait3A] : memref<10112x128xf32, #tpu.memory_space<vmem_shared>> -> memref<632x128xf32, #tpu.memory_space<vmem_shared>>
      %dma_wait3A_21 = arith.constant 0 : i32
      %dma_wait3A_22 = tpu.memref_slice %arg4[%mul3A_2, %dma_wait3A_21] : memref<10112x128xf32, #tpu.memory_space<hbm>> -> memref<632x128xf32, #tpu.memory_space<hbm>>
      tpu.wait_dma2 semaphore(%run_scoped3A : memref<!tpu.dma_semaphore, #tpu.memory_space<semaphore_mem>>) src(%dma_wait3A_22 : memref<632x128xf32, #tpu.memory_space<hbm>>) dst(%dma_wait3A_20 : memref<632x128xf32, #tpu.memory_space<vmem_shared>>)
      tpu.yield
    }) : () -> ()
    %barrier3A = arith.constant 0 : index
    tpu.barrier barrier_id(%barrier3A)
    %mul3A_5 = arith.constant 10000 : i32
    %mul3A_6 = arith.muli %add3A, %mul3A_5 : i32
    %scan3A = arith.constant 0 : i32
    %scan3A_7 = arith.constant 0 : i32
    %scan3A_8 = arith.constant 25 : i32
    %scan3A_9 = arith.addi %scan3A_7, %scan3A_8 : i32
    %scan3A_10 = arith.constant 1 : i32
    scf.for %scan3A_17 = %scan3A_7 to %scan3A_9 step %scan3A_10  : i32 {
      %mul3A_18 = arith.constant 2 : i32
      %mul3A_19 = arith.muli %mul3A_18, %scan3A_17 : i32
      %mul3A_20 = arith.constant 200 : i32
      %mul3A_21 = arith.muli %mul3A_19, %mul3A_20 : i32
      %add3A_22 = arith.addi %mul3A_6, %mul3A_21 : i32
      %add3A_23 = arith.constant 200 : i32
      %add3A_24 = arith.addi %add3A_22, %add3A_23 : i32
      %dma_start3A = tpu.memref_slice %arg3[%add3A_22] : memref<320000xi32, #tpu.memory_space<hbm>> -> memref<200xi32, #tpu.memory_space<hbm>>
      %dma_start3A_25 = tpu.memref_slice %arg3[%add3A_22] : memref<320000xi32, #tpu.memory_space<hbm>> -> memref<200xi32, #tpu.memory_space<hbm>>
      tpu.enqueue_dma source(%dma_start3A_25 : memref<200xi32, #tpu.memory_space<hbm>>) target(%arg7 : memref<200xi32, #tpu.memory_space<vmem>>) target_semaphore(%arg11 : memref<!tpu.dma_semaphore, #tpu.memory_space<semaphore_mem>>)
      %dma_start3A_26 = tpu.memref_slice %arg3[%add3A_24] : memref<320000xi32, #tpu.memory_space<hbm>> -> memref<200xi32, #tpu.memory_space<hbm>>
      %dma_start3A_27 = tpu.memref_slice %arg3[%add3A_24] : memref<320000xi32, #tpu.memory_space<hbm>> -> memref<200xi32, #tpu.memory_space<hbm>>
      tpu.enqueue_dma source(%dma_start3A_27 : memref<200xi32, #tpu.memory_space<hbm>>) target(%arg8 : memref<200xi32, #tpu.memory_space<vmem>>) target_semaphore(%arg12 : memref<!tpu.dma_semaphore, #tpu.memory_space<semaphore_mem>>)
      %dma_start3A_28 = arith.constant 0 : i32
      %dma_start3A_29 = tpu.memref_slice %arg2[%add3A_22, %dma_start3A_28] : memref<320000x128xf32, #tpu.memory_space<hbm>> -> memref<200x128xf32, #tpu.memory_space<hbm>>
      %dma_start3A_30 = arith.constant 0 : i32
      %dma_start3A_31 = tpu.memref_slice %arg2[%add3A_22, %dma_start3A_30] : memref<320000x128xf32, #tpu.memory_space<hbm>> -> memref<200x128xf32, #tpu.memory_space<hbm>>
      tpu.enqueue_dma source(%dma_start3A_31 : memref<200x128xf32, #tpu.memory_space<hbm>>) target(%arg6 : memref<200x128xf32, #tpu.memory_space<vmem>>) target_semaphore(%arg10 : memref<!tpu.dma_semaphore, #tpu.memory_space<semaphore_mem>>)
      %dma_wait3A = tpu.memref_slice %arg3[%add3A_22] : memref<320000xi32, #tpu.memory_space<hbm>> -> memref<200xi32, #tpu.memory_space<hbm>>
      %dma_wait3A_32 = tpu.memref_slice %arg3[%add3A_22] : memref<320000xi32, #tpu.memory_space<hbm>> -> memref<200xi32, #tpu.memory_space<hbm>>
      tpu.wait_dma2 semaphore(%arg11 : memref<!tpu.dma_semaphore, #tpu.memory_space<semaphore_mem>>) src(%dma_wait3A_32 : memref<200xi32, #tpu.memory_space<hbm>>) dst(%arg7 : memref<200xi32, #tpu.memory_space<vmem>>)
      %dma_wait3A_33 = arith.constant 0 : i32
      %dma_wait3A_34 = tpu.memref_slice %arg2[%add3A_22, %dma_wait3A_33] : memref<320000x128xf32, #tpu.memory_space<hbm>> -> memref<200x128xf32, #tpu.memory_space<hbm>>
      %dma_wait3A_35 = arith.constant 0 : i32
      %dma_wait3A_36 = tpu.memref_slice %arg2[%add3A_22, %dma_wait3A_35] : memref<320000x128xf32, #tpu.memory_space<hbm>> -> memref<200x128xf32, #tpu.memory_space<hbm>>
      tpu.wait_dma2 semaphore(%arg10 : memref<!tpu.dma_semaphore, #tpu.memory_space<semaphore_mem>>) src(%dma_wait3A_36 : memref<200x128xf32, #tpu.memory_space<hbm>>) dst(%arg6 : memref<200x128xf32, #tpu.memory_space<vmem>>)
      "tpu.region"() ({
        %run_scoped3A = tpu.sem_alloc : memref<!tpu.dma_semaphore, #tpu.memory_space<semaphore_mem>>
        %dma_start3A_47 = arith.constant 0 : i32
        %dma_start3A_48 = arith.constant 0 : i32
        %dma_start3A_49 = tpu.memref_slice %arg9[%dma_start3A_47, %dma_start3A_48] : memref<10112x128xf32, #tpu.memory_space<vmem_shared>> -> memref<10112x128xf32, #tpu.memory_space<vmem_shared>>
        tpu.enqueue_indirect_dma source(%arg6 : memref<200x128xf32, #tpu.memory_space<vmem>>) target(%dma_start3A_49 : memref<10112x128xf32, #tpu.memory_space<vmem_shared>>) offsets(%arg7 : memref<200xi32, #tpu.memory_space<vmem>>) semaphore(%run_scoped3A : memref<!tpu.dma_semaphore, #tpu.memory_space<semaphore_mem>>) {add = true}
        %dma_wait3A_50 = arith.constant 0 : i32
        %dma_wait3A_51 = arith.constant 0 : i32
        %dma_wait3A_52 = tpu.memref_slice %arg9[%dma_wait3A_50, %dma_wait3A_51] : memref<10112x128xf32, #tpu.memory_space<vmem_shared>> -> memref<10112x128xf32, #tpu.memory_space<vmem_shared>>
        tpu.wait_indirect_dma semaphore(%run_scoped3A : memref<!tpu.dma_semaphore, #tpu.memory_space<semaphore_mem>>) src(%arg6 : memref<200x128xf32, #tpu.memory_space<vmem>>) dst(%dma_wait3A_52 : memref<10112x128xf32, #tpu.memory_space<vmem_shared>>)
        tpu.yield
      }) : () -> ()
      %dma_start3A_37 = arith.constant 0 : i32
      %dma_start3A_38 = tpu.memref_slice %arg2[%add3A_24, %dma_start3A_37] : memref<320000x128xf32, #tpu.memory_space<hbm>> -> memref<200x128xf32, #tpu.memory_space<hbm>>
      %dma_start3A_39 = arith.constant 0 : i32
      %dma_start3A_40 = tpu.memref_slice %arg2[%add3A_24, %dma_start3A_39] : memref<320000x128xf32, #tpu.memory_space<hbm>> -> memref<200x128xf32, #tpu.memory_space<hbm>>
      tpu.enqueue_dma source(%dma_start3A_40 : memref<200x128xf32, #tpu.memory_space<hbm>>) target(%arg6 : memref<200x128xf32, #tpu.memory_space<vmem>>) target_semaphore(%arg10 : memref<!tpu.dma_semaphore, #tpu.memory_space<semaphore_mem>>)
      %dma_wait3A_41 = tpu.memref_slice %arg3[%add3A_24] : memref<320000xi32, #tpu.memory_space<hbm>> -> memref<200xi32, #tpu.memory_space<hbm>>
      %dma_wait3A_42 = tpu.memref_slice %arg3[%add3A_24] : memref<320000xi32, #tpu.memory_space<hbm>> -> memref<200xi32, #tpu.memory_space<hbm>>
      tpu.wait_dma2 semaphore(%arg12 : memref<!tpu.dma_semaphore, #tpu.memory_space<semaphore_mem>>) src(%dma_wait3A_42 : memref<200xi32, #tpu.memory_space<hbm>>) dst(%arg8 : memref<200xi32, #tpu.memory_space<vmem>>)
      %dma_wait3A_43 = arith.constant 0 : i32
      %dma_wait3A_44 = tpu.memref_slice %arg2[%add3A_24, %dma_wait3A_43] : memref<320000x128xf32, #tpu.memory_space<hbm>> -> memref<200x128xf32, #tpu.memory_space<hbm>>
      %dma_wait3A_45 = arith.constant 0 : i32
      %dma_wait3A_46 = tpu.memref_slice %arg2[%add3A_24, %dma_wait3A_45] : memref<320000x128xf32, #tpu.memory_space<hbm>> -> memref<200x128xf32, #tpu.memory_space<hbm>>
      tpu.wait_dma2 semaphore(%arg10 : memref<!tpu.dma_semaphore, #tpu.memory_space<semaphore_mem>>) src(%dma_wait3A_46 : memref<200x128xf32, #tpu.memory_space<hbm>>) dst(%arg6 : memref<200x128xf32, #tpu.memory_space<vmem>>)
      "tpu.region"() ({
        %run_scoped3A = tpu.sem_alloc : memref<!tpu.dma_semaphore, #tpu.memory_space<semaphore_mem>>
        %dma_start3A_47 = arith.constant 0 : i32
        %dma_start3A_48 = arith.constant 0 : i32
        %dma_start3A_49 = tpu.memref_slice %arg9[%dma_start3A_47, %dma_start3A_48] : memref<10112x128xf32, #tpu.memory_space<vmem_shared>> -> memref<10112x128xf32, #tpu.memory_space<vmem_shared>>
        tpu.enqueue_indirect_dma source(%arg6 : memref<200x128xf32, #tpu.memory_space<vmem>>) target(%dma_start3A_49 : memref<10112x128xf32, #tpu.memory_space<vmem_shared>>) offsets(%arg8 : memref<200xi32, #tpu.memory_space<vmem>>) semaphore(%run_scoped3A : memref<!tpu.dma_semaphore, #tpu.memory_space<semaphore_mem>>) {add = true}
        %dma_wait3A_50 = arith.constant 0 : i32
        %dma_wait3A_51 = arith.constant 0 : i32
        %dma_wait3A_52 = tpu.memref_slice %arg9[%dma_wait3A_50, %dma_wait3A_51] : memref<10112x128xf32, #tpu.memory_space<vmem_shared>> -> memref<10112x128xf32, #tpu.memory_space<vmem_shared>>
        tpu.wait_indirect_dma semaphore(%run_scoped3A : memref<!tpu.dma_semaphore, #tpu.memory_space<semaphore_mem>>) src(%arg6 : memref<200x128xf32, #tpu.memory_space<vmem>>) dst(%dma_wait3A_52 : memref<10112x128xf32, #tpu.memory_space<vmem_shared>>)
        tpu.yield
      }) : () -> ()
    }
    %scan3A_11 = arith.constant 25 : i32
    %barrier3A_12 = arith.constant 0 : index
    tpu.barrier barrier_id(%barrier3A_12)
    %mul3A_13 = arith.constant 632 : i32
    %mul3A_14 = arith.muli %arg1, %mul3A_13 : i32
    %mul3A_15 = arith.constant 632 : i32
    %mul3A_16 = arith.muli %arg1, %mul3A_15 : i32
    "tpu.region"() ({
      %run_scoped3A = tpu.sem_alloc : memref<!tpu.dma_semaphore, #tpu.memory_space<semaphore_mem>>
      %dma_start3A = arith.constant 0 : i32
      %dma_start3A_17 = arith.constant 0 : i32
      %dma_start3A_18 = tpu.memref_slice %arg5[%arg0, %dma_start3A, %dma_start3A_17] : memref<2x10112x128xf32, #tpu.memory_space<hbm>> -> memref<1x10112x128xf32, #tpu.memory_space<hbm>>
      %dma_start3A_19 = tpu.memref_squeeze %dma_start3A_18 : memref<1x10112x128xf32, #tpu.memory_space<hbm>> -> memref<10112x128xf32, #tpu.memory_space<hbm>>
      %dma_start3A_20 = arith.constant 0 : i32
      %dma_start3A_21 = tpu.memref_slice %dma_start3A_19[%mul3A_16, %dma_start3A_20] : memref<10112x128xf32, #tpu.memory_space<hbm>> -> memref<632x128xf32, #tpu.memory_space<hbm>>
      %dma_start3A_22 = arith.constant 0 : i32
      %dma_start3A_23 = tpu.memref_slice %arg9[%mul3A_14, %dma_start3A_22] : memref<10112x128xf32, #tpu.memory_space<vmem_shared>> -> memref<632x128xf32, #tpu.memory_space<vmem_shared>>
      tpu.enqueue_dma source(%dma_start3A_23 : memref<632x128xf32, #tpu.memory_space<vmem_shared>>) target(%dma_start3A_21 : memref<632x128xf32, #tpu.memory_space<hbm>>) target_semaphore(%run_scoped3A : memref<!tpu.dma_semaphore, #tpu.memory_space<semaphore_mem>>)
      %dma_wait3A = arith.constant 0 : i32
      %dma_wait3A_24 = arith.constant 0 : i32
      %dma_wait3A_25 = tpu.memref_slice %arg5[%arg0, %dma_wait3A, %dma_wait3A_24] : memref<2x10112x128xf32, #tpu.memory_space<hbm>> -> memref<1x10112x128xf32, #tpu.memory_space<hbm>>
      %dma_wait3A_26 = tpu.memref_squeeze %dma_wait3A_25 : memref<1x10112x128xf32, #tpu.memory_space<hbm>> -> memref<10112x128xf32, #tpu.memory_space<hbm>>
      %dma_wait3A_27 = arith.constant 0 : i32
      %dma_wait3A_28 = tpu.memref_slice %dma_wait3A_26[%mul3A_16, %dma_wait3A_27] : memref<10112x128xf32, #tpu.memory_space<hbm>> -> memref<632x128xf32, #tpu.memory_space<hbm>>
      %dma_wait3A_29 = arith.constant 0 : i32
      %dma_wait3A_30 = tpu.memref_slice %arg9[%mul3A_14, %dma_wait3A_29] : memref<10112x128xf32, #tpu.memory_space<vmem_shared>> -> memref<632x128xf32, #tpu.memory_space<vmem_shared>>
      tpu.wait_dma2 semaphore(%run_scoped3A : memref<!tpu.dma_semaphore, #tpu.memory_space<semaphore_mem>>) src(%dma_wait3A_30 : memref<632x128xf32, #tpu.memory_space<vmem_shared>>) dst(%dma_wait3A_28 : memref<632x128xf32, #tpu.memory_space<hbm>>)
      tpu.yield
    }) : () -> ()
    return
  }
}

#map = affine_map<(d0, d1) -> (0, 0)>
#map1 = affine_map<(d0, d1) -> (0)>
#map2 = affine_map<(d0, d1) -> (0, 0, 0)>
module attributes {stable_mosaic.version = 14 : i64} {
  func.func @body(%arg0: i32, %arg1: i32, %arg2: memref<10000x128xf32, #tpu.memory_space<hbm>>, %arg3: memref<320000xi32, #tpu.memory_space<hbm>>, %arg4: memref<320000xi32, #tpu.memory_space<hbm>>, %arg5: memref<10112x128xf32, #tpu.memory_space<hbm>>, %arg6: memref<320000x128xf32, #tpu.memory_space<hbm>>, %arg7: memref<320000x128xf32, #tpu.memory_space<hbm>>, %arg8: memref<2x10112x128xf32, #tpu.memory_space<hbm>>, %arg9: memref<80xi32, #tpu.memory_space<vmem>>, %arg10: memref<80xi32, #tpu.memory_space<vmem>>, %arg11: memref<80xi32, #tpu.memory_space<vmem>>, %arg12: memref<80xi32, #tpu.memory_space<vmem>>, %arg13: memref<80x128xf32, #tpu.memory_space<vmem>>, %arg14: memref<80x128xf32, #tpu.memory_space<vmem>>, %arg15: memref<80x128xf32, #tpu.memory_space<vmem>>, %arg16: memref<80x128xf32, #tpu.memory_space<vmem>>, %arg17: memref<10112x128xf32, #tpu.memory_space<vmem_shared>>, %arg18: memref<!tpu.dma_semaphore, #tpu.memory_space<semaphore_mem>>, %arg19: memref<!tpu.dma_semaphore, #tpu.memory_space<semaphore_mem>>, %arg20: memref<!tpu.dma_semaphore, #tpu.memory_space<semaphore_mem>>, %arg21: memref<!tpu.dma_semaphore, #tpu.memory_space<semaphore_mem>>, %arg22: memref<!tpu.dma_semaphore, #tpu.memory_space<semaphore_mem>>, %arg23: memref<!tpu.dma_semaphore, #tpu.memory_space<semaphore_mem>>, %arg24: memref<!tpu.dma_semaphore, #tpu.memory_space<semaphore_mem>>, %arg25: memref<!tpu.dma_semaphore, #tpu.memory_space<semaphore_mem>>) attributes {dimension_semantics = [#tpu.dimension_semantics<core_parallel>, #tpu.dimension_semantics<subcore_parallel>], iteration_bounds = array<i64: 2, 16>, scalar_prefetch = 0 : i64, scratch_operands = 17 : i64, tpu.core_type = #tpu.core_type<sc_vector_subcore>, window_params = [{transform_indices = #map}, {transform_indices = #map1}, {transform_indices = #map1}, {transform_indices = #map}, {transform_indices = #map}, {transform_indices = #map}, {transform_indices = #map2}]} {
    %mul3A = arith.constant 2 : i32
    %mul3A_0 = arith.muli %arg1, %mul3A : i32
    %add3A = arith.addi %mul3A_0, %arg0 : i32
    %mul3A_1 = arith.constant 632 : i32
    %mul3A_2 = arith.muli %arg1, %mul3A_1 : i32
    %mul3A_3 = arith.constant 632 : i32
    %mul3A_4 = arith.muli %arg1, %mul3A_3 : i32
    "tpu.region"() ({
      %run_scoped3A = tpu.sem_alloc : memref<!tpu.dma_semaphore, #tpu.memory_space<semaphore_mem>>
      %dma_start3A_37 = arith.constant 0 : i32
      %dma_start3A_38 = tpu.memref_slice %arg17[%mul3A_4, %dma_start3A_37] : memref<10112x128xf32, #tpu.memory_space<vmem_shared>> -> memref<632x128xf32, #tpu.memory_space<vmem_shared>>
      %dma_start3A_39 = arith.constant 0 : i32
      %dma_start3A_40 = tpu.memref_slice %arg5[%mul3A_2, %dma_start3A_39] : memref<10112x128xf32, #tpu.memory_space<hbm>> -> memref<632x128xf32, #tpu.memory_space<hbm>>
      tpu.enqueue_dma source(%dma_start3A_40 : memref<632x128xf32, #tpu.memory_space<hbm>>) target(%dma_start3A_38 : memref<632x128xf32, #tpu.memory_space<vmem_shared>>) target_semaphore(%run_scoped3A : memref<!tpu.dma_semaphore, #tpu.memory_space<semaphore_mem>>)
      %dma_wait3A_41 = arith.constant 0 : i32
      %dma_wait3A_42 = tpu.memref_slice %arg17[%mul3A_4, %dma_wait3A_41] : memref<10112x128xf32, #tpu.memory_space<vmem_shared>> -> memref<632x128xf32, #tpu.memory_space<vmem_shared>>
      %dma_wait3A_43 = arith.constant 0 : i32
      %dma_wait3A_44 = tpu.memref_slice %arg5[%mul3A_2, %dma_wait3A_43] : memref<10112x128xf32, #tpu.memory_space<hbm>> -> memref<632x128xf32, #tpu.memory_space<hbm>>
      tpu.wait_dma2 semaphore(%run_scoped3A : memref<!tpu.dma_semaphore, #tpu.memory_space<semaphore_mem>>) src(%dma_wait3A_44 : memref<632x128xf32, #tpu.memory_space<hbm>>) dst(%dma_wait3A_42 : memref<632x128xf32, #tpu.memory_space<vmem_shared>>)
      tpu.yield
    }) : () -> ()
    %barrier3A = arith.constant 0 : index
    tpu.barrier barrier_id(%barrier3A)
    %mul3A_5 = arith.constant 10000 : i32
    %mul3A_6 = arith.muli %add3A, %mul3A_5 : i32
    %scan3A = arith.constant 0 : i32
    %scan3A_7 = arith.constant 0 : i32
    %scan3A_8 = arith.constant 62 : i32
    %scan3A_9 = arith.addi %scan3A_7, %scan3A_8 : i32
    %scan3A_10 = arith.constant 1 : i32
    scf.for %scan3A_37 = %scan3A_7 to %scan3A_9 step %scan3A_10  : i32 {
      %mul3A_38 = arith.constant 2 : i32
      %mul3A_39 = arith.muli %mul3A_38, %scan3A_37 : i32
      %mul3A_40 = arith.constant 80 : i32
      %mul3A_41 = arith.muli %mul3A_39, %mul3A_40 : i32
      %add3A_42 = arith.addi %mul3A_6, %mul3A_41 : i32
      %add3A_43 = arith.constant 80 : i32
      %add3A_44 = arith.addi %add3A_42, %add3A_43 : i32
      %dma_start3A_45 = tpu.memref_slice %arg3[%add3A_42] : memref<320000xi32, #tpu.memory_space<hbm>> -> memref<80xi32, #tpu.memory_space<hbm>>
      %dma_start3A_46 = tpu.memref_slice %arg3[%add3A_42] : memref<320000xi32, #tpu.memory_space<hbm>> -> memref<80xi32, #tpu.memory_space<hbm>>
      tpu.enqueue_dma source(%dma_start3A_46 : memref<80xi32, #tpu.memory_space<hbm>>) target(%arg9 : memref<80xi32, #tpu.memory_space<vmem>>) target_semaphore(%arg22 : memref<!tpu.dma_semaphore, #tpu.memory_space<semaphore_mem>>)
      %dma_start3A_47 = tpu.memref_slice %arg4[%add3A_42] : memref<320000xi32, #tpu.memory_space<hbm>> -> memref<80xi32, #tpu.memory_space<hbm>>
      %dma_start3A_48 = tpu.memref_slice %arg4[%add3A_42] : memref<320000xi32, #tpu.memory_space<hbm>> -> memref<80xi32, #tpu.memory_space<hbm>>
      tpu.enqueue_dma source(%dma_start3A_48 : memref<80xi32, #tpu.memory_space<hbm>>) target(%arg10 : memref<80xi32, #tpu.memory_space<vmem>>) target_semaphore(%arg23 : memref<!tpu.dma_semaphore, #tpu.memory_space<semaphore_mem>>)
      %dma_wait3A_49 = tpu.memref_slice %arg3[%add3A_42] : memref<320000xi32, #tpu.memory_space<hbm>> -> memref<80xi32, #tpu.memory_space<hbm>>
      %dma_wait3A_50 = tpu.memref_slice %arg3[%add3A_42] : memref<320000xi32, #tpu.memory_space<hbm>> -> memref<80xi32, #tpu.memory_space<hbm>>
      tpu.wait_dma2 semaphore(%arg22 : memref<!tpu.dma_semaphore, #tpu.memory_space<semaphore_mem>>) src(%dma_wait3A_50 : memref<80xi32, #tpu.memory_space<hbm>>) dst(%arg9 : memref<80xi32, #tpu.memory_space<vmem>>)
      %dma_start3A_51 = arith.constant 0 : i32
      %dma_start3A_52 = arith.constant 0 : i32
      %dma_start3A_53 = tpu.memref_slice %arg2[%dma_start3A_51, %dma_start3A_52] : memref<10000x128xf32, #tpu.memory_space<hbm>> -> memref<10000x128xf32, #tpu.memory_space<hbm>>
      tpu.enqueue_indirect_dma source(%dma_start3A_53 : memref<10000x128xf32, #tpu.memory_space<hbm>>) target(%arg13 : memref<80x128xf32, #tpu.memory_space<vmem>>) offsets(%arg9 : memref<80xi32, #tpu.memory_space<vmem>>) semaphore(%arg18 : memref<!tpu.dma_semaphore, #tpu.memory_space<semaphore_mem>>)
      %dma_wait3A_54 = tpu.memref_slice %arg4[%add3A_42] : memref<320000xi32, #tpu.memory_space<hbm>> -> memref<80xi32, #tpu.memory_space<hbm>>
      %dma_wait3A_55 = tpu.memref_slice %arg4[%add3A_42] : memref<320000xi32, #tpu.memory_space<hbm>> -> memref<80xi32, #tpu.memory_space<hbm>>
      tpu.wait_dma2 semaphore(%arg23 : memref<!tpu.dma_semaphore, #tpu.memory_space<semaphore_mem>>) src(%dma_wait3A_55 : memref<80xi32, #tpu.memory_space<hbm>>) dst(%arg10 : memref<80xi32, #tpu.memory_space<vmem>>)
      %dma_start3A_56 = arith.constant 0 : i32
      %dma_start3A_57 = arith.constant 0 : i32
      %dma_start3A_58 = tpu.memref_slice %arg2[%dma_start3A_56, %dma_start3A_57] : memref<10000x128xf32, #tpu.memory_space<hbm>> -> memref<10000x128xf32, #tpu.memory_space<hbm>>
      tpu.enqueue_indirect_dma source(%dma_start3A_58 : memref<10000x128xf32, #tpu.memory_space<hbm>>) target(%arg14 : memref<80x128xf32, #tpu.memory_space<vmem>>) offsets(%arg10 : memref<80xi32, #tpu.memory_space<vmem>>) semaphore(%arg19 : memref<!tpu.dma_semaphore, #tpu.memory_space<semaphore_mem>>)
      %dma_start3A_59 = tpu.memref_slice %arg3[%add3A_44] : memref<320000xi32, #tpu.memory_space<hbm>> -> memref<80xi32, #tpu.memory_space<hbm>>
      %dma_start3A_60 = tpu.memref_slice %arg3[%add3A_44] : memref<320000xi32, #tpu.memory_space<hbm>> -> memref<80xi32, #tpu.memory_space<hbm>>
      tpu.enqueue_dma source(%dma_start3A_60 : memref<80xi32, #tpu.memory_space<hbm>>) target(%arg11 : memref<80xi32, #tpu.memory_space<vmem>>) target_semaphore(%arg24 : memref<!tpu.dma_semaphore, #tpu.memory_space<semaphore_mem>>)
      %dma_start3A_61 = tpu.memref_slice %arg4[%add3A_44] : memref<320000xi32, #tpu.memory_space<hbm>> -> memref<80xi32, #tpu.memory_space<hbm>>
      %dma_start3A_62 = tpu.memref_slice %arg4[%add3A_44] : memref<320000xi32, #tpu.memory_space<hbm>> -> memref<80xi32, #tpu.memory_space<hbm>>
      tpu.enqueue_dma source(%dma_start3A_62 : memref<80xi32, #tpu.memory_space<hbm>>) target(%arg12 : memref<80xi32, #tpu.memory_space<vmem>>) target_semaphore(%arg25 : memref<!tpu.dma_semaphore, #tpu.memory_space<semaphore_mem>>)
      %dma_wait3A_63 = tpu.memref_slice %arg3[%add3A_44] : memref<320000xi32, #tpu.memory_space<hbm>> -> memref<80xi32, #tpu.memory_space<hbm>>
      %dma_wait3A_64 = tpu.memref_slice %arg3[%add3A_44] : memref<320000xi32, #tpu.memory_space<hbm>> -> memref<80xi32, #tpu.memory_space<hbm>>
      tpu.wait_dma2 semaphore(%arg24 : memref<!tpu.dma_semaphore, #tpu.memory_space<semaphore_mem>>) src(%dma_wait3A_64 : memref<80xi32, #tpu.memory_space<hbm>>) dst(%arg11 : memref<80xi32, #tpu.memory_space<vmem>>)
      %dma_start3A_65 = arith.constant 0 : i32
      %dma_start3A_66 = arith.constant 0 : i32
      %dma_start3A_67 = tpu.memref_slice %arg2[%dma_start3A_65, %dma_start3A_66] : memref<10000x128xf32, #tpu.memory_space<hbm>> -> memref<10000x128xf32, #tpu.memory_space<hbm>>
      tpu.enqueue_indirect_dma source(%dma_start3A_67 : memref<10000x128xf32, #tpu.memory_space<hbm>>) target(%arg15 : memref<80x128xf32, #tpu.memory_space<vmem>>) offsets(%arg11 : memref<80xi32, #tpu.memory_space<vmem>>) semaphore(%arg20 : memref<!tpu.dma_semaphore, #tpu.memory_space<semaphore_mem>>)
      %dma_wait3A_68 = tpu.memref_slice %arg4[%add3A_44] : memref<320000xi32, #tpu.memory_space<hbm>> -> memref<80xi32, #tpu.memory_space<hbm>>
      %dma_wait3A_69 = tpu.memref_slice %arg4[%add3A_44] : memref<320000xi32, #tpu.memory_space<hbm>> -> memref<80xi32, #tpu.memory_space<hbm>>
      tpu.wait_dma2 semaphore(%arg25 : memref<!tpu.dma_semaphore, #tpu.memory_space<semaphore_mem>>) src(%dma_wait3A_69 : memref<80xi32, #tpu.memory_space<hbm>>) dst(%arg12 : memref<80xi32, #tpu.memory_space<vmem>>)
      %dma_start3A_70 = arith.constant 0 : i32
      %dma_start3A_71 = arith.constant 0 : i32
      %dma_start3A_72 = tpu.memref_slice %arg2[%dma_start3A_70, %dma_start3A_71] : memref<10000x128xf32, #tpu.memory_space<hbm>> -> memref<10000x128xf32, #tpu.memory_space<hbm>>
      tpu.enqueue_indirect_dma source(%dma_start3A_72 : memref<10000x128xf32, #tpu.memory_space<hbm>>) target(%arg16 : memref<80x128xf32, #tpu.memory_space<vmem>>) offsets(%arg12 : memref<80xi32, #tpu.memory_space<vmem>>) semaphore(%arg21 : memref<!tpu.dma_semaphore, #tpu.memory_space<semaphore_mem>>)
      %dma_wait3A_73 = arith.constant 0 : i32
      %dma_wait3A_74 = arith.constant 0 : i32
      %dma_wait3A_75 = tpu.memref_slice %arg2[%dma_wait3A_73, %dma_wait3A_74] : memref<10000x128xf32, #tpu.memory_space<hbm>> -> memref<10000x128xf32, #tpu.memory_space<hbm>>
      tpu.wait_indirect_dma semaphore(%arg18 : memref<!tpu.dma_semaphore, #tpu.memory_space<semaphore_mem>>) src(%dma_wait3A_75 : memref<10000x128xf32, #tpu.memory_space<hbm>>) dst(%arg13 : memref<80x128xf32, #tpu.memory_space<vmem>>)
      "tpu.region"() ({
        %run_scoped3A = tpu.sem_alloc : memref<!tpu.dma_semaphore, #tpu.memory_space<semaphore_mem>>
        %dma_start3A_85 = arith.constant 0 : i32
        %dma_start3A_86 = tpu.memref_slice %arg6[%add3A_42, %dma_start3A_85] : memref<320000x128xf32, #tpu.memory_space<hbm>> -> memref<80x128xf32, #tpu.memory_space<hbm>>
        %dma_start3A_87 = arith.constant 0 : i32
        %dma_start3A_88 = tpu.memref_slice %arg6[%add3A_42, %dma_start3A_87] : memref<320000x128xf32, #tpu.memory_space<hbm>> -> memref<80x128xf32, #tpu.memory_space<hbm>>
        tpu.enqueue_dma source(%arg13 : memref<80x128xf32, #tpu.memory_space<vmem>>) target(%dma_start3A_88 : memref<80x128xf32, #tpu.memory_space<hbm>>) target_semaphore(%run_scoped3A : memref<!tpu.dma_semaphore, #tpu.memory_space<semaphore_mem>>)
        %dma_wait3A_89 = arith.constant 0 : i32
        %dma_wait3A_90 = tpu.memref_slice %arg6[%add3A_42, %dma_wait3A_89] : memref<320000x128xf32, #tpu.memory_space<hbm>> -> memref<80x128xf32, #tpu.memory_space<hbm>>
        %dma_wait3A_91 = arith.constant 0 : i32
        %dma_wait3A_92 = tpu.memref_slice %arg6[%add3A_42, %dma_wait3A_91] : memref<320000x128xf32, #tpu.memory_space<hbm>> -> memref<80x128xf32, #tpu.memory_space<hbm>>
        tpu.wait_dma2 semaphore(%run_scoped3A : memref<!tpu.dma_semaphore, #tpu.memory_space<semaphore_mem>>) src(%arg13 : memref<80x128xf32, #tpu.memory_space<vmem>>) dst(%dma_wait3A_92 : memref<80x128xf32, #tpu.memory_space<hbm>>)
        tpu.yield
      }) : () -> ()
      "tpu.region"() ({
        %run_scoped3A = tpu.sem_alloc : memref<!tpu.dma_semaphore, #tpu.memory_space<semaphore_mem>>
        %dma_start3A_85 = arith.constant 0 : i32
        %dma_start3A_86 = arith.constant 0 : i32
        %dma_start3A_87 = tpu.memref_slice %arg17[%dma_start3A_85, %dma_start3A_86] : memref<10112x128xf32, #tpu.memory_space<vmem_shared>> -> memref<10112x128xf32, #tpu.memory_space<vmem_shared>>
        tpu.enqueue_indirect_dma source(%arg13 : memref<80x128xf32, #tpu.memory_space<vmem>>) target(%dma_start3A_87 : memref<10112x128xf32, #tpu.memory_space<vmem_shared>>) offsets(%arg10 : memref<80xi32, #tpu.memory_space<vmem>>) semaphore(%run_scoped3A : memref<!tpu.dma_semaphore, #tpu.memory_space<semaphore_mem>>) {add = true}
        %dma_wait3A_88 = arith.constant 0 : i32
        %dma_wait3A_89 = arith.constant 0 : i32
        %dma_wait3A_90 = tpu.memref_slice %arg17[%dma_wait3A_88, %dma_wait3A_89] : memref<10112x128xf32, #tpu.memory_space<vmem_shared>> -> memref<10112x128xf32, #tpu.memory_space<vmem_shared>>
        tpu.wait_indirect_dma semaphore(%run_scoped3A : memref<!tpu.dma_semaphore, #tpu.memory_space<semaphore_mem>>) src(%arg13 : memref<80x128xf32, #tpu.memory_space<vmem>>) dst(%dma_wait3A_90 : memref<10112x128xf32, #tpu.memory_space<vmem_shared>>)
        tpu.yield
      }) : () -> ()
      %dma_wait3A_76 = arith.constant 0 : i32
      %dma_wait3A_77 = arith.constant 0 : i32
      %dma_wait3A_78 = tpu.memref_slice %arg2[%dma_wait3A_76, %dma_wait3A_77] : memref<10000x128xf32, #tpu.memory_space<hbm>> -> memref<10000x128xf32, #tpu.memory_space<hbm>>
      tpu.wait_indirect_dma semaphore(%arg19 : memref<!tpu.dma_semaphore, #tpu.memory_space<semaphore_mem>>) src(%dma_wait3A_78 : memref<10000x128xf32, #tpu.memory_space<hbm>>) dst(%arg14 : memref<80x128xf32, #tpu.memory_space<vmem>>)
      "tpu.region"() ({
        %run_scoped3A = tpu.sem_alloc : memref<!tpu.dma_semaphore, #tpu.memory_space<semaphore_mem>>
        %dma_start3A_85 = arith.constant 0 : i32
        %dma_start3A_86 = tpu.memref_slice %arg7[%add3A_42, %dma_start3A_85] : memref<320000x128xf32, #tpu.memory_space<hbm>> -> memref<80x128xf32, #tpu.memory_space<hbm>>
        %dma_start3A_87 = arith.constant 0 : i32
        %dma_start3A_88 = tpu.memref_slice %arg7[%add3A_42, %dma_start3A_87] : memref<320000x128xf32, #tpu.memory_space<hbm>> -> memref<80x128xf32, #tpu.memory_space<hbm>>
        tpu.enqueue_dma source(%arg14 : memref<80x128xf32, #tpu.memory_space<vmem>>) target(%dma_start3A_88 : memref<80x128xf32, #tpu.memory_space<hbm>>) target_semaphore(%run_scoped3A : memref<!tpu.dma_semaphore, #tpu.memory_space<semaphore_mem>>)
        %dma_wait3A_89 = arith.constant 0 : i32
        %dma_wait3A_90 = tpu.memref_slice %arg7[%add3A_42, %dma_wait3A_89] : memref<320000x128xf32, #tpu.memory_space<hbm>> -> memref<80x128xf32, #tpu.memory_space<hbm>>
        %dma_wait3A_91 = arith.constant 0 : i32
        %dma_wait3A_92 = tpu.memref_slice %arg7[%add3A_42, %dma_wait3A_91] : memref<320000x128xf32, #tpu.memory_space<hbm>> -> memref<80x128xf32, #tpu.memory_space<hbm>>
        tpu.wait_dma2 semaphore(%run_scoped3A : memref<!tpu.dma_semaphore, #tpu.memory_space<semaphore_mem>>) src(%arg14 : memref<80x128xf32, #tpu.memory_space<vmem>>) dst(%dma_wait3A_92 : memref<80x128xf32, #tpu.memory_space<hbm>>)
        tpu.yield
      }) : () -> ()
      %dma_wait3A_79 = arith.constant 0 : i32
      %dma_wait3A_80 = arith.constant 0 : i32
      %dma_wait3A_81 = tpu.memref_slice %arg2[%dma_wait3A_79, %dma_wait3A_80] : memref<10000x128xf32, #tpu.memory_space<hbm>> -> memref<10000x128xf32, #tpu.memory_space<hbm>>
      tpu.wait_indirect_dma semaphore(%arg20 : memref<!tpu.dma_semaphore, #tpu.memory_space<semaphore_mem>>) src(%dma_wait3A_81 : memref<10000x128xf32, #tpu.memory_space<hbm>>) dst(%arg15 : memref<80x128xf32, #tpu.memory_space<vmem>>)
      "tpu.region"() ({
        %run_scoped3A = tpu.sem_alloc : memref<!tpu.dma_semaphore, #tpu.memory_space<semaphore_mem>>
        %dma_start3A_85 = arith.constant 0 : i32
        %dma_start3A_86 = tpu.memref_slice %arg6[%add3A_44, %dma_start3A_85] : memref<320000x128xf32, #tpu.memory_space<hbm>> -> memref<80x128xf32, #tpu.memory_space<hbm>>
        %dma_start3A_87 = arith.constant 0 : i32
        %dma_start3A_88 = tpu.memref_slice %arg6[%add3A_44, %dma_start3A_87] : memref<320000x128xf32, #tpu.memory_space<hbm>> -> memref<80x128xf32, #tpu.memory_space<hbm>>
        tpu.enqueue_dma source(%arg15 : memref<80x128xf32, #tpu.memory_space<vmem>>) target(%dma_start3A_88 : memref<80x128xf32, #tpu.memory_space<hbm>>) target_semaphore(%run_scoped3A : memref<!tpu.dma_semaphore, #tpu.memory_space<semaphore_mem>>)
        %dma_wait3A_89 = arith.constant 0 : i32
        %dma_wait3A_90 = tpu.memref_slice %arg6[%add3A_44, %dma_wait3A_89] : memref<320000x128xf32, #tpu.memory_space<hbm>> -> memref<80x128xf32, #tpu.memory_space<hbm>>
        %dma_wait3A_91 = arith.constant 0 : i32
        %dma_wait3A_92 = tpu.memref_slice %arg6[%add3A_44, %dma_wait3A_91] : memref<320000x128xf32, #tpu.memory_space<hbm>> -> memref<80x128xf32, #tpu.memory_space<hbm>>
        tpu.wait_dma2 semaphore(%run_scoped3A : memref<!tpu.dma_semaphore, #tpu.memory_space<semaphore_mem>>) src(%arg15 : memref<80x128xf32, #tpu.memory_space<vmem>>) dst(%dma_wait3A_92 : memref<80x128xf32, #tpu.memory_space<hbm>>)
        tpu.yield
      }) : () -> ()
      "tpu.region"() ({
        %run_scoped3A = tpu.sem_alloc : memref<!tpu.dma_semaphore, #tpu.memory_space<semaphore_mem>>
        %dma_start3A_85 = arith.constant 0 : i32
        %dma_start3A_86 = arith.constant 0 : i32
        %dma_start3A_87 = tpu.memref_slice %arg17[%dma_start3A_85, %dma_start3A_86] : memref<10112x128xf32, #tpu.memory_space<vmem_shared>> -> memref<10112x128xf32, #tpu.memory_space<vmem_shared>>
        tpu.enqueue_indirect_dma source(%arg15 : memref<80x128xf32, #tpu.memory_space<vmem>>) target(%dma_start3A_87 : memref<10112x128xf32, #tpu.memory_space<vmem_shared>>) offsets(%arg12 : memref<80xi32, #tpu.memory_space<vmem>>) semaphore(%run_scoped3A : memref<!tpu.dma_semaphore, #tpu.memory_space<semaphore_mem>>) {add = true}
        %dma_wait3A_88 = arith.constant 0 : i32
        %dma_wait3A_89 = arith.constant 0 : i32
        %dma_wait3A_90 = tpu.memref_slice %arg17[%dma_wait3A_88, %dma_wait3A_89] : memref<10112x128xf32, #tpu.memory_space<vmem_shared>> -> memref<10112x128xf32, #tpu.memory_space<vmem_shared>>
        tpu.wait_indirect_dma semaphore(%run_scoped3A : memref<!tpu.dma_semaphore, #tpu.memory_space<semaphore_mem>>) src(%arg15 : memref<80x128xf32, #tpu.memory_space<vmem>>) dst(%dma_wait3A_90 : memref<10112x128xf32, #tpu.memory_space<vmem_shared>>)
        tpu.yield
      }) : () -> ()
      %dma_wait3A_82 = arith.constant 0 : i32
      %dma_wait3A_83 = arith.constant 0 : i32
      %dma_wait3A_84 = tpu.memref_slice %arg2[%dma_wait3A_82, %dma_wait3A_83] : memref<10000x128xf32, #tpu.memory_space<hbm>> -> memref<10000x128xf32, #tpu.memory_space<hbm>>
      tpu.wait_indirect_dma semaphore(%arg21 : memref<!tpu.dma_semaphore, #tpu.memory_space<semaphore_mem>>) src(%dma_wait3A_84 : memref<10000x128xf32, #tpu.memory_space<hbm>>) dst(%arg16 : memref<80x128xf32, #tpu.memory_space<vmem>>)
      "tpu.region"() ({
        %run_scoped3A = tpu.sem_alloc : memref<!tpu.dma_semaphore, #tpu.memory_space<semaphore_mem>>
        %dma_start3A_85 = arith.constant 0 : i32
        %dma_start3A_86 = tpu.memref_slice %arg7[%add3A_44, %dma_start3A_85] : memref<320000x128xf32, #tpu.memory_space<hbm>> -> memref<80x128xf32, #tpu.memory_space<hbm>>
        %dma_start3A_87 = arith.constant 0 : i32
        %dma_start3A_88 = tpu.memref_slice %arg7[%add3A_44, %dma_start3A_87] : memref<320000x128xf32, #tpu.memory_space<hbm>> -> memref<80x128xf32, #tpu.memory_space<hbm>>
        tpu.enqueue_dma source(%arg16 : memref<80x128xf32, #tpu.memory_space<vmem>>) target(%dma_start3A_88 : memref<80x128xf32, #tpu.memory_space<hbm>>) target_semaphore(%run_scoped3A : memref<!tpu.dma_semaphore, #tpu.memory_space<semaphore_mem>>)
        %dma_wait3A_89 = arith.constant 0 : i32
        %dma_wait3A_90 = tpu.memref_slice %arg7[%add3A_44, %dma_wait3A_89] : memref<320000x128xf32, #tpu.memory_space<hbm>> -> memref<80x128xf32, #tpu.memory_space<hbm>>
        %dma_wait3A_91 = arith.constant 0 : i32
        %dma_wait3A_92 = tpu.memref_slice %arg7[%add3A_44, %dma_wait3A_91] : memref<320000x128xf32, #tpu.memory_space<hbm>> -> memref<80x128xf32, #tpu.memory_space<hbm>>
        tpu.wait_dma2 semaphore(%run_scoped3A : memref<!tpu.dma_semaphore, #tpu.memory_space<semaphore_mem>>) src(%arg16 : memref<80x128xf32, #tpu.memory_space<vmem>>) dst(%dma_wait3A_92 : memref<80x128xf32, #tpu.memory_space<hbm>>)
        tpu.yield
      }) : () -> ()
    }
    %scan3A_11 = arith.constant 62 : i32
    %add3A_12 = arith.constant 9920 : i32
    %add3A_13 = arith.addi %mul3A_6, %add3A_12 : i32
    %dma_start3A = tpu.memref_slice %arg3[%add3A_13] : memref<320000xi32, #tpu.memory_space<hbm>> -> memref<80xi32, #tpu.memory_space<hbm>>
    %dma_start3A_14 = tpu.memref_slice %arg3[%add3A_13] : memref<320000xi32, #tpu.memory_space<hbm>> -> memref<80xi32, #tpu.memory_space<hbm>>
    tpu.enqueue_dma source(%dma_start3A_14 : memref<80xi32, #tpu.memory_space<hbm>>) target(%arg9 : memref<80xi32, #tpu.memory_space<vmem>>) target_semaphore(%arg22 : memref<!tpu.dma_semaphore, #tpu.memory_space<semaphore_mem>>)
    %dma_start3A_15 = tpu.memref_slice %arg4[%add3A_13] : memref<320000xi32, #tpu.memory_space<hbm>> -> memref<80xi32, #tpu.memory_space<hbm>>
    %dma_start3A_16 = tpu.memref_slice %arg4[%add3A_13] : memref<320000xi32, #tpu.memory_space<hbm>> -> memref<80xi32, #tpu.memory_space<hbm>>
    tpu.enqueue_dma source(%dma_start3A_16 : memref<80xi32, #tpu.memory_space<hbm>>) target(%arg10 : memref<80xi32, #tpu.memory_space<vmem>>) target_semaphore(%arg23 : memref<!tpu.dma_semaphore, #tpu.memory_space<semaphore_mem>>)
    %dma_wait3A = tpu.memref_slice %arg3[%add3A_13] : memref<320000xi32, #tpu.memory_space<hbm>> -> memref<80xi32, #tpu.memory_space<hbm>>
    %dma_wait3A_17 = tpu.memref_slice %arg3[%add3A_13] : memref<320000xi32, #tpu.memory_space<hbm>> -> memref<80xi32, #tpu.memory_space<hbm>>
    tpu.wait_dma2 semaphore(%arg22 : memref<!tpu.dma_semaphore, #tpu.memory_space<semaphore_mem>>) src(%dma_wait3A_17 : memref<80xi32, #tpu.memory_space<hbm>>) dst(%arg9 : memref<80xi32, #tpu.memory_space<vmem>>)
    %dma_start3A_18 = arith.constant 0 : i32
    %dma_start3A_19 = arith.constant 0 : i32
    %dma_start3A_20 = tpu.memref_slice %arg2[%dma_start3A_18, %dma_start3A_19] : memref<10000x128xf32, #tpu.memory_space<hbm>> -> memref<10000x128xf32, #tpu.memory_space<hbm>>
    tpu.enqueue_indirect_dma source(%dma_start3A_20 : memref<10000x128xf32, #tpu.memory_space<hbm>>) target(%arg13 : memref<80x128xf32, #tpu.memory_space<vmem>>) offsets(%arg9 : memref<80xi32, #tpu.memory_space<vmem>>) semaphore(%arg18 : memref<!tpu.dma_semaphore, #tpu.memory_space<semaphore_mem>>)
    %dma_wait3A_21 = tpu.memref_slice %arg4[%add3A_13] : memref<320000xi32, #tpu.memory_space<hbm>> -> memref<80xi32, #tpu.memory_space<hbm>>
    %dma_wait3A_22 = tpu.memref_slice %arg4[%add3A_13] : memref<320000xi32, #tpu.memory_space<hbm>> -> memref<80xi32, #tpu.memory_space<hbm>>
    tpu.wait_dma2 semaphore(%arg23 : memref<!tpu.dma_semaphore, #tpu.memory_space<semaphore_mem>>) src(%dma_wait3A_22 : memref<80xi32, #tpu.memory_space<hbm>>) dst(%arg10 : memref<80xi32, #tpu.memory_space<vmem>>)
    %dma_start3A_23 = arith.constant 0 : i32
    %dma_start3A_24 = arith.constant 0 : i32
    %dma_start3A_25 = tpu.memref_slice %arg2[%dma_start3A_23, %dma_start3A_24] : memref<10000x128xf32, #tpu.memory_space<hbm>> -> memref<10000x128xf32, #tpu.memory_space<hbm>>
    tpu.enqueue_indirect_dma source(%dma_start3A_25 : memref<10000x128xf32, #tpu.memory_space<hbm>>) target(%arg14 : memref<80x128xf32, #tpu.memory_space<vmem>>) offsets(%arg10 : memref<80xi32, #tpu.memory_space<vmem>>) semaphore(%arg19 : memref<!tpu.dma_semaphore, #tpu.memory_space<semaphore_mem>>)
    %dma_wait3A_26 = arith.constant 0 : i32
    %dma_wait3A_27 = arith.constant 0 : i32
    %dma_wait3A_28 = tpu.memref_slice %arg2[%dma_wait3A_26, %dma_wait3A_27] : memref<10000x128xf32, #tpu.memory_space<hbm>> -> memref<10000x128xf32, #tpu.memory_space<hbm>>
    tpu.wait_indirect_dma semaphore(%arg18 : memref<!tpu.dma_semaphore, #tpu.memory_space<semaphore_mem>>) src(%dma_wait3A_28 : memref<10000x128xf32, #tpu.memory_space<hbm>>) dst(%arg13 : memref<80x128xf32, #tpu.memory_space<vmem>>)
    "tpu.region"() ({
      %run_scoped3A = tpu.sem_alloc : memref<!tpu.dma_semaphore, #tpu.memory_space<semaphore_mem>>
      %dma_start3A_37 = arith.constant 0 : i32
      %dma_start3A_38 = tpu.memref_slice %arg6[%add3A_13, %dma_start3A_37] : memref<320000x128xf32, #tpu.memory_space<hbm>> -> memref<80x128xf32, #tpu.memory_space<hbm>>
      %dma_start3A_39 = arith.constant 0 : i32
      %dma_start3A_40 = tpu.memref_slice %arg6[%add3A_13, %dma_start3A_39] : memref<320000x128xf32, #tpu.memory_space<hbm>> -> memref<80x128xf32, #tpu.memory_space<hbm>>
      tpu.enqueue_dma source(%arg13 : memref<80x128xf32, #tpu.memory_space<vmem>>) target(%dma_start3A_40 : memref<80x128xf32, #tpu.memory_space<hbm>>) target_semaphore(%run_scoped3A : memref<!tpu.dma_semaphore, #tpu.memory_space<semaphore_mem>>)
      %dma_wait3A_41 = arith.constant 0 : i32
      %dma_wait3A_42 = tpu.memref_slice %arg6[%add3A_13, %dma_wait3A_41] : memref<320000x128xf32, #tpu.memory_space<hbm>> -> memref<80x128xf32, #tpu.memory_space<hbm>>
      %dma_wait3A_43 = arith.constant 0 : i32
      %dma_wait3A_44 = tpu.memref_slice %arg6[%add3A_13, %dma_wait3A_43] : memref<320000x128xf32, #tpu.memory_space<hbm>> -> memref<80x128xf32, #tpu.memory_space<hbm>>
      tpu.wait_dma2 semaphore(%run_scoped3A : memref<!tpu.dma_semaphore, #tpu.memory_space<semaphore_mem>>) src(%arg13 : memref<80x128xf32, #tpu.memory_space<vmem>>) dst(%dma_wait3A_44 : memref<80x128xf32, #tpu.memory_space<hbm>>)
      tpu.yield
    }) : () -> ()
    "tpu.region"() ({
      %run_scoped3A = tpu.sem_alloc : memref<!tpu.dma_semaphore, #tpu.memory_space<semaphore_mem>>
      %dma_start3A_37 = arith.constant 0 : i32
      %dma_start3A_38 = arith.constant 0 : i32
      %dma_start3A_39 = tpu.memref_slice %arg17[%dma_start3A_37, %dma_start3A_38] : memref<10112x128xf32, #tpu.memory_space<vmem_shared>> -> memref<10112x128xf32, #tpu.memory_space<vmem_shared>>
      tpu.enqueue_indirect_dma source(%arg13 : memref<80x128xf32, #tpu.memory_space<vmem>>) target(%dma_start3A_39 : memref<10112x128xf32, #tpu.memory_space<vmem_shared>>) offsets(%arg10 : memref<80xi32, #tpu.memory_space<vmem>>) semaphore(%run_scoped3A : memref<!tpu.dma_semaphore, #tpu.memory_space<semaphore_mem>>) {add = true}
      %dma_wait3A_40 = arith.constant 0 : i32
      %dma_wait3A_41 = arith.constant 0 : i32
      %dma_wait3A_42 = tpu.memref_slice %arg17[%dma_wait3A_40, %dma_wait3A_41] : memref<10112x128xf32, #tpu.memory_space<vmem_shared>> -> memref<10112x128xf32, #tpu.memory_space<vmem_shared>>
      tpu.wait_indirect_dma semaphore(%run_scoped3A : memref<!tpu.dma_semaphore, #tpu.memory_space<semaphore_mem>>) src(%arg13 : memref<80x128xf32, #tpu.memory_space<vmem>>) dst(%dma_wait3A_42 : memref<10112x128xf32, #tpu.memory_space<vmem_shared>>)
      tpu.yield
    }) : () -> ()
    %dma_wait3A_29 = arith.constant 0 : i32
    %dma_wait3A_30 = arith.constant 0 : i32
    %dma_wait3A_31 = tpu.memref_slice %arg2[%dma_wait3A_29, %dma_wait3A_30] : memref<10000x128xf32, #tpu.memory_space<hbm>> -> memref<10000x128xf32, #tpu.memory_space<hbm>>
    tpu.wait_indirect_dma semaphore(%arg19 : memref<!tpu.dma_semaphore, #tpu.memory_space<semaphore_mem>>) src(%dma_wait3A_31 : memref<10000x128xf32, #tpu.memory_space<hbm>>) dst(%arg14 : memref<80x128xf32, #tpu.memory_space<vmem>>)
    "tpu.region"() ({
      %run_scoped3A = tpu.sem_alloc : memref<!tpu.dma_semaphore, #tpu.memory_space<semaphore_mem>>
      %dma_start3A_37 = arith.constant 0 : i32
      %dma_start3A_38 = tpu.memref_slice %arg7[%add3A_13, %dma_start3A_37] : memref<320000x128xf32, #tpu.memory_space<hbm>> -> memref<80x128xf32, #tpu.memory_space<hbm>>
      %dma_start3A_39 = arith.constant 0 : i32
      %dma_start3A_40 = tpu.memref_slice %arg7[%add3A_13, %dma_start3A_39] : memref<320000x128xf32, #tpu.memory_space<hbm>> -> memref<80x128xf32, #tpu.memory_space<hbm>>
      tpu.enqueue_dma source(%arg14 : memref<80x128xf32, #tpu.memory_space<vmem>>) target(%dma_start3A_40 : memref<80x128xf32, #tpu.memory_space<hbm>>) target_semaphore(%run_scoped3A : memref<!tpu.dma_semaphore, #tpu.memory_space<semaphore_mem>>)
      %dma_wait3A_41 = arith.constant 0 : i32
      %dma_wait3A_42 = tpu.memref_slice %arg7[%add3A_13, %dma_wait3A_41] : memref<320000x128xf32, #tpu.memory_space<hbm>> -> memref<80x128xf32, #tpu.memory_space<hbm>>
      %dma_wait3A_43 = arith.constant 0 : i32
      %dma_wait3A_44 = tpu.memref_slice %arg7[%add3A_13, %dma_wait3A_43] : memref<320000x128xf32, #tpu.memory_space<hbm>> -> memref<80x128xf32, #tpu.memory_space<hbm>>
      tpu.wait_dma2 semaphore(%run_scoped3A : memref<!tpu.dma_semaphore, #tpu.memory_space<semaphore_mem>>) src(%arg14 : memref<80x128xf32, #tpu.memory_space<vmem>>) dst(%dma_wait3A_44 : memref<80x128xf32, #tpu.memory_space<hbm>>)
      tpu.yield
    }) : () -> ()
    %barrier3A_32 = arith.constant 0 : index
    tpu.barrier barrier_id(%barrier3A_32)
    %mul3A_33 = arith.constant 632 : i32
    %mul3A_34 = arith.muli %arg1, %mul3A_33 : i32
    %mul3A_35 = arith.constant 632 : i32
    %mul3A_36 = arith.muli %arg1, %mul3A_35 : i32
    "tpu.region"() ({
      %run_scoped3A = tpu.sem_alloc : memref<!tpu.dma_semaphore, #tpu.memory_space<semaphore_mem>>
      %dma_start3A_37 = arith.constant 0 : i32
      %dma_start3A_38 = arith.constant 0 : i32
      %dma_start3A_39 = tpu.memref_slice %arg8[%arg0, %dma_start3A_37, %dma_start3A_38] : memref<2x10112x128xf32, #tpu.memory_space<hbm>> -> memref<1x10112x128xf32, #tpu.memory_space<hbm>>
      %dma_start3A_40 = tpu.memref_squeeze %dma_start3A_39 : memref<1x10112x128xf32, #tpu.memory_space<hbm>> -> memref<10112x128xf32, #tpu.memory_space<hbm>>
      %dma_start3A_41 = arith.constant 0 : i32
      %dma_start3A_42 = tpu.memref_slice %dma_start3A_40[%mul3A_36, %dma_start3A_41] : memref<10112x128xf32, #tpu.memory_space<hbm>> -> memref<632x128xf32, #tpu.memory_space<hbm>>
      %dma_start3A_43 = arith.constant 0 : i32
      %dma_start3A_44 = tpu.memref_slice %arg17[%mul3A_34, %dma_start3A_43] : memref<10112x128xf32, #tpu.memory_space<vmem_shared>> -> memref<632x128xf32, #tpu.memory_space<vmem_shared>>
      tpu.enqueue_dma source(%dma_start3A_44 : memref<632x128xf32, #tpu.memory_space<vmem_shared>>) target(%dma_start3A_42 : memref<632x128xf32, #tpu.memory_space<hbm>>) target_semaphore(%run_scoped3A : memref<!tpu.dma_semaphore, #tpu.memory_space<semaphore_mem>>)
      %dma_wait3A_45 = arith.constant 0 : i32
      %dma_wait3A_46 = arith.constant 0 : i32
      %dma_wait3A_47 = tpu.memref_slice %arg8[%arg0, %dma_wait3A_45, %dma_wait3A_46] : memref<2x10112x128xf32, #tpu.memory_space<hbm>> -> memref<1x10112x128xf32, #tpu.memory_space<hbm>>
      %dma_wait3A_48 = tpu.memref_squeeze %dma_wait3A_47 : memref<1x10112x128xf32, #tpu.memory_space<hbm>> -> memref<10112x128xf32, #tpu.memory_space<hbm>>
      %dma_wait3A_49 = arith.constant 0 : i32
      %dma_wait3A_50 = tpu.memref_slice %dma_wait3A_48[%mul3A_36, %dma_wait3A_49] : memref<10112x128xf32, #tpu.memory_space<hbm>> -> memref<632x128xf32, #tpu.memory_space<hbm>>
      %dma_wait3A_51 = arith.constant 0 : i32
      %dma_wait3A_52 = tpu.memref_slice %arg17[%mul3A_34, %dma_wait3A_51] : memref<10112x128xf32, #tpu.memory_space<vmem_shared>> -> memref<632x128xf32, #tpu.memory_space<vmem_shared>>
      tpu.wait_dma2 semaphore(%run_scoped3A : memref<!tpu.dma_semaphore, #tpu.memory_space<semaphore_mem>>) src(%dma_wait3A_52 : memref<632x128xf32, #tpu.memory_space<vmem_shared>>) dst(%dma_wait3A_50 : memref<632x128xf32, #tpu.memory_space<hbm>>)
      tpu.yield
    }) : () -> ()
    return
  }
}

#map = affine_map<(d0, d1) -> (0, 0)>
#map1 = affine_map<(d0, d1) -> (0)>
#map2 = affine_map<(d0, d1) -> (0, 0, 0)>
module attributes {stable_mosaic.version = 14 : i64} {
  func.func @body(%arg0: i32, %arg1: i32, %arg2: memref<320000x128xf32, #tpu.memory_space<hbm>>, %arg3: memref<320000xi32, #tpu.memory_space<hbm>>, %arg4: memref<10112x128xf32, #tpu.memory_space<hbm>>, %arg5: memref<2x10112x128xf32, #tpu.memory_space<hbm>>, %arg6: memref<200x128xf32, #tpu.memory_space<vmem>>, %arg7: memref<200xi32, #tpu.memory_space<vmem>>, %arg8: memref<200xi32, #tpu.memory_space<vmem>>, %arg9: memref<10112x128xf32, #tpu.memory_space<vmem_shared>>, %arg10: memref<!tpu.dma_semaphore, #tpu.memory_space<semaphore_mem>>, %arg11: memref<!tpu.dma_semaphore, #tpu.memory_space<semaphore_mem>>, %arg12: memref<!tpu.dma_semaphore, #tpu.memory_space<semaphore_mem>>) attributes {dimension_semantics = [#tpu.dimension_semantics<core_parallel>, #tpu.dimension_semantics<subcore_parallel>], iteration_bounds = array<i64: 2, 16>, scalar_prefetch = 0 : i64, scratch_operands = 7 : i64, tpu.core_type = #tpu.core_type<sc_vector_subcore>, window_params = [{transform_indices = #map}, {transform_indices = #map1}, {transform_indices = #map}, {transform_indices = #map2}]} {
    %mul3A = arith.constant 2 : i32
    %mul3A_0 = arith.muli %arg1, %mul3A : i32
    %add3A = arith.addi %mul3A_0, %arg0 : i32
    %mul3A_1 = arith.constant 632 : i32
    %mul3A_2 = arith.muli %arg1, %mul3A_1 : i32
    %mul3A_3 = arith.constant 632 : i32
    %mul3A_4 = arith.muli %arg1, %mul3A_3 : i32
    "tpu.region"() ({
      %run_scoped3A = tpu.sem_alloc : memref<!tpu.dma_semaphore, #tpu.memory_space<semaphore_mem>>
      %dma_start3A = arith.constant 0 : i32
      %dma_start3A_17 = tpu.memref_slice %arg9[%mul3A_4, %dma_start3A] : memref<10112x128xf32, #tpu.memory_space<vmem_shared>> -> memref<632x128xf32, #tpu.memory_space<vmem_shared>>
      %dma_start3A_18 = arith.constant 0 : i32
      %dma_start3A_19 = tpu.memref_slice %arg4[%mul3A_2, %dma_start3A_18] : memref<10112x128xf32, #tpu.memory_space<hbm>> -> memref<632x128xf32, #tpu.memory_space<hbm>>
      tpu.enqueue_dma source(%dma_start3A_19 : memref<632x128xf32, #tpu.memory_space<hbm>>) target(%dma_start3A_17 : memref<632x128xf32, #tpu.memory_space<vmem_shared>>) target_semaphore(%run_scoped3A : memref<!tpu.dma_semaphore, #tpu.memory_space<semaphore_mem>>)
      %dma_wait3A = arith.constant 0 : i32
      %dma_wait3A_20 = tpu.memref_slice %arg9[%mul3A_4, %dma_wait3A] : memref<10112x128xf32, #tpu.memory_space<vmem_shared>> -> memref<632x128xf32, #tpu.memory_space<vmem_shared>>
      %dma_wait3A_21 = arith.constant 0 : i32
      %dma_wait3A_22 = tpu.memref_slice %arg4[%mul3A_2, %dma_wait3A_21] : memref<10112x128xf32, #tpu.memory_space<hbm>> -> memref<632x128xf32, #tpu.memory_space<hbm>>
      tpu.wait_dma2 semaphore(%run_scoped3A : memref<!tpu.dma_semaphore, #tpu.memory_space<semaphore_mem>>) src(%dma_wait3A_22 : memref<632x128xf32, #tpu.memory_space<hbm>>) dst(%dma_wait3A_20 : memref<632x128xf32, #tpu.memory_space<vmem_shared>>)
      tpu.yield
    }) : () -> ()
    %barrier3A = arith.constant 0 : index
    tpu.barrier barrier_id(%barrier3A)
    %mul3A_5 = arith.constant 10000 : i32
    %mul3A_6 = arith.muli %add3A, %mul3A_5 : i32
    %scan3A = arith.constant 0 : i32
    %scan3A_7 = arith.constant 0 : i32
    %scan3A_8 = arith.constant 25 : i32
    %scan3A_9 = arith.addi %scan3A_7, %scan3A_8 : i32
    %scan3A_10 = arith.constant 1 : i32
    scf.for %scan3A_17 = %scan3A_7 to %scan3A_9 step %scan3A_10  : i32 {
      %mul3A_18 = arith.constant 2 : i32
      %mul3A_19 = arith.muli %mul3A_18, %scan3A_17 : i32
      %mul3A_20 = arith.constant 200 : i32
      %mul3A_21 = arith.muli %mul3A_19, %mul3A_20 : i32
      %add3A_22 = arith.addi %mul3A_6, %mul3A_21 : i32
      %add3A_23 = arith.constant 200 : i32
      %add3A_24 = arith.addi %add3A_22, %add3A_23 : i32
      %dma_start3A = tpu.memref_slice %arg3[%add3A_22] : memref<320000xi32, #tpu.memory_space<hbm>> -> memref<200xi32, #tpu.memory_space<hbm>>
      %dma_start3A_25 = tpu.memref_slice %arg3[%add3A_22] : memref<320000xi32, #tpu.memory_space<hbm>> -> memref<200xi32, #tpu.memory_space<hbm>>
      tpu.enqueue_dma source(%dma_start3A_25 : memref<200xi32, #tpu.memory_space<hbm>>) target(%arg7 : memref<200xi32, #tpu.memory_space<vmem>>) target_semaphore(%arg11 : memref<!tpu.dma_semaphore, #tpu.memory_space<semaphore_mem>>)
      %dma_start3A_26 = tpu.memref_slice %arg3[%add3A_24] : memref<320000xi32, #tpu.memory_space<hbm>> -> memref<200xi32, #tpu.memory_space<hbm>>
      %dma_start3A_27 = tpu.memref_slice %arg3[%add3A_24] : memref<320000xi32, #tpu.memory_space<hbm>> -> memref<200xi32, #tpu.memory_space<hbm>>
      tpu.enqueue_dma source(%dma_start3A_27 : memref<200xi32, #tpu.memory_space<hbm>>) target(%arg8 : memref<200xi32, #tpu.memory_space<vmem>>) target_semaphore(%arg12 : memref<!tpu.dma_semaphore, #tpu.memory_space<semaphore_mem>>)
      %dma_start3A_28 = arith.constant 0 : i32
      %dma_start3A_29 = tpu.memref_slice %arg2[%add3A_22, %dma_start3A_28] : memref<320000x128xf32, #tpu.memory_space<hbm>> -> memref<200x128xf32, #tpu.memory_space<hbm>>
      %dma_start3A_30 = arith.constant 0 : i32
      %dma_start3A_31 = tpu.memref_slice %arg2[%add3A_22, %dma_start3A_30] : memref<320000x128xf32, #tpu.memory_space<hbm>> -> memref<200x128xf32, #tpu.memory_space<hbm>>
      tpu.enqueue_dma source(%dma_start3A_31 : memref<200x128xf32, #tpu.memory_space<hbm>>) target(%arg6 : memref<200x128xf32, #tpu.memory_space<vmem>>) target_semaphore(%arg10 : memref<!tpu.dma_semaphore, #tpu.memory_space<semaphore_mem>>)
      %dma_wait3A = tpu.memref_slice %arg3[%add3A_22] : memref<320000xi32, #tpu.memory_space<hbm>> -> memref<200xi32, #tpu.memory_space<hbm>>
      %dma_wait3A_32 = tpu.memref_slice %arg3[%add3A_22] : memref<320000xi32, #tpu.memory_space<hbm>> -> memref<200xi32, #tpu.memory_space<hbm>>
      tpu.wait_dma2 semaphore(%arg11 : memref<!tpu.dma_semaphore, #tpu.memory_space<semaphore_mem>>) src(%dma_wait3A_32 : memref<200xi32, #tpu.memory_space<hbm>>) dst(%arg7 : memref<200xi32, #tpu.memory_space<vmem>>)
      %dma_wait3A_33 = arith.constant 0 : i32
      %dma_wait3A_34 = tpu.memref_slice %arg2[%add3A_22, %dma_wait3A_33] : memref<320000x128xf32, #tpu.memory_space<hbm>> -> memref<200x128xf32, #tpu.memory_space<hbm>>
      %dma_wait3A_35 = arith.constant 0 : i32
      %dma_wait3A_36 = tpu.memref_slice %arg2[%add3A_22, %dma_wait3A_35] : memref<320000x128xf32, #tpu.memory_space<hbm>> -> memref<200x128xf32, #tpu.memory_space<hbm>>
      tpu.wait_dma2 semaphore(%arg10 : memref<!tpu.dma_semaphore, #tpu.memory_space<semaphore_mem>>) src(%dma_wait3A_36 : memref<200x128xf32, #tpu.memory_space<hbm>>) dst(%arg6 : memref<200x128xf32, #tpu.memory_space<vmem>>)
      "tpu.region"() ({
        %run_scoped3A = tpu.sem_alloc : memref<!tpu.dma_semaphore, #tpu.memory_space<semaphore_mem>>
        %dma_start3A_47 = arith.constant 0 : i32
        %dma_start3A_48 = arith.constant 0 : i32
        %dma_start3A_49 = tpu.memref_slice %arg9[%dma_start3A_47, %dma_start3A_48] : memref<10112x128xf32, #tpu.memory_space<vmem_shared>> -> memref<10112x128xf32, #tpu.memory_space<vmem_shared>>
        tpu.enqueue_indirect_dma source(%arg6 : memref<200x128xf32, #tpu.memory_space<vmem>>) target(%dma_start3A_49 : memref<10112x128xf32, #tpu.memory_space<vmem_shared>>) offsets(%arg7 : memref<200xi32, #tpu.memory_space<vmem>>) semaphore(%run_scoped3A : memref<!tpu.dma_semaphore, #tpu.memory_space<semaphore_mem>>) {add = true}
        %dma_wait3A_50 = arith.constant 0 : i32
        %dma_wait3A_51 = arith.constant 0 : i32
        %dma_wait3A_52 = tpu.memref_slice %arg9[%dma_wait3A_50, %dma_wait3A_51] : memref<10112x128xf32, #tpu.memory_space<vmem_shared>> -> memref<10112x128xf32, #tpu.memory_space<vmem_shared>>
        tpu.wait_indirect_dma semaphore(%run_scoped3A : memref<!tpu.dma_semaphore, #tpu.memory_space<semaphore_mem>>) src(%arg6 : memref<200x128xf32, #tpu.memory_space<vmem>>) dst(%dma_wait3A_52 : memref<10112x128xf32, #tpu.memory_space<vmem_shared>>)
        tpu.yield
      }) : () -> ()
      %dma_start3A_37 = arith.constant 0 : i32
      %dma_start3A_38 = tpu.memref_slice %arg2[%add3A_24, %dma_start3A_37] : memref<320000x128xf32, #tpu.memory_space<hbm>> -> memref<200x128xf32, #tpu.memory_space<hbm>>
      %dma_start3A_39 = arith.constant 0 : i32
      %dma_start3A_40 = tpu.memref_slice %arg2[%add3A_24, %dma_start3A_39] : memref<320000x128xf32, #tpu.memory_space<hbm>> -> memref<200x128xf32, #tpu.memory_space<hbm>>
      tpu.enqueue_dma source(%dma_start3A_40 : memref<200x128xf32, #tpu.memory_space<hbm>>) target(%arg6 : memref<200x128xf32, #tpu.memory_space<vmem>>) target_semaphore(%arg10 : memref<!tpu.dma_semaphore, #tpu.memory_space<semaphore_mem>>)
      %dma_wait3A_41 = tpu.memref_slice %arg3[%add3A_24] : memref<320000xi32, #tpu.memory_space<hbm>> -> memref<200xi32, #tpu.memory_space<hbm>>
      %dma_wait3A_42 = tpu.memref_slice %arg3[%add3A_24] : memref<320000xi32, #tpu.memory_space<hbm>> -> memref<200xi32, #tpu.memory_space<hbm>>
      tpu.wait_dma2 semaphore(%arg12 : memref<!tpu.dma_semaphore, #tpu.memory_space<semaphore_mem>>) src(%dma_wait3A_42 : memref<200xi32, #tpu.memory_space<hbm>>) dst(%arg8 : memref<200xi32, #tpu.memory_space<vmem>>)
      %dma_wait3A_43 = arith.constant 0 : i32
      %dma_wait3A_44 = tpu.memref_slice %arg2[%add3A_24, %dma_wait3A_43] : memref<320000x128xf32, #tpu.memory_space<hbm>> -> memref<200x128xf32, #tpu.memory_space<hbm>>
      %dma_wait3A_45 = arith.constant 0 : i32
      %dma_wait3A_46 = tpu.memref_slice %arg2[%add3A_24, %dma_wait3A_45] : memref<320000x128xf32, #tpu.memory_space<hbm>> -> memref<200x128xf32, #tpu.memory_space<hbm>>
      tpu.wait_dma2 semaphore(%arg10 : memref<!tpu.dma_semaphore, #tpu.memory_space<semaphore_mem>>) src(%dma_wait3A_46 : memref<200x128xf32, #tpu.memory_space<hbm>>) dst(%arg6 : memref<200x128xf32, #tpu.memory_space<vmem>>)
      "tpu.region"() ({
        %run_scoped3A = tpu.sem_alloc : memref<!tpu.dma_semaphore, #tpu.memory_space<semaphore_mem>>
        %dma_start3A_47 = arith.constant 0 : i32
        %dma_start3A_48 = arith.constant 0 : i32
        %dma_start3A_49 = tpu.memref_slice %arg9[%dma_start3A_47, %dma_start3A_48] : memref<10112x128xf32, #tpu.memory_space<vmem_shared>> -> memref<10112x128xf32, #tpu.memory_space<vmem_shared>>
        tpu.enqueue_indirect_dma source(%arg6 : memref<200x128xf32, #tpu.memory_space<vmem>>) target(%dma_start3A_49 : memref<10112x128xf32, #tpu.memory_space<vmem_shared>>) offsets(%arg8 : memref<200xi32, #tpu.memory_space<vmem>>) semaphore(%run_scoped3A : memref<!tpu.dma_semaphore, #tpu.memory_space<semaphore_mem>>) {add = true}
        %dma_wait3A_50 = arith.constant 0 : i32
        %dma_wait3A_51 = arith.constant 0 : i32
        %dma_wait3A_52 = tpu.memref_slice %arg9[%dma_wait3A_50, %dma_wait3A_51] : memref<10112x128xf32, #tpu.memory_space<vmem_shared>> -> memref<10112x128xf32, #tpu.memory_space<vmem_shared>>
        tpu.wait_indirect_dma semaphore(%run_scoped3A : memref<!tpu.dma_semaphore, #tpu.memory_space<semaphore_mem>>) src(%arg6 : memref<200x128xf32, #tpu.memory_space<vmem>>) dst(%dma_wait3A_52 : memref<10112x128xf32, #tpu.memory_space<vmem_shared>>)
        tpu.yield
      }) : () -> ()
    }
    %scan3A_11 = arith.constant 25 : i32
    %barrier3A_12 = arith.constant 0 : index
    tpu.barrier barrier_id(%barrier3A_12)
    %mul3A_13 = arith.constant 632 : i32
    %mul3A_14 = arith.muli %arg1, %mul3A_13 : i32
    %mul3A_15 = arith.constant 632 : i32
    %mul3A_16 = arith.muli %arg1, %mul3A_15 : i32
    "tpu.region"() ({
      %run_scoped3A = tpu.sem_alloc : memref<!tpu.dma_semaphore, #tpu.memory_space<semaphore_mem>>
      %dma_start3A = arith.constant 0 : i32
      %dma_start3A_17 = arith.constant 0 : i32
      %dma_start3A_18 = tpu.memref_slice %arg5[%arg0, %dma_start3A, %dma_start3A_17] : memref<2x10112x128xf32, #tpu.memory_space<hbm>> -> memref<1x10112x128xf32, #tpu.memory_space<hbm>>
      %dma_start3A_19 = tpu.memref_squeeze %dma_start3A_18 : memref<1x10112x128xf32, #tpu.memory_space<hbm>> -> memref<10112x128xf32, #tpu.memory_space<hbm>>
      %dma_start3A_20 = arith.constant 0 : i32
      %dma_start3A_21 = tpu.memref_slice %dma_start3A_19[%mul3A_16, %dma_start3A_20] : memref<10112x128xf32, #tpu.memory_space<hbm>> -> memref<632x128xf32, #tpu.memory_space<hbm>>
      %dma_start3A_22 = arith.constant 0 : i32
      %dma_start3A_23 = tpu.memref_slice %arg9[%mul3A_14, %dma_start3A_22] : memref<10112x128xf32, #tpu.memory_space<vmem_shared>> -> memref<632x128xf32, #tpu.memory_space<vmem_shared>>
      tpu.enqueue_dma source(%dma_start3A_23 : memref<632x128xf32, #tpu.memory_space<vmem_shared>>) target(%dma_start3A_21 : memref<632x128xf32, #tpu.memory_space<hbm>>) target_semaphore(%run_scoped3A : memref<!tpu.dma_semaphore, #tpu.memory_space<semaphore_mem>>)
      %dma_wait3A = arith.constant 0 : i32
      %dma_wait3A_24 = arith.constant 0 : i32
      %dma_wait3A_25 = tpu.memref_slice %arg5[%arg0, %dma_wait3A, %dma_wait3A_24] : memref<2x10112x128xf32, #tpu.memory_space<hbm>> -> memref<1x10112x128xf32, #tpu.memory_space<hbm>>
      %dma_wait3A_26 = tpu.memref_squeeze %dma_wait3A_25 : memref<1x10112x128xf32, #tpu.memory_space<hbm>> -> memref<10112x128xf32, #tpu.memory_space<hbm>>
      %dma_wait3A_27 = arith.constant 0 : i32
      %dma_wait3A_28 = tpu.memref_slice %dma_wait3A_26[%mul3A_16, %dma_wait3A_27] : memref<10112x128xf32, #tpu.memory_space<hbm>> -> memref<632x128xf32, #tpu.memory_space<hbm>>
      %dma_wait3A_29 = arith.constant 0 : i32
      %dma_wait3A_30 = tpu.memref_slice %arg9[%mul3A_14, %dma_wait3A_29] : memref<10112x128xf32, #tpu.memory_space<vmem_shared>> -> memref<632x128xf32, #tpu.memory_space<vmem_shared>>
      tpu.wait_dma2 semaphore(%run_scoped3A : memref<!tpu.dma_semaphore, #tpu.memory_space<semaphore_mem>>) src(%dma_wait3A_30 : memref<632x128xf32, #tpu.memory_space<vmem_shared>>) dst(%dma_wait3A_28 : memref<632x128xf32, #tpu.memory_space<hbm>>)
      tpu.yield
    }) : () -> ()
    return
  }
}

#map = affine_map<(d0, d1) -> (0, 0)>
#map1 = affine_map<(d0, d1) -> (0)>
#map2 = affine_map<(d0, d1) -> (0, 0, 0)>
module attributes {stable_mosaic.version = 14 : i64} {
  func.func @body(%arg0: i32, %arg1: i32, %arg2: memref<320000x128xf32, #tpu.memory_space<hbm>>, %arg3: memref<320000xi32, #tpu.memory_space<hbm>>, %arg4: memref<10112x128xf32, #tpu.memory_space<hbm>>, %arg5: memref<2x10112x128xf32, #tpu.memory_space<hbm>>, %arg6: memref<200x128xf32, #tpu.memory_space<vmem>>, %arg7: memref<200xi32, #tpu.memory_space<vmem>>, %arg8: memref<200xi32, #tpu.memory_space<vmem>>, %arg9: memref<10112x128xf32, #tpu.memory_space<vmem_shared>>, %arg10: memref<!tpu.dma_semaphore, #tpu.memory_space<semaphore_mem>>, %arg11: memref<!tpu.dma_semaphore, #tpu.memory_space<semaphore_mem>>, %arg12: memref<!tpu.dma_semaphore, #tpu.memory_space<semaphore_mem>>) attributes {dimension_semantics = [#tpu.dimension_semantics<core_parallel>, #tpu.dimension_semantics<subcore_parallel>], iteration_bounds = array<i64: 2, 16>, scalar_prefetch = 0 : i64, scratch_operands = 7 : i64, tpu.core_type = #tpu.core_type<sc_vector_subcore>, window_params = [{transform_indices = #map}, {transform_indices = #map1}, {transform_indices = #map}, {transform_indices = #map2}]} {
    %mul3A = arith.constant 2 : i32
    %mul3A_0 = arith.muli %arg1, %mul3A : i32
    %add3A = arith.addi %mul3A_0, %arg0 : i32
    %mul3A_1 = arith.constant 632 : i32
    %mul3A_2 = arith.muli %arg1, %mul3A_1 : i32
    %mul3A_3 = arith.constant 632 : i32
    %mul3A_4 = arith.muli %arg1, %mul3A_3 : i32
    "tpu.region"() ({
      %run_scoped3A = tpu.sem_alloc : memref<!tpu.dma_semaphore, #tpu.memory_space<semaphore_mem>>
      %dma_start3A = arith.constant 0 : i32
      %dma_start3A_17 = tpu.memref_slice %arg9[%mul3A_4, %dma_start3A] : memref<10112x128xf32, #tpu.memory_space<vmem_shared>> -> memref<632x128xf32, #tpu.memory_space<vmem_shared>>
      %dma_start3A_18 = arith.constant 0 : i32
      %dma_start3A_19 = tpu.memref_slice %arg4[%mul3A_2, %dma_start3A_18] : memref<10112x128xf32, #tpu.memory_space<hbm>> -> memref<632x128xf32, #tpu.memory_space<hbm>>
      tpu.enqueue_dma source(%dma_start3A_19 : memref<632x128xf32, #tpu.memory_space<hbm>>) target(%dma_start3A_17 : memref<632x128xf32, #tpu.memory_space<vmem_shared>>) target_semaphore(%run_scoped3A : memref<!tpu.dma_semaphore, #tpu.memory_space<semaphore_mem>>)
      %dma_wait3A = arith.constant 0 : i32
      %dma_wait3A_20 = tpu.memref_slice %arg9[%mul3A_4, %dma_wait3A] : memref<10112x128xf32, #tpu.memory_space<vmem_shared>> -> memref<632x128xf32, #tpu.memory_space<vmem_shared>>
      %dma_wait3A_21 = arith.constant 0 : i32
      %dma_wait3A_22 = tpu.memref_slice %arg4[%mul3A_2, %dma_wait3A_21] : memref<10112x128xf32, #tpu.memory_space<hbm>> -> memref<632x128xf32, #tpu.memory_space<hbm>>
      tpu.wait_dma2 semaphore(%run_scoped3A : memref<!tpu.dma_semaphore, #tpu.memory_space<semaphore_mem>>) src(%dma_wait3A_22 : memref<632x128xf32, #tpu.memory_space<hbm>>) dst(%dma_wait3A_20 : memref<632x128xf32, #tpu.memory_space<vmem_shared>>)
      tpu.yield
    }) : () -> ()
    %barrier3A = arith.constant 0 : index
    tpu.barrier barrier_id(%barrier3A)
    %mul3A_5 = arith.constant 10000 : i32
    %mul3A_6 = arith.muli %add3A, %mul3A_5 : i32
    %scan3A = arith.constant 0 : i32
    %scan3A_7 = arith.constant 0 : i32
    %scan3A_8 = arith.constant 25 : i32
    %scan3A_9 = arith.addi %scan3A_7, %scan3A_8 : i32
    %scan3A_10 = arith.constant 1 : i32
    scf.for %scan3A_17 = %scan3A_7 to %scan3A_9 step %scan3A_10  : i32 {
      %mul3A_18 = arith.constant 2 : i32
      %mul3A_19 = arith.muli %mul3A_18, %scan3A_17 : i32
      %mul3A_20 = arith.constant 200 : i32
      %mul3A_21 = arith.muli %mul3A_19, %mul3A_20 : i32
      %add3A_22 = arith.addi %mul3A_6, %mul3A_21 : i32
      %add3A_23 = arith.constant 200 : i32
      %add3A_24 = arith.addi %add3A_22, %add3A_23 : i32
      %dma_start3A = tpu.memref_slice %arg3[%add3A_22] : memref<320000xi32, #tpu.memory_space<hbm>> -> memref<200xi32, #tpu.memory_space<hbm>>
      %dma_start3A_25 = tpu.memref_slice %arg3[%add3A_22] : memref<320000xi32, #tpu.memory_space<hbm>> -> memref<200xi32, #tpu.memory_space<hbm>>
      tpu.enqueue_dma source(%dma_start3A_25 : memref<200xi32, #tpu.memory_space<hbm>>) target(%arg7 : memref<200xi32, #tpu.memory_space<vmem>>) target_semaphore(%arg11 : memref<!tpu.dma_semaphore, #tpu.memory_space<semaphore_mem>>)
      %dma_start3A_26 = tpu.memref_slice %arg3[%add3A_24] : memref<320000xi32, #tpu.memory_space<hbm>> -> memref<200xi32, #tpu.memory_space<hbm>>
      %dma_start3A_27 = tpu.memref_slice %arg3[%add3A_24] : memref<320000xi32, #tpu.memory_space<hbm>> -> memref<200xi32, #tpu.memory_space<hbm>>
      tpu.enqueue_dma source(%dma_start3A_27 : memref<200xi32, #tpu.memory_space<hbm>>) target(%arg8 : memref<200xi32, #tpu.memory_space<vmem>>) target_semaphore(%arg12 : memref<!tpu.dma_semaphore, #tpu.memory_space<semaphore_mem>>)
      %dma_start3A_28 = arith.constant 0 : i32
      %dma_start3A_29 = tpu.memref_slice %arg2[%add3A_22, %dma_start3A_28] : memref<320000x128xf32, #tpu.memory_space<hbm>> -> memref<200x128xf32, #tpu.memory_space<hbm>>
      %dma_start3A_30 = arith.constant 0 : i32
      %dma_start3A_31 = tpu.memref_slice %arg2[%add3A_22, %dma_start3A_30] : memref<320000x128xf32, #tpu.memory_space<hbm>> -> memref<200x128xf32, #tpu.memory_space<hbm>>
      tpu.enqueue_dma source(%dma_start3A_31 : memref<200x128xf32, #tpu.memory_space<hbm>>) target(%arg6 : memref<200x128xf32, #tpu.memory_space<vmem>>) target_semaphore(%arg10 : memref<!tpu.dma_semaphore, #tpu.memory_space<semaphore_mem>>)
      %dma_wait3A = tpu.memref_slice %arg3[%add3A_22] : memref<320000xi32, #tpu.memory_space<hbm>> -> memref<200xi32, #tpu.memory_space<hbm>>
      %dma_wait3A_32 = tpu.memref_slice %arg3[%add3A_22] : memref<320000xi32, #tpu.memory_space<hbm>> -> memref<200xi32, #tpu.memory_space<hbm>>
      tpu.wait_dma2 semaphore(%arg11 : memref<!tpu.dma_semaphore, #tpu.memory_space<semaphore_mem>>) src(%dma_wait3A_32 : memref<200xi32, #tpu.memory_space<hbm>>) dst(%arg7 : memref<200xi32, #tpu.memory_space<vmem>>)
      %dma_wait3A_33 = arith.constant 0 : i32
      %dma_wait3A_34 = tpu.memref_slice %arg2[%add3A_22, %dma_wait3A_33] : memref<320000x128xf32, #tpu.memory_space<hbm>> -> memref<200x128xf32, #tpu.memory_space<hbm>>
      %dma_wait3A_35 = arith.constant 0 : i32
      %dma_wait3A_36 = tpu.memref_slice %arg2[%add3A_22, %dma_wait3A_35] : memref<320000x128xf32, #tpu.memory_space<hbm>> -> memref<200x128xf32, #tpu.memory_space<hbm>>
      tpu.wait_dma2 semaphore(%arg10 : memref<!tpu.dma_semaphore, #tpu.memory_space<semaphore_mem>>) src(%dma_wait3A_36 : memref<200x128xf32, #tpu.memory_space<hbm>>) dst(%arg6 : memref<200x128xf32, #tpu.memory_space<vmem>>)
      "tpu.region"() ({
        %run_scoped3A = tpu.sem_alloc : memref<!tpu.dma_semaphore, #tpu.memory_space<semaphore_mem>>
        %dma_start3A_47 = arith.constant 0 : i32
        %dma_start3A_48 = arith.constant 0 : i32
        %dma_start3A_49 = tpu.memref_slice %arg9[%dma_start3A_47, %dma_start3A_48] : memref<10112x128xf32, #tpu.memory_space<vmem_shared>> -> memref<10112x128xf32, #tpu.memory_space<vmem_shared>>
        tpu.enqueue_indirect_dma source(%arg6 : memref<200x128xf32, #tpu.memory_space<vmem>>) target(%dma_start3A_49 : memref<10112x128xf32, #tpu.memory_space<vmem_shared>>) offsets(%arg7 : memref<200xi32, #tpu.memory_space<vmem>>) semaphore(%run_scoped3A : memref<!tpu.dma_semaphore, #tpu.memory_space<semaphore_mem>>) {add = true}
        %dma_wait3A_50 = arith.constant 0 : i32
        %dma_wait3A_51 = arith.constant 0 : i32
        %dma_wait3A_52 = tpu.memref_slice %arg9[%dma_wait3A_50, %dma_wait3A_51] : memref<10112x128xf32, #tpu.memory_space<vmem_shared>> -> memref<10112x128xf32, #tpu.memory_space<vmem_shared>>
        tpu.wait_indirect_dma semaphore(%run_scoped3A : memref<!tpu.dma_semaphore, #tpu.memory_space<semaphore_mem>>) src(%arg6 : memref<200x128xf32, #tpu.memory_space<vmem>>) dst(%dma_wait3A_52 : memref<10112x128xf32, #tpu.memory_space<vmem_shared>>)
        tpu.yield
      }) : () -> ()
      %dma_start3A_37 = arith.constant 0 : i32
      %dma_start3A_38 = tpu.memref_slice %arg2[%add3A_24, %dma_start3A_37] : memref<320000x128xf32, #tpu.memory_space<hbm>> -> memref<200x128xf32, #tpu.memory_space<hbm>>
      %dma_start3A_39 = arith.constant 0 : i32
      %dma_start3A_40 = tpu.memref_slice %arg2[%add3A_24, %dma_start3A_39] : memref<320000x128xf32, #tpu.memory_space<hbm>> -> memref<200x128xf32, #tpu.memory_space<hbm>>
      tpu.enqueue_dma source(%dma_start3A_40 : memref<200x128xf32, #tpu.memory_space<hbm>>) target(%arg6 : memref<200x128xf32, #tpu.memory_space<vmem>>) target_semaphore(%arg10 : memref<!tpu.dma_semaphore, #tpu.memory_space<semaphore_mem>>)
      %dma_wait3A_41 = tpu.memref_slice %arg3[%add3A_24] : memref<320000xi32, #tpu.memory_space<hbm>> -> memref<200xi32, #tpu.memory_space<hbm>>
      %dma_wait3A_42 = tpu.memref_slice %arg3[%add3A_24] : memref<320000xi32, #tpu.memory_space<hbm>> -> memref<200xi32, #tpu.memory_space<hbm>>
      tpu.wait_dma2 semaphore(%arg12 : memref<!tpu.dma_semaphore, #tpu.memory_space<semaphore_mem>>) src(%dma_wait3A_42 : memref<200xi32, #tpu.memory_space<hbm>>) dst(%arg8 : memref<200xi32, #tpu.memory_space<vmem>>)
      %dma_wait3A_43 = arith.constant 0 : i32
      %dma_wait3A_44 = tpu.memref_slice %arg2[%add3A_24, %dma_wait3A_43] : memref<320000x128xf32, #tpu.memory_space<hbm>> -> memref<200x128xf32, #tpu.memory_space<hbm>>
      %dma_wait3A_45 = arith.constant 0 : i32
      %dma_wait3A_46 = tpu.memref_slice %arg2[%add3A_24, %dma_wait3A_45] : memref<320000x128xf32, #tpu.memory_space<hbm>> -> memref<200x128xf32, #tpu.memory_space<hbm>>
      tpu.wait_dma2 semaphore(%arg10 : memref<!tpu.dma_semaphore, #tpu.memory_space<semaphore_mem>>) src(%dma_wait3A_46 : memref<200x128xf32, #tpu.memory_space<hbm>>) dst(%arg6 : memref<200x128xf32, #tpu.memory_space<vmem>>)
      "tpu.region"() ({
        %run_scoped3A = tpu.sem_alloc : memref<!tpu.dma_semaphore, #tpu.memory_space<semaphore_mem>>
        %dma_start3A_47 = arith.constant 0 : i32
        %dma_start3A_48 = arith.constant 0 : i32
        %dma_start3A_49 = tpu.memref_slice %arg9[%dma_start3A_47, %dma_start3A_48] : memref<10112x128xf32, #tpu.memory_space<vmem_shared>> -> memref<10112x128xf32, #tpu.memory_space<vmem_shared>>
        tpu.enqueue_indirect_dma source(%arg6 : memref<200x128xf32, #tpu.memory_space<vmem>>) target(%dma_start3A_49 : memref<10112x128xf32, #tpu.memory_space<vmem_shared>>) offsets(%arg8 : memref<200xi32, #tpu.memory_space<vmem>>) semaphore(%run_scoped3A : memref<!tpu.dma_semaphore, #tpu.memory_space<semaphore_mem>>) {add = true}
        %dma_wait3A_50 = arith.constant 0 : i32
        %dma_wait3A_51 = arith.constant 0 : i32
        %dma_wait3A_52 = tpu.memref_slice %arg9[%dma_wait3A_50, %dma_wait3A_51] : memref<10112x128xf32, #tpu.memory_space<vmem_shared>> -> memref<10112x128xf32, #tpu.memory_space<vmem_shared>>
        tpu.wait_indirect_dma semaphore(%run_scoped3A : memref<!tpu.dma_semaphore, #tpu.memory_space<semaphore_mem>>) src(%arg6 : memref<200x128xf32, #tpu.memory_space<vmem>>) dst(%dma_wait3A_52 : memref<10112x128xf32, #tpu.memory_space<vmem_shared>>)
        tpu.yield
      }) : () -> ()
    }
    %scan3A_11 = arith.constant 25 : i32
    %barrier3A_12 = arith.constant 0 : index
    tpu.barrier barrier_id(%barrier3A_12)
    %mul3A_13 = arith.constant 632 : i32
    %mul3A_14 = arith.muli %arg1, %mul3A_13 : i32
    %mul3A_15 = arith.constant 632 : i32
    %mul3A_16 = arith.muli %arg1, %mul3A_15 : i32
    "tpu.region"() ({
      %run_scoped3A = tpu.sem_alloc : memref<!tpu.dma_semaphore, #tpu.memory_space<semaphore_mem>>
      %dma_start3A = arith.constant 0 : i32
      %dma_start3A_17 = arith.constant 0 : i32
      %dma_start3A_18 = tpu.memref_slice %arg5[%arg0, %dma_start3A, %dma_start3A_17] : memref<2x10112x128xf32, #tpu.memory_space<hbm>> -> memref<1x10112x128xf32, #tpu.memory_space<hbm>>
      %dma_start3A_19 = tpu.memref_squeeze %dma_start3A_18 : memref<1x10112x128xf32, #tpu.memory_space<hbm>> -> memref<10112x128xf32, #tpu.memory_space<hbm>>
      %dma_start3A_20 = arith.constant 0 : i32
      %dma_start3A_21 = tpu.memref_slice %dma_start3A_19[%mul3A_16, %dma_start3A_20] : memref<10112x128xf32, #tpu.memory_space<hbm>> -> memref<632x128xf32, #tpu.memory_space<hbm>>
      %dma_start3A_22 = arith.constant 0 : i32
      %dma_start3A_23 = tpu.memref_slice %arg9[%mul3A_14, %dma_start3A_22] : memref<10112x128xf32, #tpu.memory_space<vmem_shared>> -> memref<632x128xf32, #tpu.memory_space<vmem_shared>>
      tpu.enqueue_dma source(%dma_start3A_23 : memref<632x128xf32, #tpu.memory_space<vmem_shared>>) target(%dma_start3A_21 : memref<632x128xf32, #tpu.memory_space<hbm>>) target_semaphore(%run_scoped3A : memref<!tpu.dma_semaphore, #tpu.memory_space<semaphore_mem>>)
      %dma_wait3A = arith.constant 0 : i32
      %dma_wait3A_24 = arith.constant 0 : i32
      %dma_wait3A_25 = tpu.memref_slice %arg5[%arg0, %dma_wait3A, %dma_wait3A_24] : memref<2x10112x128xf32, #tpu.memory_space<hbm>> -> memref<1x10112x128xf32, #tpu.memory_space<hbm>>
      %dma_wait3A_26 = tpu.memref_squeeze %dma_wait3A_25 : memref<1x10112x128xf32, #tpu.memory_space<hbm>> -> memref<10112x128xf32, #tpu.memory_space<hbm>>
      %dma_wait3A_27 = arith.constant 0 : i32
      %dma_wait3A_28 = tpu.memref_slice %dma_wait3A_26[%mul3A_16, %dma_wait3A_27] : memref<10112x128xf32, #tpu.memory_space<hbm>> -> memref<632x128xf32, #tpu.memory_space<hbm>>
      %dma_wait3A_29 = arith.constant 0 : i32
      %dma_wait3A_30 = tpu.memref_slice %arg9[%mul3A_14, %dma_wait3A_29] : memref<10112x128xf32, #tpu.memory_space<vmem_shared>> -> memref<632x128xf32, #tpu.memory_space<vmem_shared>>
      tpu.wait_dma2 semaphore(%run_scoped3A : memref<!tpu.dma_semaphore, #tpu.memory_space<semaphore_mem>>) src(%dma_wait3A_30 : memref<632x128xf32, #tpu.memory_space<vmem_shared>>) dst(%dma_wait3A_28 : memref<632x128xf32, #tpu.memory_space<hbm>>)
      tpu.yield
    }) : () -> ()
    return
  }
}

module attributes {stable_mosaic.version = 14 : i64} {
  func.func @_k_node_enc(%arg0: i32, %arg1: memref<1000x128xf32, #tpu.memory_space<vmem>>, %arg2: memref<128x128xf32, #tpu.memory_space<vmem>>, %arg3: memref<1x128xf32, #tpu.memory_space<vmem>>, %arg4: memref<1000x1xf32, #tpu.memory_space<vmem>>, %arg5: memref<1000x128xf32, #tpu.memory_space<vmem>>, %arg6: memref<1x1x128xf32, #tpu.memory_space<vmem>>) attributes {dimension_semantics = [#tpu.dimension_semantics<arbitrary>], iteration_bounds = array<i64: 10>, scalar_prefetch = 0 : i64, scratch_operands = 0 : i64, tpu.core_type = #tpu.core_type<tc>, window_params = [{transform_indices = @transform_0, window_bounds = array<i64: 1000, 128>}, {pipeline_mode = #tpu.pipeline_mode<synchronous>, transform_indices = @transform_1, window_bounds = array<i64: 128, 128>}, {pipeline_mode = #tpu.pipeline_mode<synchronous>, transform_indices = @transform_2, window_bounds = array<i64: 1, 128>}, {transform_indices = @transform_3, window_bounds = array<i64: 1000, 1>}, {transform_indices = @transform_4, window_bounds = array<i64: 1000, 128>}, {transform_indices = @transform_5, window_bounds = array<i64: 1, 1, 128>}]} {
    %get3A = arith.constant 0 : index
    %get3A_0 = arith.constant 0 : index
    %get3A_1 = vector.load %arg1[%get3A, %get3A_0] : memref<1000x128xf32, #tpu.memory_space<vmem>>, vector<1000x128xf32>
    %get3A_2 = arith.constant 0 : index
    %get3A_3 = arith.constant 0 : index
    %get3A_4 = vector.load %arg2[%get3A_2, %get3A_3] : memref<128x128xf32, #tpu.memory_space<vmem>>, vector<128x128xf32>
    %dot_general3A = arith.constant dense<0.000000e+00> : vector<1000x128xf32>
    %dot_general3A_5 = tpu.matmul %get3A_1, %get3A_4, %dot_general3A {dimension_numbers = #tpu.dot_dimension_numbers<[1], [0], [0], [1], [0, 0, 1, 1], [], []>, transpose_lhs_hint = false} : vector<1000x128xf32>, vector<128x128xf32>, vector<1000x128xf32> -> vector<1000x128xf32>
    %get3A_6 = arith.constant 0 : index
    %get3A_7 = arith.constant 0 : index
    %get3A_8 = vector.load %arg3[%get3A_6, %get3A_7] : memref<1x128xf32, #tpu.memory_space<vmem>>, vector<1x128xf32>
    %add3A = vector.broadcast %get3A_8 : vector<1x128xf32> to vector<1000x128xf32>
    %add3A_9 = arith.addf %dot_general3A_5, %add3A : vector<1000x128xf32>
    %reduce_sum3A = arith.constant dense<0.000000e+00> : vector<1000xf32>
    %reduce_sum3A_10 = vector.multi_reduction <add>, %add3A_9, %reduce_sum3A [1] : vector<1000x128xf32> to vector<1000xf32>
    %broadcast_in_dim3A = vector.shape_cast %reduce_sum3A_10 : vector<1000xf32> to vector<1000x1xf32>
    %div3A = arith.constant 1.280000e+02 : f32
    %div3A_11 = vector.broadcast %div3A : f32 to vector<1000x1xf32>
    %div3A_12 = arith.divf %broadcast_in_dim3A, %div3A_11 : vector<1000x1xf32>
    %sub3A = vector.broadcast %div3A_12 : vector<1000x1xf32> to vector<1000x128xf32>
    %sub3A_13 = arith.subf %add3A_9, %sub3A : vector<1000x128xf32>
    %integer_pow3A = arith.mulf %sub3A_13, %sub3A_13 : vector<1000x128xf32>
    %reduce_sum3A_14 = arith.constant dense<0.000000e+00> : vector<1000xf32>
    %reduce_sum3A_15 = vector.multi_reduction <add>, %integer_pow3A, %reduce_sum3A_14 [1] : vector<1000x128xf32> to vector<1000xf32>
    %broadcast_in_dim3A_16 = vector.shape_cast %reduce_sum3A_15 : vector<1000xf32> to vector<1000x1xf32>
    %div3A_17 = arith.constant 1.280000e+02 : f32
    %div3A_18 = vector.broadcast %div3A_17 : f32 to vector<1000x1xf32>
    %div3A_19 = arith.divf %broadcast_in_dim3A_16, %div3A_18 : vector<1000x1xf32>
    %sub3A_20 = vector.broadcast %div3A_12 : vector<1000x1xf32> to vector<1000x128xf32>
    %sub3A_21 = arith.subf %add3A_9, %sub3A_20 : vector<1000x128xf32>
    %add3A_22 = arith.constant 9.99999974E-6 : f32
    %add3A_23 = vector.broadcast %add3A_22 : f32 to vector<1000x1xf32>
    %add3A_24 = arith.addf %div3A_19, %add3A_23 : vector<1000x1xf32>
    %rsqrt3A = math.rsqrt %add3A_24 : vector<1000x1xf32>
    %mul3A = vector.broadcast %rsqrt3A : vector<1000x1xf32> to vector<1000x128xf32>
    %mul3A_25 = arith.mulf %sub3A_21, %mul3A : vector<1000x128xf32>
    %swap3A = arith.constant 0 : index
    %swap3A_26 = arith.constant 0 : index
    %swap3A_27 = vector.load %arg5[%swap3A, %swap3A_26] : memref<1000x128xf32, #tpu.memory_space<vmem>>, vector<1000x128xf32>
    tpu.vector_store %arg5[%swap3A, %swap3A_26], %mul3A_25 {strides = array<i32>} : memref<1000x128xf32, #tpu.memory_space<vmem>>, vector<1000x128xf32>,
    %get3A_28 = arith.constant 0 : index
    %get3A_29 = arith.constant 0 : index
    %get3A_30 = vector.load %arg4[%get3A_28, %get3A_29] : memref<1000x1xf32, #tpu.memory_space<vmem>>, vector<1000x1xf32>
    %get3A_31 = vector.shape_cast %get3A_30 : vector<1000x1xf32> to vector<1000xf32>
    %add3A_32 = arith.constant 9.99999997E-7 : f32
    %add3A_33 = vector.broadcast %add3A_32 : f32 to vector<1000xf32>
    %add3A_34 = arith.addf %get3A_31, %add3A_33 : vector<1000xf32>
    %div3A_35 = arith.constant 1.000000e+00 : f32
    %div3A_36 = vector.broadcast %div3A_35 : f32 to vector<1000xf32>
    %div3A_37 = arith.divf %div3A_36, %add3A_34 : vector<1000xf32>
    %neg3A = arith.constant 0.000000e+00 : f32
    %neg3A_38 = vector.broadcast %neg3A : f32 to vector<1000xf32>
    %neg3A_39 = arith.subf %neg3A_38, %div3A_37 : vector<1000xf32>
    %add3A_40 = arith.constant 9.99999997E-7 : f32
    %add3A_41 = vector.broadcast %add3A_40 : f32 to vector<1000xf32>
    %add3A_42 = arith.addf %div3A_37, %add3A_41 : vector<1000xf32>
    %log3A = math.log %add3A_42 : vector<1000xf32>
    %mul3A_43 = arith.mulf %neg3A_39, %log3A : vector<1000xf32>
    %mul3A_44 = arith.mulf %get3A_31, %mul3A_43 : vector<1000xf32>
    %reduce_sum3A_45 = vector.shape_cast %mul3A_44 : vector<1000xf32> to vector<1x1000xf32>
    %reduce_sum3A_46 = arith.constant dense<0.000000e+00> : vector<1xf32>
    %reduce_sum3A_47 = vector.multi_reduction <add>, %reduce_sum3A_45, %reduce_sum3A_46 [1] : vector<1x1000xf32> to vector<1xf32>
    %reduce_sum3A_48 = vector.shape_cast %reduce_sum3A_47 : vector<1xf32> to vector<1x1xf32>
    %reduce_sum3A_49 = vector.extract %reduce_sum3A_48[0, 0] : f32 from vector<1x1xf32>
    %broadcast_in_dim3A_50 = vector.broadcast %reduce_sum3A_49 : f32 to vector<128xf32>
    %swap3A_51 = arith.constant 0 : index
    %swap3A_52 = arith.constant 0 : index
    %swap3A_53 = arith.constant 0 : index
    %swap3A_54 = vector.load %arg6[%swap3A_51, %swap3A_52, %swap3A_53] : memref<1x1x128xf32, #tpu.memory_space<vmem>>, vector<1x1x128xf32>
    %swap3A_55 = vector.shape_cast %swap3A_54 : vector<1x1x128xf32> to vector<128xf32>
    %swap3A_56 = vector.shape_cast %broadcast_in_dim3A_50 : vector<128xf32> to vector<1x1x128xf32>
    tpu.vector_store %arg6[%swap3A_51, %swap3A_52, %swap3A_53], %swap3A_56 {strides = array<i32>} : memref<1x1x128xf32, #tpu.memory_space<vmem>>, vector<1x1x128xf32>,
    return
  }
  func.func @transform_0(%arg0: i32) -> (i32, i32) {
    %c0_i32 = arith.constant 0 : i32
    %c0_i32_0 = arith.constant 0 : i32
    return %arg0, %c0_i32 : i32, i32
  }
  func.func @transform_1(%arg0: i32) -> (i32, i32) {
    %c0_i32 = arith.constant 0 : i32
    %c0_i32_0 = arith.constant 0 : i32
    %c0_i32_1 = arith.constant 0 : i32
    return %c0_i32, %c0_i32_0 : i32, i32
  }
  func.func @transform_2(%arg0: i32) -> (i32, i32) {
    %c0_i32 = arith.constant 0 : i32
    %c0_i32_0 = arith.constant 0 : i32
    %c0_i32_1 = arith.constant 0 : i32
    return %c0_i32, %c0_i32_0 : i32, i32
  }
  func.func @transform_3(%arg0: i32) -> (i32, i32) {
    %c0_i32 = arith.constant 0 : i32
    %c0_i32_0 = arith.constant 0 : i32
    return %arg0, %c0_i32 : i32, i32
  }
  func.func @transform_4(%arg0: i32) -> (i32, i32) {
    %c0_i32 = arith.constant 0 : i32
    %c0_i32_0 = arith.constant 0 : i32
    return %arg0, %c0_i32 : i32, i32
  }
  func.func @transform_5(%arg0: i32) -> (i32, i32, i32) {
    %c0_i32 = arith.constant 0 : i32
    %c0_i32_0 = arith.constant 0 : i32
    %c0_i32_1 = arith.constant 0 : i32
    return %arg0, %c0_i32, %c0_i32_0 : i32, i32, i32
  }
}

module attributes {stable_mosaic.version = 14 : i64} {
  func.func @_k_edge_enc(%arg0: i32, %arg1: memref<2000x16xf32, #tpu.memory_space<vmem>>, %arg2: memref<16x128xf32, #tpu.memory_space<vmem>>, %arg3: memref<1x128xf32, #tpu.memory_space<vmem>>, %arg4: memref<2000x128xf32, #tpu.memory_space<vmem>>) attributes {dimension_semantics = [#tpu.dimension_semantics<arbitrary>], iteration_bounds = array<i64: 160>, scalar_prefetch = 0 : i64, scratch_operands = 0 : i64, tpu.core_type = #tpu.core_type<tc>, window_params = [{transform_indices = @transform_0, window_bounds = array<i64: 2000, 16>}, {pipeline_mode = #tpu.pipeline_mode<synchronous>, transform_indices = @transform_1, window_bounds = array<i64: 16, 128>}, {pipeline_mode = #tpu.pipeline_mode<synchronous>, transform_indices = @transform_2, window_bounds = array<i64: 1, 128>}, {transform_indices = @transform_3, window_bounds = array<i64: 2000, 128>}]} {
    %get3A = arith.constant 0 : index
    %get3A_0 = arith.constant 0 : index
    %get3A_1 = vector.load %arg1[%get3A, %get3A_0] : memref<2000x16xf32, #tpu.memory_space<vmem>>, vector<2000x16xf32>
    %get3A_2 = arith.constant 0 : index
    %get3A_3 = arith.constant 0 : index
    %get3A_4 = vector.load %arg2[%get3A_2, %get3A_3] : memref<16x128xf32, #tpu.memory_space<vmem>>, vector<16x128xf32>
    %dot_general3A = arith.constant dense<0.000000e+00> : vector<2000x128xf32>
    %dot_general3A_5 = tpu.matmul %get3A_1, %get3A_4, %dot_general3A {dimension_numbers = #tpu.dot_dimension_numbers<[1], [0], [0], [1], [0, 0, 1, 1], [], []>, transpose_lhs_hint = false} : vector<2000x16xf32>, vector<16x128xf32>, vector<2000x128xf32> -> vector<2000x128xf32>
    %get3A_6 = arith.constant 0 : index
    %get3A_7 = arith.constant 0 : index
    %get3A_8 = vector.load %arg3[%get3A_6, %get3A_7] : memref<1x128xf32, #tpu.memory_space<vmem>>, vector<1x128xf32>
    %add3A = vector.broadcast %get3A_8 : vector<1x128xf32> to vector<2000x128xf32>
    %add3A_9 = arith.addf %dot_general3A_5, %add3A : vector<2000x128xf32>
    %reduce_sum3A = arith.constant dense<0.000000e+00> : vector<2000xf32>
    %reduce_sum3A_10 = vector.multi_reduction <add>, %add3A_9, %reduce_sum3A [1] : vector<2000x128xf32> to vector<2000xf32>
    %broadcast_in_dim3A = vector.shape_cast %reduce_sum3A_10 : vector<2000xf32> to vector<2000x1xf32>
    %div3A = arith.constant 1.280000e+02 : f32
    %div3A_11 = vector.broadcast %div3A : f32 to vector<2000x1xf32>
    %div3A_12 = arith.divf %broadcast_in_dim3A, %div3A_11 : vector<2000x1xf32>
    %sub3A = vector.broadcast %div3A_12 : vector<2000x1xf32> to vector<2000x128xf32>
    %sub3A_13 = arith.subf %add3A_9, %sub3A : vector<2000x128xf32>
    %integer_pow3A = arith.mulf %sub3A_13, %sub3A_13 : vector<2000x128xf32>
    %reduce_sum3A_14 = arith.constant dense<0.000000e+00> : vector<2000xf32>
    %reduce_sum3A_15 = vector.multi_reduction <add>, %integer_pow3A, %reduce_sum3A_14 [1] : vector<2000x128xf32> to vector<2000xf32>
    %broadcast_in_dim3A_16 = vector.shape_cast %reduce_sum3A_15 : vector<2000xf32> to vector<2000x1xf32>
    %div3A_17 = arith.constant 1.280000e+02 : f32
    %div3A_18 = vector.broadcast %div3A_17 : f32 to vector<2000x1xf32>
    %div3A_19 = arith.divf %broadcast_in_dim3A_16, %div3A_18 : vector<2000x1xf32>
    %sub3A_20 = vector.broadcast %div3A_12 : vector<2000x1xf32> to vector<2000x128xf32>
    %sub3A_21 = arith.subf %add3A_9, %sub3A_20 : vector<2000x128xf32>
    %add3A_22 = arith.constant 9.99999974E-6 : f32
    %add3A_23 = vector.broadcast %add3A_22 : f32 to vector<2000x1xf32>
    %add3A_24 = arith.addf %div3A_19, %add3A_23 : vector<2000x1xf32>
    %rsqrt3A = math.rsqrt %add3A_24 : vector<2000x1xf32>
    %mul3A = vector.broadcast %rsqrt3A : vector<2000x1xf32> to vector<2000x128xf32>
    %mul3A_25 = arith.mulf %sub3A_21, %mul3A : vector<2000x128xf32>
    %swap3A = arith.constant 0 : index
    %swap3A_26 = arith.constant 0 : index
    %swap3A_27 = vector.load %arg4[%swap3A, %swap3A_26] : memref<2000x128xf32, #tpu.memory_space<vmem>>, vector<2000x128xf32>
    tpu.vector_store %arg4[%swap3A, %swap3A_26], %mul3A_25 {strides = array<i32>} : memref<2000x128xf32, #tpu.memory_space<vmem>>, vector<2000x128xf32>,
    return
  }
  func.func @transform_0(%arg0: i32) -> (i32, i32) {
    %c0_i32 = arith.constant 0 : i32
    %c0_i32_0 = arith.constant 0 : i32
    return %arg0, %c0_i32 : i32, i32
  }
  func.func @transform_1(%arg0: i32) -> (i32, i32) {
    %c0_i32 = arith.constant 0 : i32
    %c0_i32_0 = arith.constant 0 : i32
    %c0_i32_1 = arith.constant 0 : i32
    return %c0_i32, %c0_i32_0 : i32, i32
  }
  func.func @transform_2(%arg0: i32) -> (i32, i32) {
    %c0_i32 = arith.constant 0 : i32
    %c0_i32_0 = arith.constant 0 : i32
    %c0_i32_1 = arith.constant 0 : i32
    return %c0_i32, %c0_i32_0 : i32, i32
  }
  func.func @transform_3(%arg0: i32) -> (i32, i32) {
    %c0_i32 = arith.constant 0 : i32
    %c0_i32_0 = arith.constant 0 : i32
    return %arg0, %c0_i32 : i32, i32
  }
}

module attributes {stable_mosaic.version = 14 : i64} {
  func.func @_k_edge_score(%arg0: i32, %arg1: memref<2000x128xf32, #tpu.memory_space<vmem>>, %arg2: memref<2000x128xf32, #tpu.memory_space<vmem>>, %arg3: memref<2000x128xf32, #tpu.memory_space<vmem>>, %arg4: memref<128x128xf32, #tpu.memory_space<vmem>>, %arg5: memref<128x128xf32, #tpu.memory_space<vmem>>, %arg6: memref<128x128xf32, #tpu.memory_space<vmem>>, %arg7: memref<128x128xf32, #tpu.memory_space<vmem>>, %arg8: memref<128x8xf32, #tpu.memory_space<vmem>>, %arg9: memref<8x128xf32, #tpu.memory_space<vmem>>, %arg10: memref<2000x128xf32, #tpu.memory_space<vmem>>, %arg11: memref<2000x8xf32, #tpu.memory_space<vmem>>, %arg12: memref<1x1x128xf32, #tpu.memory_space<vmem>>) attributes {dimension_semantics = [#tpu.dimension_semantics<arbitrary>], iteration_bounds = array<i64: 160>, scalar_prefetch = 0 : i64, scratch_operands = 0 : i64, tpu.core_type = #tpu.core_type<tc>, window_params = [{transform_indices = @transform_0, window_bounds = array<i64: 2000, 128>}, {transform_indices = @transform_1, window_bounds = array<i64: 2000, 128>}, {transform_indices = @transform_2, window_bounds = array<i64: 2000, 128>}, {pipeline_mode = #tpu.pipeline_mode<synchronous>, transform_indices = @transform_3, window_bounds = array<i64: 128, 128>}, {pipeline_mode = #tpu.pipeline_mode<synchronous>, transform_indices = @transform_4, window_bounds = array<i64: 128, 128>}, {pipeline_mode = #tpu.pipeline_mode<synchronous>, transform_indices = @transform_5, window_bounds = array<i64: 128, 128>}, {pipeline_mode = #tpu.pipeline_mode<synchronous>, transform_indices = @transform_6, window_bounds = array<i64: 128, 128>}, {pipeline_mode = #tpu.pipeline_mode<synchronous>, transform_indices = @transform_7, window_bounds = array<i64: 128, 8>}, {pipeline_mode = #tpu.pipeline_mode<synchronous>, transform_indices = @transform_8, window_bounds = array<i64: 8, 128>}, {transform_indices = @transform_9, window_bounds = array<i64: 2000, 128>}, {transform_indices = @transform_10, window_bounds = array<i64: 2000, 8>}, {transform_indices = @transform_11, window_bounds = array<i64: 1, 1, 128>}]} {
    %get3A = arith.constant 0 : index
    %get3A_0 = arith.constant 0 : index
    %get3A_1 = vector.load %arg1[%get3A, %get3A_0] : memref<2000x128xf32, #tpu.memory_space<vmem>>, vector<2000x128xf32>
    %get3A_2 = arith.constant 0 : index
    %get3A_3 = arith.constant 0 : index
    %get3A_4 = vector.load %arg4[%get3A_2, %get3A_3] : memref<128x128xf32, #tpu.memory_space<vmem>>, vector<128x128xf32>
    %dot_general3A = arith.constant dense<0.000000e+00> : vector<2000x128xf32>
    %dot_general3A_5 = tpu.matmul %get3A_1, %get3A_4, %dot_general3A {dimension_numbers = #tpu.dot_dimension_numbers<[1], [0], [0], [1], [0, 0, 1, 1], [], []>, transpose_lhs_hint = false} : vector<2000x128xf32>, vector<128x128xf32>, vector<2000x128xf32> -> vector<2000x128xf32>
    %get3A_6 = arith.constant 0 : index
    %get3A_7 = arith.constant 0 : index
    %get3A_8 = vector.load %arg2[%get3A_6, %get3A_7] : memref<2000x128xf32, #tpu.memory_space<vmem>>, vector<2000x128xf32>
    %get3A_9 = arith.constant 0 : index
    %get3A_10 = arith.constant 0 : index
    %get3A_11 = vector.load %arg3[%get3A_9, %get3A_10] : memref<2000x128xf32, #tpu.memory_space<vmem>>, vector<2000x128xf32>
    %get3A_12 = arith.constant 0 : index
    %get3A_13 = arith.constant 0 : index
    %get3A_14 = vector.load %arg5[%get3A_12, %get3A_13] : memref<128x128xf32, #tpu.memory_space<vmem>>, vector<128x128xf32>
    %dot_general3A_15 = arith.constant dense<0.000000e+00> : vector<2000x128xf32>
    %dot_general3A_16 = tpu.matmul %get3A_11, %get3A_14, %dot_general3A_15 {dimension_numbers = #tpu.dot_dimension_numbers<[1], [0], [0], [1], [0, 0, 1, 1], [], []>, transpose_lhs_hint = false} : vector<2000x128xf32>, vector<128x128xf32>, vector<2000x128xf32> -> vector<2000x128xf32>
    %get3A_17 = arith.constant 0 : index
    %get3A_18 = arith.constant 0 : index
    %get3A_19 = vector.load %arg6[%get3A_17, %get3A_18] : memref<128x128xf32, #tpu.memory_space<vmem>>, vector<128x128xf32>
    %dot_general3A_20 = arith.constant dense<0.000000e+00> : vector<2000x128xf32>
    %dot_general3A_21 = tpu.matmul %get3A_8, %get3A_19, %dot_general3A_20 {dimension_numbers = #tpu.dot_dimension_numbers<[1], [0], [0], [1], [0, 0, 1, 1], [], []>, transpose_lhs_hint = false} : vector<2000x128xf32>, vector<128x128xf32>, vector<2000x128xf32> -> vector<2000x128xf32>
    %add3A = arith.addf %dot_general3A_21, %dot_general3A_5 : vector<2000x128xf32>
    %get3A_22 = arith.constant 0 : index
    %get3A_23 = arith.constant 0 : index
    %get3A_24 = vector.load %arg7[%get3A_22, %get3A_23] : memref<128x128xf32, #tpu.memory_space<vmem>>, vector<128x128xf32>
    %dot_general3A_25 = arith.constant dense<0.000000e+00> : vector<2000x128xf32>
    %dot_general3A_26 = tpu.matmul %get3A_8, %get3A_24, %dot_general3A_25 {dimension_numbers = #tpu.dot_dimension_numbers<[1], [0], [0], [1], [0, 0, 1, 1], [], []>, transpose_lhs_hint = false} : vector<2000x128xf32>, vector<128x128xf32>, vector<2000x128xf32> -> vector<2000x128xf32>
    %add3A_27 = arith.addf %dot_general3A_26, %dot_general3A_5 : vector<2000x128xf32>
    %mul3A = arith.mulf %dot_general3A_16, %add3A : vector<2000x128xf32>
    %get3A_28 = arith.constant 0 : index
    %get3A_29 = arith.constant 0 : index
    %get3A_30 = vector.load %arg8[%get3A_28, %get3A_29] : memref<128x8xf32, #tpu.memory_space<vmem>>, vector<128x8xf32>
    %dot_general3A_31 = arith.constant dense<0.000000e+00> : vector<2000x8xf32>
    %dot_general3A_32 = tpu.matmul %mul3A, %get3A_30, %dot_general3A_31 {dimension_numbers = #tpu.dot_dimension_numbers<[1], [0], [0], [1], [0, 0, 1, 1], [], []>, transpose_lhs_hint = false} : vector<2000x128xf32>, vector<128x8xf32>, vector<2000x8xf32> -> vector<2000x8xf32>
    %mul3A_33 = arith.constant 2.500000e-01 : f32
    %mul3A_34 = vector.broadcast %mul3A_33 : f32 to vector<2000x8xf32>
    %mul3A_35 = arith.mulf %dot_general3A_32, %mul3A_34 : vector<2000x8xf32>
    %swap3A = arith.constant 0 : index
    %swap3A_36 = arith.constant 0 : index
    %swap3A_37 = vector.load %arg10[%swap3A, %swap3A_36] : memref<2000x128xf32, #tpu.memory_space<vmem>>, vector<2000x128xf32>
    tpu.vector_store %arg10[%swap3A, %swap3A_36], %add3A_27 {strides = array<i32>} : memref<2000x128xf32, #tpu.memory_space<vmem>>, vector<2000x128xf32>,
    %swap3A_38 = arith.constant 0 : index
    %swap3A_39 = arith.constant 0 : index
    %swap3A_40 = vector.load %arg11[%swap3A_38, %swap3A_39] : memref<2000x8xf32, #tpu.memory_space<vmem>>, vector<2000x8xf32>
    tpu.vector_store %arg11[%swap3A_38, %swap3A_39], %mul3A_35 {strides = array<i32>} : memref<2000x8xf32, #tpu.memory_space<vmem>>, vector<2000x8xf32>,
    %reduce_max3A = arith.constant dense<0xFF800000> : vector<8xf32>
    %reduce_max3A_41 = vector.multi_reduction <maximumf>, %mul3A_35, %reduce_max3A [0] : vector<2000x8xf32> to vector<8xf32>
    %broadcast_in_dim3A = vector.shape_cast %reduce_max3A_41 : vector<8xf32> to vector<1x8xf32>
    %get3A_42 = arith.constant 0 : index
    %get3A_43 = arith.constant 0 : index
    %get3A_44 = vector.load %arg9[%get3A_42, %get3A_43] : memref<8x128xf32, #tpu.memory_space<vmem>>, vector<8x128xf32>
    %dot_general3A_45 = arith.constant dense<0.000000e+00> : vector<1x128xf32>
    %dot_general3A_46 = tpu.matmul %broadcast_in_dim3A, %get3A_44, %dot_general3A_45 {dimension_numbers = #tpu.dot_dimension_numbers<[1], [0], [0], [1], [0, 0, 1, 1], [], []>, transpose_lhs_hint = false} : vector<1x8xf32>, vector<8x128xf32>, vector<1x128xf32> -> vector<1x128xf32>
    %swap3A_47 = arith.constant 0 : index
    %swap3A_48 = arith.constant 0 : index
    %swap3A_49 = arith.constant 0 : index
    %swap3A_50 = vector.load %arg12[%swap3A_47, %swap3A_48, %swap3A_49] : memref<1x1x128xf32, #tpu.memory_space<vmem>>, vector<1x1x128xf32>
    %swap3A_51 = vector.shape_cast %swap3A_50 : vector<1x1x128xf32> to vector<1x128xf32>
    %swap3A_52 = vector.shape_cast %dot_general3A_46 : vector<1x128xf32> to vector<1x1x128xf32>
    tpu.vector_store %arg12[%swap3A_47, %swap3A_48, %swap3A_49], %swap3A_52 {strides = array<i32>} : memref<1x1x128xf32, #tpu.memory_space<vmem>>, vector<1x1x128xf32>,
    return
  }
  func.func @transform_0(%arg0: i32) -> (i32, i32) {
    %c0_i32 = arith.constant 0 : i32
    %c0_i32_0 = arith.constant 0 : i32
    return %arg0, %c0_i32 : i32, i32
  }
  func.func @transform_1(%arg0: i32) -> (i32, i32) {
    %c0_i32 = arith.constant 0 : i32
    %c0_i32_0 = arith.constant 0 : i32
    return %arg0, %c0_i32 : i32, i32
  }
  func.func @transform_2(%arg0: i32) -> (i32, i32) {
    %c0_i32 = arith.constant 0 : i32
    %c0_i32_0 = arith.constant 0 : i32
    return %arg0, %c0_i32 : i32, i32
  }
  func.func @transform_3(%arg0: i32) -> (i32, i32) {
    %c0_i32 = arith.constant 0 : i32
    %c0_i32_0 = arith.constant 0 : i32
    %c0_i32_1 = arith.constant 0 : i32
    return %c0_i32, %c0_i32_0 : i32, i32
  }
  func.func @transform_4(%arg0: i32) -> (i32, i32) {
    %c0_i32 = arith.constant 0 : i32
    %c0_i32_0 = arith.constant 0 : i32
    %c0_i32_1 = arith.constant 0 : i32
    return %c0_i32, %c0_i32_0 : i32, i32
  }
  func.func @transform_5(%arg0: i32) -> (i32, i32) {
    %c0_i32 = arith.constant 0 : i32
    %c0_i32_0 = arith.constant 0 : i32
    %c0_i32_1 = arith.constant 0 : i32
    return %c0_i32, %c0_i32_0 : i32, i32
  }
  func.func @transform_6(%arg0: i32) -> (i32, i32) {
    %c0_i32 = arith.constant 0 : i32
    %c0_i32_0 = arith.constant 0 : i32
    %c0_i32_1 = arith.constant 0 : i32
    return %c0_i32, %c0_i32_0 : i32, i32
  }
  func.func @transform_7(%arg0: i32) -> (i32, i32) {
    %c0_i32 = arith.constant 0 : i32
    %c0_i32_0 = arith.constant 0 : i32
    %c0_i32_1 = arith.constant 0 : i32
    return %c0_i32, %c0_i32_0 : i32, i32
  }
  func.func @transform_8(%arg0: i32) -> (i32, i32) {
    %c0_i32 = arith.constant 0 : i32
    %c0_i32_0 = arith.constant 0 : i32
    %c0_i32_1 = arith.constant 0 : i32
    return %c0_i32, %c0_i32_0 : i32, i32
  }
  func.func @transform_9(%arg0: i32) -> (i32, i32) {
    %c0_i32 = arith.constant 0 : i32
    %c0_i32_0 = arith.constant 0 : i32
    return %arg0, %c0_i32 : i32, i32
  }
  func.func @transform_10(%arg0: i32) -> (i32, i32) {
    %c0_i32 = arith.constant 0 : i32
    %c0_i32_0 = arith.constant 0 : i32
    return %arg0, %c0_i32 : i32, i32
  }
  func.func @transform_11(%arg0: i32) -> (i32, i32, i32) {
    %c0_i32 = arith.constant 0 : i32
    %c0_i32_0 = arith.constant 0 : i32
    %c0_i32_1 = arith.constant 0 : i32
    return %arg0, %c0_i32, %c0_i32_0 : i32, i32, i32
  }
}

module attributes {stable_mosaic.version = 14 : i64} {
  func.func @_k_edge_exp(%arg0: i32, %arg1: memref<2000x128xf32, #tpu.memory_space<vmem>>, %arg2: memref<2000x8xf32, #tpu.memory_space<vmem>>, %arg3: memref<1x8xf32, #tpu.memory_space<vmem>>, %arg4: memref<8x128xf32, #tpu.memory_space<vmem>>, %arg5: memref<2000x128xf32, #tpu.memory_space<vmem>>, %arg6: memref<2000x128xf32, #tpu.memory_space<vmem>>) attributes {dimension_semantics = [#tpu.dimension_semantics<arbitrary>], iteration_bounds = array<i64: 160>, scalar_prefetch = 0 : i64, scratch_operands = 0 : i64, tpu.core_type = #tpu.core_type<tc>, window_params = [{transform_indices = @transform_0, window_bounds = array<i64: 2000, 128>}, {transform_indices = @transform_1, window_bounds = array<i64: 2000, 8>}, {pipeline_mode = #tpu.pipeline_mode<synchronous>, transform_indices = @transform_2, window_bounds = array<i64: 1, 8>}, {pipeline_mode = #tpu.pipeline_mode<synchronous>, transform_indices = @transform_3, window_bounds = array<i64: 8, 128>}, {transform_indices = @transform_4, window_bounds = array<i64: 2000, 128>}, {transform_indices = @transform_5, window_bounds = array<i64: 2000, 128>}]} {
    %get3A = arith.constant 0 : index
    %get3A_0 = arith.constant 0 : index
    %get3A_1 = vector.load %arg2[%get3A, %get3A_0] : memref<2000x8xf32, #tpu.memory_space<vmem>>, vector<2000x8xf32>
    %get3A_2 = arith.constant 0 : index
    %get3A_3 = arith.constant 0 : index
    %get3A_4 = vector.load %arg3[%get3A_2, %get3A_3] : memref<1x8xf32, #tpu.memory_space<vmem>>, vector<1x8xf32>
    %sub3A = vector.broadcast %get3A_4 : vector<1x8xf32> to vector<2000x8xf32>
    %sub3A_5 = arith.subf %get3A_1, %sub3A : vector<2000x8xf32>
    %exp3A = math.exp %sub3A_5 : vector<2000x8xf32>
    %get3A_6 = arith.constant 0 : index
    %get3A_7 = arith.constant 0 : index
    %get3A_8 = vector.load %arg4[%get3A_6, %get3A_7] : memref<8x128xf32, #tpu.memory_space<vmem>>, vector<8x128xf32>
    %dot_general3A = arith.constant dense<0.000000e+00> : vector<2000x128xf32>
    %dot_general3A_9 = tpu.matmul %exp3A, %get3A_8, %dot_general3A {dimension_numbers = #tpu.dot_dimension_numbers<[1], [0], [0], [1], [0, 0, 1, 1], [], []>, transpose_lhs_hint = false} : vector<2000x8xf32>, vector<8x128xf32>, vector<2000x128xf32> -> vector<2000x128xf32>
    %get3A_10 = arith.constant 0 : index
    %get3A_11 = arith.constant 0 : index
    %get3A_12 = vector.load %arg1[%get3A_10, %get3A_11] : memref<2000x128xf32, #tpu.memory_space<vmem>>, vector<2000x128xf32>
    %mul3A = arith.mulf %dot_general3A_9, %get3A_12 : vector<2000x128xf32>
    %swap3A = arith.constant 0 : index
    %swap3A_13 = arith.constant 0 : index
    %swap3A_14 = vector.load %arg5[%swap3A, %swap3A_13] : memref<2000x128xf32, #tpu.memory_space<vmem>>, vector<2000x128xf32>
    tpu.vector_store %arg5[%swap3A, %swap3A_13], %mul3A {strides = array<i32>} : memref<2000x128xf32, #tpu.memory_space<vmem>>, vector<2000x128xf32>,
    %swap3A_15 = arith.constant 0 : index
    %swap3A_16 = arith.constant 0 : index
    %swap3A_17 = vector.load %arg6[%swap3A_15, %swap3A_16] : memref<2000x128xf32, #tpu.memory_space<vmem>>, vector<2000x128xf32>
    tpu.vector_store %arg6[%swap3A_15, %swap3A_16], %dot_general3A_9 {strides = array<i32>} : memref<2000x128xf32, #tpu.memory_space<vmem>>, vector<2000x128xf32>,
    return
  }
  func.func @transform_0(%arg0: i32) -> (i32, i32) {
    %c0_i32 = arith.constant 0 : i32
    %c0_i32_0 = arith.constant 0 : i32
    return %arg0, %c0_i32 : i32, i32
  }
  func.func @transform_1(%arg0: i32) -> (i32, i32) {
    %c0_i32 = arith.constant 0 : i32
    %c0_i32_0 = arith.constant 0 : i32
    return %arg0, %c0_i32 : i32, i32
  }
  func.func @transform_2(%arg0: i32) -> (i32, i32) {
    %c0_i32 = arith.constant 0 : i32
    %c0_i32_0 = arith.constant 0 : i32
    %c0_i32_1 = arith.constant 0 : i32
    return %c0_i32, %c0_i32_0 : i32, i32
  }
  func.func @transform_3(%arg0: i32) -> (i32, i32) {
    %c0_i32 = arith.constant 0 : i32
    %c0_i32_0 = arith.constant 0 : i32
    %c0_i32_1 = arith.constant 0 : i32
    return %c0_i32, %c0_i32_0 : i32, i32
  }
  func.func @transform_4(%arg0: i32) -> (i32, i32) {
    %c0_i32 = arith.constant 0 : i32
    %c0_i32_0 = arith.constant 0 : i32
    return %arg0, %c0_i32 : i32, i32
  }
  func.func @transform_5(%arg0: i32) -> (i32, i32) {
    %c0_i32 = arith.constant 0 : i32
    %c0_i32_0 = arith.constant 0 : i32
    return %arg0, %c0_i32 : i32, i32
  }
}

module attributes {stable_mosaic.version = 14 : i64} {
  func.func @_k_node1(%arg0: i32, %arg1: memref<1000x128xf32, #tpu.memory_space<vmem>>, %arg2: memref<2x1000x128xf32, #tpu.memory_space<vmem>>, %arg3: memref<1000x1xf32, #tpu.memory_space<vmem>>, %arg4: memref<128x128xf32, #tpu.memory_space<vmem>>, %arg5: memref<128x128xf32, #tpu.memory_space<vmem>>, %arg6: memref<1x128xf32, #tpu.memory_space<vmem>>, %arg7: memref<1000x128xf32, #tpu.memory_space<vmem>>, %arg8: memref<1x2x128xf32, #tpu.memory_space<vmem>>) attributes {dimension_semantics = [#tpu.dimension_semantics<arbitrary>], iteration_bounds = array<i64: 10>, scalar_prefetch = 0 : i64, scratch_operands = 0 : i64, tpu.core_type = #tpu.core_type<tc>, window_params = [{transform_indices = @transform_0, window_bounds = array<i64: 1000, 128>}, {transform_indices = @transform_1, window_bounds = array<i64: 2, 1000, 128>}, {transform_indices = @transform_2, window_bounds = array<i64: 1000, 1>}, {pipeline_mode = #tpu.pipeline_mode<synchronous>, transform_indices = @transform_3, window_bounds = array<i64: 128, 128>}, {pipeline_mode = #tpu.pipeline_mode<synchronous>, transform_indices = @transform_4, window_bounds = array<i64: 128, 128>}, {pipeline_mode = #tpu.pipeline_mode<synchronous>, transform_indices = @transform_5, window_bounds = array<i64: 1, 128>}, {transform_indices = @transform_6, window_bounds = array<i64: 1000, 128>}, {transform_indices = @transform_7, window_bounds = array<i64: 1, 2, 128>}]} {
    %get3A = arith.constant 0 : index
    %get3A_0 = arith.constant 0 : index
    %get3A_1 = vector.load %arg1[%get3A, %get3A_0] : memref<1000x128xf32, #tpu.memory_space<vmem>>, vector<1000x128xf32>
    %get3A_2 = arith.constant 0 : index
    %get3A_3 = arith.constant 0 : index
    %get3A_4 = arith.constant 0 : index
    %get3A_5 = vector.load %arg2[%get3A_2, %get3A_3, %get3A_4] : memref<2x1000x128xf32, #tpu.memory_space<vmem>>, vector<1x1000x128xf32>
    %get3A_6 = vector.shape_cast %get3A_5 : vector<1x1000x128xf32> to vector<1000x128xf32>
    %get3A_7 = arith.constant 1 : index
    %get3A_8 = arith.constant 0 : index
    %get3A_9 = arith.constant 0 : index
    %get3A_10 = vector.load %arg2[%get3A_7, %get3A_8, %get3A_9] : memref<2x1000x128xf32, #tpu.memory_space<vmem>>, vector<1x1000x128xf32>
    %get3A_11 = vector.shape_cast %get3A_10 : vector<1x1000x128xf32> to vector<1000x128xf32>
    %add3A = arith.addf %get3A_6, %get3A_11 : vector<1000x128xf32>
    %get3A_12 = arith.constant 0 : index
    %get3A_13 = arith.constant 0 : index
    %get3A_14 = vector.load %arg3[%get3A_12, %get3A_13] : memref<1000x1xf32, #tpu.memory_space<vmem>>, vector<1000x1xf32>
    %add3A_15 = arith.constant 9.99999997E-7 : f32
    %add3A_16 = vector.broadcast %add3A_15 : f32 to vector<1000x1xf32>
    %add3A_17 = arith.addf %get3A_14, %add3A_16 : vector<1000x1xf32>
    %div3A = vector.broadcast %add3A_17 : vector<1000x1xf32> to vector<1000x128xf32>
    %div3A_18 = arith.divf %add3A, %div3A : vector<1000x128xf32>
    %get3A_19 = arith.constant 0 : index
    %get3A_20 = arith.constant 0 : index
    %get3A_21 = vector.load %arg4[%get3A_19, %get3A_20] : memref<128x128xf32, #tpu.memory_space<vmem>>, vector<128x128xf32>
    %dot_general3A = arith.constant dense<0.000000e+00> : vector<1000x128xf32>
    %dot_general3A_22 = tpu.matmul %get3A_1, %get3A_21, %dot_general3A {dimension_numbers = #tpu.dot_dimension_numbers<[1], [0], [0], [1], [0, 0, 1, 1], [], []>, transpose_lhs_hint = false} : vector<1000x128xf32>, vector<128x128xf32>, vector<1000x128xf32> -> vector<1000x128xf32>
    %get3A_23 = arith.constant 0 : index
    %get3A_24 = arith.constant 0 : index
    %get3A_25 = vector.load %arg5[%get3A_23, %get3A_24] : memref<128x128xf32, #tpu.memory_space<vmem>>, vector<128x128xf32>
    %dot_general3A_26 = arith.constant dense<0.000000e+00> : vector<1000x128xf32>
    %dot_general3A_27 = tpu.matmul %div3A_18, %get3A_25, %dot_general3A_26 {dimension_numbers = #tpu.dot_dimension_numbers<[1], [0], [0], [1], [0, 0, 1, 1], [], []>, transpose_lhs_hint = false} : vector<1000x128xf32>, vector<128x128xf32>, vector<1000x128xf32> -> vector<1000x128xf32>
    %add3A_28 = arith.addf %dot_general3A_22, %dot_general3A_27 : vector<1000x128xf32>
    %get3A_29 = arith.constant 0 : index
    %get3A_30 = arith.constant 0 : index
    %get3A_31 = vector.load %arg6[%get3A_29, %get3A_30] : memref<1x128xf32, #tpu.memory_space<vmem>>, vector<1x128xf32>
    %add3A_32 = vector.broadcast %get3A_31 : vector<1x128xf32> to vector<1000x128xf32>
    %add3A_33 = arith.addf %add3A_28, %add3A_32 : vector<1000x128xf32>
    %swap3A = arith.constant 0 : index
    %swap3A_34 = arith.constant 0 : index
    %swap3A_35 = vector.load %arg7[%swap3A, %swap3A_34] : memref<1000x128xf32, #tpu.memory_space<vmem>>, vector<1000x128xf32>
    tpu.vector_store %arg7[%swap3A, %swap3A_34], %add3A_33 {strides = array<i32>} : memref<1000x128xf32, #tpu.memory_space<vmem>>, vector<1000x128xf32>,
    %reduce_sum3A = arith.constant dense<0.000000e+00> : vector<128xf32>
    %reduce_sum3A_36 = vector.multi_reduction <add>, %add3A_33, %reduce_sum3A [0] : vector<1000x128xf32> to vector<128xf32>
    %swap3A_37 = arith.constant 0 : index
    %swap3A_38 = arith.constant 0 : index
    %swap3A_39 = arith.constant 0 : index
    %swap3A_40 = vector.load %arg8[%swap3A_37, %swap3A_38, %swap3A_39] : memref<1x2x128xf32, #tpu.memory_space<vmem>>, vector<1x1x128xf32>
    %swap3A_41 = vector.shape_cast %swap3A_40 : vector<1x1x128xf32> to vector<128xf32>
    %swap3A_42 = vector.shape_cast %reduce_sum3A_36 : vector<128xf32> to vector<1x1x128xf32>
    tpu.vector_store %arg8[%swap3A_37, %swap3A_38, %swap3A_39], %swap3A_42 {strides = array<i32>} : memref<1x2x128xf32, #tpu.memory_space<vmem>>, vector<1x1x128xf32>,
    %mul3A = arith.mulf %add3A_33, %add3A_33 : vector<1000x128xf32>
    %reduce_sum3A_43 = arith.constant dense<0.000000e+00> : vector<128xf32>
    %reduce_sum3A_44 = vector.multi_reduction <add>, %mul3A, %reduce_sum3A_43 [0] : vector<1000x128xf32> to vector<128xf32>
    %swap3A_45 = arith.constant 0 : index
    %swap3A_46 = arith.constant 1 : index
    %swap3A_47 = arith.constant 0 : index
    %swap3A_48 = vector.load %arg8[%swap3A_45, %swap3A_46, %swap3A_47] : memref<1x2x128xf32, #tpu.memory_space<vmem>>, vector<1x1x128xf32>
    %swap3A_49 = vector.shape_cast %swap3A_48 : vector<1x1x128xf32> to vector<128xf32>
    %swap3A_50 = vector.shape_cast %reduce_sum3A_44 : vector<128xf32> to vector<1x1x128xf32>
    tpu.vector_store %arg8[%swap3A_45, %swap3A_46, %swap3A_47], %swap3A_50 {strides = array<i32>} : memref<1x2x128xf32, #tpu.memory_space<vmem>>, vector<1x1x128xf32>,
    return
  }
  func.func @transform_0(%arg0: i32) -> (i32, i32) {
    %c0_i32 = arith.constant 0 : i32
    %c0_i32_0 = arith.constant 0 : i32
    return %arg0, %c0_i32 : i32, i32
  }
  func.func @transform_1(%arg0: i32) -> (i32, i32, i32) {
    %c0_i32 = arith.constant 0 : i32
    %c0_i32_0 = arith.constant 0 : i32
    %c0_i32_1 = arith.constant 0 : i32
    return %c0_i32, %arg0, %c0_i32_0 : i32, i32, i32
  }
  func.func @transform_2(%arg0: i32) -> (i32, i32) {
    %c0_i32 = arith.constant 0 : i32
    %c0_i32_0 = arith.constant 0 : i32
    return %arg0, %c0_i32 : i32, i32
  }
  func.func @transform_3(%arg0: i32) -> (i32, i32) {
    %c0_i32 = arith.constant 0 : i32
    %c0_i32_0 = arith.constant 0 : i32
    %c0_i32_1 = arith.constant 0 : i32
    return %c0_i32, %c0_i32_0 : i32, i32
  }
  func.func @transform_4(%arg0: i32) -> (i32, i32) {
    %c0_i32 = arith.constant 0 : i32
    %c0_i32_0 = arith.constant 0 : i32
    %c0_i32_1 = arith.constant 0 : i32
    return %c0_i32, %c0_i32_0 : i32, i32
  }
  func.func @transform_5(%arg0: i32) -> (i32, i32) {
    %c0_i32 = arith.constant 0 : i32
    %c0_i32_0 = arith.constant 0 : i32
    %c0_i32_1 = arith.constant 0 : i32
    return %c0_i32, %c0_i32_0 : i32, i32
  }
  func.func @transform_6(%arg0: i32) -> (i32, i32) {
    %c0_i32 = arith.constant 0 : i32
    %c0_i32_0 = arith.constant 0 : i32
    return %arg0, %c0_i32 : i32, i32
  }
  func.func @transform_7(%arg0: i32) -> (i32, i32, i32) {
    %c0_i32 = arith.constant 0 : i32
    %c0_i32_0 = arith.constant 0 : i32
    %c0_i32_1 = arith.constant 0 : i32
    return %arg0, %c0_i32, %c0_i32_0 : i32, i32, i32
  }
}

module attributes {stable_mosaic.version = 14 : i64} {
  func.func @_k_node2(%arg0: i32, %arg1: memref<2x1000x128xf32, #tpu.memory_space<vmem>>, %arg2: memref<2x1000x128xf32, #tpu.memory_space<vmem>>, %arg3: memref<1000x128xf32, #tpu.memory_space<vmem>>, %arg4: memref<128x128xf32, #tpu.memory_space<vmem>>, %arg5: memref<1x128xf32, #tpu.memory_space<vmem>>, %arg6: memref<1000x128xf32, #tpu.memory_space<vmem>>, %arg7: memref<1x2x128xf32, #tpu.memory_space<vmem>>) attributes {dimension_semantics = [#tpu.dimension_semantics<arbitrary>], iteration_bounds = array<i64: 10>, scalar_prefetch = 0 : i64, scratch_operands = 0 : i64, tpu.core_type = #tpu.core_type<tc>, window_params = [{transform_indices = @transform_0, window_bounds = array<i64: 2, 1000, 128>}, {transform_indices = @transform_1, window_bounds = array<i64: 2, 1000, 128>}, {transform_indices = @transform_2, window_bounds = array<i64: 1000, 128>}, {pipeline_mode = #tpu.pipeline_mode<synchronous>, transform_indices = @transform_3, window_bounds = array<i64: 128, 128>}, {pipeline_mode = #tpu.pipeline_mode<synchronous>, transform_indices = @transform_4, window_bounds = array<i64: 1, 128>}, {transform_indices = @transform_5, window_bounds = array<i64: 1000, 128>}, {transform_indices = @transform_6, window_bounds = array<i64: 1, 2, 128>}]} {
    %get3A = arith.constant 0 : index
    %get3A_0 = arith.constant 0 : index
    %get3A_1 = arith.constant 0 : index
    %get3A_2 = vector.load %arg1[%get3A, %get3A_0, %get3A_1] : memref<2x1000x128xf32, #tpu.memory_space<vmem>>, vector<1x1000x128xf32>
    %get3A_3 = vector.shape_cast %get3A_2 : vector<1x1000x128xf32> to vector<1000x128xf32>
    %get3A_4 = arith.constant 1 : index
    %get3A_5 = arith.constant 0 : index
    %get3A_6 = arith.constant 0 : index
    %get3A_7 = vector.load %arg1[%get3A_4, %get3A_5, %get3A_6] : memref<2x1000x128xf32, #tpu.memory_space<vmem>>, vector<1x1000x128xf32>
    %get3A_8 = vector.shape_cast %get3A_7 : vector<1x1000x128xf32> to vector<1000x128xf32>
    %add3A = arith.addf %get3A_3, %get3A_8 : vector<1000x128xf32>
    %get3A_9 = arith.constant 0 : index
    %get3A_10 = arith.constant 0 : index
    %get3A_11 = arith.constant 0 : index
    %get3A_12 = vector.load %arg2[%get3A_9, %get3A_10, %get3A_11] : memref<2x1000x128xf32, #tpu.memory_space<vmem>>, vector<1x1000x128xf32>
    %get3A_13 = vector.shape_cast %get3A_12 : vector<1x1000x128xf32> to vector<1000x128xf32>
    %get3A_14 = arith.constant 1 : index
    %get3A_15 = arith.constant 0 : index
    %get3A_16 = arith.constant 0 : index
    %get3A_17 = vector.load %arg2[%get3A_14, %get3A_15, %get3A_16] : memref<2x1000x128xf32, #tpu.memory_space<vmem>>, vector<1x1000x128xf32>
    %get3A_18 = vector.shape_cast %get3A_17 : vector<1x1000x128xf32> to vector<1000x128xf32>
    %add3A_19 = arith.addf %get3A_13, %get3A_18 : vector<1000x128xf32>
    %add3A_20 = arith.constant 1.000000e-16 : f32
    %add3A_21 = vector.broadcast %add3A_20 : f32 to vector<1000x128xf32>
    %add3A_22 = arith.addf %add3A_19, %add3A_21 : vector<1000x128xf32>
    %div3A = arith.divf %add3A, %add3A_22 : vector<1000x128xf32>
    %get3A_23 = arith.constant 0 : index
    %get3A_24 = arith.constant 0 : index
    %get3A_25 = vector.load %arg4[%get3A_23, %get3A_24] : memref<128x128xf32, #tpu.memory_space<vmem>>, vector<128x128xf32>
    %dot_general3A = arith.constant dense<0.000000e+00> : vector<1000x128xf32>
    %dot_general3A_26 = tpu.matmul %div3A, %get3A_25, %dot_general3A {dimension_numbers = #tpu.dot_dimension_numbers<[1], [0], [0], [1], [0, 0, 1, 1], [], []>, transpose_lhs_hint = false} : vector<1000x128xf32>, vector<128x128xf32>, vector<1000x128xf32> -> vector<1000x128xf32>
    %get3A_27 = arith.constant 0 : index
    %get3A_28 = arith.constant 0 : index
    %get3A_29 = vector.load %arg5[%get3A_27, %get3A_28] : memref<1x128xf32, #tpu.memory_space<vmem>>, vector<1x128xf32>
    %add3A_30 = vector.broadcast %get3A_29 : vector<1x128xf32> to vector<1000x128xf32>
    %add3A_31 = arith.addf %dot_general3A_26, %add3A_30 : vector<1000x128xf32>
    %get3A_32 = arith.constant 0 : index
    %get3A_33 = arith.constant 0 : index
    %get3A_34 = vector.load %arg3[%get3A_32, %get3A_33] : memref<1000x128xf32, #tpu.memory_space<vmem>>, vector<1000x128xf32>
    %add3A_35 = arith.addf %add3A_31, %get3A_34 : vector<1000x128xf32>
    %swap3A = arith.constant 0 : index
    %swap3A_36 = arith.constant 0 : index
    %swap3A_37 = vector.load %arg6[%swap3A, %swap3A_36] : memref<1000x128xf32, #tpu.memory_space<vmem>>, vector<1000x128xf32>
    tpu.vector_store %arg6[%swap3A, %swap3A_36], %add3A_35 {strides = array<i32>} : memref<1000x128xf32, #tpu.memory_space<vmem>>, vector<1000x128xf32>,
    %reduce_sum3A = arith.constant dense<0.000000e+00> : vector<128xf32>
    %reduce_sum3A_38 = vector.multi_reduction <add>, %add3A_35, %reduce_sum3A [0] : vector<1000x128xf32> to vector<128xf32>
    %swap3A_39 = arith.constant 0 : index
    %swap3A_40 = arith.constant 0 : index
    %swap3A_41 = arith.constant 0 : index
    %swap3A_42 = vector.load %arg7[%swap3A_39, %swap3A_40, %swap3A_41] : memref<1x2x128xf32, #tpu.memory_space<vmem>>, vector<1x1x128xf32>
    %swap3A_43 = vector.shape_cast %swap3A_42 : vector<1x1x128xf32> to vector<128xf32>
    %swap3A_44 = vector.shape_cast %reduce_sum3A_38 : vector<128xf32> to vector<1x1x128xf32>
    tpu.vector_store %arg7[%swap3A_39, %swap3A_40, %swap3A_41], %swap3A_44 {strides = array<i32>} : memref<1x2x128xf32, #tpu.memory_space<vmem>>, vector<1x1x128xf32>,
    %mul3A = arith.mulf %add3A_35, %add3A_35 : vector<1000x128xf32>
    %reduce_sum3A_45 = arith.constant dense<0.000000e+00> : vector<128xf32>
    %reduce_sum3A_46 = vector.multi_reduction <add>, %mul3A, %reduce_sum3A_45 [0] : vector<1000x128xf32> to vector<128xf32>
    %swap3A_47 = arith.constant 0 : index
    %swap3A_48 = arith.constant 1 : index
    %swap3A_49 = arith.constant 0 : index
    %swap3A_50 = vector.load %arg7[%swap3A_47, %swap3A_48, %swap3A_49] : memref<1x2x128xf32, #tpu.memory_space<vmem>>, vector<1x1x128xf32>
    %swap3A_51 = vector.shape_cast %swap3A_50 : vector<1x1x128xf32> to vector<128xf32>
    %swap3A_52 = vector.shape_cast %reduce_sum3A_46 : vector<128xf32> to vector<1x1x128xf32>
    tpu.vector_store %arg7[%swap3A_47, %swap3A_48, %swap3A_49], %swap3A_52 {strides = array<i32>} : memref<1x2x128xf32, #tpu.memory_space<vmem>>, vector<1x1x128xf32>,
    return
  }
  func.func @transform_0(%arg0: i32) -> (i32, i32, i32) {
    %c0_i32 = arith.constant 0 : i32
    %c0_i32_0 = arith.constant 0 : i32
    %c0_i32_1 = arith.constant 0 : i32
    return %c0_i32, %arg0, %c0_i32_0 : i32, i32, i32
  }
  func.func @transform_1(%arg0: i32) -> (i32, i32, i32) {
    %c0_i32 = arith.constant 0 : i32
    %c0_i32_0 = arith.constant 0 : i32
    %c0_i32_1 = arith.constant 0 : i32
    return %c0_i32, %arg0, %c0_i32_0 : i32, i32, i32
  }
  func.func @transform_2(%arg0: i32) -> (i32, i32) {
    %c0_i32 = arith.constant 0 : i32
    %c0_i32_0 = arith.constant 0 : i32
    return %arg0, %c0_i32 : i32, i32
  }
  func.func @transform_3(%arg0: i32) -> (i32, i32) {
    %c0_i32 = arith.constant 0 : i32
    %c0_i32_0 = arith.constant 0 : i32
    %c0_i32_1 = arith.constant 0 : i32
    return %c0_i32, %c0_i32_0 : i32, i32
  }
  func.func @transform_4(%arg0: i32) -> (i32, i32) {
    %c0_i32 = arith.constant 0 : i32
    %c0_i32_0 = arith.constant 0 : i32
    %c0_i32_1 = arith.constant 0 : i32
    return %c0_i32, %c0_i32_0 : i32, i32
  }
  func.func @transform_5(%arg0: i32) -> (i32, i32) {
    %c0_i32 = arith.constant 0 : i32
    %c0_i32_0 = arith.constant 0 : i32
    return %arg0, %c0_i32 : i32, i32
  }
  func.func @transform_6(%arg0: i32) -> (i32, i32, i32) {
    %c0_i32 = arith.constant 0 : i32
    %c0_i32_0 = arith.constant 0 : i32
    %c0_i32_1 = arith.constant 0 : i32
    return %arg0, %c0_i32, %c0_i32_0 : i32, i32, i32
  }
}

module attributes {stable_mosaic.version = 14 : i64} {
  func.func @_k_node3(%arg0: i32, %arg1: memref<1000x128xf32, #tpu.memory_space<vmem>>, %arg2: memref<1000x128xf32, #tpu.memory_space<vmem>>, %arg3: memref<2x128xf32, #tpu.memory_space<vmem>>, %arg4: memref<2x128xf32, #tpu.memory_space<vmem>>, %arg5: memref<1000x128xf32, #tpu.memory_space<vmem>>, %arg6: memref<1x1xf32, #tpu.memory_space<vmem>>, %arg7: memref<128x128xf32, #tpu.memory_space<vmem>>, %arg8: memref<2x128xf32, #tpu.memory_space<vmem>>, %arg9: memref<64x1xf32, #tpu.memory_space<vmem>>, %arg10: memref<1x1xf32, #tpu.memory_space<vmem>>, %arg11: memref<1000x128xf32, #tpu.memory_space<vmem>>, %arg12: memref<1000x128xf32, #tpu.memory_space<vmem>>) attributes {dimension_semantics = [#tpu.dimension_semantics<arbitrary>], iteration_bounds = array<i64: 10>, scalar_prefetch = 0 : i64, scratch_operands = 0 : i64, tpu.core_type = #tpu.core_type<tc>, window_params = [{transform_indices = @transform_0, window_bounds = array<i64: 1000, 128>}, {transform_indices = @transform_1, window_bounds = array<i64: 1000, 128>}, {pipeline_mode = #tpu.pipeline_mode<synchronous>, transform_indices = @transform_2, window_bounds = array<i64: 2, 128>}, {pipeline_mode = #tpu.pipeline_mode<synchronous>, transform_indices = @transform_3, window_bounds = array<i64: 2, 128>}, {transform_indices = @transform_4, window_bounds = array<i64: 1000, 128>}, {pipeline_mode = #tpu.pipeline_mode<synchronous>, transform_indices = @transform_5, window_bounds = array<i64: 1, 1>}, {pipeline_mode = #tpu.pipeline_mode<synchronous>, transform_indices = @transform_6, window_bounds = array<i64: 128, 128>}, {pipeline_mode = #tpu.pipeline_mode<synchronous>, transform_indices = @transform_7, window_bounds = array<i64: 2, 128>}, {pipeline_mode = #tpu.pipeline_mode<synchronous>, transform_indices = @transform_8, window_bounds = array<i64: 64, 1>}, {pipeline_mode = #tpu.pipeline_mode<synchronous>, transform_indices = @transform_9, window_bounds = array<i64: 1, 1>}, {transform_indices = @transform_10, window_bounds = array<i64: 1000, 128>}, {transform_indices = @transform_11, window_bounds = array<i64: 1000, 128>}]} {
    %get3A = arith.constant 0 : index
    %get3A_0 = arith.constant 0 : index
    %get3A_1 = vector.load %arg3[%get3A, %get3A_0] : memref<2x128xf32, #tpu.memory_space<vmem>>, vector<2x128xf32>
    %get3A_2 = arith.constant 0 : index
    %get3A_3 = arith.constant 0 : index
    %get3A_4 = vector.load %arg4[%get3A_2, %get3A_3] : memref<2x128xf32, #tpu.memory_space<vmem>>, vector<2x128xf32>
    %get3A_5 = arith.constant 0 : index
    %get3A_6 = arith.constant 0 : index
    %get3A_7 = vector.load %arg1[%get3A_5, %get3A_6] : memref<1000x128xf32, #tpu.memory_space<vmem>>, vector<1000x128xf32>
    %slice3A = vector.extract_strided_slice %get3A_1 {offsets = [0, 0], sizes = [1, 128], strides = [1, 1]} : vector<2x128xf32> to vector<1x128xf32>
    %sub3A = vector.broadcast %slice3A : vector<1x128xf32> to vector<1000x128xf32>
    %sub3A_8 = arith.subf %get3A_7, %sub3A : vector<1000x128xf32>
    %slice3A_9 = vector.extract_strided_slice %get3A_4 {offsets = [0, 0], sizes = [1, 128], strides = [1, 1]} : vector<2x128xf32> to vector<1x128xf32>
    %add3A = arith.constant 9.99999974E-6 : f32
    %add3A_10 = vector.broadcast %add3A : f32 to vector<1x128xf32>
    %add3A_11 = arith.addf %slice3A_9, %add3A_10 : vector<1x128xf32>
    %rsqrt3A = math.rsqrt %add3A_11 : vector<1x128xf32>
    %mul3A = vector.broadcast %rsqrt3A : vector<1x128xf32> to vector<1000x128xf32>
    %mul3A_12 = arith.mulf %sub3A_8, %mul3A : vector<1000x128xf32>
    %integer_pow3A = arith.mulf %mul3A_12, %mul3A_12 : vector<1000x128xf32>
    %integer_pow3A_13 = arith.mulf %mul3A_12, %integer_pow3A : vector<1000x128xf32>
    %mul3A_14 = arith.constant 4.471500e-02 : f32
    %mul3A_15 = vector.broadcast %mul3A_14 : f32 to vector<1000x128xf32>
    %mul3A_16 = arith.mulf %mul3A_15, %integer_pow3A_13 : vector<1000x128xf32>
    %add3A_17 = arith.addf %mul3A_12, %mul3A_16 : vector<1000x128xf32>
    %mul3A_18 = arith.constant 0.797884583 : f32
    %mul3A_19 = vector.broadcast %mul3A_18 : f32 to vector<1000x128xf32>
    %mul3A_20 = arith.mulf %mul3A_19, %add3A_17 : vector<1000x128xf32>
    %tanh3A = math.tanh %mul3A_20 : vector<1000x128xf32>
    %add3A_21 = arith.constant 1.000000e+00 : f32
    %add3A_22 = vector.broadcast %add3A_21 : f32 to vector<1000x128xf32>
    %add3A_23 = arith.addf %add3A_22, %tanh3A : vector<1000x128xf32>
    %mul3A_24 = arith.constant 5.000000e-01 : f32
    %mul3A_25 = vector.broadcast %mul3A_24 : f32 to vector<1000x128xf32>
    %mul3A_26 = arith.mulf %mul3A_25, %add3A_23 : vector<1000x128xf32>
    %mul3A_27 = arith.mulf %mul3A_12, %mul3A_26 : vector<1000x128xf32>
    %get3A_28 = arith.constant 0 : index
    %get3A_29 = arith.constant 0 : index
    %get3A_30 = vector.load %arg5[%get3A_28, %get3A_29] : memref<1000x128xf32, #tpu.memory_space<vmem>>, vector<1000x128xf32>
    %add3A_31 = arith.addf %mul3A_27, %get3A_30 : vector<1000x128xf32>
    %get3A_32 = arith.constant 0 : index
    %get3A_33 = arith.constant 0 : index
    %get3A_34 = vector.load %arg2[%get3A_32, %get3A_33] : memref<1000x128xf32, #tpu.memory_space<vmem>>, vector<1000x128xf32>
    %slice3A_35 = vector.extract_strided_slice %get3A_1 {offsets = [1, 0], sizes = [1, 128], strides = [1, 1]} : vector<2x128xf32> to vector<1x128xf32>
    %sub3A_36 = vector.broadcast %slice3A_35 : vector<1x128xf32> to vector<1000x128xf32>
    %sub3A_37 = arith.subf %get3A_34, %sub3A_36 : vector<1000x128xf32>
    %slice3A_38 = vector.extract_strided_slice %get3A_4 {offsets = [1, 0], sizes = [1, 128], strides = [1, 1]} : vector<2x128xf32> to vector<1x128xf32>
    %add3A_39 = arith.constant 9.99999974E-6 : f32
    %add3A_40 = vector.broadcast %add3A_39 : f32 to vector<1x128xf32>
    %add3A_41 = arith.addf %slice3A_38, %add3A_40 : vector<1x128xf32>
    %rsqrt3A_42 = math.rsqrt %add3A_41 : vector<1x128xf32>
    %mul3A_43 = vector.broadcast %rsqrt3A_42 : vector<1x128xf32> to vector<1000x128xf32>
    %mul3A_44 = arith.mulf %sub3A_37, %mul3A_43 : vector<1000x128xf32>
    %integer_pow3A_45 = arith.mulf %mul3A_44, %mul3A_44 : vector<1000x128xf32>
    %integer_pow3A_46 = arith.mulf %mul3A_44, %integer_pow3A_45 : vector<1000x128xf32>
    %mul3A_47 = arith.constant 4.471500e-02 : f32
    %mul3A_48 = vector.broadcast %mul3A_47 : f32 to vector<1000x128xf32>
    %mul3A_49 = arith.mulf %mul3A_48, %integer_pow3A_46 : vector<1000x128xf32>
    %add3A_50 = arith.addf %mul3A_44, %mul3A_49 : vector<1000x128xf32>
    %mul3A_51 = arith.constant 0.797884583 : f32
    %mul3A_52 = vector.broadcast %mul3A_51 : f32 to vector<1000x128xf32>
    %mul3A_53 = arith.mulf %mul3A_52, %add3A_50 : vector<1000x128xf32>
    %tanh3A_54 = math.tanh %mul3A_53 : vector<1000x128xf32>
    %add3A_55 = arith.constant 1.000000e+00 : f32
    %add3A_56 = vector.broadcast %add3A_55 : f32 to vector<1000x128xf32>
    %add3A_57 = arith.addf %add3A_56, %tanh3A_54 : vector<1000x128xf32>
    %mul3A_58 = arith.constant 5.000000e-01 : f32
    %mul3A_59 = vector.broadcast %mul3A_58 : f32 to vector<1000x128xf32>
    %mul3A_60 = arith.mulf %mul3A_59, %add3A_57 : vector<1000x128xf32>
    %mul3A_61 = arith.mulf %mul3A_44, %mul3A_60 : vector<1000x128xf32>
    %get3A_62 = arith.constant 0 : index
    %get3A_63 = arith.constant 0 : index
    %get3A_64 = vector.load %arg7[%get3A_62, %get3A_63] : memref<128x128xf32, #tpu.memory_space<vmem>>, vector<128x64xf32>
    %dot_general3A = arith.constant dense<0.000000e+00> : vector<1000x64xf32>
    %dot_general3A_65 = tpu.matmul %add3A_31, %get3A_64, %dot_general3A {dimension_numbers = #tpu.dot_dimension_numbers<[1], [0], [0], [1], [0, 0, 1, 1], [], []>, transpose_lhs_hint = false} : vector<1000x128xf32>, vector<128x64xf32>, vector<1000x64xf32> -> vector<1000x64xf32>
    %get3A_66 = arith.constant 0 : index
    %get3A_67 = arith.constant 64 : index
    %get3A_68 = vector.load %arg7[%get3A_66, %get3A_67] : memref<128x128xf32, #tpu.memory_space<vmem>>, vector<128x64xf32>
    %dot_general3A_69 = arith.constant dense<0.000000e+00> : vector<1000x64xf32>
    %dot_general3A_70 = tpu.matmul %mul3A_61, %get3A_68, %dot_general3A_69 {dimension_numbers = #tpu.dot_dimension_numbers<[1], [0], [0], [1], [0, 0, 1, 1], [], []>, transpose_lhs_hint = false} : vector<1000x128xf32>, vector<128x64xf32>, vector<1000x64xf32> -> vector<1000x64xf32>
    %add3A_71 = arith.addf %dot_general3A_65, %dot_general3A_70 : vector<1000x64xf32>
    %get3A_72 = arith.constant 0 : index
    %get3A_73 = arith.constant 0 : index
    %get3A_74 = vector.load %arg6[%get3A_72, %get3A_73] : memref<1x1xf32, #tpu.memory_space<vmem>>, vector<1x1xf32>
    %get3A_75 = vector.extract %get3A_74[0, 0] : f32 from vector<1x1xf32>
    %get3A_76 = arith.constant 0 : index
    %get3A_77 = arith.constant 0 : index
    %get3A_78 = vector.load %arg8[%get3A_76, %get3A_77] : memref<2x128xf32, #tpu.memory_space<vmem>>, vector<1x64xf32>
    %mul3A_79 = vector.broadcast %get3A_75 : f32 to vector<1x64xf32>
    %mul3A_80 = arith.mulf %mul3A_79, %get3A_78 : vector<1x64xf32>
    %add3A_81 = vector.broadcast %mul3A_80 : vector<1x64xf32> to vector<1000x64xf32>
    %add3A_82 = arith.addf %add3A_71, %add3A_81 : vector<1000x64xf32>
    %get3A_83 = arith.constant 1 : index
    %get3A_84 = arith.constant 0 : index
    %get3A_85 = vector.load %arg8[%get3A_83, %get3A_84] : memref<2x128xf32, #tpu.memory_space<vmem>>, vector<1x64xf32>
    %add3A_86 = vector.broadcast %get3A_85 : vector<1x64xf32> to vector<1000x64xf32>
    %add3A_87 = arith.addf %add3A_82, %add3A_86 : vector<1000x64xf32>
    %logistic3A = arith.negf %add3A_87 : vector<1000x64xf32>
    %logistic3A_88 = math.exp %logistic3A : vector<1000x64xf32>
    %logistic3A_89 = arith.constant 1.000000e+00 : f32
    %logistic3A_90 = vector.broadcast %logistic3A_89 : f32 to vector<1000x64xf32>
    %logistic3A_91 = arith.addf %logistic3A_90, %logistic3A_88 : vector<1000x64xf32>
    %logistic3A_92 = arith.divf %logistic3A_90, %logistic3A_91 : vector<1000x64xf32>
    %mul3A_93 = arith.mulf %add3A_87, %logistic3A_92 : vector<1000x64xf32>
    %get3A_94 = arith.constant 0 : index
    %get3A_95 = arith.constant 0 : index
    %get3A_96 = vector.load %arg9[%get3A_94, %get3A_95] : memref<64x1xf32, #tpu.memory_space<vmem>>, vector<64x1xf32>
    %dot_general3A_97 = arith.constant dense<0.000000e+00> : vector<1000x1xf32>
    %dot_general3A_98 = tpu.matmul %mul3A_93, %get3A_96, %dot_general3A_97 {dimension_numbers = #tpu.dot_dimension_numbers<[1], [0], [0], [1], [0, 0, 1, 1], [], []>, transpose_lhs_hint = false} : vector<1000x64xf32>, vector<64x1xf32>, vector<1000x1xf32> -> vector<1000x1xf32>
    %get3A_99 = arith.constant 0 : index
    %get3A_100 = arith.constant 0 : index
    %get3A_101 = vector.load %arg10[%get3A_99, %get3A_100] : memref<1x1xf32, #tpu.memory_space<vmem>>, vector<1x1xf32>
    %add3A_102 = vector.broadcast %get3A_101 : vector<1x1xf32> to vector<1000x1xf32>
    %add3A_103 = arith.addf %dot_general3A_98, %add3A_102 : vector<1000x1xf32>
    %logistic3A_104 = arith.negf %add3A_103 : vector<1000x1xf32>
    %logistic3A_105 = math.exp %logistic3A_104 : vector<1000x1xf32>
    %logistic3A_106 = arith.constant 1.000000e+00 : f32
    %logistic3A_107 = vector.broadcast %logistic3A_106 : f32 to vector<1000x1xf32>
    %logistic3A_108 = arith.addf %logistic3A_107, %logistic3A_105 : vector<1000x1xf32>
    %logistic3A_109 = arith.divf %logistic3A_107, %logistic3A_108 : vector<1000x1xf32>
    %mul3A_110 = vector.broadcast %logistic3A_109 : vector<1000x1xf32> to vector<1000x128xf32>
    %mul3A_111 = arith.mulf %mul3A_110, %add3A_31 : vector<1000x128xf32>
    %sub3A_112 = arith.constant 1.000000e+00 : f32
    %sub3A_113 = vector.broadcast %sub3A_112 : f32 to vector<1000x1xf32>
    %sub3A_114 = arith.subf %sub3A_113, %logistic3A_109 : vector<1000x1xf32>
    %mul3A_115 = vector.broadcast %sub3A_114 : vector<1000x1xf32> to vector<1000x128xf32>
    %mul3A_116 = arith.mulf %mul3A_115, %mul3A_61 : vector<1000x128xf32>
    %add3A_117 = arith.addf %mul3A_111, %mul3A_116 : vector<1000x128xf32>
    %swap3A = arith.constant 0 : index
    %swap3A_118 = arith.constant 0 : index
    %swap3A_119 = vector.load %arg11[%swap3A, %swap3A_118] : memref<1000x128xf32, #tpu.memory_space<vmem>>, vector<1000x128xf32>
    tpu.vector_store %arg11[%swap3A, %swap3A_118], %add3A_117 {strides = array<i32>} : memref<1000x128xf32, #tpu.memory_space<vmem>>, vector<1000x128xf32>,
    %swap3A_120 = arith.constant 0 : index
    %swap3A_121 = arith.constant 0 : index
    %swap3A_122 = vector.load %arg12[%swap3A_120, %swap3A_121] : memref<1000x128xf32, #tpu.memory_space<vmem>>, vector<1000x128xf32>
    tpu.vector_store %arg12[%swap3A_120, %swap3A_121], %mul3A_61 {strides = array<i32>} : memref<1000x128xf32, #tpu.memory_space<vmem>>, vector<1000x128xf32>,
    return
  }
  func.func @transform_0(%arg0: i32) -> (i32, i32) {
    %c0_i32 = arith.constant 0 : i32
    %c0_i32_0 = arith.constant 0 : i32
    return %arg0, %c0_i32 : i32, i32
  }
  func.func @transform_1(%arg0: i32) -> (i32, i32) {
    %c0_i32 = arith.constant 0 : i32
    %c0_i32_0 = arith.constant 0 : i32
    return %arg0, %c0_i32 : i32, i32
  }
  func.func @transform_2(%arg0: i32) -> (i32, i32) {
    %c0_i32 = arith.constant 0 : i32
    %c0_i32_0 = arith.constant 0 : i32
    %c0_i32_1 = arith.constant 0 : i32
    return %c0_i32, %c0_i32_0 : i32, i32
  }
  func.func @transform_3(%arg0: i32) -> (i32, i32) {
    %c0_i32 = arith.constant 0 : i32
    %c0_i32_0 = arith.constant 0 : i32
    %c0_i32_1 = arith.constant 0 : i32
    return %c0_i32, %c0_i32_0 : i32, i32
  }
  func.func @transform_4(%arg0: i32) -> (i32, i32) {
    %c0_i32 = arith.constant 0 : i32
    %c0_i32_0 = arith.constant 0 : i32
    return %arg0, %c0_i32 : i32, i32
  }
  func.func @transform_5(%arg0: i32) -> (i32, i32) {
    %c0_i32 = arith.constant 0 : i32
    %c0_i32_0 = arith.constant 0 : i32
    %c0_i32_1 = arith.constant 0 : i32
    return %c0_i32, %c0_i32_0 : i32, i32
  }
  func.func @transform_6(%arg0: i32) -> (i32, i32) {
    %c0_i32 = arith.constant 0 : i32
    %c0_i32_0 = arith.constant 0 : i32
    %c0_i32_1 = arith.constant 0 : i32
    return %c0_i32, %c0_i32_0 : i32, i32
  }
  func.func @transform_7(%arg0: i32) -> (i32, i32) {
    %c0_i32 = arith.constant 0 : i32
    %c0_i32_0 = arith.constant 0 : i32
    %c0_i32_1 = arith.constant 0 : i32
    return %c0_i32, %c0_i32_0 : i32, i32
  }
  func.func @transform_8(%arg0: i32) -> (i32, i32) {
    %c0_i32 = arith.constant 0 : i32
    %c0_i32_0 = arith.constant 0 : i32
    %c0_i32_1 = arith.constant 0 : i32
    return %c0_i32, %c0_i32_0 : i32, i32
  }
  func.func @transform_9(%arg0: i32) -> (i32, i32) {
    %c0_i32 = arith.constant 0 : i32
    %c0_i32_0 = arith.constant 0 : i32
    %c0_i32_1 = arith.constant 0 : i32
    return %c0_i32, %c0_i32_0 : i32, i32
  }
  func.func @transform_10(%arg0: i32) -> (i32, i32) {
    %c0_i32 = arith.constant 0 : i32
    %c0_i32_0 = arith.constant 0 : i32
    return %arg0, %c0_i32 : i32, i32
  }
  func.func @transform_11(%arg0: i32) -> (i32, i32) {
    %c0_i32 = arith.constant 0 : i32
    %c0_i32_0 = arith.constant 0 : i32
    return %arg0, %c0_i32 : i32, i32
  }
}

module attributes {stable_mosaic.version = 14 : i64} {
  func.func @_k_edge_mlp(%arg0: i32, %arg1: memref<2000x128xf32, #tpu.memory_space<vmem>>, %arg2: memref<2000x128xf32, #tpu.memory_space<vmem>>, %arg3: memref<2000x128xf32, #tpu.memory_space<vmem>>, %arg4: memref<384x128xf32, #tpu.memory_space<vmem>>, %arg5: memref<1x128xf32, #tpu.memory_space<vmem>>, %arg6: memref<128x128xf32, #tpu.memory_space<vmem>>, %arg7: memref<1x128xf32, #tpu.memory_space<vmem>>, %arg8: memref<384x128xf32, #tpu.memory_space<vmem>>, %arg9: memref<1x128xf32, #tpu.memory_space<vmem>>, %arg10: memref<2000x128xf32, #tpu.memory_space<vmem>>) attributes {dimension_semantics = [#tpu.dimension_semantics<arbitrary>], iteration_bounds = array<i64: 160>, scalar_prefetch = 0 : i64, scratch_operands = 0 : i64, tpu.core_type = #tpu.core_type<tc>, window_params = [{transform_indices = @transform_0, window_bounds = array<i64: 2000, 128>}, {transform_indices = @transform_1, window_bounds = array<i64: 2000, 128>}, {transform_indices = @transform_2, window_bounds = array<i64: 2000, 128>}, {pipeline_mode = #tpu.pipeline_mode<synchronous>, transform_indices = @transform_3, window_bounds = array<i64: 384, 128>}, {pipeline_mode = #tpu.pipeline_mode<synchronous>, transform_indices = @transform_4, window_bounds = array<i64: 1, 128>}, {pipeline_mode = #tpu.pipeline_mode<synchronous>, transform_indices = @transform_5, window_bounds = array<i64: 128, 128>}, {pipeline_mode = #tpu.pipeline_mode<synchronous>, transform_indices = @transform_6, window_bounds = array<i64: 1, 128>}, {pipeline_mode = #tpu.pipeline_mode<synchronous>, transform_indices = @transform_7, window_bounds = array<i64: 384, 128>}, {pipeline_mode = #tpu.pipeline_mode<synchronous>, transform_indices = @transform_8, window_bounds = array<i64: 1, 128>}, {transform_indices = @transform_9, window_bounds = array<i64: 2000, 128>}]} {
    %get3A = arith.constant 0 : index
    %get3A_0 = arith.constant 0 : index
    %get3A_1 = vector.load %arg1[%get3A, %get3A_0] : memref<2000x128xf32, #tpu.memory_space<vmem>>, vector<2000x128xf32>
    %get3A_2 = arith.constant 0 : index
    %get3A_3 = arith.constant 0 : index
    %get3A_4 = vector.load %arg2[%get3A_2, %get3A_3] : memref<2000x128xf32, #tpu.memory_space<vmem>>, vector<2000x128xf32>
    %get3A_5 = arith.constant 0 : index
    %get3A_6 = arith.constant 0 : index
    %get3A_7 = vector.load %arg3[%get3A_5, %get3A_6] : memref<2000x128xf32, #tpu.memory_space<vmem>>, vector<2000x128xf32>
    %get3A_8 = arith.constant 0 : index
    %get3A_9 = arith.constant 0 : index
    %get3A_10 = vector.load %arg4[%get3A_8, %get3A_9] : memref<384x128xf32, #tpu.memory_space<vmem>>, vector<384x128xf32>
    %get3A_11 = arith.constant 0 : index
    %get3A_12 = arith.constant 0 : index
    %get3A_13 = vector.load %arg8[%get3A_11, %get3A_12] : memref<384x128xf32, #tpu.memory_space<vmem>>, vector<384x128xf32>
    %slice3A = vector.extract_strided_slice %get3A_10 {offsets = [0, 0], sizes = [128, 128], strides = [1, 1]} : vector<384x128xf32> to vector<128x128xf32>
    %dot_general3A = arith.constant dense<0.000000e+00> : vector<2000x128xf32>
    %dot_general3A_14 = tpu.matmul %get3A_1, %slice3A, %dot_general3A {dimension_numbers = #tpu.dot_dimension_numbers<[1], [0], [0], [1], [0, 0, 1, 1], [], []>, transpose_lhs_hint = false} : vector<2000x128xf32>, vector<128x128xf32>, vector<2000x128xf32> -> vector<2000x128xf32>
    %slice3A_15 = vector.extract_strided_slice %get3A_10 {offsets = [128, 0], sizes = [128, 128], strides = [1, 1]} : vector<384x128xf32> to vector<128x128xf32>
    %dot_general3A_16 = arith.constant dense<0.000000e+00> : vector<2000x128xf32>
    %dot_general3A_17 = tpu.matmul %get3A_4, %slice3A_15, %dot_general3A_16 {dimension_numbers = #tpu.dot_dimension_numbers<[1], [0], [0], [1], [0, 0, 1, 1], [], []>, transpose_lhs_hint = false} : vector<2000x128xf32>, vector<128x128xf32>, vector<2000x128xf32> -> vector<2000x128xf32>
    %add3A = arith.addf %dot_general3A_14, %dot_general3A_17 : vector<2000x128xf32>
    %slice3A_18 = vector.extract_strided_slice %get3A_10 {offsets = [256, 0], sizes = [128, 128], strides = [1, 1]} : vector<384x128xf32> to vector<128x128xf32>
    %dot_general3A_19 = arith.constant dense<0.000000e+00> : vector<2000x128xf32>
    %dot_general3A_20 = tpu.matmul %get3A_7, %slice3A_18, %dot_general3A_19 {dimension_numbers = #tpu.dot_dimension_numbers<[1], [0], [0], [1], [0, 0, 1, 1], [], []>, transpose_lhs_hint = false} : vector<2000x128xf32>, vector<128x128xf32>, vector<2000x128xf32> -> vector<2000x128xf32>
    %add3A_21 = arith.addf %add3A, %dot_general3A_20 : vector<2000x128xf32>
    %get3A_22 = arith.constant 0 : index
    %get3A_23 = arith.constant 0 : index
    %get3A_24 = vector.load %arg5[%get3A_22, %get3A_23] : memref<1x128xf32, #tpu.memory_space<vmem>>, vector<1x128xf32>
    %add3A_25 = vector.broadcast %get3A_24 : vector<1x128xf32> to vector<2000x128xf32>
    %add3A_26 = arith.addf %add3A_21, %add3A_25 : vector<2000x128xf32>
    %reduce_sum3A = arith.constant dense<0.000000e+00> : vector<2000xf32>
    %reduce_sum3A_27 = vector.multi_reduction <add>, %add3A_26, %reduce_sum3A [1] : vector<2000x128xf32> to vector<2000xf32>
    %broadcast_in_dim3A = vector.shape_cast %reduce_sum3A_27 : vector<2000xf32> to vector<2000x1xf32>
    %div3A = arith.constant 1.280000e+02 : f32
    %div3A_28 = vector.broadcast %div3A : f32 to vector<2000x1xf32>
    %div3A_29 = arith.divf %broadcast_in_dim3A, %div3A_28 : vector<2000x1xf32>
    %sub3A = vector.broadcast %div3A_29 : vector<2000x1xf32> to vector<2000x128xf32>
    %sub3A_30 = arith.subf %add3A_26, %sub3A : vector<2000x128xf32>
    %integer_pow3A = arith.mulf %sub3A_30, %sub3A_30 : vector<2000x128xf32>
    %reduce_sum3A_31 = arith.constant dense<0.000000e+00> : vector<2000xf32>
    %reduce_sum3A_32 = vector.multi_reduction <add>, %integer_pow3A, %reduce_sum3A_31 [1] : vector<2000x128xf32> to vector<2000xf32>
    %broadcast_in_dim3A_33 = vector.shape_cast %reduce_sum3A_32 : vector<2000xf32> to vector<2000x1xf32>
    %div3A_34 = arith.constant 1.280000e+02 : f32
    %div3A_35 = vector.broadcast %div3A_34 : f32 to vector<2000x1xf32>
    %div3A_36 = arith.divf %broadcast_in_dim3A_33, %div3A_35 : vector<2000x1xf32>
    %sub3A_37 = vector.broadcast %div3A_29 : vector<2000x1xf32> to vector<2000x128xf32>
    %sub3A_38 = arith.subf %add3A_26, %sub3A_37 : vector<2000x128xf32>
    %add3A_39 = arith.constant 9.99999974E-6 : f32
    %add3A_40 = vector.broadcast %add3A_39 : f32 to vector<2000x1xf32>
    %add3A_41 = arith.addf %div3A_36, %add3A_40 : vector<2000x1xf32>
    %rsqrt3A = math.rsqrt %add3A_41 : vector<2000x1xf32>
    %mul3A = vector.broadcast %rsqrt3A : vector<2000x1xf32> to vector<2000x128xf32>
    %mul3A_42 = arith.mulf %sub3A_38, %mul3A : vector<2000x128xf32>
    %integer_pow3A_43 = arith.mulf %mul3A_42, %mul3A_42 : vector<2000x128xf32>
    %integer_pow3A_44 = arith.mulf %mul3A_42, %integer_pow3A_43 : vector<2000x128xf32>
    %mul3A_45 = arith.constant 4.471500e-02 : f32
    %mul3A_46 = vector.broadcast %mul3A_45 : f32 to vector<2000x128xf32>
    %mul3A_47 = arith.mulf %mul3A_46, %integer_pow3A_44 : vector<2000x128xf32>
    %add3A_48 = arith.addf %mul3A_42, %mul3A_47 : vector<2000x128xf32>
    %mul3A_49 = arith.constant 0.797884583 : f32
    %mul3A_50 = vector.broadcast %mul3A_49 : f32 to vector<2000x128xf32>
    %mul3A_51 = arith.mulf %mul3A_50, %add3A_48 : vector<2000x128xf32>
    %tanh3A = math.tanh %mul3A_51 : vector<2000x128xf32>
    %add3A_52 = arith.constant 1.000000e+00 : f32
    %add3A_53 = vector.broadcast %add3A_52 : f32 to vector<2000x128xf32>
    %add3A_54 = arith.addf %add3A_53, %tanh3A : vector<2000x128xf32>
    %mul3A_55 = arith.constant 5.000000e-01 : f32
    %mul3A_56 = vector.broadcast %mul3A_55 : f32 to vector<2000x128xf32>
    %mul3A_57 = arith.mulf %mul3A_56, %add3A_54 : vector<2000x128xf32>
    %mul3A_58 = arith.mulf %mul3A_42, %mul3A_57 : vector<2000x128xf32>
    %get3A_59 = arith.constant 0 : index
    %get3A_60 = arith.constant 0 : index
    %get3A_61 = vector.load %arg6[%get3A_59, %get3A_60] : memref<128x128xf32, #tpu.memory_space<vmem>>, vector<128x128xf32>
    %dot_general3A_62 = arith.constant dense<0.000000e+00> : vector<2000x128xf32>
    %dot_general3A_63 = tpu.matmul %mul3A_58, %get3A_61, %dot_general3A_62 {dimension_numbers = #tpu.dot_dimension_numbers<[1], [0], [0], [1], [0, 0, 1, 1], [], []>, transpose_lhs_hint = false} : vector<2000x128xf32>, vector<128x128xf32>, vector<2000x128xf32> -> vector<2000x128xf32>
    %get3A_64 = arith.constant 0 : index
    %get3A_65 = arith.constant 0 : index
    %get3A_66 = vector.load %arg7[%get3A_64, %get3A_65] : memref<1x128xf32, #tpu.memory_space<vmem>>, vector<1x128xf32>
    %add3A_67 = vector.broadcast %get3A_66 : vector<1x128xf32> to vector<2000x128xf32>
    %add3A_68 = arith.addf %dot_general3A_63, %add3A_67 : vector<2000x128xf32>
    %slice3A_69 = vector.extract_strided_slice %get3A_13 {offsets = [0, 0], sizes = [128, 128], strides = [1, 1]} : vector<384x128xf32> to vector<128x128xf32>
    %dot_general3A_70 = arith.constant dense<0.000000e+00> : vector<2000x128xf32>
    %dot_general3A_71 = tpu.matmul %get3A_1, %slice3A_69, %dot_general3A_70 {dimension_numbers = #tpu.dot_dimension_numbers<[1], [0], [0], [1], [0, 0, 1, 1], [], []>, transpose_lhs_hint = false} : vector<2000x128xf32>, vector<128x128xf32>, vector<2000x128xf32> -> vector<2000x128xf32>
    %slice3A_72 = vector.extract_strided_slice %get3A_13 {offsets = [128, 0], sizes = [128, 128], strides = [1, 1]} : vector<384x128xf32> to vector<128x128xf32>
    %dot_general3A_73 = arith.constant dense<0.000000e+00> : vector<2000x128xf32>
    %dot_general3A_74 = tpu.matmul %get3A_4, %slice3A_72, %dot_general3A_73 {dimension_numbers = #tpu.dot_dimension_numbers<[1], [0], [0], [1], [0, 0, 1, 1], [], []>, transpose_lhs_hint = false} : vector<2000x128xf32>, vector<128x128xf32>, vector<2000x128xf32> -> vector<2000x128xf32>
    %add3A_75 = arith.addf %dot_general3A_71, %dot_general3A_74 : vector<2000x128xf32>
    %slice3A_76 = vector.extract_strided_slice %get3A_13 {offsets = [256, 0], sizes = [128, 128], strides = [1, 1]} : vector<384x128xf32> to vector<128x128xf32>
    %dot_general3A_77 = arith.constant dense<0.000000e+00> : vector<2000x128xf32>
    %dot_general3A_78 = tpu.matmul %get3A_7, %slice3A_76, %dot_general3A_77 {dimension_numbers = #tpu.dot_dimension_numbers<[1], [0], [0], [1], [0, 0, 1, 1], [], []>, transpose_lhs_hint = false} : vector<2000x128xf32>, vector<128x128xf32>, vector<2000x128xf32> -> vector<2000x128xf32>
    %add3A_79 = arith.addf %add3A_75, %dot_general3A_78 : vector<2000x128xf32>
    %get3A_80 = arith.constant 0 : index
    %get3A_81 = arith.constant 0 : index
    %get3A_82 = vector.load %arg9[%get3A_80, %get3A_81] : memref<1x128xf32, #tpu.memory_space<vmem>>, vector<1x128xf32>
    %add3A_83 = vector.broadcast %get3A_82 : vector<1x128xf32> to vector<2000x128xf32>
    %add3A_84 = arith.addf %add3A_79, %add3A_83 : vector<2000x128xf32>
    %logistic3A = arith.negf %add3A_84 : vector<2000x128xf32>
    %logistic3A_85 = math.exp %logistic3A : vector<2000x128xf32>
    %logistic3A_86 = arith.constant 1.000000e+00 : f32
    %logistic3A_87 = vector.broadcast %logistic3A_86 : f32 to vector<2000x128xf32>
    %logistic3A_88 = arith.addf %logistic3A_87, %logistic3A_85 : vector<2000x128xf32>
    %logistic3A_89 = arith.divf %logistic3A_87, %logistic3A_88 : vector<2000x128xf32>
    %mul3A_90 = arith.mulf %add3A_68, %logistic3A_89 : vector<2000x128xf32>
    %add3A_91 = arith.addf %mul3A_90, %get3A_7 : vector<2000x128xf32>
    %reduce_sum3A_92 = arith.constant dense<0.000000e+00> : vector<2000xf32>
    %reduce_sum3A_93 = vector.multi_reduction <add>, %add3A_91, %reduce_sum3A_92 [1] : vector<2000x128xf32> to vector<2000xf32>
    %broadcast_in_dim3A_94 = vector.shape_cast %reduce_sum3A_93 : vector<2000xf32> to vector<2000x1xf32>
    %div3A_95 = arith.constant 1.280000e+02 : f32
    %div3A_96 = vector.broadcast %div3A_95 : f32 to vector<2000x1xf32>
    %div3A_97 = arith.divf %broadcast_in_dim3A_94, %div3A_96 : vector<2000x1xf32>
    %sub3A_98 = vector.broadcast %div3A_97 : vector<2000x1xf32> to vector<2000x128xf32>
    %sub3A_99 = arith.subf %add3A_91, %sub3A_98 : vector<2000x128xf32>
    %integer_pow3A_100 = arith.mulf %sub3A_99, %sub3A_99 : vector<2000x128xf32>
    %reduce_sum3A_101 = arith.constant dense<0.000000e+00> : vector<2000xf32>
    %reduce_sum3A_102 = vector.multi_reduction <add>, %integer_pow3A_100, %reduce_sum3A_101 [1] : vector<2000x128xf32> to vector<2000xf32>
    %broadcast_in_dim3A_103 = vector.shape_cast %reduce_sum3A_102 : vector<2000xf32> to vector<2000x1xf32>
    %div3A_104 = arith.constant 1.280000e+02 : f32
    %div3A_105 = vector.broadcast %div3A_104 : f32 to vector<2000x1xf32>
    %div3A_106 = arith.divf %broadcast_in_dim3A_103, %div3A_105 : vector<2000x1xf32>
    %sub3A_107 = vector.broadcast %div3A_97 : vector<2000x1xf32> to vector<2000x128xf32>
    %sub3A_108 = arith.subf %add3A_91, %sub3A_107 : vector<2000x128xf32>
    %add3A_109 = arith.constant 9.99999974E-6 : f32
    %add3A_110 = vector.broadcast %add3A_109 : f32 to vector<2000x1xf32>
    %add3A_111 = arith.addf %div3A_106, %add3A_110 : vector<2000x1xf32>
    %rsqrt3A_112 = math.rsqrt %add3A_111 : vector<2000x1xf32>
    %mul3A_113 = vector.broadcast %rsqrt3A_112 : vector<2000x1xf32> to vector<2000x128xf32>
    %mul3A_114 = arith.mulf %sub3A_108, %mul3A_113 : vector<2000x128xf32>
    %swap3A = arith.constant 0 : index
    %swap3A_115 = arith.constant 0 : index
    %swap3A_116 = vector.load %arg10[%swap3A, %swap3A_115] : memref<2000x128xf32, #tpu.memory_space<vmem>>, vector<2000x128xf32>
    tpu.vector_store %arg10[%swap3A, %swap3A_115], %mul3A_114 {strides = array<i32>} : memref<2000x128xf32, #tpu.memory_space<vmem>>, vector<2000x128xf32>,
    return
  }
  func.func @transform_0(%arg0: i32) -> (i32, i32) {
    %c0_i32 = arith.constant 0 : i32
    %c0_i32_0 = arith.constant 0 : i32
    return %arg0, %c0_i32 : i32, i32
  }
  func.func @transform_1(%arg0: i32) -> (i32, i32) {
    %c0_i32 = arith.constant 0 : i32
    %c0_i32_0 = arith.constant 0 : i32
    return %arg0, %c0_i32 : i32, i32
  }
  func.func @transform_2(%arg0: i32) -> (i32, i32) {
    %c0_i32 = arith.constant 0 : i32
    %c0_i32_0 = arith.constant 0 : i32
    return %arg0, %c0_i32 : i32, i32
  }
  func.func @transform_3(%arg0: i32) -> (i32, i32) {
    %c0_i32 = arith.constant 0 : i32
    %c0_i32_0 = arith.constant 0 : i32
    %c0_i32_1 = arith.constant 0 : i32
    return %c0_i32, %c0_i32_0 : i32, i32
  }
  func.func @transform_4(%arg0: i32) -> (i32, i32) {
    %c0_i32 = arith.constant 0 : i32
    %c0_i32_0 = arith.constant 0 : i32
    %c0_i32_1 = arith.constant 0 : i32
    return %c0_i32, %c0_i32_0 : i32, i32
  }
  func.func @transform_5(%arg0: i32) -> (i32, i32) {
    %c0_i32 = arith.constant 0 : i32
    %c0_i32_0 = arith.constant 0 : i32
    %c0_i32_1 = arith.constant 0 : i32
    return %c0_i32, %c0_i32_0 : i32, i32
  }
  func.func @transform_6(%arg0: i32) -> (i32, i32) {
    %c0_i32 = arith.constant 0 : i32
    %c0_i32_0 = arith.constant 0 : i32
    %c0_i32_1 = arith.constant 0 : i32
    return %c0_i32, %c0_i32_0 : i32, i32
  }
  func.func @transform_7(%arg0: i32) -> (i32, i32) {
    %c0_i32 = arith.constant 0 : i32
    %c0_i32_0 = arith.constant 0 : i32
    %c0_i32_1 = arith.constant 0 : i32
    return %c0_i32, %c0_i32_0 : i32, i32
  }
  func.func @transform_8(%arg0: i32) -> (i32, i32) {
    %c0_i32 = arith.constant 0 : i32
    %c0_i32_0 = arith.constant 0 : i32
    %c0_i32_1 = arith.constant 0 : i32
    return %c0_i32, %c0_i32_0 : i32, i32
  }
  func.func @transform_9(%arg0: i32) -> (i32, i32) {
    %c0_i32 = arith.constant 0 : i32
    %c0_i32_0 = arith.constant 0 : i32
    return %arg0, %c0_i32 : i32, i32
  }
}

module attributes {stable_mosaic.version = 14 : i64} {
  func.func @_k_node3(%arg0: i32, %arg1: memref<1000x128xf32, #tpu.memory_space<vmem>>, %arg2: memref<1000x128xf32, #tpu.memory_space<vmem>>, %arg3: memref<2x128xf32, #tpu.memory_space<vmem>>, %arg4: memref<2x128xf32, #tpu.memory_space<vmem>>, %arg5: memref<1000x128xf32, #tpu.memory_space<vmem>>, %arg6: memref<1x1xf32, #tpu.memory_space<vmem>>, %arg7: memref<128x128xf32, #tpu.memory_space<vmem>>, %arg8: memref<2x128xf32, #tpu.memory_space<vmem>>, %arg9: memref<64x1xf32, #tpu.memory_space<vmem>>, %arg10: memref<1x1xf32, #tpu.memory_space<vmem>>, %arg11: memref<1000x128xf32, #tpu.memory_space<vmem>>, %arg12: memref<1000x128xf32, #tpu.memory_space<vmem>>) attributes {dimension_semantics = [#tpu.dimension_semantics<arbitrary>], iteration_bounds = array<i64: 10>, scalar_prefetch = 0 : i64, scratch_operands = 0 : i64, tpu.core_type = #tpu.core_type<tc>, window_params = [{transform_indices = @transform_0, window_bounds = array<i64: 1000, 128>}, {transform_indices = @transform_1, window_bounds = array<i64: 1000, 128>}, {pipeline_mode = #tpu.pipeline_mode<synchronous>, transform_indices = @transform_2, window_bounds = array<i64: 2, 128>}, {pipeline_mode = #tpu.pipeline_mode<synchronous>, transform_indices = @transform_3, window_bounds = array<i64: 2, 128>}, {transform_indices = @transform_4, window_bounds = array<i64: 1000, 128>}, {pipeline_mode = #tpu.pipeline_mode<synchronous>, transform_indices = @transform_5, window_bounds = array<i64: 1, 1>}, {pipeline_mode = #tpu.pipeline_mode<synchronous>, transform_indices = @transform_6, window_bounds = array<i64: 128, 128>}, {pipeline_mode = #tpu.pipeline_mode<synchronous>, transform_indices = @transform_7, window_bounds = array<i64: 2, 128>}, {pipeline_mode = #tpu.pipeline_mode<synchronous>, transform_indices = @transform_8, window_bounds = array<i64: 64, 1>}, {pipeline_mode = #tpu.pipeline_mode<synchronous>, transform_indices = @transform_9, window_bounds = array<i64: 1, 1>}, {transform_indices = @transform_10, window_bounds = array<i64: 1000, 128>}, {transform_indices = @transform_11, window_bounds = array<i64: 1000, 128>}]} {
    %get3A = arith.constant 0 : index
    %get3A_0 = arith.constant 0 : index
    %get3A_1 = vector.load %arg3[%get3A, %get3A_0] : memref<2x128xf32, #tpu.memory_space<vmem>>, vector<2x128xf32>
    %get3A_2 = arith.constant 0 : index
    %get3A_3 = arith.constant 0 : index
    %get3A_4 = vector.load %arg4[%get3A_2, %get3A_3] : memref<2x128xf32, #tpu.memory_space<vmem>>, vector<2x128xf32>
    %get3A_5 = arith.constant 0 : index
    %get3A_6 = arith.constant 0 : index
    %get3A_7 = vector.load %arg1[%get3A_5, %get3A_6] : memref<1000x128xf32, #tpu.memory_space<vmem>>, vector<1000x128xf32>
    %slice3A = vector.extract_strided_slice %get3A_1 {offsets = [0, 0], sizes = [1, 128], strides = [1, 1]} : vector<2x128xf32> to vector<1x128xf32>
    %sub3A = vector.broadcast %slice3A : vector<1x128xf32> to vector<1000x128xf32>
    %sub3A_8 = arith.subf %get3A_7, %sub3A : vector<1000x128xf32>
    %slice3A_9 = vector.extract_strided_slice %get3A_4 {offsets = [0, 0], sizes = [1, 128], strides = [1, 1]} : vector<2x128xf32> to vector<1x128xf32>
    %add3A = arith.constant 9.99999974E-6 : f32
    %add3A_10 = vector.broadcast %add3A : f32 to vector<1x128xf32>
    %add3A_11 = arith.addf %slice3A_9, %add3A_10 : vector<1x128xf32>
    %rsqrt3A = math.rsqrt %add3A_11 : vector<1x128xf32>
    %mul3A = vector.broadcast %rsqrt3A : vector<1x128xf32> to vector<1000x128xf32>
    %mul3A_12 = arith.mulf %sub3A_8, %mul3A : vector<1000x128xf32>
    %integer_pow3A = arith.mulf %mul3A_12, %mul3A_12 : vector<1000x128xf32>
    %integer_pow3A_13 = arith.mulf %mul3A_12, %integer_pow3A : vector<1000x128xf32>
    %mul3A_14 = arith.constant 4.471500e-02 : f32
    %mul3A_15 = vector.broadcast %mul3A_14 : f32 to vector<1000x128xf32>
    %mul3A_16 = arith.mulf %mul3A_15, %integer_pow3A_13 : vector<1000x128xf32>
    %add3A_17 = arith.addf %mul3A_12, %mul3A_16 : vector<1000x128xf32>
    %mul3A_18 = arith.constant 0.797884583 : f32
    %mul3A_19 = vector.broadcast %mul3A_18 : f32 to vector<1000x128xf32>
    %mul3A_20 = arith.mulf %mul3A_19, %add3A_17 : vector<1000x128xf32>
    %tanh3A = math.tanh %mul3A_20 : vector<1000x128xf32>
    %add3A_21 = arith.constant 1.000000e+00 : f32
    %add3A_22 = vector.broadcast %add3A_21 : f32 to vector<1000x128xf32>
    %add3A_23 = arith.addf %add3A_22, %tanh3A : vector<1000x128xf32>
    %mul3A_24 = arith.constant 5.000000e-01 : f32
    %mul3A_25 = vector.broadcast %mul3A_24 : f32 to vector<1000x128xf32>
    %mul3A_26 = arith.mulf %mul3A_25, %add3A_23 : vector<1000x128xf32>
    %mul3A_27 = arith.mulf %mul3A_12, %mul3A_26 : vector<1000x128xf32>
    %get3A_28 = arith.constant 0 : index
    %get3A_29 = arith.constant 0 : index
    %get3A_30 = vector.load %arg5[%get3A_28, %get3A_29] : memref<1000x128xf32, #tpu.memory_space<vmem>>, vector<1000x128xf32>
    %add3A_31 = arith.addf %mul3A_27, %get3A_30 : vector<1000x128xf32>
    %get3A_32 = arith.constant 0 : index
    %get3A_33 = arith.constant 0 : index
    %get3A_34 = vector.load %arg2[%get3A_32, %get3A_33] : memref<1000x128xf32, #tpu.memory_space<vmem>>, vector<1000x128xf32>
    %slice3A_35 = vector.extract_strided_slice %get3A_1 {offsets = [1, 0], sizes = [1, 128], strides = [1, 1]} : vector<2x128xf32> to vector<1x128xf32>
    %sub3A_36 = vector.broadcast %slice3A_35 : vector<1x128xf32> to vector<1000x128xf32>
    %sub3A_37 = arith.subf %get3A_34, %sub3A_36 : vector<1000x128xf32>
    %slice3A_38 = vector.extract_strided_slice %get3A_4 {offsets = [1, 0], sizes = [1, 128], strides = [1, 1]} : vector<2x128xf32> to vector<1x128xf32>
    %add3A_39 = arith.constant 9.99999974E-6 : f32
    %add3A_40 = vector.broadcast %add3A_39 : f32 to vector<1x128xf32>
    %add3A_41 = arith.addf %slice3A_38, %add3A_40 : vector<1x128xf32>
    %rsqrt3A_42 = math.rsqrt %add3A_41 : vector<1x128xf32>
    %mul3A_43 = vector.broadcast %rsqrt3A_42 : vector<1x128xf32> to vector<1000x128xf32>
    %mul3A_44 = arith.mulf %sub3A_37, %mul3A_43 : vector<1000x128xf32>
    %integer_pow3A_45 = arith.mulf %mul3A_44, %mul3A_44 : vector<1000x128xf32>
    %integer_pow3A_46 = arith.mulf %mul3A_44, %integer_pow3A_45 : vector<1000x128xf32>
    %mul3A_47 = arith.constant 4.471500e-02 : f32
    %mul3A_48 = vector.broadcast %mul3A_47 : f32 to vector<1000x128xf32>
    %mul3A_49 = arith.mulf %mul3A_48, %integer_pow3A_46 : vector<1000x128xf32>
    %add3A_50 = arith.addf %mul3A_44, %mul3A_49 : vector<1000x128xf32>
    %mul3A_51 = arith.constant 0.797884583 : f32
    %mul3A_52 = vector.broadcast %mul3A_51 : f32 to vector<1000x128xf32>
    %mul3A_53 = arith.mulf %mul3A_52, %add3A_50 : vector<1000x128xf32>
    %tanh3A_54 = math.tanh %mul3A_53 : vector<1000x128xf32>
    %add3A_55 = arith.constant 1.000000e+00 : f32
    %add3A_56 = vector.broadcast %add3A_55 : f32 to vector<1000x128xf32>
    %add3A_57 = arith.addf %add3A_56, %tanh3A_54 : vector<1000x128xf32>
    %mul3A_58 = arith.constant 5.000000e-01 : f32
    %mul3A_59 = vector.broadcast %mul3A_58 : f32 to vector<1000x128xf32>
    %mul3A_60 = arith.mulf %mul3A_59, %add3A_57 : vector<1000x128xf32>
    %mul3A_61 = arith.mulf %mul3A_44, %mul3A_60 : vector<1000x128xf32>
    %get3A_62 = arith.constant 0 : index
    %get3A_63 = arith.constant 0 : index
    %get3A_64 = vector.load %arg7[%get3A_62, %get3A_63] : memref<128x128xf32, #tpu.memory_space<vmem>>, vector<128x64xf32>
    %dot_general3A = arith.constant dense<0.000000e+00> : vector<1000x64xf32>
    %dot_general3A_65 = tpu.matmul %add3A_31, %get3A_64, %dot_general3A {dimension_numbers = #tpu.dot_dimension_numbers<[1], [0], [0], [1], [0, 0, 1, 1], [], []>, transpose_lhs_hint = false} : vector<1000x128xf32>, vector<128x64xf32>, vector<1000x64xf32> -> vector<1000x64xf32>
    %get3A_66 = arith.constant 0 : index
    %get3A_67 = arith.constant 64 : index
    %get3A_68 = vector.load %arg7[%get3A_66, %get3A_67] : memref<128x128xf32, #tpu.memory_space<vmem>>, vector<128x64xf32>
    %dot_general3A_69 = arith.constant dense<0.000000e+00> : vector<1000x64xf32>
    %dot_general3A_70 = tpu.matmul %mul3A_61, %get3A_68, %dot_general3A_69 {dimension_numbers = #tpu.dot_dimension_numbers<[1], [0], [0], [1], [0, 0, 1, 1], [], []>, transpose_lhs_hint = false} : vector<1000x128xf32>, vector<128x64xf32>, vector<1000x64xf32> -> vector<1000x64xf32>
    %add3A_71 = arith.addf %dot_general3A_65, %dot_general3A_70 : vector<1000x64xf32>
    %get3A_72 = arith.constant 0 : index
    %get3A_73 = arith.constant 0 : index
    %get3A_74 = vector.load %arg6[%get3A_72, %get3A_73] : memref<1x1xf32, #tpu.memory_space<vmem>>, vector<1x1xf32>
    %get3A_75 = vector.extract %get3A_74[0, 0] : f32 from vector<1x1xf32>
    %get3A_76 = arith.constant 0 : index
    %get3A_77 = arith.constant 0 : index
    %get3A_78 = vector.load %arg8[%get3A_76, %get3A_77] : memref<2x128xf32, #tpu.memory_space<vmem>>, vector<1x64xf32>
    %mul3A_79 = vector.broadcast %get3A_75 : f32 to vector<1x64xf32>
    %mul3A_80 = arith.mulf %mul3A_79, %get3A_78 : vector<1x64xf32>
    %add3A_81 = vector.broadcast %mul3A_80 : vector<1x64xf32> to vector<1000x64xf32>
    %add3A_82 = arith.addf %add3A_71, %add3A_81 : vector<1000x64xf32>
    %get3A_83 = arith.constant 1 : index
    %get3A_84 = arith.constant 0 : index
    %get3A_85 = vector.load %arg8[%get3A_83, %get3A_84] : memref<2x128xf32, #tpu.memory_space<vmem>>, vector<1x64xf32>
    %add3A_86 = vector.broadcast %get3A_85 : vector<1x64xf32> to vector<1000x64xf32>
    %add3A_87 = arith.addf %add3A_82, %add3A_86 : vector<1000x64xf32>
    %logistic3A = arith.negf %add3A_87 : vector<1000x64xf32>
    %logistic3A_88 = math.exp %logistic3A : vector<1000x64xf32>
    %logistic3A_89 = arith.constant 1.000000e+00 : f32
    %logistic3A_90 = vector.broadcast %logistic3A_89 : f32 to vector<1000x64xf32>
    %logistic3A_91 = arith.addf %logistic3A_90, %logistic3A_88 : vector<1000x64xf32>
    %logistic3A_92 = arith.divf %logistic3A_90, %logistic3A_91 : vector<1000x64xf32>
    %mul3A_93 = arith.mulf %add3A_87, %logistic3A_92 : vector<1000x64xf32>
    %get3A_94 = arith.constant 0 : index
    %get3A_95 = arith.constant 0 : index
    %get3A_96 = vector.load %arg9[%get3A_94, %get3A_95] : memref<64x1xf32, #tpu.memory_space<vmem>>, vector<64x1xf32>
    %dot_general3A_97 = arith.constant dense<0.000000e+00> : vector<1000x1xf32>
    %dot_general3A_98 = tpu.matmul %mul3A_93, %get3A_96, %dot_general3A_97 {dimension_numbers = #tpu.dot_dimension_numbers<[1], [0], [0], [1], [0, 0, 1, 1], [], []>, transpose_lhs_hint = false} : vector<1000x64xf32>, vector<64x1xf32>, vector<1000x1xf32> -> vector<1000x1xf32>
    %get3A_99 = arith.constant 0 : index
    %get3A_100 = arith.constant 0 : index
    %get3A_101 = vector.load %arg10[%get3A_99, %get3A_100] : memref<1x1xf32, #tpu.memory_space<vmem>>, vector<1x1xf32>
    %add3A_102 = vector.broadcast %get3A_101 : vector<1x1xf32> to vector<1000x1xf32>
    %add3A_103 = arith.addf %dot_general3A_98, %add3A_102 : vector<1000x1xf32>
    %logistic3A_104 = arith.negf %add3A_103 : vector<1000x1xf32>
    %logistic3A_105 = math.exp %logistic3A_104 : vector<1000x1xf32>
    %logistic3A_106 = arith.constant 1.000000e+00 : f32
    %logistic3A_107 = vector.broadcast %logistic3A_106 : f32 to vector<1000x1xf32>
    %logistic3A_108 = arith.addf %logistic3A_107, %logistic3A_105 : vector<1000x1xf32>
    %logistic3A_109 = arith.divf %logistic3A_107, %logistic3A_108 : vector<1000x1xf32>
    %mul3A_110 = vector.broadcast %logistic3A_109 : vector<1000x1xf32> to vector<1000x128xf32>
    %mul3A_111 = arith.mulf %mul3A_110, %add3A_31 : vector<1000x128xf32>
    %sub3A_112 = arith.constant 1.000000e+00 : f32
    %sub3A_113 = vector.broadcast %sub3A_112 : f32 to vector<1000x1xf32>
    %sub3A_114 = arith.subf %sub3A_113, %logistic3A_109 : vector<1000x1xf32>
    %mul3A_115 = vector.broadcast %sub3A_114 : vector<1000x1xf32> to vector<1000x128xf32>
    %mul3A_116 = arith.mulf %mul3A_115, %mul3A_61 : vector<1000x128xf32>
    %add3A_117 = arith.addf %mul3A_111, %mul3A_116 : vector<1000x128xf32>
    %swap3A = arith.constant 0 : index
    %swap3A_118 = arith.constant 0 : index
    %swap3A_119 = vector.load %arg11[%swap3A, %swap3A_118] : memref<1000x128xf32, #tpu.memory_space<vmem>>, vector<1000x128xf32>
    tpu.vector_store %arg11[%swap3A, %swap3A_118], %add3A_117 {strides = array<i32>} : memref<1000x128xf32, #tpu.memory_space<vmem>>, vector<1000x128xf32>,
    %swap3A_120 = arith.constant 0 : index
    %swap3A_121 = arith.constant 0 : index
    %swap3A_122 = vector.load %arg12[%swap3A_120, %swap3A_121] : memref<1000x128xf32, #tpu.memory_space<vmem>>, vector<1000x128xf32>
    tpu.vector_store %arg12[%swap3A_120, %swap3A_121], %mul3A_61 {strides = array<i32>} : memref<1000x128xf32, #tpu.memory_space<vmem>>, vector<1000x128xf32>,
    return
  }
  func.func @transform_0(%arg0: i32) -> (i32, i32) {
    %c0_i32 = arith.constant 0 : i32
    %c0_i32_0 = arith.constant 0 : i32
    return %arg0, %c0_i32 : i32, i32
  }
  func.func @transform_1(%arg0: i32) -> (i32, i32) {
    %c0_i32 = arith.constant 0 : i32
    %c0_i32_0 = arith.constant 0 : i32
    return %arg0, %c0_i32 : i32, i32
  }
  func.func @transform_2(%arg0: i32) -> (i32, i32) {
    %c0_i32 = arith.constant 0 : i32
    %c0_i32_0 = arith.constant 0 : i32
    %c0_i32_1 = arith.constant 0 : i32
    return %c0_i32, %c0_i32_0 : i32, i32
  }
  func.func @transform_3(%arg0: i32) -> (i32, i32) {
    %c0_i32 = arith.constant 0 : i32
    %c0_i32_0 = arith.constant 0 : i32
    %c0_i32_1 = arith.constant 0 : i32
    return %c0_i32, %c0_i32_0 : i32, i32
  }
  func.func @transform_4(%arg0: i32) -> (i32, i32) {
    %c0_i32 = arith.constant 0 : i32
    %c0_i32_0 = arith.constant 0 : i32
    return %arg0, %c0_i32 : i32, i32
  }
  func.func @transform_5(%arg0: i32) -> (i32, i32) {
    %c0_i32 = arith.constant 0 : i32
    %c0_i32_0 = arith.constant 0 : i32
    %c0_i32_1 = arith.constant 0 : i32
    return %c0_i32, %c0_i32_0 : i32, i32
  }
  func.func @transform_6(%arg0: i32) -> (i32, i32) {
    %c0_i32 = arith.constant 0 : i32
    %c0_i32_0 = arith.constant 0 : i32
    %c0_i32_1 = arith.constant 0 : i32
    return %c0_i32, %c0_i32_0 : i32, i32
  }
  func.func @transform_7(%arg0: i32) -> (i32, i32) {
    %c0_i32 = arith.constant 0 : i32
    %c0_i32_0 = arith.constant 0 : i32
    %c0_i32_1 = arith.constant 0 : i32
    return %c0_i32, %c0_i32_0 : i32, i32
  }
  func.func @transform_8(%arg0: i32) -> (i32, i32) {
    %c0_i32 = arith.constant 0 : i32
    %c0_i32_0 = arith.constant 0 : i32
    %c0_i32_1 = arith.constant 0 : i32
    return %c0_i32, %c0_i32_0 : i32, i32
  }
  func.func @transform_9(%arg0: i32) -> (i32, i32) {
    %c0_i32 = arith.constant 0 : i32
    %c0_i32_0 = arith.constant 0 : i32
    %c0_i32_1 = arith.constant 0 : i32
    return %c0_i32, %c0_i32_0 : i32, i32
  }
  func.func @transform_10(%arg0: i32) -> (i32, i32) {
    %c0_i32 = arith.constant 0 : i32
    %c0_i32_0 = arith.constant 0 : i32
    return %arg0, %c0_i32 : i32, i32
  }
  func.func @transform_11(%arg0: i32) -> (i32, i32) {
    %c0_i32 = arith.constant 0 : i32
    %c0_i32_0 = arith.constant 0 : i32
    return %arg0, %c0_i32 : i32, i32
  }
}

</mosaic_0001>

<sc_bundles>
// kernel: kernel.22.cloned.1.call-start
scs
__scs_entry_jumppad:
0x0: {  	(pc) =	sbr.rel $0x88, $3  }
0x1: {  	(tag) =	ssettag $0x0;
	lr =	simm.s32 $0x1  }
0x2: {  	[smem:$0x3F87] =	sst lr;
	_ =	strace $0xD0000000  }
0x3: {  	_ = 	snop  }
0x4: {  	_ = 	snop  }
0x5: {  	_ = 	snop  }
0x6: {  	_ = 	snop  }
0x7: {  	_ = 	snop  }
__scs_overlays_trampoline_lowered:
0x8: {  	[smem:$0x3F96] =	sst s0  }
0x9: {  	[smem:$0x3F97] =	sst s1  }
0xa: {  	[smem:$0x3F98] =	sst s2  }
0xb: {  	[smem:$0x3F99] =	sst s3  }
0xc: {  	[smem:$0x3F9A] =	sst s4  }
0xd: {  	[smem:$0x3F9B] =	sst s5  }
0xe: {  	[smem:$0x3F9C] =	sst s6  }
0xf: {  	[smem:$0x3F9D] =	sst s7  }
0x10: {  	[smem:$0x3F9E] =	sst s8  }
0x11: {  	[smem:$0x3F9F] =	sst s9;
	s0 =	simm.s32 @!p0 $0x0  }
0x12: {  	s1 =	sld [smem:$0x3F85];
	s0 =	simm.s32 @p0 $0x1  }
0x13: {  	[smem:$0x3FA0] =	sst s0;
	s0 =	simm.s32 @!p1 $0x0  }
0x14: {  	s2 =	sld [smem:$0x3F84];
	s0 =	simm.s32 @p1 $0x1  }
0x15: {  	[smem:$0x3FA1] =	sst s0;
	s0 =	simm.s32 @!p2 $0x0  }
0x16: {  	s3 =	sld [smem:$0x3FDB];
	s0 =	simm.s32 @p2 $0x1  }
0x17: {  	s4 =	simm.s32 $0x1BF5;
	[smem:$0x3FA3] =	sst s0  }
0x18: {  	s0 =	sld [smem:$0x3F86];
	_ =	swait.ge [sflag:s4], $0x0  }
0x19: {  	s7 =	sld [smem:$0x3F87]  }
0x1a: {  	s8 =	sadd.s32 $0xFFFFE003, lr  }
0x1b: {  	s9 =	sadd.s32 $0xFFFFFEF7, lr;
	s5 =	simm.s32 $0xFFFFFFFF;
	p2 =	slt.u32 s8, $0xFFFFF086  }
0x1c: {  	p1 =	slt.u32 s9, $0xF7A;
	s5 =	simm.s32 @!p2 $0x0  }
0x1d: {  	s5 =	simm.s32 @p1 $0x1;
	p0 =	seq.s32 s7, s2  }
0x1e: {  	s7 =	smul.u32 @!p0 $0xF7A, s2;
	p2 =	seq.s32 @!p0 s5, $0x0  }
0x1f: {  	s9 =	smul.u32 $0xF7A, s1;
	s8 =	simm.s32 @!p0 $0x1BF5;
	p2 =	por !p2, p0  }
0x20: {  	[sflag:s8] =	ssyncset.s32 @!p0 $0xFFFFF086;
	s6 =	sadd.s32 @!p0 s3, s7;
	s7 =	simm.s32 @!p0 $0x108  }
0x21: {  	s3 =	sadd.s32 s3, s9;
	s6 =	sadd.s32 @!p0 $0x88, s6;
	s7 =	simm.s32 @p2 $0x1082  }
0x22: {  	[simem:s7], [sflag:s8] =	dma.local @!p0 [hbm:s6], $0xF7A  }
0x23: {  	s9 =	sor.u32 $0xD0000000, s2;
	s6 =	simm.s32 $0x108;
	_ =	swait.ge @!p0 [sflag:s8], $0x0  }
0x24: {  	s3 =	sadd.s32 $0x88, s3;
	s6 =	simm.s32 @!p1 $0x1082;
	[sflag:s4] =	ssyncset.s32 $0xFFFFF086  }
0x25: {  	[simem:s6], [sflag:s4] =	dma.local [hbm:s3], $0xF7A  }
0x26: {  	[smem:$0x3F87] =	sst s1;
	(tag) =	ssettag s2;
	_ =	strace s9  }
0x27: {  	s1 =	sld [smem:$0x3F97]  }
0x28: {  	s2 =	sld [smem:$0x3F98]  }
0x29: {  	s4 =	sld [smem:$0x3F9A]  }
0x2a: {  	p0 =	seq.s32 s5, $0x0;
	s5 =	sld [smem:$0x3F9B]  }
0x2b: {  	s6 =	sld [smem:$0x3F9C]  }
0x2c: {  	s7 =	sld [smem:$0x3F9D]  }
0x2d: {  	s3 =	simm.s32 $0x108;
	s8 =	sld [smem:$0x3F9E]  }
0x2e: {  	s3 =	simm.s32 @!p0 $0x1082;
	s9 =	sld [smem:$0x3F9F]  }
0x2f: {  	lr =	sadd.s32 s0, s3;
	s0 =	sld [smem:$0x3F96]  }
0x30: {  	s3 =	sld [smem:$0x3F99]  }
0x31: {  	[smem:$0x3FA2] =	sst s10  }
0x32: {  	s10 =	sld [smem:$0x3FA0];
	_ =	sdelay $0x3  }
0x33: {  	p0 =	seq.s32 s10, $0x1;
	s10 =	sld [smem:$0x3FA2];
	_ =	sdelay $0x3  }
0x34: {  	[smem:$0x3FA2] =	sst s10  }
0x35: {  	s10 =	sld [smem:$0x3FA1];
	_ =	sdelay $0x3  }
0x36: {  	p1 =	seq.s32 s10, $0x1;
	s10 =	sld [smem:$0x3FA2];
	_ =	sdelay $0x3  }
0x37: {  	[smem:$0x3FA2] =	sst s10  }
0x38: {  	s10 =	sld [smem:$0x3FA3]  }
0x39: {  	_ = 	snop;
	(pc) =	sbr.ind lr, $3  }
0x3a: {  	_ = 	snop  }
0x3b: {  	_ = 	snop  }
0x3c: {  	p2 =	seq.s32 s10, $0x1;
	s10 =	sld [smem:$0x3FA2]  }
0x3d: {  	_ =	shalt  }
0x3e: {  	_ =	shalt  }
0x3f: {  	_ =	shalt  }
0x40: {  	_ =	shalt  }
0x41: {  	_ =	shalt  }
0x42: {  	_ =	shalt  }
0x43: {  	_ =	shalt  }
0x44: {  	_ =	shalt  }
0x45: {  	_ =	shalt  }
0x46: {  	_ =	shalt  }
0x47: {  	_ =	shalt  }
0x48: {  	_ =	shalt  }
0x49: {  	_ =	shalt  }
0x4a: {  	_ =	shalt  }
0x4b: {  	_ =	shalt  }
0x4c: {  	_ =	shalt  }
0x4d: {  	_ =	shalt  }
0x4e: {  	_ =	shalt  }
0x4f: {  	_ =	shalt  }
0x50: {  	_ =	shalt  }
0x51: {  	_ =	shalt  }
0x52: {  	_ =	shalt  }
0x53: {  	_ =	shalt  }
0x54: {  	_ =	shalt  }
0x55: {  	_ =	shalt  }
0x56: {  	_ =	shalt  }
0x57: {  	_ =	shalt  }
0x58: {  	_ =	shalt  }
0x59: {  	_ =	shalt  }
0x5a: {  	_ =	shalt  }
0x5b: {  	_ =	shalt  }
0x5c: {  	_ =	shalt  }
0x5d: {  	_ =	shalt  }
0x5e: {  	_ =	shalt  }
0x5f: {  	_ =	shalt  }
0x60: {  	_ =	shalt  }
0x61: {  	_ =	shalt  }
0x62: {  	_ =	shalt  }
0x63: {  	_ =	shalt  }
0x64: {  	_ =	shalt  }
0x65: {  	_ =	shalt  }
0x66: {  	_ =	shalt  }
0x67: {  	_ =	shalt  }
0x68: {  	_ =	shalt  }
0x69: {  	_ =	shalt  }
0x6a: {  	_ =	shalt  }
0x6b: {  	_ =	shalt  }
0x6c: {  	_ =	shalt  }
0x6d: {  	_ =	shalt  }
0x6e: {  	_ =	shalt  }
0x6f: {  	_ =	shalt  }
0x70: {  	_ =	shalt  }
0x71: {  	_ =	shalt  }
0x72: {  	_ =	shalt  }
0x73: {  	_ =	shalt  }
0x74: {  	_ =	shalt  }
0x75: {  	_ =	shalt  }
0x76: {  	_ =	shalt  }
0x77: {  	_ =	shalt  }
0x78: {  	_ =	shalt  }
0x79: {  	_ =	shalt  }
0x7a: {  	_ =	shalt  }
0x7b: {  	_ =	shalt  }
0x7c: {  	_ =	shalt  }
0x7d: {  	_ =	shalt  }
0x7e: {  	_ =	shalt  }
0x7f: {  	_ =	shalt  }
0x80: {  	_ =	shalt  }
0x81: {  	_ =	shalt  }
0x82: {  	_ =	shalt  }
0x83: {  	_ =	shalt  }
0x84: {  	_ =	shalt  }
0x85: {  	_ =	shalt  }
0x86: {  	_ =	shalt  }
0x87: {  	_ =	shalt  }
.Lfunc_end0:
.L_simem_size_0:
called_computation.2_lowered:
.L_overlay_start_0:
0x88: {  	s2 =	sld [smem:$0x3FD9]  }
0x89: {  	s3 =	sld [smem:$0x3FFE];
	_ =	sdelay $0x1  }
0x8a: {  	s1 =	srdreg.scid  }
0x8b: {  	s0 =	sand.u32 $0x1, s1  }
0x8c: {  	s17 =	sshll.u32 s0, $0xA;
	s2 =	sadd.s32 s3, s2  }
0x8d: {  	s2 =	sadd.s32 s2, s17  }
0x8e: {  	[smem:$0x3FAE] =	sst s2  }
0x8f: {  	_ = 	snop  }
0x90: {  	s2 =	sld [smem:$0x3FD0];
	(tm) =	ssettm $0x1  }
0x91: {  	s18 =	sld [smem:$0x3FFB];
	_ =	sdelay $0x3  }
0x92: {  	_ =	strace s18  }
0x93: {  	s3 =	sld [smem:$0x3FFC];
	_ =	sdelay $0x3  }
0x94: {  	_ =	strace s3  }
0x95: {  	s3 =	sld [smem:$0x3FFD];
	_ =	sdelay $0x3  }
0x96: {  	_ =	strace s3  }
0x97: {  	_ =	strace $0x8FFFFFFF  }
0x98: {  	s19 =	sld [smem:$0x3FDB];
	_ =	sdelay $0x1  }
0x99: {  	s4 =	simm.s32 $_scs_section_size  }
0x9a: {  	s5 =	simm.s32 $_size__tile_overlayer_lowered;
	s6 =	simm.s32 $_tile_overlayer_lowered  }
0x9b: {  	s22 =	simm.s32 $0x1BFF;
	s21 =	sshll.u32 s6, $0x1;
	s3 =	sadd.s32 s4, s19  }
0x9c: {  	s7 =	simm.s32 $0x0;
	s20 =	sshll.u32 s5, $0x1;
	s5 =	sadd.s32 s21, s3  }
0x9d: {  	[timem:s7], [sflag:s22] =	dma.local [hbm:s5], s20  }
0x9e: {  	_ =	swait.ge [sflag:s22], s20  }
0x9f: {  	s4 =	ssub.s32 $0x0, s20;
	[sflag:s22] =	ssyncset.done $0x0  }
0xa0: {  	[sflag:s22] =	ssyncadd.s32 s4;
	_ =	sdelay $0x1  }
0xa1: {  	s23 =	simm.s32 $0x1B8B  }
0xa2: {  	_ =	swait.ge [sflag:s23], $0x1  }
0xa3: {  	[sflag:s23] =	ssyncset.done $0x0  }
0xa4: {  	s25 =	simm.s32 $0x1B8E;
	s24 =	sld [smem:$0x3FFE];
	[sflag:s23] =	ssyncadd.s32 $0xFFFFFFFF  }
0xa5: {  	s26 =	simm.s32 $execute0_lowered;
	[smem:$0x3FD2] =	sst s25  }
0xa6: {  	s5 =	sshll.u32 s26, $0x1;
	_ =	strace $0x8000004C;
	[dreg:$0x1] =	wrdreg $0xFFFFFFFF  }
0xa7: {  	s28 =	simm.s32 $_size_execute0_lowered;
	s3 =	sadd.s32 s3, s5;
	[dreg:$0x0] =	wrdreg $0x0  }
0xa8: {  	s5 =	sshll.u32 s28, $0x1;
	[dreg:$0x2] =	wrdreg s3  }
0xa9: {  	[dreg:$0x3] =	wrdreg s5  }
0xaa: {  	[dreg:$0x4] =	wrdreg $0xC0  }
0xab: {  	_ =	task [dreg:s7], $0x5FFFF  }
0xac: {  	[dreg:$0x1] =	wrdreg $0xFFFFFFFF  }
0xad: {  	[dreg:$0x0] =	wrdreg $0x60  }
0xae: {  	[dreg:$0x2] =	wrdreg s2  }
0xaf: {  	[dreg:$0x3] =	wrdreg s24  }
0xb0: {  	[dreg:$0x4] =	wrdreg $0xA2000  }
0xb1: {  	[dreg:$0x5] =	wrdreg $0xA  }
0xb2: {  	_ =	task.clear_ibuf [dreg:s7], $0x6FFFF;
	_ =	strace $0x9000004C  }
0xb3: {  	s29 =	simm.s32 $0xA;
	_ =	strace $0x8000004E  }
0xb4: {  	_ =	swait.ge [sflag:s29], $0x1  }
0xb5: {  	[sflag:s29] =	ssyncadd.s32 $0xFFFFFFFF  }
0xb6: {  	_ =	strace $0x9000004E  }
0xb7: {  	_ =	sfence  }
0xb8: {  	s30 =	sld [smem:$0x0];
	_ =	sdelay $0x2  }
0xb9: {  	s31 =	sshll.u32 s1, $0xD;
	s1 =	sshrl.u32 s1, $0x2  }
0xba: {  	s3 =	sand.u32 $0x4000, s31;
	s1 =	sadd.s32 s1, s30  }
0xbb: {  	s0 =	sor.u32 s3, s0;
	s1 =	sshll.u32 s1, $0x11  }
0xbc: {  	s0 =	sor.u32 s1, s0  }
0xbd: {  	s0 =	sadd.s32 $0x8F2B, s0  }
0xbe: {  	[sflag:s0] =	ssyncadd.remote.s32 $0x1  }
0xbf: {  	_ =	sfence.sel $0xFFFF  }
0xc0: {  	[dreg:$0x0] =	wrdreg $0xFFFFFFFF;
	(pc) =	sbr.abs _section_cstart, $3  }
0xc1: {  	[dreg:$0x1] =	wrdreg $0xFFFFFFFF  }
0xc2: {  	_ =	task.clear_ibuf [dreg:s7], $0x2FFFF;
	_ =	strace $0x9FFFFFFF  }
0xc3: {  	(tm) =	ssettm $0x7FFFFFFF  }
tec
execute0_lowered:
.L_overlay_start_1:
0x0: {  	(tag) =	ssettag $0x1  }
0x1: {  	s1 =	rddreg [dreg:$0x0]  }
0x2: {  	s0 =	rddreg [dreg:$0x1]  }
0x3: {  	s3 =	rddreg [dreg:$0x2];
	s4 =	simm.s32 $0x0  }
0x4: {  	s5 =	stileid.u32;
	s9 =	srdreg.scid;
	s28 =	simm.s32 $0x7  }
0x5: {  	s29 =	simm.s32 $0x5200;
	s30 =	simm.s32 $0x8;
	s31 =	simm.s32 $0x7A00  }
0x6: {  	[smem:$0x7FF] =	sst s4;
	s2 =	smul.u32 $0x2780, s5;
	s14 =	sadd.s32 $0x11800, s0  }
0x7: {  	s16 =	sadd.s32 $0x7A00, s0;
	s7 =	sadd.s32 $0x57000, s0;
	s10 =	smul.u32 $0x4F000, s5  }
0x8: {  	s8 =	sadd.s32 $0x539000, s0;
	s9 =	sand.u32 $0x1, s9;
	s17 =	smul.u32 $0x4E200, s5  }
0x9: {  	s11 =	sshll.u32 s5, $0x1;
	s21 =	smul.u32 $0x4E20, s5;
	_ =	strace $0x8000004D  }
0xa: {  	s12 =	smul.u32 $0x27800, s9;
	s13 =	ssub.s32 $0x2, s9;
	[dreg:$0x6] =	wrdreg s14  }
0xb: {  	s11 =	sor.u32 s9, s11;
	s19 =	smul.u32 $0x27100, s9;
	[dreg:$0x7] =	wrdreg s16  }
0xc: {  	s9 =	smul.u32 $0x2710, s9;
	s6 =	sadd.s32 s2, s0;
	s10 =	sshrl.u32 s10, $0x2  }
0xd: {  	s15 =	sshrl.u32 s13, $0x1;
	s11 =	smul.u32 $0x2710, s11;
	s10 =	sadd.s32 s10, s3  }
0xe: {  	s0 =	sadd.s32 s12, s0;
	s6 =	sadd.s32 $0x2F800, s6;
	[dreg:$0x8] =	wrdreg s10  }
0xf: {  	s26 =	ssub.s32 s13, s15;
	[dreg:$0x9] =	wrdreg s6;
	s10 =	sshll.u32 s5, $0x6  }
0x10: {  	s11 =	sadd.s32 $0x26C0, s11;
	s0 =	sadd.s32 $0xA1B000, s0;
	s25 =	smax.u32 s26, $0x1  }
0x11: {  	s24 =	sor.u32 $0x1C09, s10;
	s15 =	sshrl.u32 s11, $0x3;
	s10 =	sshll.u32 s11, $0x4  }
0x12: {  	[dreg:$0xf] =	wrdreg s25;
	s0 =	sadd.s32 s2, s0;
	s25 =	simm.s32 $0x100  }
0x13: {  	s2 =	simm.s32 $0x2;
	s18 =	sadd.s32 s14, s15;
	[dreg:$0x10] =	wrdreg s0  }
0x14: {  	s6 =	sadd.s32 s16, s15;
	s20 =	sadd.s32 s7, s10;
	[dreg:$0xa] =	wrdreg s24  }
0x15: {  	s22 =	sadd.s32 s8, s10;
	s7 =	sadd.s32 s17, s7;
	[dreg:$0xb] =	wrdreg s18  }
0x16: {  	s8 =	sadd.s32 s17, s8;
	s17 =	simm.s32 $0x9;
	[dreg:$0xc] =	wrdreg s6  }
0x17: {  	s0 =	simm.s32 $0x1;
	s10 =	simm.s32 $0x0;
	[dreg:$0xd] =	wrdreg s20  }
0x18: {  	[dreg:$0xe] =	wrdreg s22;
	s7 =	sadd.s32 s19, s7;
	s23 =	sadd.s32 s19, s8  }
0x19: {  	s6 =	sadd.s32 s9, s21;
	s18 =	simm.s32 $0x80;
	s19 =	simm.s32 $0x5  }
0x1a: {  	s20 =	simm.s32 $0x50;
	s21 =	simm.s32 $0x200;
	[dreg:$0x4] =	wrdreg s7  }
0x1b: {  	s22 =	simm.s32 $0x6;
	s8 =	simm.s32 $0x4;
	[dreg:$0x5] =	wrdreg s23  }
0x1c: {  	s26 =	sadd.s32 $0x50, s6;
	s15 =	sshrl.u32 s6, $0x3;
	s23 =	simm.s32 $0x2A00  }
0x1d: {  	s7 =	simm.s32 $0x3;
	s16 =	sshrl.u32 s26, $0x3;
	s26 =	simm.s32 $0x180  }
.LBB2_1:
0x1e: {  	s5 =	rddreg [dreg:$0x8]  }
0x1f: {  	s14 =	rddreg [dreg:$0x9];
	s11 =	sshrl.u32 s5, $0x3  }
0x20: {  	[spmem:s11], [sflag:s24] =	dma.local [hbm:s14], $0x2780  }
0x21: {  	_ =	swait.ge [sflag:s17], $0x2780  }
0x22: {  	[sflag:s17] =	ssyncset.done $0x0  }
0x23: {  	[sflag:s17] =	ssyncadd.s32 $0xFFFFD880  }
0x24: {  	[bflag:$0x0] =	sbarrier.arrive $0xFFFF  }
0x25: {  	s5 =	rddreg [dreg:$0x6]  }
0x26: {  	s14 =	rddreg [dreg:$0x7];
	s6 =	sadd.s32 s5, s15  }
0x27: {  	[tilespmem:s4], [sflag:$0x5] =	stream.linear.gather [hbm4b:s6+s4], $0x50, $0x38;
	[tilespmem:$0x1DE00] =	vst v63  }
0x28: {  	s24 =	sadd.s32 s14, s15  }
0x29: {  	[tilespmem:s18], [sflag:$0x6] =	stream.linear.gather [hbm4b:s24+s4], $0x50, $0x38;
	[tilespmem:$0x1DE00] =	vst v63  }
0x2a: {  	_ =	swait.ge [sflag:s19], $0x50  }
0x2b: {  	[sflag:s19] =	ssyncset.done $0x0  }
0x2c: {  	[sflag:s19] =	ssyncadd.s32 $0xFFFFFFB0  }
0x2d: {  	[tilespmem:s21], [sflag:$0x1] =	stream.indirect.gather [hbm4b:s1+s20], $0x80, s4, s20, $0xb8;
	[tilespmem:$0x1DE00] =	vst v63  }
0x2e: {  	_ =	swait.ge [sflag:s22], $0x50  }
0x2f: {  	[sflag:s22] =	ssyncset.done $0x0  }
0x30: {  	[sflag:s22] =	ssyncadd.s32 $0xFFFFFFB0  }
0x31: {  	[tilespmem:s23], [sflag:$0x2] =	stream.indirect.gather [hbm4b:s1+s20], $0x80, s18, s20, $0xb8;
	[tilespmem:$0x1DE00] =	vst v63  }
0x32: {  	s9 =	sadd.s32 s5, s16  }
0x33: {  	[tilespmem:s25], [sflag:$0x7] =	stream.linear.gather [hbm4b:s9+s4], $0x50, $0x38;
	[tilespmem:$0x1DE00] =	vst v63  }
0x34: {  	s12 =	sadd.s32 s14, s16  }
0x35: {  	[tilespmem:s26], [sflag:$0x8] =	stream.linear.gather [hbm4b:s12+s4], $0x50, $0x38;
	[tilespmem:$0x1DE00] =	vst v63  }
0x36: {  	_ =	swait.ge [sflag:s28], $0x50  }
0x37: {  	[sflag:s28] =	ssyncset.done $0x0  }
0x38: {  	[sflag:s28] =	ssyncadd.s32 $0xFFFFFFB0  }
0x39: {  	[tilespmem:s29], [sflag:$0x3] =	stream.indirect.gather [hbm4b:s1+s20], $0x80, s25, s20, $0xb8;
	[tilespmem:$0x1DE00] =	vst v63  }
0x3a: {  	_ =	swait.ge [sflag:s30], $0x50  }
0x3b: {  	[sflag:s30] =	ssyncset.done $0x0  }
0x3c: {  	[sflag:s30] =	ssyncadd.s32 $0xFFFFFFB0  }
0x3d: {  	[tilespmem:s31], [sflag:$0x4] =	stream.indirect.gather [hbm4b:s1+s20], $0x80, s26, s20, $0xb8;
	[tilespmem:$0x1DE00] =	vst v63  }
0x3e: {  	_ =	swait.ge [sflag:s0], $0x2800  }
0x3f: {  	s13 =	rddreg [dreg:$0x4];
	[sflag:s0] =	ssyncset.done $0x0  }
0x40: {  	[sflag:s0] =	ssyncadd.s32 $0xFFFFD800;
	s6 =	sadd.s32 $0x0, s13  }
0x41: {  	[hbm4b:s6+s4] =	stream.linear.scatter [tilespmem:s21], [sflag:$0x9], $0x2800, $0x38;
	[tilespmem:$0x1DE00] =	vst v63  }
0x42: {  	_ =	swait.ge [sflag:s17], $0x2800  }
0x43: {  	[sflag:s17] =	ssyncset.done $0x0  }
0x44: {  	[sflag:s17] =	ssyncadd.s32 $0xFFFFD800  }
0x45: {  	[spmem:s3] =	stream.indirect.scatter.add.f32 [tilespmem:s21], [sflag:$0x9], $0x80, s18, s20, $0xb8;
	[tilespmem:$0x1DE00] =	vst v63  }
0x46: {  	_ =	swait.ge [sflag:s17], $0x2800  }
0x47: {  	[sflag:s17] =	ssyncset.done $0x0  }
0x48: {  	[sflag:s17] =	ssyncadd.s32 $0xFFFFD800  }
0x49: {  	_ =	swait.ge [sflag:s2], $0x2800  }
0x4a: {  	s9 =	rddreg [dreg:$0x5];
	[sflag:s2] =	ssyncset.done $0x0  }
0x4b: {  	[sflag:s2] =	ssyncadd.s32 $0xFFFFD800;
	s9 =	sadd.s32 $0x0, s9  }
0x4c: {  	[hbm4b:s9+s4] =	stream.linear.scatter [tilespmem:s23], [sflag:$0x9], $0x2800, $0x38;
	[tilespmem:$0x1DE00] =	vst v63  }
0x4d: {  	_ =	swait.ge [sflag:s17], $0x2800  }
0x4e: {  	[sflag:s17] =	ssyncset.done $0x0  }
0x4f: {  	[sflag:s17] =	ssyncadd.s32 $0xFFFFD800  }
0x50: {  	_ =	swait.ge [sflag:s7], $0x2800  }
0x51: {  	[sflag:s7] =	ssyncset.done $0x0  }
0x52: {  	s6 =	sadd.s32 $0x500, s6;
	[sflag:s7] =	ssyncadd.s32 $0xFFFFD800  }
0x53: {  	[hbm4b:s6+s4] =	stream.linear.scatter [tilespmem:s29], [sflag:$0x9], $0x2800, $0x38;
	[tilespmem:$0x1DE00] =	vst v63  }
0x54: {  	_ =	swait.ge [sflag:s17], $0x2800  }
0x55: {  	[sflag:s17] =	ssyncset.done $0x0  }
0x56: {  	[sflag:s17] =	ssyncadd.s32 $0xFFFFD800  }
0x57: {  	[spmem:s3] =	stream.indirect.scatter.add.f32 [tilespmem:s29], [sflag:$0x9], $0x80, s26, s20, $0xb8;
	[tilespmem:$0x1DE00] =	vst v63  }
0x58: {  	_ =	swait.ge [sflag:s17], $0x2800  }
0x59: {  	[sflag:s17] =	ssyncset.done $0x0  }
0x5a: {  	[sflag:s17] =	ssyncadd.s32 $0xFFFFD800  }
0x5b: {  	_ =	swait.ge [sflag:s8], $0x2800  }
0x5c: {  	[sflag:s8] =	ssyncset.done $0x0  }
0x5d: {  	s24 =	sadd.s32 $0x500, s9;
	[sflag:s8] =	ssyncadd.s32 $0xFFFFD800  }
0x5e: {  	[hbm4b:s24+s4] =	stream.linear.scatter [tilespmem:s31], [sflag:$0x9], $0x2800, $0x38;
	[tilespmem:$0x1DE00] =	vst v63  }
0x5f: {  	s12 =	simm.s32 $0xA00;
	s13 =	sadd.s32 $0x14, s5;
	_ =	swait.ge [sflag:s17], $0x2800  }
0x60: {  	s6 =	smov.u32 s14;
	s24 =	simm.s32 $0x1400;
	[sflag:s17] =	ssyncset.done $0x0  }
.LBB2_2:
0x61: {  	s5 =	sadd.s32 s13, s15;
	[sflag:s17] =	ssyncadd.s32 $0xFFFFD800;
	s6 =	sadd.s32 $0x14, s6  }
0x62: {  	[tilespmem:s4], [sflag:$0x5] =	stream.linear.gather [hbm4b:s5+s4], $0x50, $0x38;
	[tilespmem:$0x1DE00] =	vst v63  }
0x63: {  	s14 =	sadd.s32 s6, s15  }
0x64: {  	[tilespmem:s18], [sflag:$0x6] =	stream.linear.gather [hbm4b:s14+s4], $0x50, $0x38;
	[tilespmem:$0x1DE00] =	vst v63  }
0x65: {  	_ =	swait.ge [sflag:s19], $0x50  }
0x66: {  	[sflag:s19] =	ssyncset.done $0x0  }
0x67: {  	[sflag:s19] =	ssyncadd.s32 $0xFFFFFFB0  }
0x68: {  	[tilespmem:s21], [sflag:$0x1] =	stream.indirect.gather [hbm4b:s1+s20], $0x80, s4, s20, $0xb8;
	[tilespmem:$0x1DE00] =	vst v63  }
0x69: {  	_ =	swait.ge [sflag:s22], $0x50  }
0x6a: {  	[sflag:s22] =	ssyncset.done $0x0  }
0x6b: {  	[sflag:s22] =	ssyncadd.s32 $0xFFFFFFB0  }
0x6c: {  	[tilespmem:s23], [sflag:$0x2] =	stream.indirect.gather [hbm4b:s1+s20], $0x80, s18, s20, $0xb8;
	[tilespmem:$0x1DE00] =	vst v63  }
0x6d: {  	s14 =	sadd.s32 s13, s16  }
0x6e: {  	[tilespmem:s25], [sflag:$0x7] =	stream.linear.gather [hbm4b:s14+s4], $0x50, $0x38;
	[tilespmem:$0x1DE00] =	vst v63  }
0x6f: {  	s14 =	sadd.s32 s6, s16  }
0x70: {  	[tilespmem:s26], [sflag:$0x8] =	stream.linear.gather [hbm4b:s14+s4], $0x50, $0x38;
	[tilespmem:$0x1DE00] =	vst v63  }
0x71: {  	_ =	swait.ge [sflag:s28], $0x50  }
0x72: {  	[sflag:s28] =	ssyncset.done $0x0  }
0x73: {  	[sflag:s28] =	ssyncadd.s32 $0xFFFFFFB0  }
0x74: {  	[tilespmem:s29], [sflag:$0x3] =	stream.indirect.gather [hbm4b:s1+s20], $0x80, s25, s20, $0xb8;
	[tilespmem:$0x1DE00] =	vst v63  }
0x75: {  	_ =	swait.ge [sflag:s30], $0x50  }
0x76: {  	[sflag:s30] =	ssyncset.done $0x0  }
0x77: {  	[sflag:s30] =	ssyncadd.s32 $0xFFFFFFB0  }
0x78: {  	[tilespmem:s31], [sflag:$0x4] =	stream.indirect.gather [hbm4b:s1+s20], $0x80, s26, s20, $0xb8;
	[tilespmem:$0x1DE00] =	vst v63  }
0x79: {  	_ =	swait.ge [sflag:s0], $0x2800  }
0x7a: {  	s14 =	rddreg [dreg:$0x4];
	[sflag:s0] =	ssyncset.done $0x0  }
0x7b: {  	[sflag:s0] =	ssyncadd.s32 $0xFFFFD800;
	s5 =	sadd.s32 s12, s14  }
0x7c: {  	[hbm4b:s5+s4] =	stream.linear.scatter [tilespmem:s21], [sflag:$0x9], $0x2800, $0x38;
	[tilespmem:$0x1DE00] =	vst v63  }
0x7d: {  	_ =	swait.ge [sflag:s17], $0x2800  }
0x7e: {  	[sflag:s17] =	ssyncset.done $0x0  }
0x7f: {  	[sflag:s17] =	ssyncadd.s32 $0xFFFFD800  }
0x80: {  	[spmem:s3] =	stream.indirect.scatter.add.f32 [tilespmem:s21], [sflag:$0x9], $0x80, s18, s20, $0xb8;
	[tilespmem:$0x1DE00] =	vst v63  }
0x81: {  	_ =	swait.ge [sflag:s17], $0x2800  }
0x82: {  	[sflag:s17] =	ssyncset.done $0x0  }
0x83: {  	[sflag:s17] =	ssyncadd.s32 $0xFFFFD800  }
0x84: {  	_ =	swait.ge [sflag:s2], $0x2800  }
0x85: {  	s14 =	rddreg [dreg:$0x5];
	[sflag:s2] =	ssyncset.done $0x0  }
0x86: {  	[sflag:s2] =	ssyncadd.s32 $0xFFFFD800;
	s14 =	sadd.s32 s12, s14  }
0x87: {  	[hbm4b:s14+s4] =	stream.linear.scatter [tilespmem:s23], [sflag:$0x9], $0x2800, $0x38;
	[tilespmem:$0x1DE00] =	vst v63  }
0x88: {  	_ =	swait.ge [sflag:s17], $0x2800  }
0x89: {  	[sflag:s17] =	ssyncset.done $0x0  }
0x8a: {  	[sflag:s17] =	ssyncadd.s32 $0xFFFFD800  }
0x8b: {  	_ =	swait.ge [sflag:s7], $0x2800  }
0x8c: {  	[sflag:s7] =	ssyncset.done $0x0  }
0x8d: {  	s5 =	sadd.s32 $0x500, s5;
	[sflag:s7] =	ssyncadd.s32 $0xFFFFD800  }
0x8e: {  	[hbm4b:s5+s4] =	stream.linear.scatter [tilespmem:s29], [sflag:$0x9], $0x2800, $0x38;
	[tilespmem:$0x1DE00] =	vst v63  }
0x8f: {  	_ =	swait.ge [sflag:s17], $0x2800  }
0x90: {  	[sflag:s17] =	ssyncset.done $0x0  }
0x91: {  	[sflag:s17] =	ssyncadd.s32 $0xFFFFD800  }
0x92: {  	[spmem:s3] =	stream.indirect.scatter.add.f32 [tilespmem:s29], [sflag:$0x9], $0x80, s26, s20, $0xb8;
	[tilespmem:$0x1DE00] =	vst v63  }
0x93: {  	_ =	swait.ge [sflag:s17], $0x2800  }
0x94: {  	[sflag:s17] =	ssyncset.done $0x0  }
0x95: {  	[sflag:s17] =	ssyncadd.s32 $0xFFFFD800  }
0x96: {  	p0 =	sne.s32 s24, $0x26200;
	_ =	swait.ge [sflag:s8], $0x2800  }
.Ltmp0:
0x97: {  	[sflag:s8] =	ssyncset.done $0x0;
	(pc) =	sbr.rel @p0 .LBB2_2-.Ltmp0, $4  }
0x98: {  	s14 =	sadd.s32 $0x500, s14;
	[sflag:s8] =	ssyncadd.s32 $0xFFFFD800  }
0x99: {  	[hbm4b:s14+s4] =	stream.linear.scatter [tilespmem:s31], [sflag:$0x9], $0x2800, $0x38;
	[tilespmem:$0x1DE00] =	vst v63  }
0x9a: {  	s9 =	smov.u32 s24;
	s24 =	sadd.s32 $0xA00, s24;
	_ =	swait.ge [sflag:s17], $0x2800  }
0x9b: {  	s13 =	sadd.s32 $0x14, s13;
	s12 =	smov.u32 s9;
	[sflag:s17] =	ssyncset.done $0x0  }
0x9c: {  	s5 =	sadd.s32 s13, s15;
	[sflag:s17] =	ssyncadd.s32 $0xFFFFD800;
	s6 =	sadd.s32 $0x14, s6  }
0x9d: {  	[tilespmem:s4], [sflag:$0x5] =	stream.linear.gather [hbm4b:s5+s4], $0x50, $0x38;
	[tilespmem:$0x1DE00] =	vst v63  }
0x9e: {  	s14 =	sadd.s32 s6, s15  }
0x9f: {  	[tilespmem:s18], [sflag:$0x6] =	stream.linear.gather [hbm4b:s14+s4], $0x50, $0x38;
	[tilespmem:$0x1DE00] =	vst v63  }
0xa0: {  	_ =	swait.ge [sflag:s19], $0x50  }
0xa1: {  	[sflag:s19] =	ssyncset.done $0x0  }
0xa2: {  	[sflag:s19] =	ssyncadd.s32 $0xFFFFFFB0  }
0xa3: {  	[tilespmem:s21], [sflag:$0x1] =	stream.indirect.gather [hbm4b:s1+s20], $0x80, s4, s20, $0xb8;
	[tilespmem:$0x1DE00] =	vst v63  }
0xa4: {  	_ =	swait.ge [sflag:s22], $0x50  }
0xa5: {  	[sflag:s22] =	ssyncset.done $0x0  }
0xa6: {  	[sflag:s22] =	ssyncadd.s32 $0xFFFFFFB0  }
0xa7: {  	[tilespmem:s23], [sflag:$0x2] =	stream.indirect.gather [hbm4b:s1+s20], $0x80, s18, s20, $0xb8;
	[tilespmem:$0x1DE00] =	vst v63  }
0xa8: {  	s24 =	sadd.s32 s13, s16  }
0xa9: {  	[tilespmem:s25], [sflag:$0x7] =	stream.linear.gather [hbm4b:s24+s4], $0x50, $0x38;
	[tilespmem:$0x1DE00] =	vst v63  }
0xaa: {  	s6 =	sadd.s32 s6, s16  }
0xab: {  	[tilespmem:s26], [sflag:$0x8] =	stream.linear.gather [hbm4b:s6+s4], $0x50, $0x38;
	[tilespmem:$0x1DE00] =	vst v63  }
0xac: {  	_ =	swait.ge [sflag:s28], $0x50  }
0xad: {  	[sflag:s28] =	ssyncset.done $0x0  }
0xae: {  	[sflag:s28] =	ssyncadd.s32 $0xFFFFFFB0  }
0xaf: {  	[tilespmem:s29], [sflag:$0x3] =	stream.indirect.gather [hbm4b:s1+s20], $0x80, s25, s20, $0xb8;
	[tilespmem:$0x1DE00] =	vst v63  }
0xb0: {  	_ =	swait.ge [sflag:s30], $0x50  }
0xb1: {  	[sflag:s30] =	ssyncset.done $0x0  }
0xb2: {  	[sflag:s30] =	ssyncadd.s32 $0xFFFFFFB0  }
0xb3: {  	[tilespmem:s31], [sflag:$0x4] =	stream.indirect.gather [hbm4b:s1+s20], $0x80, s26, s20, $0xb8;
	[tilespmem:$0x1DE00] =	vst v63  }
0xb4: {  	_ =	swait.ge [sflag:s0], $0x2800  }
0xb5: {  	s9 =	rddreg [dreg:$0x4];
	[sflag:s0] =	ssyncset.done $0x0  }
0xb6: {  	[sflag:s0] =	ssyncadd.s32 $0xFFFFD800;
	s5 =	sadd.s32 s12, s9  }
0xb7: {  	[hbm4b:s5+s4] =	stream.linear.scatter [tilespmem:s21], [sflag:$0x9], $0x2800, $0x38;
	[tilespmem:$0x1DE00] =	vst v63  }
0xb8: {  	_ =	swait.ge [sflag:s17], $0x2800  }
0xb9: {  	[sflag:s17] =	ssyncset.done $0x0  }
0xba: {  	[sflag:s17] =	ssyncadd.s32 $0xFFFFD800  }
0xbb: {  	[spmem:s3] =	stream.indirect.scatter.add.f32 [tilespmem:s21], [sflag:$0x9], $0x80, s18, s20, $0xb8;
	[tilespmem:$0x1DE00] =	vst v63  }
0xbc: {  	_ =	swait.ge [sflag:s17], $0x2800  }
0xbd: {  	[sflag:s17] =	ssyncset.done $0x0  }
0xbe: {  	[sflag:s17] =	ssyncadd.s32 $0xFFFFD800  }
0xbf: {  	_ =	swait.ge [sflag:s2], $0x2800  }
0xc0: {  	s13 =	rddreg [dreg:$0x5];
	[sflag:s2] =	ssyncset.done $0x0  }
0xc1: {  	s6 =	sadd.s32 s12, s13;
	[sflag:s2] =	ssyncadd.s32 $0xFFFFD800  }
0xc2: {  	[hbm4b:s6+s4] =	stream.linear.scatter [tilespmem:s23], [sflag:$0x9], $0x2800, $0x38;
	[tilespmem:$0x1DE00] =	vst v63  }
0xc3: {  	_ =	swait.ge [sflag:s17], $0x2800  }
0xc4: {  	[sflag:s17] =	ssyncset.done $0x0  }
0xc5: {  	[sflag:s17] =	ssyncadd.s32 $0xFFFFD800  }
0xc6: {  	_ =	swait.ge [sflag:s7], $0x2800  }
0xc7: {  	[sflag:s7] =	ssyncset.done $0x0  }
0xc8: {  	s5 =	sadd.s32 $0x500, s5;
	[sflag:s7] =	ssyncadd.s32 $0xFFFFD800  }
0xc9: {  	[hbm4b:s5+s4] =	stream.linear.scatter [tilespmem:s29], [sflag:$0x9], $0x2800, $0x38;
	[tilespmem:$0x1DE00] =	vst v63  }
0xca: {  	_ =	swait.ge [sflag:s17], $0x2800  }
0xcb: {  	[sflag:s17] =	ssyncset.done $0x0  }
0xcc: {  	[sflag:s17] =	ssyncadd.s32 $0xFFFFD800  }
0xcd: {  	[spmem:s3] =	stream.indirect.scatter.add.f32 [tilespmem:s29], [sflag:$0x9], $0x80, s26, s20, $0xb8;
	[tilespmem:$0x1DE00] =	vst v63  }
0xce: {  	_ =	swait.ge [sflag:s17], $0x2800  }
0xcf: {  	[sflag:s17] =	ssyncset.done $0x0  }
0xd0: {  	[sflag:s17] =	ssyncadd.s32 $0xFFFFD800  }
0xd1: {  	_ =	swait.ge [sflag:s8], $0x2800  }
0xd2: {  	[sflag:s8] =	ssyncset.done $0x0  }
0xd3: {  	s14 =	sadd.s32 $0x500, s6;
	[sflag:s8] =	ssyncadd.s32 $0xFFFFD800  }
0xd4: {  	[hbm4b:s14+s4] =	stream.linear.scatter [tilespmem:s31], [sflag:$0x9], $0x2800, $0x38;
	[tilespmem:$0x1DE00] =	vst v63  }
0xd5: {  	_ =	swait.ge [sflag:s17], $0x2800  }
0xd6: {  	[sflag:s17] =	ssyncset.done $0x0  }
0xd7: {  	s24 =	rddreg [dreg:$0xb];
	[sflag:s17] =	ssyncadd.s32 $0xFFFFD800  }
0xd8: {  	[tilespmem:s4], [sflag:$0x5] =	stream.linear.gather [hbm4b:s24+s4], $0x50, $0x38;
	[tilespmem:$0x1DE00] =	vst v63  }
0xd9: {  	s6 =	rddreg [dreg:$0xc]  }
0xda: {  	[tilespmem:s18], [sflag:$0x6] =	stream.linear.gather [hbm4b:s6+s4], $0x50, $0x38;
	[tilespmem:$0x1DE00] =	vst v63  }
0xdb: {  	_ =	swait.ge [sflag:s19], $0x50  }
0xdc: {  	[sflag:s19] =	ssyncset.done $0x0  }
0xdd: {  	[sflag:s19] =	ssyncadd.s32 $0xFFFFFFB0  }
0xde: {  	[tilespmem:s21], [sflag:$0x1] =	stream.indirect.gather [hbm4b:s1+s20], $0x80, s4, s20, $0xb8;
	[tilespmem:$0x1DE00] =	vst v63  }
0xdf: {  	_ =	swait.ge [sflag:s22], $0x50  }
0xe0: {  	[sflag:s22] =	ssyncset.done $0x0  }
0xe1: {  	[sflag:s22] =	ssyncadd.s32 $0xFFFFFFB0  }
0xe2: {  	[tilespmem:s23], [sflag:$0x2] =	stream.indirect.gather [hbm4b:s1+s20], $0x80, s18, s20, $0xb8;
	[tilespmem:$0x1DE00] =	vst v63  }
0xe3: {  	_ =	swait.ge [sflag:s0], $0x2800  }
0xe4: {  	[sflag:s0] =	ssyncset.done $0x0  }
0xe5: {  	s9 =	rddreg [dreg:$0xd];
	[sflag:s0] =	ssyncadd.s32 $0xFFFFD800  }
0xe6: {  	[hbm4b:s9+s4] =	stream.linear.scatter [tilespmem:s21], [sflag:$0x9], $0x2800, $0x38;
	[tilespmem:$0x1DE00] =	vst v63  }
0xe7: {  	_ =	swait.ge [sflag:s17], $0x2800  }
0xe8: {  	[sflag:s17] =	ssyncset.done $0x0  }
0xe9: {  	[sflag:s17] =	ssyncadd.s32 $0xFFFFD800  }
0xea: {  	[spmem:s3] =	stream.indirect.scatter.add.f32 [tilespmem:s21], [sflag:$0x9], $0x80, s18, s20, $0xb8;
	[tilespmem:$0x1DE00] =	vst v63  }
0xeb: {  	_ =	swait.ge [sflag:s17], $0x2800  }
0xec: {  	[sflag:s17] =	ssyncset.done $0x0  }
0xed: {  	[sflag:s17] =	ssyncadd.s32 $0xFFFFD800  }
0xee: {  	_ =	swait.ge [sflag:s2], $0x2800  }
0xef: {  	[sflag:s2] =	ssyncset.done $0x0  }
0xf0: {  	s12 =	rddreg [dreg:$0xe];
	[sflag:s2] =	ssyncadd.s32 $0xFFFFD800  }
0xf1: {  	[hbm4b:s12+s4] =	stream.linear.scatter [tilespmem:s23], [sflag:$0x9], $0x2800, $0x38;
	[tilespmem:$0x1DE00] =	vst v63  }
0xf2: {  	_ =	swait.ge [sflag:s17], $0x2800  }
0xf3: {  	[sflag:s17] =	ssyncset.done $0x0  }
0xf4: {  	[sflag:s17] =	ssyncadd.s32 $0xFFFFD800  }
0xf5: {  	[bflag:$0x0] =	sbarrier.arrive $0xFFFF  }
0xf6: {  	s24 =	rddreg [dreg:$0xa]  }
0xf7: {  	s13 =	rddreg [dreg:$0x10]  }
0xf8: {  	[hbm:s13], [sflag:s24] =	dma.local [spmem:s11], $0x2780  }
0xf9: {  	_ =	swait.ge [sflag:s17], $0x2780  }
0xfa: {  	s10 =	sadd.s32 $0x1, s10;
	s14 =	rddreg [dreg:$0xf]  }
0xfb: {  	p0 =	sne.s32 s10, s14  }
.Ltmp1:
0xfc: {  	_ = 	snop;
	(pc) =	sbr.rel @p0 .LBB2_1-.Ltmp1, $3  }
0xfd: {  	_ =	sdelay $0x1  }
0xfe: {  	[sflag:s17] =	ssyncset.done $0x0  }
0xff: {  	[sflag:s17] =	ssyncadd.s32 $0xFFFFD880  }
0x100: {  	_ =	sfence.sel $0x180000  }
0x101: {  	[bflag:$0x0] =	sbarrier.arrive $0xFFFF  }
0x102: {  	_ =	strace $0x9000004D  }
0x103: {  	s0 =	stileid.u32;
	[bflag:$0x2] =	sbarrier.arrive $0xFFFF  }
0x104: {  	p0 =	sne.s32 s0, $0x0;
	s0 =	rddreg [dreg:$0x3]  }
0x105: {  	s0 =	sadd.s32 @!p0 $0x100000, s0  }
0x106: {  	[sflag:s0] =	ssyncadd.tile.s32 @!p0 $0x1;
	_ =	shalt  }
.Lfunc_end2:
_tile_overlayer_lowered:
.L_overlay_start_2:
0x107: {  	(tag) =	ssettag $0x2  }
0x108: {  	s0 =	rddreg [dreg:$0x0];
	s2 =	stileid.u32  }
0x109: {  	s1 =	rddreg [dreg:$0x1];
	p0 =	sne.s32 s2, $0x0  }
0x10a: {  	s3 =	rddreg [dreg:$0x2];
	[bflag:$0x3] =	sbarrier.arrive $0xFFFF;
	s2 =	simm.s32 @!p0 $0x1C09  }
0x10b: {  	[timem:s3], [sflag:s2] =	dma.local @!p0 [hbm:s0], s1  }
0x10c: {  	s0 =	simm.s32 @!p0 $0x9  }
0x10d: {  	_ =	swait.ge @!p0 [sflag:s0], s1  }
0x10e: {  	s1 =	ssub.s32 @!p0 $0x0, s1;
	[sflag:s0] =	ssyncset.done @!p0 $0x0  }
0x10f: {  	[sflag:s0] =	ssyncadd.s32 @!p0 s1  }
0x110: {  	[bflag:$0x3] =	sbarrier.arrive $0xFFFF  }
0x111: {  	_ =	shalt  }

// kernel: kernel.25.cloned.1.call-start
scs
__scs_entry_jumppad:
0x0: {  	(pc) =	sbr.rel $0x88, $3  }
0x1: {  	(tag) =	ssettag $0x0;
	lr =	simm.s32 $0x1  }
0x2: {  	[smem:$0x3F87] =	sst lr;
	_ =	strace $0xD0000000  }
0x3: {  	_ = 	snop  }
0x4: {  	_ = 	snop  }
0x5: {  	_ = 	snop  }
0x6: {  	_ = 	snop  }
0x7: {  	_ = 	snop  }
__scs_overlays_trampoline_lowered:
0x8: {  	[smem:$0x3F96] =	sst s0  }
0x9: {  	[smem:$0x3F97] =	sst s1  }
0xa: {  	[smem:$0x3F98] =	sst s2  }
0xb: {  	[smem:$0x3F99] =	sst s3  }
0xc: {  	[smem:$0x3F9A] =	sst s4  }
0xd: {  	[smem:$0x3F9B] =	sst s5  }
0xe: {  	[smem:$0x3F9C] =	sst s6  }
0xf: {  	[smem:$0x3F9D] =	sst s7  }
0x10: {  	[smem:$0x3F9E] =	sst s8  }
0x11: {  	[smem:$0x3F9F] =	sst s9;
	s0 =	simm.s32 @!p0 $0x0  }
0x12: {  	s1 =	sld [smem:$0x3F85];
	s0 =	simm.s32 @p0 $0x1  }
0x13: {  	[smem:$0x3FA0] =	sst s0;
	s0 =	simm.s32 @!p1 $0x0  }
0x14: {  	s2 =	sld [smem:$0x3F84];
	s0 =	simm.s32 @p1 $0x1  }
0x15: {  	[smem:$0x3FA1] =	sst s0;
	s0 =	simm.s32 @!p2 $0x0  }
0x16: {  	s3 =	sld [smem:$0x3FDB];
	s0 =	simm.s32 @p2 $0x1  }
0x17: {  	s4 =	simm.s32 $0x1BF5;
	[smem:$0x3FA3] =	sst s0  }
0x18: {  	s0 =	sld [smem:$0x3F86];
	_ =	swait.ge [sflag:s4], $0x0  }
0x19: {  	s7 =	sld [smem:$0x3F87]  }
0x1a: {  	s8 =	sadd.s32 $0xFFFFE003, lr  }
0x1b: {  	s9 =	sadd.s32 $0xFFFFFEF7, lr;
	s5 =	simm.s32 $0xFFFFFFFF;
	p2 =	slt.u32 s8, $0xFFFFF086  }
0x1c: {  	p1 =	slt.u32 s9, $0xF7A;
	s5 =	simm.s32 @!p2 $0x0  }
0x1d: {  	s5 =	simm.s32 @p1 $0x1;
	p0 =	seq.s32 s7, s2  }
0x1e: {  	s7 =	smul.u32 @!p0 $0xF7A, s2;
	p2 =	seq.s32 @!p0 s5, $0x0  }
0x1f: {  	s9 =	smul.u32 $0xF7A, s1;
	s8 =	simm.s32 @!p0 $0x1BF5;
	p2 =	por !p2, p0  }
0x20: {  	[sflag:s8] =	ssyncset.s32 @!p0 $0xFFFFF086;
	s6 =	sadd.s32 @!p0 s3, s7;
	s7 =	simm.s32 @!p0 $0x108  }
0x21: {  	s3 =	sadd.s32 s3, s9;
	s6 =	sadd.s32 @!p0 $0x88, s6;
	s7 =	simm.s32 @p2 $0x1082  }
0x22: {  	[simem:s7], [sflag:s8] =	dma.local @!p0 [hbm:s6], $0xF7A  }
0x23: {  	s9 =	sor.u32 $0xD0000000, s2;
	s6 =	simm.s32 $0x108;
	_ =	swait.ge @!p0 [sflag:s8], $0x0  }
0x24: {  	s3 =	sadd.s32 $0x88, s3;
	s6 =	simm.s32 @!p1 $0x1082;
	[sflag:s4] =	ssyncset.s32 $0xFFFFF086  }
0x25: {  	[simem:s6], [sflag:s4] =	dma.local [hbm:s3], $0xF7A  }
0x26: {  	[smem:$0x3F87] =	sst s1;
	(tag) =	ssettag s2;
	_ =	strace s9  }
0x27: {  	s1 =	sld [smem:$0x3F97]  }
0x28: {  	s2 =	sld [smem:$0x3F98]  }
0x29: {  	s4 =	sld [smem:$0x3F9A]  }
0x2a: {  	p0 =	seq.s32 s5, $0x0;
	s5 =	sld [smem:$0x3F9B]  }
0x2b: {  	s6 =	sld [smem:$0x3F9C]  }
0x2c: {  	s7 =	sld [smem:$0x3F9D]  }
0x2d: {  	s3 =	simm.s32 $0x108;
	s8 =	sld [smem:$0x3F9E]  }
0x2e: {  	s3 =	simm.s32 @!p0 $0x1082;
	s9 =	sld [smem:$0x3F9F]  }
0x2f: {  	lr =	sadd.s32 s0, s3;
	s0 =	sld [smem:$0x3F96]  }
0x30: {  	s3 =	sld [smem:$0x3F99]  }
0x31: {  	[smem:$0x3FA2] =	sst s10  }
0x32: {  	s10 =	sld [smem:$0x3FA0];
	_ =	sdelay $0x3  }
0x33: {  	p0 =	seq.s32 s10, $0x1;
	s10 =	sld [smem:$0x3FA2];
	_ =	sdelay $0x3  }
0x34: {  	[smem:$0x3FA2] =	sst s10  }
0x35: {  	s10 =	sld [smem:$0x3FA1];
	_ =	sdelay $0x3  }
0x36: {  	p1 =	seq.s32 s10, $0x1;
	s10 =	sld [smem:$0x3FA2];
	_ =	sdelay $0x3  }
0x37: {  	[smem:$0x3FA2] =	sst s10  }
0x38: {  	s10 =	sld [smem:$0x3FA3]  }
0x39: {  	_ = 	snop;
	(pc) =	sbr.ind lr, $3  }
0x3a: {  	_ = 	snop  }
0x3b: {  	_ = 	snop  }
0x3c: {  	p2 =	seq.s32 s10, $0x1;
	s10 =	sld [smem:$0x3FA2]  }
0x3d: {  	_ =	shalt  }
0x3e: {  	_ =	shalt  }
0x3f: {  	_ =	shalt  }
0x40: {  	_ =	shalt  }
0x41: {  	_ =	shalt  }
0x42: {  	_ =	shalt  }
0x43: {  	_ =	shalt  }
0x44: {  	_ =	shalt  }
0x45: {  	_ =	shalt  }
0x46: {  	_ =	shalt  }
0x47: {  	_ =	shalt  }
0x48: {  	_ =	shalt  }
0x49: {  	_ =	shalt  }
0x4a: {  	_ =	shalt  }
0x4b: {  	_ =	shalt  }
0x4c: {  	_ =	shalt  }
0x4d: {  	_ =	shalt  }
0x4e: {  	_ =	shalt  }
0x4f: {  	_ =	shalt  }
0x50: {  	_ =	shalt  }
0x51: {  	_ =	shalt  }
0x52: {  	_ =	shalt  }
0x53: {  	_ =	shalt  }
0x54: {  	_ =	shalt  }
0x55: {  	_ =	shalt  }
0x56: {  	_ =	shalt  }
0x57: {  	_ =	shalt  }
0x58: {  	_ =	shalt  }
0x59: {  	_ =	shalt  }
0x5a: {  	_ =	shalt  }
0x5b: {  	_ =	shalt  }
0x5c: {  	_ =	shalt  }
0x5d: {  	_ =	shalt  }
0x5e: {  	_ =	shalt  }
0x5f: {  	_ =	shalt  }
0x60: {  	_ =	shalt  }
0x61: {  	_ =	shalt  }
0x62: {  	_ =	shalt  }
0x63: {  	_ =	shalt  }
0x64: {  	_ =	shalt  }
0x65: {  	_ =	shalt  }
0x66: {  	_ =	shalt  }
0x67: {  	_ =	shalt  }
0x68: {  	_ =	shalt  }
0x69: {  	_ =	shalt  }
0x6a: {  	_ =	shalt  }
0x6b: {  	_ =	shalt  }
0x6c: {  	_ =	shalt  }
0x6d: {  	_ =	shalt  }
0x6e: {  	_ =	shalt  }
0x6f: {  	_ =	shalt  }
0x70: {  	_ =	shalt  }
0x71: {  	_ =	shalt  }
0x72: {  	_ =	shalt  }
0x73: {  	_ =	shalt  }
0x74: {  	_ =	shalt  }
0x75: {  	_ =	shalt  }
0x76: {  	_ =	shalt  }
0x77: {  	_ =	shalt  }
0x78: {  	_ =	shalt  }
0x79: {  	_ =	shalt  }
0x7a: {  	_ =	shalt  }
0x7b: {  	_ =	shalt  }
0x7c: {  	_ =	shalt  }
0x7d: {  	_ =	shalt  }
0x7e: {  	_ =	shalt  }
0x7f: {  	_ =	shalt  }
0x80: {  	_ =	shalt  }
0x81: {  	_ =	shalt  }
0x82: {  	_ =	shalt  }
0x83: {  	_ =	shalt  }
0x84: {  	_ =	shalt  }
0x85: {  	_ =	shalt  }
0x86: {  	_ =	shalt  }
0x87: {  	_ =	shalt  }
.Lfunc_end0:
.L_simem_size_0:
called_computation.3_lowered:
.L_overlay_start_0:
0x88: {  	s2 =	sld [smem:$0x3FD9]  }
0x89: {  	s3 =	sld [smem:$0x3FFE];
	_ =	sdelay $0x1  }
0x8a: {  	s1 =	srdreg.scid  }
0x8b: {  	s0 =	sand.u32 $0x1, s1  }
0x8c: {  	s17 =	sshll.u32 s0, $0xA;
	s2 =	sadd.s32 s3, s2  }
0x8d: {  	s2 =	sadd.s32 s2, s17  }
0x8e: {  	[smem:$0x3FAE] =	sst s2  }
0x8f: {  	_ = 	snop  }
0x90: {  	(tm) =	ssettm $0x1  }
0x91: {  	s18 =	sld [smem:$0x3FFB];
	_ =	sdelay $0x3  }
0x92: {  	_ =	strace s18  }
0x93: {  	s2 =	sld [smem:$0x3FFC];
	_ =	sdelay $0x3  }
0x94: {  	_ =	strace s2  }
0x95: {  	s2 =	sld [smem:$0x3FFD];
	_ =	sdelay $0x3  }
0x96: {  	_ =	strace s2  }
0x97: {  	_ =	strace $0x8FFFFFFF  }
0x98: {  	s19 =	sld [smem:$0x3FDB];
	_ =	sdelay $0x1  }
0x99: {  	s20 =	simm.s32 $_scs_section_size  }
0x9a: {  	s4 =	simm.s32 $_size__tile_overlayer_lowered;
	s5 =	simm.s32 $_tile_overlayer_lowered  }
0x9b: {  	s6 =	simm.s32 $0x1BFF;
	s21 =	sshll.u32 s5, $0x1;
	s3 =	sadd.s32 s20, s19  }
0x9c: {  	s22 =	simm.s32 $0x0;
	s4 =	sshll.u32 s4, $0x1;
	s5 =	sadd.s32 s21, s3  }
0x9d: {  	[timem:s22], [sflag:s6] =	dma.local [hbm:s5], s4  }
0x9e: {  	_ =	swait.ge [sflag:s6], s4  }
0x9f: {  	s4 =	ssub.s32 $0x0, s4;
	[sflag:s6] =	ssyncset.done $0x0  }
0xa0: {  	[sflag:s6] =	ssyncadd.s32 s4;
	_ =	sdelay $0x1  }
0xa1: {  	s23 =	simm.s32 $0x1B8B  }
0xa2: {  	_ =	swait.ge [sflag:s23], $0x1  }
0xa3: {  	[sflag:s23] =	ssyncset.done $0x0  }
0xa4: {  	[sflag:s23] =	ssyncadd.s32 $0xFFFFFFFF  }
0xa5: {  	s4 =	sld [smem:$0x0]  }
0xa6: {  	s5 =	sand.u32 $0xFFFFFFFE, s1  }
0xa7: {  	p0 =	sne.s32 s1, s5  }
0xa8: {  	s5 =	sshll.u32 @p0 s5, $0xE  }
0xa9: {  	s5 =	sadd.s32 @p0 $0x11B8D, s5;
	s6 =	sshll.u32 @p0 s4, $0x11  }
0xaa: {  	s5 =	sor.u32 @p0 s6, s5  }
0xab: {  	[sflag:s5] =	ssyncadd.remote.s32 @p0 $0x1;
	_ =	sdelay $0x1  }
0xac: {  	s5 =	simm.s32 @p0 $0x1B8D  }
0xad: {  	_ =	swait.eq @p0 [sflag:s5], $0x1  }
0xae: {  	[sflag:s5] =	ssyncadd.s32 @p0 $0xFFFFFFFF  }
0xaf: {  	s6 =	sshll.u32 @!p0 s1, $0xE  }
0xb0: {  	s6 =	sor.u32 @!p0 $0x4000, s6;
	s5 =	simm.s32 @!p0 $0x1B8D  }
0xb1: {  	s4 =	sshll.u32 @!p0 s4, $0x11;
	s6 =	sadd.s32 @!p0 $0x11B8D, s6;
	_ =	swait.eq @!p0 [sflag:s5], $0x1  }
0xb2: {  	s4 =	sor.u32 @!p0 s4, s6;
	[sflag:s5] =	ssyncadd.s32 @!p0 $0xFFFFFFFF  }
0xb3: {  	s25 =	simm.s32 $0x1B8E;
	s24 =	sld [smem:$0x3FFE];
	[sflag:s4] =	ssyncadd.remote.s32 @!p0 $0x1  }
0xb4: {  	s26 =	simm.s32 $execute0_lowered;
	[smem:$0x3FD2] =	sst s25  }
0xb5: {  	s5 =	sshll.u32 s26, $0x1;
	_ =	strace $0x80000052;
	[dreg:$0x1] =	wrdreg $0xFFFFFFFF  }
0xb6: {  	s28 =	simm.s32 $_size_execute0_lowered;
	s3 =	sadd.s32 s3, s5;
	[dreg:$0x0] =	wrdreg $0x0  }
0xb7: {  	s5 =	sshll.u32 s28, $0x1;
	[dreg:$0x2] =	wrdreg s3  }
0xb8: {  	[dreg:$0x3] =	wrdreg s5  }
0xb9: {  	[dreg:$0x4] =	wrdreg $0xC0  }
0xba: {  	_ =	task [dreg:s22], $0x5FFFF  }
0xbb: {  	[dreg:$0x1] =	wrdreg $0xFFFFFFFF  }
0xbc: {  	[dreg:$0x0] =	wrdreg $0x60  }
0xbd: {  	[dreg:$0x2] =	wrdreg s24  }
0xbe: {  	[dreg:$0x3] =	wrdreg $0x66000  }
0xbf: {  	[dreg:$0x4] =	wrdreg $0xA  }
0xc0: {  	_ =	task.clear_ibuf [dreg:s22], $0x5FFFF;
	_ =	strace $0x90000052  }
0xc1: {  	s29 =	simm.s32 $0xA;
	_ =	strace $0x80000054  }
0xc2: {  	_ =	swait.ge [sflag:s29], $0x1  }
0xc3: {  	[sflag:s29] =	ssyncadd.s32 $0xFFFFFFFF  }
0xc4: {  	_ =	strace $0x90000054  }
0xc5: {  	_ =	sfence  }
0xc6: {  	s30 =	sld [smem:$0x0];
	_ =	sdelay $0x2  }
0xc7: {  	s31 =	sshll.u32 s1, $0xD;
	s1 =	sshrl.u32 s1, $0x2  }
0xc8: {  	s4 =	sand.u32 $0x4000, s31;
	s1 =	sadd.s32 s1, s30  }
0xc9: {  	s0 =	sor.u32 s4, s0;
	s1 =	sshll.u32 s1, $0x11  }
0xca: {  	s0 =	sor.u32 s1, s0  }
0xcb: {  	s0 =	sadd.s32 $0x8F2B, s0  }
0xcc: {  	[sflag:s0] =	ssyncadd.remote.s32 $0x1  }
0xcd: {  	_ =	sfence.sel $0xFFFF  }
0xce: {  	[dreg:$0x0] =	wrdreg $0xFFFFFFFF;
	(pc) =	sbr.abs _section_cstart, $3  }
0xcf: {  	[dreg:$0x1] =	wrdreg $0xFFFFFFFF  }
0xd0: {  	_ =	task.clear_ibuf [dreg:s22], $0x2FFFF;
	_ =	strace $0x9FFFFFFF  }
0xd1: {  	(tm) =	ssettm $0x7FFFFFFF  }
tec
execute0_lowered:
.L_overlay_start_1:
0x0: {  	(tag) =	ssettag $0x1  }
0x1: {  	s4 =	rddreg [dreg:$0x0]  }
0x2: {  	s2 =	rddreg [dreg:$0x1];
	s1 =	stileid.u32  }
0x3: {  	s0 =	rddreg [dreg:$0x2];
	s3 =	simm.s32 $0x0;
	s5 =	smul.u32 $0x4E200, s1  }
0x4: {  	s6 =	srdreg.scid;
	s15 =	simm.s32 $0x1;
	s18 =	smul.u32 $0x2780, s1  }
0x5: {  	s16 =	simm.s32 $0xC8;
	s17 =	simm.s32 $0x3;
	s23 =	smul.u32 $0x4F000, s1  }
0x6: {  	[smem:$0x7FF] =	sst s3;
	s6 =	sand.u32 $0x1, s6;
	s12 =	smul.u32 $0x4E20, s1  }
0x7: {  	s9 =	sadd.s32 $0x7A00, s4;
	s25 =	sshll.u32 s1, $0x6;
	s7 =	smul.u32 $0x27800, s6  }
0x8: {  	_ =	strace $0x80000053;
	s24 =	ssub.s32 $0x2, s6;
	s14 =	smul.u32 $0x2710, s6  }
0x9: {  	s26 =	smul.u32 $0x27100, s6;
	s8 =	sadd.s32 s5, s4;
	s10 =	sadd.s32 s18, s4  }
0xa: {  	s11 =	sshrl.u32 s24, $0x1;
	s5 =	sshrl.u32 s23, $0x2;
	s7 =	sadd.s32 s7, s4  }
0xb: {  	s11 =	ssub.s32 s24, s11;
	s13 =	sadd.s32 s5, s2;
	s4 =	sadd.s32 $0x2F800, s10  }
0xc: {  	s5 =	sor.u32 $0x1C04, s25;
	s12 =	sadd.s32 s14, s12;
	s28 =	sadd.s32 s26, s8  }
0xd: {  	s14 =	simm.s32 $0x2;
	s19 =	sadd.s32 $0xA73E00, s7;
	s6 =	smax.u32 s11, $0x1  }
0xe: {  	s29 =	sadd.s32 $0xC8, s12;
	s7 =	sadd.s32 $0x57000, s28;
	s30 =	sshrl.u32 s12, $0x3  }
0xf: {  	s10 =	sshrl.u32 s13, $0x3;
	s11 =	simm.s32 $0x4;
	s12 =	simm.s32 $0x6400  }
0x10: {  	s13 =	simm.s32 $0x6500;
	s31 =	sshrl.u32 s29, $0x3;
	s8 =	sadd.s32 s30, s9  }
0x11: {  	s18 =	sadd.s32 s18, s19;
	s19 =	simm.s32 $0x0;
	s9 =	sadd.s32 s31, s9  }
.LBB2_1:
0x12: {  	[spmem:s10], [sflag:s5] =	dma.local [hbm:s4], $0x2780  }
0x13: {  	_ =	swait.ge [sflag:s11], $0x2780  }
0x14: {  	[sflag:s11] =	ssyncset.done $0x0  }
0x15: {  	[sflag:s11] =	ssyncadd.s32 $0xFFFFD880  }
0x16: {  	s20 =	sadd.s32 $0x0, s8;
	[bflag:$0x0] =	sbarrier.arrive $0xFFFF  }
0x17: {  	[tilespmem:s12], [sflag:$0x2] =	stream.linear.gather [hbm4b:s20+s3], $0xC8, $0x38;
	[tilespmem:$0x1A200] =	vst v63  }
0x18: {  	s30 =	sadd.s32 $0x0, s9  }
0x19: {  	[tilespmem:s13], [sflag:$0x3] =	stream.linear.gather [hbm4b:s30+s3], $0xC8, $0x38;
	[tilespmem:$0x1A200] =	vst v63  }
0x1a: {  	_ = 	snop  }
0x1b: {  	[tilespmem:s3], [sflag:$0x1] =	stream.linear.gather [hbm4b:s7+s3], $0x6400, $0x38;
	[tilespmem:$0x1A200] =	vst v63  }
0x1c: {  	_ =	swait.ge [sflag:s14], $0xC8  }
0x1d: {  	[sflag:s14] =	ssyncset.done $0x0  }
0x1e: {  	[sflag:s14] =	ssyncadd.s32 $0xFFFFFF38  }
0x1f: {  	_ =	swait.ge [sflag:s15], $0x6400  }
0x20: {  	[sflag:s15] =	ssyncset.done $0x0  }
0x21: {  	[sflag:s15] =	ssyncadd.s32 $0xFFFF9C00  }
0x22: {  	[spmem:s2] =	stream.indirect.scatter.add.f32 [tilespmem:s3], [sflag:$0x4], $0x80, s12, s16, $0xb8;
	[tilespmem:$0x1A200] =	vst v63  }
0x23: {  	_ =	swait.ge [sflag:s11], $0x6400  }
0x24: {  	[sflag:s11] =	ssyncset.done $0x0  }
0x25: {  	s31 =	sadd.s32 $0xC80, s7;
	[sflag:s11] =	ssyncadd.s32 $0xFFFF9C00  }
0x26: {  	[tilespmem:s3], [sflag:$0x1] =	stream.linear.gather [hbm4b:s31+s3], $0x6400, $0x38;
	[tilespmem:$0x1A200] =	vst v63  }
0x27: {  	_ =	swait.ge [sflag:s17], $0xC8  }
0x28: {  	[sflag:s17] =	ssyncset.done $0x0  }
0x29: {  	[sflag:s17] =	ssyncadd.s32 $0xFFFFFF38  }
0x2a: {  	_ =	swait.ge [sflag:s15], $0x6400  }
0x2b: {  	[sflag:s15] =	ssyncset.done $0x0  }
0x2c: {  	[sflag:s15] =	ssyncadd.s32 $0xFFFF9C00  }
0x2d: {  	[spmem:s2] =	stream.indirect.scatter.add.f32 [tilespmem:s3], [sflag:$0x4], $0x80, s13, s16, $0xb8;
	[tilespmem:$0x1A200] =	vst v63  }
0x2e: {  	s21 =	simm.s32 $0x32;
	_ =	swait.ge [sflag:s11], $0x6400  }
0x2f: {  	s22 =	simm.s32 $0x64;
	s20 =	sadd.s32 $0x1900, s7;
	[sflag:s11] =	ssyncset.done $0x0  }
.LBB2_2:
0x30: {  	s23 =	sadd.s32 s21, s8  }
0x31: {  	[sflag:s11] =	ssyncadd.s32 $0xFFFF9C00;
	s24 =	smov.u32 s22;
	s25 =	sadd.s32 $0x32, s22  }
0x32: {  	[tilespmem:s12], [sflag:$0x2] =	stream.linear.gather [hbm4b:s23+s3], $0xC8, $0x38;
	[tilespmem:$0x1A200] =	vst v63  }
0x33: {  	p0 =	sne.s32 s22, $0x4B0;
	s22 =	sadd.s32 s21, s9;
	s21 =	smov.u32 s24  }
0x34: {  	[tilespmem:s13], [sflag:$0x3] =	stream.linear.gather [hbm4b:s22+s3], $0xC8, $0x38;
	[tilespmem:$0x1A200] =	vst v63  }
0x35: {  	_ = 	snop  }
0x36: {  	[tilespmem:s3], [sflag:$0x1] =	stream.linear.gather [hbm4b:s20+s3], $0x6400, $0x38;
	[tilespmem:$0x1A200] =	vst v63  }
0x37: {  	_ =	swait.ge [sflag:s14], $0xC8  }
0x38: {  	[sflag:s14] =	ssyncset.done $0x0  }
0x39: {  	[sflag:s14] =	ssyncadd.s32 $0xFFFFFF38  }
0x3a: {  	_ =	swait.ge [sflag:s15], $0x6400  }
0x3b: {  	[sflag:s15] =	ssyncset.done $0x0  }
0x3c: {  	[sflag:s15] =	ssyncadd.s32 $0xFFFF9C00  }
0x3d: {  	[spmem:s2] =	stream.indirect.scatter.add.f32 [tilespmem:s3], [sflag:$0x4], $0x80, s12, s16, $0xb8;
	[tilespmem:$0x1A200] =	vst v63  }
0x3e: {  	_ =	swait.ge [sflag:s11], $0x6400  }
0x3f: {  	[sflag:s11] =	ssyncset.done $0x0  }
0x40: {  	s22 =	sadd.s32 $0xC80, s20;
	[sflag:s11] =	ssyncadd.s32 $0xFFFF9C00  }
0x41: {  	[tilespmem:s3], [sflag:$0x1] =	stream.linear.gather [hbm4b:s22+s3], $0x6400, $0x38;
	[tilespmem:$0x1A200] =	vst v63  }
0x42: {  	_ =	swait.ge [sflag:s17], $0xC8  }
0x43: {  	[sflag:s17] =	ssyncset.done $0x0  }
0x44: {  	[sflag:s17] =	ssyncadd.s32 $0xFFFFFF38  }
0x45: {  	_ =	swait.ge [sflag:s15], $0x6400  }
.Ltmp0:
0x46: {  	[sflag:s15] =	ssyncset.done $0x0;
	(pc) =	sbr.rel @p0 .LBB2_2-.Ltmp0, $4  }
0x47: {  	[sflag:s15] =	ssyncadd.s32 $0xFFFF9C00  }
0x48: {  	[spmem:s2] =	stream.indirect.scatter.add.f32 [tilespmem:s3], [sflag:$0x4], $0x80, s13, s16, $0xb8;
	[tilespmem:$0x1A200] =	vst v63  }
0x49: {  	_ =	swait.ge [sflag:s11], $0x6400  }
0x4a: {  	s20 =	sadd.s32 $0x1900, s20;
	s22 =	smov.u32 s25;
	[sflag:s11] =	ssyncset.done $0x0  }
0x4b: {  	s22 =	sadd.s32 s21, s8;
	[sflag:s11] =	ssyncadd.s32 $0xFFFF9C00  }
0x4c: {  	[tilespmem:s12], [sflag:$0x2] =	stream.linear.gather [hbm4b:s22+s3], $0xC8, $0x38;
	[tilespmem:$0x1A200] =	vst v63  }
0x4d: {  	s30 =	sadd.s32 s21, s9  }
0x4e: {  	[tilespmem:s13], [sflag:$0x3] =	stream.linear.gather [hbm4b:s30+s3], $0xC8, $0x38;
	[tilespmem:$0x1A200] =	vst v63  }
0x4f: {  	_ = 	snop  }
0x50: {  	[tilespmem:s3], [sflag:$0x1] =	stream.linear.gather [hbm4b:s20+s3], $0x6400, $0x38;
	[tilespmem:$0x1A200] =	vst v63  }
0x51: {  	_ =	swait.ge [sflag:s14], $0xC8  }
0x52: {  	[sflag:s14] =	ssyncset.done $0x0  }
0x53: {  	[sflag:s14] =	ssyncadd.s32 $0xFFFFFF38  }
0x54: {  	_ =	swait.ge [sflag:s15], $0x6400  }
0x55: {  	[sflag:s15] =	ssyncset.done $0x0  }
0x56: {  	[sflag:s15] =	ssyncadd.s32 $0xFFFF9C00  }
0x57: {  	[spmem:s2] =	stream.indirect.scatter.add.f32 [tilespmem:s3], [sflag:$0x4], $0x80, s12, s16, $0xb8;
	[tilespmem:$0x1A200] =	vst v63  }
0x58: {  	_ =	swait.ge [sflag:s11], $0x6400  }
0x59: {  	[sflag:s11] =	ssyncset.done $0x0  }
0x5a: {  	s31 =	sadd.s32 $0xC80, s20;
	[sflag:s11] =	ssyncadd.s32 $0xFFFF9C00  }
0x5b: {  	[tilespmem:s3], [sflag:$0x1] =	stream.linear.gather [hbm4b:s31+s3], $0x6400, $0x38;
	[tilespmem:$0x1A200] =	vst v63  }
0x5c: {  	_ =	swait.ge [sflag:s17], $0xC8  }
0x5d: {  	[sflag:s17] =	ssyncset.done $0x0  }
0x5e: {  	[sflag:s17] =	ssyncadd.s32 $0xFFFFFF38  }
0x5f: {  	_ =	swait.ge [sflag:s15], $0x6400  }
0x60: {  	[sflag:s15] =	ssyncset.done $0x0  }
0x61: {  	[sflag:s15] =	ssyncadd.s32 $0xFFFF9C00  }
0x62: {  	[spmem:s2] =	stream.indirect.scatter.add.f32 [tilespmem:s3], [sflag:$0x4], $0x80, s13, s16, $0xb8;
	[tilespmem:$0x1A200] =	vst v63  }
0x63: {  	_ =	swait.ge [sflag:s11], $0x6400  }
0x64: {  	s19 =	sadd.s32 $0x1, s19;
	[sflag:s11] =	ssyncset.done $0x0  }
0x65: {  	p0 =	sne.s32 s19, s6;
	[sflag:s11] =	ssyncadd.s32 $0xFFFF9C00  }
.Ltmp1:
0x66: {  	[bflag:$0x0] =	sbarrier.arrive $0xFFFF;
	(pc) =	sbr.rel @p0 .LBB2_1-.Ltmp1, $4  }
0x67: {  	[hbm:s18], [sflag:s5] =	dma.local [spmem:s10], $0x2780  }
0x68: {  	_ =	swait.ge [sflag:s11], $0x2780  }
0x69: {  	[sflag:s11] =	ssyncset.done $0x0  }
0x6a: {  	[sflag:s11] =	ssyncadd.s32 $0xFFFFD880  }
0x6b: {  	_ =	sfence.sel $0x180000  }
0x6c: {  	[bflag:$0x0] =	sbarrier.arrive $0xFFFF  }
0x6d: {  	p0 =	sne.s32 s1, $0x0;
	_ =	strace $0x90000053  }
0x6e: {  	s0 =	sadd.s32 @!p0 $0x100000, s0;
	[bflag:$0x2] =	sbarrier.arrive $0xFFFF  }
0x6f: {  	[sflag:s0] =	ssyncadd.tile.s32 @!p0 $0x1;
	_ =	shalt  }
.Lfunc_end2:
_tile_overlayer_lowered:
.L_overlay_start_2:
0x70: {  	(tag) =	ssettag $0x2  }
0x71: {  	s0 =	rddreg [dreg:$0x0];
	s2 =	stileid.u32  }
0x72: {  	s1 =	rddreg [dreg:$0x1];
	p0 =	sne.s32 s2, $0x0  }
0x73: {  	s3 =	rddreg [dreg:$0x2];
	[bflag:$0x3] =	sbarrier.arrive $0xFFFF;
	s2 =	simm.s32 @!p0 $0x1C04  }
0x74: {  	[timem:s3], [sflag:s2] =	dma.local @!p0 [hbm:s0], s1  }
0x75: {  	s0 =	simm.s32 @!p0 $0x4  }
0x76: {  	_ =	swait.ge @!p0 [sflag:s0], s1  }
0x77: {  	s1 =	ssub.s32 @!p0 $0x0, s1;
	[sflag:s0] =	ssyncset.done @!p0 $0x0  }
0x78: {  	[sflag:s0] =	ssyncadd.s32 @!p0 s1  }
0x79: {  	[bflag:$0x3] =	sbarrier.arrive $0xFFFF  }
0x7a: {  	_ =	shalt  }

// kernel: kernel.28.cloned.1.call-start
scs
__scs_entry_jumppad:
0x0: {  	(pc) =	sbr.rel $0x88, $3  }
0x1: {  	(tag) =	ssettag $0x0;
	lr =	simm.s32 $0x1  }
0x2: {  	[smem:$0x3F87] =	sst lr;
	_ =	strace $0xD0000000  }
0x3: {  	_ = 	snop  }
0x4: {  	_ = 	snop  }
0x5: {  	_ = 	snop  }
0x6: {  	_ = 	snop  }
0x7: {  	_ = 	snop  }
__scs_overlays_trampoline_lowered:
0x8: {  	[smem:$0x3F96] =	sst s0  }
0x9: {  	[smem:$0x3F97] =	sst s1  }
0xa: {  	[smem:$0x3F98] =	sst s2  }
0xb: {  	[smem:$0x3F99] =	sst s3  }
0xc: {  	[smem:$0x3F9A] =	sst s4  }
0xd: {  	[smem:$0x3F9B] =	sst s5  }
0xe: {  	[smem:$0x3F9C] =	sst s6  }
0xf: {  	[smem:$0x3F9D] =	sst s7  }
0x10: {  	[smem:$0x3F9E] =	sst s8  }
0x11: {  	[smem:$0x3F9F] =	sst s9;
	s0 =	simm.s32 @!p0 $0x0  }
0x12: {  	s1 =	sld [smem:$0x3F85];
	s0 =	simm.s32 @p0 $0x1  }
0x13: {  	[smem:$0x3FA0] =	sst s0;
	s0 =	simm.s32 @!p1 $0x0  }
0x14: {  	s2 =	sld [smem:$0x3F84];
	s0 =	simm.s32 @p1 $0x1  }
0x15: {  	[smem:$0x3FA1] =	sst s0;
	s0 =	simm.s32 @!p2 $0x0  }
0x16: {  	s3 =	sld [smem:$0x3FDB];
	s0 =	simm.s32 @p2 $0x1  }
0x17: {  	s4 =	simm.s32 $0x1BF5;
	[smem:$0x3FA3] =	sst s0  }
0x18: {  	s0 =	sld [smem:$0x3F86];
	_ =	swait.ge [sflag:s4], $0x0  }
0x19: {  	s7 =	sld [smem:$0x3F87]  }
0x1a: {  	s8 =	sadd.s32 $0xFFFFE003, lr  }
0x1b: {  	s9 =	sadd.s32 $0xFFFFFEF7, lr;
	s5 =	simm.s32 $0xFFFFFFFF;
	p2 =	slt.u32 s8, $0xFFFFF086  }
0x1c: {  	p1 =	slt.u32 s9, $0xF7A;
	s5 =	simm.s32 @!p2 $0x0  }
0x1d: {  	s5 =	simm.s32 @p1 $0x1;
	p0 =	seq.s32 s7, s2  }
0x1e: {  	s7 =	smul.u32 @!p0 $0xF7A, s2;
	p2 =	seq.s32 @!p0 s5, $0x0  }
0x1f: {  	s9 =	smul.u32 $0xF7A, s1;
	s8 =	simm.s32 @!p0 $0x1BF5;
	p2 =	por !p2, p0  }
0x20: {  	[sflag:s8] =	ssyncset.s32 @!p0 $0xFFFFF086;
	s6 =	sadd.s32 @!p0 s3, s7;
	s7 =	simm.s32 @!p0 $0x108  }
0x21: {  	s3 =	sadd.s32 s3, s9;
	s6 =	sadd.s32 @!p0 $0x88, s6;
	s7 =	simm.s32 @p2 $0x1082  }
0x22: {  	[simem:s7], [sflag:s8] =	dma.local @!p0 [hbm:s6], $0xF7A  }
0x23: {  	s9 =	sor.u32 $0xD0000000, s2;
	s6 =	simm.s32 $0x108;
	_ =	swait.ge @!p0 [sflag:s8], $0x0  }
0x24: {  	s3 =	sadd.s32 $0x88, s3;
	s6 =	simm.s32 @!p1 $0x1082;
	[sflag:s4] =	ssyncset.s32 $0xFFFFF086  }
0x25: {  	[simem:s6], [sflag:s4] =	dma.local [hbm:s3], $0xF7A  }
0x26: {  	[smem:$0x3F87] =	sst s1;
	(tag) =	ssettag s2;
	_ =	strace s9  }
0x27: {  	s1 =	sld [smem:$0x3F97]  }
0x28: {  	s2 =	sld [smem:$0x3F98]  }
0x29: {  	s4 =	sld [smem:$0x3F9A]  }
0x2a: {  	p0 =	seq.s32 s5, $0x0;
	s5 =	sld [smem:$0x3F9B]  }
0x2b: {  	s6 =	sld [smem:$0x3F9C]  }
0x2c: {  	s7 =	sld [smem:$0x3F9D]  }
0x2d: {  	s3 =	simm.s32 $0x108;
	s8 =	sld [smem:$0x3F9E]  }
0x2e: {  	s3 =	simm.s32 @!p0 $0x1082;
	s9 =	sld [smem:$0x3F9F]  }
0x2f: {  	lr =	sadd.s32 s0, s3;
	s0 =	sld [smem:$0x3F96]  }
0x30: {  	s3 =	sld [smem:$0x3F99]  }
0x31: {  	[smem:$0x3FA2] =	sst s10  }
0x32: {  	s10 =	sld [smem:$0x3FA0];
	_ =	sdelay $0x3  }
0x33: {  	p0 =	seq.s32 s10, $0x1;
	s10 =	sld [smem:$0x3FA2];
	_ =	sdelay $0x3  }
0x34: {  	[smem:$0x3FA2] =	sst s10  }
0x35: {  	s10 =	sld [smem:$0x3FA1];
	_ =	sdelay $0x3  }
0x36: {  	p1 =	seq.s32 s10, $0x1;
	s10 =	sld [smem:$0x3FA2];
	_ =	sdelay $0x3  }
0x37: {  	[smem:$0x3FA2] =	sst s10  }
0x38: {  	s10 =	sld [smem:$0x3FA3]  }
0x39: {  	_ = 	snop;
	(pc) =	sbr.ind lr, $3  }
0x3a: {  	_ = 	snop  }
0x3b: {  	_ = 	snop  }
0x3c: {  	p2 =	seq.s32 s10, $0x1;
	s10 =	sld [smem:$0x3FA2]  }
0x3d: {  	_ =	shalt  }
0x3e: {  	_ =	shalt  }
0x3f: {  	_ =	shalt  }
0x40: {  	_ =	shalt  }
0x41: {  	_ =	shalt  }
0x42: {  	_ =	shalt  }
0x43: {  	_ =	shalt  }
0x44: {  	_ =	shalt  }
0x45: {  	_ =	shalt  }
0x46: {  	_ =	shalt  }
0x47: {  	_ =	shalt  }
0x48: {  	_ =	shalt  }
0x49: {  	_ =	shalt  }
0x4a: {  	_ =	shalt  }
0x4b: {  	_ =	shalt  }
0x4c: {  	_ =	shalt  }
0x4d: {  	_ =	shalt  }
0x4e: {  	_ =	shalt  }
0x4f: {  	_ =	shalt  }
0x50: {  	_ =	shalt  }
0x51: {  	_ =	shalt  }
0x52: {  	_ =	shalt  }
0x53: {  	_ =	shalt  }
0x54: {  	_ =	shalt  }
0x55: {  	_ =	shalt  }
0x56: {  	_ =	shalt  }
0x57: {  	_ =	shalt  }
0x58: {  	_ =	shalt  }
0x59: {  	_ =	shalt  }
0x5a: {  	_ =	shalt  }
0x5b: {  	_ =	shalt  }
0x5c: {  	_ =	shalt  }
0x5d: {  	_ =	shalt  }
0x5e: {  	_ =	shalt  }
0x5f: {  	_ =	shalt  }
0x60: {  	_ =	shalt  }
0x61: {  	_ =	shalt  }
0x62: {  	_ =	shalt  }
0x63: {  	_ =	shalt  }
0x64: {  	_ =	shalt  }
0x65: {  	_ =	shalt  }
0x66: {  	_ =	shalt  }
0x67: {  	_ =	shalt  }
0x68: {  	_ =	shalt  }
0x69: {  	_ =	shalt  }
0x6a: {  	_ =	shalt  }
0x6b: {  	_ =	shalt  }
0x6c: {  	_ =	shalt  }
0x6d: {  	_ =	shalt  }
0x6e: {  	_ =	shalt  }
0x6f: {  	_ =	shalt  }
0x70: {  	_ =	shalt  }
0x71: {  	_ =	shalt  }
0x72: {  	_ =	shalt  }
0x73: {  	_ =	shalt  }
0x74: {  	_ =	shalt  }
0x75: {  	_ =	shalt  }
0x76: {  	_ =	shalt  }
0x77: {  	_ =	shalt  }
0x78: {  	_ =	shalt  }
0x79: {  	_ =	shalt  }
0x7a: {  	_ =	shalt  }
0x7b: {  	_ =	shalt  }
0x7c: {  	_ =	shalt  }
0x7d: {  	_ =	shalt  }
0x7e: {  	_ =	shalt  }
0x7f: {  	_ =	shalt  }
0x80: {  	_ =	shalt  }
0x81: {  	_ =	shalt  }
0x82: {  	_ =	shalt  }
0x83: {  	_ =	shalt  }
0x84: {  	_ =	shalt  }
0x85: {  	_ =	shalt  }
0x86: {  	_ =	shalt  }
0x87: {  	_ =	shalt  }
.Lfunc_end0:
.L_simem_size_0:
called_computation.4_lowered:
.L_overlay_start_0:
0x88: {  	s2 =	sld [smem:$0x3FD9]  }
0x89: {  	s3 =	sld [smem:$0x3FFE];
	_ =	sdelay $0x1  }
0x8a: {  	s1 =	srdreg.scid  }
0x8b: {  	s0 =	sand.u32 $0x1, s1  }
0x8c: {  	s17 =	sshll.u32 s0, $0xA;
	s2 =	sadd.s32 s3, s2  }
0x8d: {  	s2 =	sadd.s32 s2, s17  }
0x8e: {  	[smem:$0x3FAE] =	sst s2  }
0x8f: {  	_ = 	snop  }
0x90: {  	(tm) =	ssettm $0x1  }
0x91: {  	s18 =	sld [smem:$0x3FFB];
	_ =	sdelay $0x3  }
0x92: {  	_ =	strace s18  }
0x93: {  	s2 =	sld [smem:$0x3FFC];
	_ =	sdelay $0x3  }
0x94: {  	_ =	strace s2  }
0x95: {  	s2 =	sld [smem:$0x3FFD];
	_ =	sdelay $0x3  }
0x96: {  	_ =	strace s2  }
0x97: {  	_ =	strace $0x8FFFFFFF  }
0x98: {  	s19 =	sld [smem:$0x3FDB];
	_ =	sdelay $0x1  }
0x99: {  	s20 =	simm.s32 $_scs_section_size  }
0x9a: {  	s4 =	simm.s32 $_size__tile_overlayer_lowered;
	s5 =	simm.s32 $_tile_overlayer_lowered  }
0x9b: {  	s6 =	simm.s32 $0x1BFF;
	s21 =	sshll.u32 s5, $0x1;
	s3 =	sadd.s32 s20, s19  }
0x9c: {  	s22 =	simm.s32 $0x0;
	s4 =	sshll.u32 s4, $0x1;
	s5 =	sadd.s32 s21, s3  }
0x9d: {  	[timem:s22], [sflag:s6] =	dma.local [hbm:s5], s4  }
0x9e: {  	_ =	swait.ge [sflag:s6], s4  }
0x9f: {  	s4 =	ssub.s32 $0x0, s4;
	[sflag:s6] =	ssyncset.done $0x0  }
0xa0: {  	[sflag:s6] =	ssyncadd.s32 s4;
	_ =	sdelay $0x1  }
0xa1: {  	s23 =	simm.s32 $0x1B8B  }
0xa2: {  	_ =	swait.ge [sflag:s23], $0x1  }
0xa3: {  	[sflag:s23] =	ssyncset.done $0x0  }
0xa4: {  	[sflag:s23] =	ssyncadd.s32 $0xFFFFFFFF  }
0xa5: {  	s4 =	sld [smem:$0x0]  }
0xa6: {  	s5 =	sand.u32 $0xFFFFFFFE, s1  }
0xa7: {  	p0 =	sne.s32 s1, s5  }
0xa8: {  	s5 =	sshll.u32 @p0 s5, $0xE  }
0xa9: {  	s5 =	sadd.s32 @p0 $0x11B8D, s5;
	s6 =	sshll.u32 @p0 s4, $0x11  }
0xaa: {  	s5 =	sor.u32 @p0 s6, s5  }
0xab: {  	[sflag:s5] =	ssyncadd.remote.s32 @p0 $0x1;
	_ =	sdelay $0x1  }
0xac: {  	s5 =	simm.s32 @p0 $0x1B8D  }
0xad: {  	_ =	swait.eq @p0 [sflag:s5], $0x1  }
0xae: {  	[sflag:s5] =	ssyncadd.s32 @p0 $0xFFFFFFFF  }
0xaf: {  	s6 =	sshll.u32 @!p0 s1, $0xE  }
0xb0: {  	s6 =	sor.u32 @!p0 $0x4000, s6;
	s5 =	simm.s32 @!p0 $0x1B8D  }
0xb1: {  	s4 =	sshll.u32 @!p0 s4, $0x11;
	s6 =	sadd.s32 @!p0 $0x11B8D, s6;
	_ =	swait.eq @!p0 [sflag:s5], $0x1  }
0xb2: {  	s4 =	sor.u32 @!p0 s4, s6;
	[sflag:s5] =	ssyncadd.s32 @!p0 $0xFFFFFFFF  }
0xb3: {  	s25 =	simm.s32 $0x1B8E;
	s24 =	sld [smem:$0x3FFE];
	[sflag:s4] =	ssyncadd.remote.s32 @!p0 $0x1  }
0xb4: {  	s26 =	simm.s32 $execute0_lowered;
	[smem:$0x3FD2] =	sst s25  }
0xb5: {  	s5 =	sshll.u32 s26, $0x1;
	_ =	strace $0x80000055;
	[dreg:$0x1] =	wrdreg $0xFFFFFFFF  }
0xb6: {  	s28 =	simm.s32 $_size_execute0_lowered;
	s3 =	sadd.s32 s3, s5;
	[dreg:$0x0] =	wrdreg $0x0  }
0xb7: {  	s5 =	sshll.u32 s28, $0x1;
	[dreg:$0x2] =	wrdreg s3  }
0xb8: {  	[dreg:$0x3] =	wrdreg s5  }
0xb9: {  	[dreg:$0x4] =	wrdreg $0xC0  }
0xba: {  	_ =	task [dreg:s22], $0x5FFFF  }
0xbb: {  	[dreg:$0x1] =	wrdreg $0xFFFFFFFF  }
0xbc: {  	[dreg:$0x0] =	wrdreg $0x60  }
0xbd: {  	[dreg:$0x2] =	wrdreg s24  }
0xbe: {  	[dreg:$0x3] =	wrdreg $0x66000  }
0xbf: {  	[dreg:$0x4] =	wrdreg $0xB  }
0xc0: {  	_ =	task.clear_ibuf [dreg:s22], $0x5FFFF;
	_ =	strace $0x90000055  }
0xc1: {  	s29 =	simm.s32 $0xB;
	_ =	strace $0x80000057  }
0xc2: {  	_ =	swait.ge [sflag:s29], $0x1  }
0xc3: {  	[sflag:s29] =	ssyncadd.s32 $0xFFFFFFFF  }
0xc4: {  	_ =	strace $0x90000057  }
0xc5: {  	_ =	sfence  }
0xc6: {  	s30 =	sld [smem:$0x0];
	_ =	sdelay $0x2  }
0xc7: {  	s31 =	sshll.u32 s1, $0xD;
	s1 =	sshrl.u32 s1, $0x2  }
0xc8: {  	s4 =	sand.u32 $0x4000, s31;
	s1 =	sadd.s32 s1, s30  }
0xc9: {  	s0 =	sor.u32 s4, s0;
	s1 =	sshll.u32 s1, $0x11  }
0xca: {  	s0 =	sor.u32 s1, s0  }
0xcb: {  	s0 =	sadd.s32 $0x8F2B, s0  }
0xcc: {  	[sflag:s0] =	ssyncadd.remote.s32 $0x1  }
0xcd: {  	_ =	sfence.sel $0xFFFF  }
0xce: {  	[dreg:$0x0] =	wrdreg $0xFFFFFFFF;
	(pc) =	sbr.abs _section_cstart, $3  }
0xcf: {  	[dreg:$0x1] =	wrdreg $0xFFFFFFFF  }
0xd0: {  	_ =	task.clear_ibuf [dreg:s22], $0x2FFFF;
	_ =	strace $0x9FFFFFFF  }
0xd1: {  	(tm) =	ssettm $0x7FFFFFFF  }
tec
execute0_lowered:
.L_overlay_start_1:
0x0: {  	(tag) =	ssettag $0x1  }
0x1: {  	s4 =	rddreg [dreg:$0x0]  }
0x2: {  	s2 =	rddreg [dreg:$0x1];
	s1 =	stileid.u32  }
0x3: {  	s0 =	rddreg [dreg:$0x2];
	s3 =	simm.s32 $0x0;
	s5 =	smul.u32 $0x4E200, s1  }
0x4: {  	s6 =	srdreg.scid;
	s15 =	simm.s32 $0x1;
	s18 =	smul.u32 $0x2780, s1  }
0x5: {  	s16 =	simm.s32 $0xC8;
	s17 =	simm.s32 $0x3;
	s23 =	smul.u32 $0x4F000, s1  }
0x6: {  	[smem:$0x7FF] =	sst s3;
	s6 =	sand.u32 $0x1, s6;
	s12 =	smul.u32 $0x4E20, s1  }
0x7: {  	s9 =	sadd.s32 $0x7A00, s4;
	s25 =	sshll.u32 s1, $0x6;
	s7 =	smul.u32 $0x27800, s6  }
0x8: {  	_ =	strace $0x80000056;
	s24 =	ssub.s32 $0x2, s6;
	s14 =	smul.u32 $0x2710, s6  }
0x9: {  	s26 =	smul.u32 $0x27100, s6;
	s8 =	sadd.s32 s5, s4;
	s10 =	sadd.s32 s18, s4  }
0xa: {  	s11 =	sshrl.u32 s24, $0x1;
	s5 =	sshrl.u32 s23, $0x2;
	s7 =	sadd.s32 s7, s4  }
0xb: {  	s11 =	ssub.s32 s24, s11;
	s13 =	sadd.s32 s5, s2;
	s4 =	sadd.s32 $0x2F800, s10  }
0xc: {  	s5 =	sor.u32 $0x1C04, s25;
	s12 =	sadd.s32 s14, s12;
	s28 =	sadd.s32 s26, s8  }
0xd: {  	s14 =	simm.s32 $0x2;
	s19 =	sadd.s32 $0xAC2E00, s7;
	s6 =	smax.u32 s11, $0x1  }
0xe: {  	s29 =	sadd.s32 $0xC8, s12;
	s7 =	sadd.s32 $0x539000, s28;
	s30 =	sshrl.u32 s12, $0x3  }
0xf: {  	s10 =	sshrl.u32 s13, $0x3;
	s11 =	simm.s32 $0x4;
	s12 =	simm.s32 $0x6400  }
0x10: {  	s13 =	simm.s32 $0x6500;
	s31 =	sshrl.u32 s29, $0x3;
	s8 =	sadd.s32 s30, s9  }
0x11: {  	s18 =	sadd.s32 s18, s19;
	s19 =	simm.s32 $0x0;
	s9 =	sadd.s32 s31, s9  }
.LBB2_1:
0x12: {  	[spmem:s10], [sflag:s5] =	dma.local [hbm:s4], $0x2780  }
0x13: {  	_ =	swait.ge [sflag:s11], $0x2780  }
0x14: {  	[sflag:s11] =	ssyncset.done $0x0  }
0x15: {  	[sflag:s11] =	ssyncadd.s32 $0xFFFFD880  }
0x16: {  	s20 =	sadd.s32 $0x0, s8;
	[bflag:$0x0] =	sbarrier.arrive $0xFFFF  }
0x17: {  	[tilespmem:s12], [sflag:$0x2] =	stream.linear.gather [hbm4b:s20+s3], $0xC8, $0x38;
	[tilespmem:$0x1A200] =	vst v63  }
0x18: {  	s30 =	sadd.s32 $0x0, s9  }
0x19: {  	[tilespmem:s13], [sflag:$0x3] =	stream.linear.gather [hbm4b:s30+s3], $0xC8, $0x38;
	[tilespmem:$0x1A200] =	vst v63  }
0x1a: {  	_ = 	snop  }
0x1b: {  	[tilespmem:s3], [sflag:$0x1] =	stream.linear.gather [hbm4b:s7+s3], $0x6400, $0x38;
	[tilespmem:$0x1A200] =	vst v63  }
0x1c: {  	_ =	swait.ge [sflag:s14], $0xC8  }
0x1d: {  	[sflag:s14] =	ssyncset.done $0x0  }
0x1e: {  	[sflag:s14] =	ssyncadd.s32 $0xFFFFFF38  }
0x1f: {  	_ =	swait.ge [sflag:s15], $0x6400  }
0x20: {  	[sflag:s15] =	ssyncset.done $0x0  }
0x21: {  	[sflag:s15] =	ssyncadd.s32 $0xFFFF9C00  }
0x22: {  	[spmem:s2] =	stream.indirect.scatter.add.f32 [tilespmem:s3], [sflag:$0x4], $0x80, s12, s16, $0xb8;
	[tilespmem:$0x1A200] =	vst v63  }
0x23: {  	_ =	swait.ge [sflag:s11], $0x6400  }
0x24: {  	[sflag:s11] =	ssyncset.done $0x0  }
0x25: {  	s31 =	sadd.s32 $0xC80, s7;
	[sflag:s11] =	ssyncadd.s32 $0xFFFF9C00  }
0x26: {  	[tilespmem:s3], [sflag:$0x1] =	stream.linear.gather [hbm4b:s31+s3], $0x6400, $0x38;
	[tilespmem:$0x1A200] =	vst v63  }
0x27: {  	_ =	swait.ge [sflag:s17], $0xC8  }
0x28: {  	[sflag:s17] =	ssyncset.done $0x0  }
0x29: {  	[sflag:s17] =	ssyncadd.s32 $0xFFFFFF38  }
0x2a: {  	_ =	swait.ge [sflag:s15], $0x6400  }
0x2b: {  	[sflag:s15] =	ssyncset.done $0x0  }
0x2c: {  	[sflag:s15] =	ssyncadd.s32 $0xFFFF9C00  }
0x2d: {  	[spmem:s2] =	stream.indirect.scatter.add.f32 [tilespmem:s3], [sflag:$0x4], $0x80, s13, s16, $0xb8;
	[tilespmem:$0x1A200] =	vst v63  }
0x2e: {  	s21 =	simm.s32 $0x32;
	_ =	swait.ge [sflag:s11], $0x6400  }
0x2f: {  	s22 =	simm.s32 $0x64;
	s20 =	sadd.s32 $0x1900, s7;
	[sflag:s11] =	ssyncset.done $0x0  }
.LBB2_2:
0x30: {  	s23 =	sadd.s32 s21, s8  }
0x31: {  	[sflag:s11] =	ssyncadd.s32 $0xFFFF9C00;
	s24 =	smov.u32 s22;
	s25 =	sadd.s32 $0x32, s22  }
0x32: {  	[tilespmem:s12], [sflag:$0x2] =	stream.linear.gather [hbm4b:s23+s3], $0xC8, $0x38;
	[tilespmem:$0x1A200] =	vst v63  }
0x33: {  	p0 =	sne.s32 s22, $0x4B0;
	s22 =	sadd.s32 s21, s9;
	s21 =	smov.u32 s24  }
0x34: {  	[tilespmem:s13], [sflag:$0x3] =	stream.linear.gather [hbm4b:s22+s3], $0xC8, $0x38;
	[tilespmem:$0x1A200] =	vst v63  }
0x35: {  	_ = 	snop  }
0x36: {  	[tilespmem:s3], [sflag:$0x1] =	stream.linear.gather [hbm4b:s20+s3], $0x6400, $0x38;
	[tilespmem:$0x1A200] =	vst v63  }
0x37: {  	_ =	swait.ge [sflag:s14], $0xC8  }
0x38: {  	[sflag:s14] =	ssyncset.done $0x0  }
0x39: {  	[sflag:s14] =	ssyncadd.s32 $0xFFFFFF38  }
0x3a: {  	_ =	swait.ge [sflag:s15], $0x6400  }
0x3b: {  	[sflag:s15] =	ssyncset.done $0x0  }
0x3c: {  	[sflag:s15] =	ssyncadd.s32 $0xFFFF9C00  }
0x3d: {  	[spmem:s2] =	stream.indirect.scatter.add.f32 [tilespmem:s3], [sflag:$0x4], $0x80, s12, s16, $0xb8;
	[tilespmem:$0x1A200] =	vst v63  }
0x3e: {  	_ =	swait.ge [sflag:s11], $0x6400  }
0x3f: {  	[sflag:s11] =	ssyncset.done $0x0  }
0x40: {  	s22 =	sadd.s32 $0xC80, s20;
	[sflag:s11] =	ssyncadd.s32 $0xFFFF9C00  }
0x41: {  	[tilespmem:s3], [sflag:$0x1] =	stream.linear.gather [hbm4b:s22+s3], $0x6400, $0x38;
	[tilespmem:$0x1A200] =	vst v63  }
0x42: {  	_ =	swait.ge [sflag:s17], $0xC8  }
0x43: {  	[sflag:s17] =	ssyncset.done $0x0  }
0x44: {  	[sflag:s17] =	ssyncadd.s32 $0xFFFFFF38  }
0x45: {  	_ =	swait.ge [sflag:s15], $0x6400  }
.Ltmp0:
0x46: {  	[sflag:s15] =	ssyncset.done $0x0;
	(pc) =	sbr.rel @p0 .LBB2_2-.Ltmp0, $4  }
0x47: {  	[sflag:s15] =	ssyncadd.s32 $0xFFFF9C00  }
0x48: {  	[spmem:s2] =	stream.indirect.scatter.add.f32 [tilespmem:s3], [sflag:$0x4], $0x80, s13, s16, $0xb8;
	[tilespmem:$0x1A200] =	vst v63  }
0x49: {  	_ =	swait.ge [sflag:s11], $0x6400  }
0x4a: {  	s20 =	sadd.s32 $0x1900, s20;
	s22 =	smov.u32 s25;
	[sflag:s11] =	ssyncset.done $0x0  }
0x4b: {  	s22 =	sadd.s32 s21, s8;
	[sflag:s11] =	ssyncadd.s32 $0xFFFF9C00  }
0x4c: {  	[tilespmem:s12], [sflag:$0x2] =	stream.linear.gather [hbm4b:s22+s3], $0xC8, $0x38;
	[tilespmem:$0x1A200] =	vst v63  }
0x4d: {  	s30 =	sadd.s32 s21, s9  }
0x4e: {  	[tilespmem:s13], [sflag:$0x3] =	stream.linear.gather [hbm4b:s30+s3], $0xC8, $0x38;
	[tilespmem:$0x1A200] =	vst v63  }
0x4f: {  	_ = 	snop  }
0x50: {  	[tilespmem:s3], [sflag:$0x1] =	stream.linear.gather [hbm4b:s20+s3], $0x6400, $0x38;
	[tilespmem:$0x1A200] =	vst v63  }
0x51: {  	_ =	swait.ge [sflag:s14], $0xC8  }
0x52: {  	[sflag:s14] =	ssyncset.done $0x0  }
0x53: {  	[sflag:s14] =	ssyncadd.s32 $0xFFFFFF38  }
0x54: {  	_ =	swait.ge [sflag:s15], $0x6400  }
0x55: {  	[sflag:s15] =	ssyncset.done $0x0  }
0x56: {  	[sflag:s15] =	ssyncadd.s32 $0xFFFF9C00  }
0x57: {  	[spmem:s2] =	stream.indirect.scatter.add.f32 [tilespmem:s3], [sflag:$0x4], $0x80, s12, s16, $0xb8;
	[tilespmem:$0x1A200] =	vst v63  }
0x58: {  	_ =	swait.ge [sflag:s11], $0x6400  }
0x59: {  	[sflag:s11] =	ssyncset.done $0x0  }
0x5a: {  	s31 =	sadd.s32 $0xC80, s20;
	[sflag:s11] =	ssyncadd.s32 $0xFFFF9C00  }
0x5b: {  	[tilespmem:s3], [sflag:$0x1] =	stream.linear.gather [hbm4b:s31+s3], $0x6400, $0x38;
	[tilespmem:$0x1A200] =	vst v63  }
0x5c: {  	_ =	swait.ge [sflag:s17], $0xC8  }
0x5d: {  	[sflag:s17] =	ssyncset.done $0x0  }
0x5e: {  	[sflag:s17] =	ssyncadd.s32 $0xFFFFFF38  }
0x5f: {  	_ =	swait.ge [sflag:s15], $0x6400  }
0x60: {  	[sflag:s15] =	ssyncset.done $0x0  }
0x61: {  	[sflag:s15] =	ssyncadd.s32 $0xFFFF9C00  }
0x62: {  	[spmem:s2] =	stream.indirect.scatter.add.f32 [tilespmem:s3], [sflag:$0x4], $0x80, s13, s16, $0xb8;
	[tilespmem:$0x1A200] =	vst v63  }
0x63: {  	_ =	swait.ge [sflag:s11], $0x6400  }
0x64: {  	s19 =	sadd.s32 $0x1, s19;
	[sflag:s11] =	ssyncset.done $0x0  }
0x65: {  	p0 =	sne.s32 s19, s6;
	[sflag:s11] =	ssyncadd.s32 $0xFFFF9C00  }
.Ltmp1:
0x66: {  	[bflag:$0x0] =	sbarrier.arrive $0xFFFF;
	(pc) =	sbr.rel @p0 .LBB2_1-.Ltmp1, $4  }
0x67: {  	[hbm:s18], [sflag:s5] =	dma.local [spmem:s10], $0x2780  }
0x68: {  	_ =	swait.ge [sflag:s11], $0x2780  }
0x69: {  	[sflag:s11] =	ssyncset.done $0x0  }
0x6a: {  	[sflag:s11] =	ssyncadd.s32 $0xFFFFD880  }
0x6b: {  	_ =	sfence.sel $0x180000  }
0x6c: {  	[bflag:$0x0] =	sbarrier.arrive $0xFFFF  }
0x6d: {  	p0 =	sne.s32 s1, $0x0;
	_ =	strace $0x90000056  }
0x6e: {  	s0 =	sadd.s32 @!p0 $0x100000, s0;
	[bflag:$0x2] =	sbarrier.arrive $0xFFFF  }
0x6f: {  	[sflag:s0] =	ssyncadd.tile.s32 @!p0 $0x1;
	_ =	shalt  }
.Lfunc_end2:
_tile_overlayer_lowered:
.L_overlay_start_2:
0x70: {  	(tag) =	ssettag $0x2  }
0x71: {  	s0 =	rddreg [dreg:$0x0];
	s2 =	stileid.u32  }
0x72: {  	s1 =	rddreg [dreg:$0x1];
	p0 =	sne.s32 s2, $0x0  }
0x73: {  	s3 =	rddreg [dreg:$0x2];
	[bflag:$0x3] =	sbarrier.arrive $0xFFFF;
	s2 =	simm.s32 @!p0 $0x1C04  }
0x74: {  	[timem:s3], [sflag:s2] =	dma.local @!p0 [hbm:s0], s1  }
0x75: {  	s0 =	simm.s32 @!p0 $0x4  }
0x76: {  	_ =	swait.ge @!p0 [sflag:s0], s1  }
0x77: {  	s1 =	ssub.s32 @!p0 $0x0, s1;
	[sflag:s0] =	ssyncset.done @!p0 $0x0  }
0x78: {  	[sflag:s0] =	ssyncadd.s32 @!p0 s1  }
0x79: {  	[bflag:$0x3] =	sbarrier.arrive $0xFFFF  }
0x7a: {  	_ =	shalt  }

// kernel: kernel.31.cloned.1.call-start
scs
__scs_entry_jumppad:
0x0: {  	(pc) =	sbr.rel $0x88, $3  }
0x1: {  	(tag) =	ssettag $0x0;
	lr =	simm.s32 $0x1  }
0x2: {  	[smem:$0x3F87] =	sst lr;
	_ =	strace $0xD0000000  }
0x3: {  	_ = 	snop  }
0x4: {  	_ = 	snop  }
0x5: {  	_ = 	snop  }
0x6: {  	_ = 	snop  }
0x7: {  	_ = 	snop  }
__scs_overlays_trampoline_lowered:
0x8: {  	[smem:$0x3F96] =	sst s0  }
0x9: {  	[smem:$0x3F97] =	sst s1  }
0xa: {  	[smem:$0x3F98] =	sst s2  }
0xb: {  	[smem:$0x3F99] =	sst s3  }
0xc: {  	[smem:$0x3F9A] =	sst s4  }
0xd: {  	[smem:$0x3F9B] =	sst s5  }
0xe: {  	[smem:$0x3F9C] =	sst s6  }
0xf: {  	[smem:$0x3F9D] =	sst s7  }
0x10: {  	[smem:$0x3F9E] =	sst s8  }
0x11: {  	[smem:$0x3F9F] =	sst s9;
	s0 =	simm.s32 @!p0 $0x0  }
0x12: {  	s1 =	sld [smem:$0x3F85];
	s0 =	simm.s32 @p0 $0x1  }
0x13: {  	[smem:$0x3FA0] =	sst s0;
	s0 =	simm.s32 @!p1 $0x0  }
0x14: {  	s2 =	sld [smem:$0x3F84];
	s0 =	simm.s32 @p1 $0x1  }
0x15: {  	[smem:$0x3FA1] =	sst s0;
	s0 =	simm.s32 @!p2 $0x0  }
0x16: {  	s3 =	sld [smem:$0x3FDB];
	s0 =	simm.s32 @p2 $0x1  }
0x17: {  	s4 =	simm.s32 $0x1BF5;
	[smem:$0x3FA3] =	sst s0  }
0x18: {  	s0 =	sld [smem:$0x3F86];
	_ =	swait.ge [sflag:s4], $0x0  }
0x19: {  	s7 =	sld [smem:$0x3F87]  }
0x1a: {  	s8 =	sadd.s32 $0xFFFFE003, lr  }
0x1b: {  	s9 =	sadd.s32 $0xFFFFFEF7, lr;
	s5 =	simm.s32 $0xFFFFFFFF;
	p2 =	slt.u32 s8, $0xFFFFF086  }
0x1c: {  	p1 =	slt.u32 s9, $0xF7A;
	s5 =	simm.s32 @!p2 $0x0  }
0x1d: {  	s5 =	simm.s32 @p1 $0x1;
	p0 =	seq.s32 s7, s2  }
0x1e: {  	s7 =	smul.u32 @!p0 $0xF7A, s2;
	p2 =	seq.s32 @!p0 s5, $0x0  }
0x1f: {  	s9 =	smul.u32 $0xF7A, s1;
	s8 =	simm.s32 @!p0 $0x1BF5;
	p2 =	por !p2, p0  }
0x20: {  	[sflag:s8] =	ssyncset.s32 @!p0 $0xFFFFF086;
	s6 =	sadd.s32 @!p0 s3, s7;
	s7 =	simm.s32 @!p0 $0x108  }
0x21: {  	s3 =	sadd.s32 s3, s9;
	s6 =	sadd.s32 @!p0 $0x88, s6;
	s7 =	simm.s32 @p2 $0x1082  }
0x22: {  	[simem:s7], [sflag:s8] =	dma.local @!p0 [hbm:s6], $0xF7A  }
0x23: {  	s9 =	sor.u32 $0xD0000000, s2;
	s6 =	simm.s32 $0x108;
	_ =	swait.ge @!p0 [sflag:s8], $0x0  }
0x24: {  	s3 =	sadd.s32 $0x88, s3;
	s6 =	simm.s32 @!p1 $0x1082;
	[sflag:s4] =	ssyncset.s32 $0xFFFFF086  }
0x25: {  	[simem:s6], [sflag:s4] =	dma.local [hbm:s3], $0xF7A  }
0x26: {  	[smem:$0x3F87] =	sst s1;
	(tag) =	ssettag s2;
	_ =	strace s9  }
0x27: {  	s1 =	sld [smem:$0x3F97]  }
0x28: {  	s2 =	sld [smem:$0x3F98]  }
0x29: {  	s4 =	sld [smem:$0x3F9A]  }
0x2a: {  	p0 =	seq.s32 s5, $0x0;
	s5 =	sld [smem:$0x3F9B]  }
0x2b: {  	s6 =	sld [smem:$0x3F9C]  }
0x2c: {  	s7 =	sld [smem:$0x3F9D]  }
0x2d: {  	s3 =	simm.s32 $0x108;
	s8 =	sld [smem:$0x3F9E]  }
0x2e: {  	s3 =	simm.s32 @!p0 $0x1082;
	s9 =	sld [smem:$0x3F9F]  }
0x2f: {  	lr =	sadd.s32 s0, s3;
	s0 =	sld [smem:$0x3F96]  }
0x30: {  	s3 =	sld [smem:$0x3F99]  }
0x31: {  	[smem:$0x3FA2] =	sst s10  }
0x32: {  	s10 =	sld [smem:$0x3FA0];
	_ =	sdelay $0x3  }
0x33: {  	p0 =	seq.s32 s10, $0x1;
	s10 =	sld [smem:$0x3FA2];
	_ =	sdelay $0x3  }
0x34: {  	[smem:$0x3FA2] =	sst s10  }
0x35: {  	s10 =	sld [smem:$0x3FA1];
	_ =	sdelay $0x3  }
0x36: {  	p1 =	seq.s32 s10, $0x1;
	s10 =	sld [smem:$0x3FA2];
	_ =	sdelay $0x3  }
0x37: {  	[smem:$0x3FA2] =	sst s10  }
0x38: {  	s10 =	sld [smem:$0x3FA3]  }
0x39: {  	_ = 	snop;
	(pc) =	sbr.ind lr, $3  }
0x3a: {  	_ = 	snop  }
0x3b: {  	_ = 	snop  }
0x3c: {  	p2 =	seq.s32 s10, $0x1;
	s10 =	sld [smem:$0x3FA2]  }
0x3d: {  	_ =	shalt  }
0x3e: {  	_ =	shalt  }
0x3f: {  	_ =	shalt  }
0x40: {  	_ =	shalt  }
0x41: {  	_ =	shalt  }
0x42: {  	_ =	shalt  }
0x43: {  	_ =	shalt  }
0x44: {  	_ =	shalt  }
0x45: {  	_ =	shalt  }
0x46: {  	_ =	shalt  }
0x47: {  	_ =	shalt  }
0x48: {  	_ =	shalt  }
0x49: {  	_ =	shalt  }
0x4a: {  	_ =	shalt  }
0x4b: {  	_ =	shalt  }
0x4c: {  	_ =	shalt  }
0x4d: {  	_ =	shalt  }
0x4e: {  	_ =	shalt  }
0x4f: {  	_ =	shalt  }
0x50: {  	_ =	shalt  }
0x51: {  	_ =	shalt  }
0x52: {  	_ =	shalt  }
0x53: {  	_ =	shalt  }
0x54: {  	_ =	shalt  }
0x55: {  	_ =	shalt  }
0x56: {  	_ =	shalt  }
0x57: {  	_ =	shalt  }
0x58: {  	_ =	shalt  }
0x59: {  	_ =	shalt  }
0x5a: {  	_ =	shalt  }
0x5b: {  	_ =	shalt  }
0x5c: {  	_ =	shalt  }
0x5d: {  	_ =	shalt  }
0x5e: {  	_ =	shalt  }
0x5f: {  	_ =	shalt  }
0x60: {  	_ =	shalt  }
0x61: {  	_ =	shalt  }
0x62: {  	_ =	shalt  }
0x63: {  	_ =	shalt  }
0x64: {  	_ =	shalt  }
0x65: {  	_ =	shalt  }
0x66: {  	_ =	shalt  }
0x67: {  	_ =	shalt  }
0x68: {  	_ =	shalt  }
0x69: {  	_ =	shalt  }
0x6a: {  	_ =	shalt  }
0x6b: {  	_ =	shalt  }
0x6c: {  	_ =	shalt  }
0x6d: {  	_ =	shalt  }
0x6e: {  	_ =	shalt  }
0x6f: {  	_ =	shalt  }
0x70: {  	_ =	shalt  }
0x71: {  	_ =	shalt  }
0x72: {  	_ =	shalt  }
0x73: {  	_ =	shalt  }
0x74: {  	_ =	shalt  }
0x75: {  	_ =	shalt  }
0x76: {  	_ =	shalt  }
0x77: {  	_ =	shalt  }
0x78: {  	_ =	shalt  }
0x79: {  	_ =	shalt  }
0x7a: {  	_ =	shalt  }
0x7b: {  	_ =	shalt  }
0x7c: {  	_ =	shalt  }
0x7d: {  	_ =	shalt  }
0x7e: {  	_ =	shalt  }
0x7f: {  	_ =	shalt  }
0x80: {  	_ =	shalt  }
0x81: {  	_ =	shalt  }
0x82: {  	_ =	shalt  }
0x83: {  	_ =	shalt  }
0x84: {  	_ =	shalt  }
0x85: {  	_ =	shalt  }
0x86: {  	_ =	shalt  }
0x87: {  	_ =	shalt  }
.Lfunc_end0:
.L_simem_size_0:
called_computation.5_lowered:
.L_overlay_start_0:
0x88: {  	s2 =	sld [smem:$0x3FD9]  }
0x89: {  	s3 =	sld [smem:$0x3FFE];
	_ =	sdelay $0x1  }
0x8a: {  	s1 =	srdreg.scid  }
0x8b: {  	s0 =	sand.u32 $0x1, s1  }
0x8c: {  	s16 =	sshll.u32 s0, $0xA;
	s2 =	sadd.s32 s3, s2  }
0x8d: {  	s2 =	sadd.s32 s2, s16  }
0x8e: {  	[smem:$0x3FAE] =	sst s2  }
0x8f: {  	_ = 	snop  }
0x90: {  	(tm) =	ssettm $0x1  }
0x91: {  	s17 =	sld [smem:$0x3FFB];
	_ =	sdelay $0x3  }
0x92: {  	_ =	strace s17  }
0x93: {  	s2 =	sld [smem:$0x3FFC];
	_ =	sdelay $0x3  }
0x94: {  	_ =	strace s2  }
0x95: {  	s2 =	sld [smem:$0x3FFD];
	_ =	sdelay $0x3  }
0x96: {  	_ =	strace s2  }
0x97: {  	_ =	strace $0x8FFFFFFF  }
0x98: {  	s18 =	sld [smem:$0x3FDB];
	_ =	sdelay $0x1  }
0x99: {  	s19 =	simm.s32 $_scs_section_size  }
0x9a: {  	s4 =	simm.s32 $_size__tile_overlayer_lowered;
	s5 =	simm.s32 $_tile_overlayer_lowered  }
0x9b: {  	s22 =	simm.s32 $0x1BFF;
	s21 =	sshll.u32 s5, $0x1;
	s2 =	sadd.s32 s19, s18  }
0x9c: {  	s6 =	simm.s32 $0x0;
	s20 =	sshll.u32 s4, $0x1;
	s4 =	sadd.s32 s21, s2  }
0x9d: {  	[timem:s6], [sflag:s22] =	dma.local [hbm:s4], s20  }
0x9e: {  	_ =	swait.ge [sflag:s22], s20  }
0x9f: {  	s3 =	ssub.s32 $0x0, s20;
	[sflag:s22] =	ssyncset.done $0x0  }
0xa0: {  	[sflag:s22] =	ssyncadd.s32 s3;
	_ =	sdelay $0x1  }
0xa1: {  	s23 =	simm.s32 $0x1B8B  }
0xa2: {  	_ =	swait.ge [sflag:s23], $0x1  }
0xa3: {  	[sflag:s23] =	ssyncset.done $0x0  }
0xa4: {  	s25 =	simm.s32 $0x1B8E;
	s24 =	sld [smem:$0x3FFE];
	[sflag:s23] =	ssyncadd.s32 $0xFFFFFFFF  }
0xa5: {  	s26 =	simm.s32 $execute0_lowered;
	[smem:$0x3FD2] =	sst s25  }
0xa6: {  	s4 =	sshll.u32 s26, $0x1;
	_ =	strace $0x80000058;
	[dreg:$0x1] =	wrdreg $0xFFFFFFFF  }
0xa7: {  	s28 =	simm.s32 $_size_execute0_lowered;
	s2 =	sadd.s32 s2, s4;
	[dreg:$0x0] =	wrdreg $0x0  }
0xa8: {  	s4 =	sshll.u32 s28, $0x1;
	[dreg:$0x2] =	wrdreg s2  }
0xa9: {  	[dreg:$0x3] =	wrdreg s4  }
0xaa: {  	[dreg:$0x4] =	wrdreg $0xC0  }
0xab: {  	_ =	task [dreg:s6], $0x5FFFF  }
0xac: {  	[dreg:$0x1] =	wrdreg $0xFFFFFFFF  }
0xad: {  	[dreg:$0x0] =	wrdreg $0x60  }
0xae: {  	[dreg:$0x2] =	wrdreg s24  }
0xaf: {  	[dreg:$0x3] =	wrdreg $0x9  }
0xb0: {  	_ =	task.clear_ibuf [dreg:s6], $0x4FFFF;
	_ =	strace $0x90000058  }
0xb1: {  	s29 =	simm.s32 $0x9;
	_ =	strace $0x8000005A  }
0xb2: {  	_ =	swait.ge [sflag:s29], $0x1  }
0xb3: {  	[sflag:s29] =	ssyncadd.s32 $0xFFFFFFFF  }
0xb4: {  	_ =	strace $0x9000005A  }
0xb5: {  	_ =	sfence  }
0xb6: {  	s30 =	sld [smem:$0x0];
	_ =	sdelay $0x2  }
0xb7: {  	s31 =	sshll.u32 s1, $0xD;
	s1 =	sshrl.u32 s1, $0x2  }
0xb8: {  	s3 =	sand.u32 $0x4000, s31;
	s1 =	sadd.s32 s1, s30  }
0xb9: {  	s0 =	sor.u32 s3, s0;
	s1 =	sshll.u32 s1, $0x11  }
0xba: {  	s0 =	sor.u32 s1, s0  }
0xbb: {  	s0 =	sadd.s32 $0x8F2B, s0  }
0xbc: {  	[sflag:s0] =	ssyncadd.remote.s32 $0x1  }
0xbd: {  	_ =	sfence.sel $0xFFFF  }
0xbe: {  	[dreg:$0x0] =	wrdreg $0xFFFFFFFF;
	(pc) =	sbr.abs _section_cstart, $3  }
0xbf: {  	[dreg:$0x1] =	wrdreg $0xFFFFFFFF  }
0xc0: {  	_ =	task.clear_ibuf [dreg:s6], $0x2FFFF;
	_ =	strace $0x9FFFFFFF  }
0xc1: {  	(tm) =	ssettm $0x7FFFFFFF  }
tec
execute0_lowered:
.L_overlay_start_1:
0x0: {  	(tag) =	ssettag $0x1  }
0x1: {  	s0 =	rddreg [dreg:$0x0];
	s2 =	simm.s32 $0x0  }
0x2: {  	s1 =	stileid.u32;
	s3 =	srdreg.scid;
	s13 =	simm.s32 $0xC8  }
0x3: {  	s14 =	simm.s32 $0x400;
	s15 =	simm.s32 $0x6;
	s16 =	simm.s32 $0x6800  }
0x4: {  	s17 =	simm.s32 $0x7;
	s18 =	simm.s32 $0xCC00;
	s19 =	simm.s32 $0x8  }
0x5: {  	s20 =	simm.s32 $0x13000;
	s21 =	simm.s32 $0x1;
	s22 =	simm.s32 $0x9  }
0x6: {  	s23 =	simm.s32 $0x2;
	s24 =	simm.s32 $0x3;
	s25 =	simm.s32 $0x4  }
0x7: {  	s26 =	simm.s32 $0x0;
	[smem:$0x7FF] =	sst s2;
	s5 =	smul.u32 $0x4E200, s1  }
0x8: {  	s6 =	sand.u32 $0x1, s3;
	s3 =	sadd.s32 $0xB39000, s0;
	s9 =	smul.u32 $0x4E20, s1  }
0x9: {  	s4 =	sadd.s32 $0x11800, s0;
	s7 =	smul.u32 $0x27100, s6;
	s8 =	ssub.s32 $0x2, s6  }
0xa: {  	_ =	strace $0x80000059;
	s12 =	smul.u32 $0x2710, s6;
	s11 =	sshrl.u32 s8, $0x1  }
0xb: {  	s10 =	sadd.s32 s5, s0;
	s5 =	sadd.s32 $0x7A00, s0;
	s28 =	ssub.s32 s8, s11  }
0xc: {  	s7 =	sadd.s32 s7, s10;
	s30 =	sadd.s32 s12, s9;
	s10 =	simm.s32 $0x200  }
0xd: {  	s11 =	simm.s32 $0x300;
	s12 =	simm.s32 $0x5;
	s0 =	smax.u32 s28, $0x1  }
0xe: {  	s29 =	sadd.s32 $0x57000, s7;
	s31 =	sadd.s32 $0x539000, s7;
	[dreg:$0x4] =	wrdreg s0  }
0xf: {  	s9 =	sadd.s32 $0xC8, s30;
	s7 =	sshrl.u32 s30, $0x3;
	[dreg:$0x2] =	wrdreg s29  }
0x10: {  	[dreg:$0x3] =	wrdreg s31;
	s8 =	sshrl.u32 s9, $0x3;
	s9 =	simm.s32 $0x100  }
.LBB2_1:
0x11: {  	s0 =	sadd.s32 s4, s7  }
0x12: {  	[tilespmem:s2], [sflag:$0x5] =	stream.linear.gather [hbm4b:s0+s2], $0xC8, $0x38;
	[tilespmem:$0x19400] =	vst v63  }
0x13: {  	s6 =	sadd.s32 s5, s7  }
0x14: {  	[tilespmem:s9], [sflag:$0x6] =	stream.linear.gather [hbm4b:s6+s2], $0xC8, $0x38;
	[tilespmem:$0x19400] =	vst v63  }
0x15: {  	s1 =	sadd.s32 s4, s8  }
0x16: {  	[tilespmem:s10], [sflag:$0x7] =	stream.linear.gather [hbm4b:s1+s2], $0xC8, $0x38;
	[tilespmem:$0x19400] =	vst v63  }
0x17: {  	s6 =	sadd.s32 s5, s8  }
0x18: {  	[tilespmem:s11], [sflag:$0x8] =	stream.linear.gather [hbm4b:s6+s2], $0xC8, $0x38;
	[tilespmem:$0x19400] =	vst v63  }
0x19: {  	_ =	swait.ge [sflag:s12], $0xC8  }
0x1a: {  	[sflag:s12] =	ssyncset.done $0x0  }
0x1b: {  	[sflag:s12] =	ssyncadd.s32 $0xFFFFFF38  }
0x1c: {  	[tilespmem:s14], [sflag:$0x1] =	stream.indirect.gather [hbm4b:s3+s13], $0x80, s2, s13, $0xb8;
	[tilespmem:$0x19400] =	vst v63  }
0x1d: {  	_ =	swait.ge [sflag:s15], $0xC8  }
0x1e: {  	[sflag:s15] =	ssyncset.done $0x0  }
0x1f: {  	[sflag:s15] =	ssyncadd.s32 $0xFFFFFF38  }
0x20: {  	[tilespmem:s16], [sflag:$0x2] =	stream.indirect.gather [hbm4b:s3+s13], $0x80, s9, s13, $0xb8;
	[tilespmem:$0x19400] =	vst v63  }
0x21: {  	_ =	swait.ge [sflag:s17], $0xC8  }
0x22: {  	[sflag:s17] =	ssyncset.done $0x0  }
0x23: {  	[sflag:s17] =	ssyncadd.s32 $0xFFFFFF38  }
0x24: {  	[tilespmem:s18], [sflag:$0x3] =	stream.indirect.gather [hbm4b:s3+s13], $0x80, s10, s13, $0xb8;
	[tilespmem:$0x19400] =	vst v63  }
0x25: {  	_ =	swait.ge [sflag:s19], $0xC8  }
0x26: {  	[sflag:s19] =	ssyncset.done $0x0  }
0x27: {  	[sflag:s19] =	ssyncadd.s32 $0xFFFFFF38  }
0x28: {  	[tilespmem:s20], [sflag:$0x4] =	stream.indirect.gather [hbm4b:s3+s13], $0x80, s11, s13, $0xb8;
	[tilespmem:$0x19400] =	vst v63  }
0x29: {  	_ =	swait.ge [sflag:s21], $0x6400  }
0x2a: {  	s1 =	rddreg [dreg:$0x2];
	[sflag:s21] =	ssyncset.done $0x0  }
0x2b: {  	[sflag:s21] =	ssyncadd.s32 $0xFFFF9C00;
	s0 =	sadd.s32 $0x0, s1  }
0x2c: {  	[hbm4b:s0+s2] =	stream.linear.scatter [tilespmem:s14], [sflag:$0x9], $0x6400, $0x38;
	[tilespmem:$0x19400] =	vst v63  }
0x2d: {  	_ =	swait.ge [sflag:s22], $0x6400  }
0x2e: {  	[sflag:s22] =	ssyncset.done $0x0  }
0x2f: {  	[sflag:s22] =	ssyncadd.s32 $0xFFFF9C00  }
0x30: {  	_ =	swait.ge [sflag:s23], $0x6400  }
0x31: {  	s28 =	rddreg [dreg:$0x3];
	[sflag:s23] =	ssyncset.done $0x0  }
0x32: {  	[sflag:s23] =	ssyncadd.s32 $0xFFFF9C00;
	s28 =	sadd.s32 $0x0, s28  }
0x33: {  	[hbm4b:s28+s2] =	stream.linear.scatter [tilespmem:s16], [sflag:$0x9], $0x6400, $0x38;
	[tilespmem:$0x19400] =	vst v63  }
0x34: {  	_ =	swait.ge [sflag:s22], $0x6400  }
0x35: {  	[sflag:s22] =	ssyncset.done $0x0  }
0x36: {  	[sflag:s22] =	ssyncadd.s32 $0xFFFF9C00  }
0x37: {  	_ =	swait.ge [sflag:s24], $0x6400  }
0x38: {  	[sflag:s24] =	ssyncset.done $0x0  }
0x39: {  	s0 =	sadd.s32 $0xC80, s0;
	[sflag:s24] =	ssyncadd.s32 $0xFFFF9C00  }
0x3a: {  	[hbm4b:s0+s2] =	stream.linear.scatter [tilespmem:s18], [sflag:$0x9], $0x6400, $0x38;
	[tilespmem:$0x19400] =	vst v63  }
0x3b: {  	_ =	swait.ge [sflag:s22], $0x6400  }
0x3c: {  	[sflag:s22] =	ssyncset.done $0x0  }
0x3d: {  	[sflag:s22] =	ssyncadd.s32 $0xFFFF9C00  }
0x3e: {  	_ =	swait.ge [sflag:s25], $0x6400  }
0x3f: {  	[sflag:s25] =	ssyncset.done $0x0  }
0x40: {  	s6 =	sadd.s32 $0xC80, s28;
	[sflag:s25] =	ssyncadd.s32 $0xFFFF9C00  }
0x41: {  	[hbm4b:s6+s2] =	stream.linear.scatter [tilespmem:s20], [sflag:$0x9], $0x6400, $0x38;
	[tilespmem:$0x19400] =	vst v63  }
0x42: {  	s31 =	simm.s32 $0x3200;
	s29 =	sadd.s32 $0x32, s4;
	_ =	swait.ge [sflag:s22], $0x6400  }
0x43: {  	s30 =	smov.u32 s5;
	s28 =	simm.s32 $0x1900;
	[sflag:s22] =	ssyncset.done $0x0  }
.LBB2_2:
0x44: {  	s1 =	sadd.s32 s29, s7;
	[sflag:s22] =	ssyncadd.s32 $0xFFFF9C00;
	s30 =	sadd.s32 $0x32, s30  }
0x45: {  	[tilespmem:s2], [sflag:$0x5] =	stream.linear.gather [hbm4b:s1+s2], $0xC8, $0x38;
	[tilespmem:$0x19400] =	vst v63  }
0x46: {  	s6 =	sadd.s32 s30, s7  }
0x47: {  	[tilespmem:s9], [sflag:$0x6] =	stream.linear.gather [hbm4b:s6+s2], $0xC8, $0x38;
	[tilespmem:$0x19400] =	vst v63  }
0x48: {  	s6 =	sadd.s32 s29, s8  }
0x49: {  	[tilespmem:s10], [sflag:$0x7] =	stream.linear.gather [hbm4b:s6+s2], $0xC8, $0x38;
	[tilespmem:$0x19400] =	vst v63  }
0x4a: {  	s6 =	sadd.s32 s30, s8  }
0x4b: {  	[tilespmem:s11], [sflag:$0x8] =	stream.linear.gather [hbm4b:s6+s2], $0xC8, $0x38;
	[tilespmem:$0x19400] =	vst v63  }
0x4c: {  	_ =	swait.ge [sflag:s12], $0xC8  }
0x4d: {  	[sflag:s12] =	ssyncset.done $0x0  }
0x4e: {  	[sflag:s12] =	ssyncadd.s32 $0xFFFFFF38  }
0x4f: {  	[tilespmem:s14], [sflag:$0x1] =	stream.indirect.gather [hbm4b:s3+s13], $0x80, s2, s13, $0xb8;
	[tilespmem:$0x19400] =	vst v63  }
0x50: {  	_ =	swait.ge [sflag:s15], $0xC8  }
0x51: {  	[sflag:s15] =	ssyncset.done $0x0  }
0x52: {  	[sflag:s15] =	ssyncadd.s32 $0xFFFFFF38  }
0x53: {  	[tilespmem:s16], [sflag:$0x2] =	stream.indirect.gather [hbm4b:s3+s13], $0x80, s9, s13, $0xb8;
	[tilespmem:$0x19400] =	vst v63  }
0x54: {  	_ =	swait.ge [sflag:s17], $0xC8  }
0x55: {  	[sflag:s17] =	ssyncset.done $0x0  }
0x56: {  	[sflag:s17] =	ssyncadd.s32 $0xFFFFFF38  }
0x57: {  	[tilespmem:s18], [sflag:$0x3] =	stream.indirect.gather [hbm4b:s3+s13], $0x80, s10, s13, $0xb8;
	[tilespmem:$0x19400] =	vst v63  }
0x58: {  	_ =	swait.ge [sflag:s19], $0xC8  }
0x59: {  	[sflag:s19] =	ssyncset.done $0x0  }
0x5a: {  	[sflag:s19] =	ssyncadd.s32 $0xFFFFFF38  }
0x5b: {  	[tilespmem:s20], [sflag:$0x4] =	stream.indirect.gather [hbm4b:s3+s13], $0x80, s11, s13, $0xb8;
	[tilespmem:$0x19400] =	vst v63  }
0x5c: {  	_ =	swait.ge [sflag:s21], $0x6400  }
0x5d: {  	s6 =	rddreg [dreg:$0x2];
	[sflag:s21] =	ssyncset.done $0x0  }
0x5e: {  	[sflag:s21] =	ssyncadd.s32 $0xFFFF9C00;
	s1 =	sadd.s32 s28, s6  }
0x5f: {  	[hbm4b:s1+s2] =	stream.linear.scatter [tilespmem:s14], [sflag:$0x9], $0x6400, $0x38;
	[tilespmem:$0x19400] =	vst v63  }
0x60: {  	_ =	swait.ge [sflag:s22], $0x6400  }
0x61: {  	[sflag:s22] =	ssyncset.done $0x0  }
0x62: {  	[sflag:s22] =	ssyncadd.s32 $0xFFFF9C00  }
0x63: {  	_ =	swait.ge [sflag:s23], $0x6400  }
0x64: {  	s6 =	rddreg [dreg:$0x3];
	[sflag:s23] =	ssyncset.done $0x0  }
0x65: {  	[sflag:s23] =	ssyncadd.s32 $0xFFFF9C00;
	s6 =	sadd.s32 s28, s6  }
0x66: {  	[hbm4b:s6+s2] =	stream.linear.scatter [tilespmem:s16], [sflag:$0x9], $0x6400, $0x38;
	[tilespmem:$0x19400] =	vst v63  }
0x67: {  	_ =	swait.ge [sflag:s22], $0x6400  }
0x68: {  	[sflag:s22] =	ssyncset.done $0x0  }
0x69: {  	[sflag:s22] =	ssyncadd.s32 $0xFFFF9C00  }
0x6a: {  	_ =	swait.ge [sflag:s24], $0x6400  }
0x6b: {  	[sflag:s24] =	ssyncset.done $0x0  }
0x6c: {  	s1 =	sadd.s32 $0xC80, s1;
	[sflag:s24] =	ssyncadd.s32 $0xFFFF9C00  }
0x6d: {  	[hbm4b:s1+s2] =	stream.linear.scatter [tilespmem:s18], [sflag:$0x9], $0x6400, $0x38;
	[tilespmem:$0x19400] =	vst v63  }
0x6e: {  	_ =	swait.ge [sflag:s22], $0x6400  }
0x6f: {  	[sflag:s22] =	ssyncset.done $0x0  }
0x70: {  	[sflag:s22] =	ssyncadd.s32 $0xFFFF9C00  }
0x71: {  	p0 =	sne.s32 s31, $0x25800;
	_ =	swait.ge [sflag:s25], $0x6400  }
.Ltmp0:
0x72: {  	[sflag:s25] =	ssyncset.done $0x0;
	(pc) =	sbr.rel @p0 .LBB2_2-.Ltmp0, $4  }
0x73: {  	s6 =	sadd.s32 $0xC80, s6;
	[sflag:s25] =	ssyncadd.s32 $0xFFFF9C00  }
0x74: {  	[hbm4b:s6+s2] =	stream.linear.scatter [tilespmem:s20], [sflag:$0x9], $0x6400, $0x38;
	[tilespmem:$0x19400] =	vst v63  }
0x75: {  	s0 =	smov.u32 s31;
	s31 =	sadd.s32 $0x1900, s31;
	_ =	swait.ge [sflag:s22], $0x6400  }
0x76: {  	s29 =	sadd.s32 $0x32, s29;
	s28 =	smov.u32 s0;
	[sflag:s22] =	ssyncset.done $0x0  }
0x77: {  	s0 =	sadd.s32 s29, s7;
	[sflag:s22] =	ssyncadd.s32 $0xFFFF9C00;
	s1 =	sadd.s32 $0x32, s30  }
0x78: {  	[tilespmem:s2], [sflag:$0x5] =	stream.linear.gather [hbm4b:s0+s2], $0xC8, $0x38;
	[tilespmem:$0x19400] =	vst v63  }
0x79: {  	s30 =	sadd.s32 s1, s7  }
0x7a: {  	[tilespmem:s9], [sflag:$0x6] =	stream.linear.gather [hbm4b:s30+s2], $0xC8, $0x38;
	[tilespmem:$0x19400] =	vst v63  }
0x7b: {  	s31 =	sadd.s32 s29, s8  }
0x7c: {  	[tilespmem:s10], [sflag:$0x7] =	stream.linear.gather [hbm4b:s31+s2], $0xC8, $0x38;
	[tilespmem:$0x19400] =	vst v63  }
0x7d: {  	s1 =	sadd.s32 s1, s8  }
0x7e: {  	[tilespmem:s11], [sflag:$0x8] =	stream.linear.gather [hbm4b:s1+s2], $0xC8, $0x38;
	[tilespmem:$0x19400] =	vst v63  }
0x7f: {  	_ =	swait.ge [sflag:s12], $0xC8  }
0x80: {  	[sflag:s12] =	ssyncset.done $0x0  }
0x81: {  	[sflag:s12] =	ssyncadd.s32 $0xFFFFFF38  }
0x82: {  	[tilespmem:s14], [sflag:$0x1] =	stream.indirect.gather [hbm4b:s3+s13], $0x80, s2, s13, $0xb8;
	[tilespmem:$0x19400] =	vst v63  }
0x83: {  	_ =	swait.ge [sflag:s15], $0xC8  }
0x84: {  	[sflag:s15] =	ssyncset.done $0x0  }
0x85: {  	[sflag:s15] =	ssyncadd.s32 $0xFFFFFF38  }
0x86: {  	[tilespmem:s16], [sflag:$0x2] =	stream.indirect.gather [hbm4b:s3+s13], $0x80, s9, s13, $0xb8;
	[tilespmem:$0x19400] =	vst v63  }
0x87: {  	_ =	swait.ge [sflag:s17], $0xC8  }
0x88: {  	[sflag:s17] =	ssyncset.done $0x0  }
0x89: {  	[sflag:s17] =	ssyncadd.s32 $0xFFFFFF38  }
0x8a: {  	[tilespmem:s18], [sflag:$0x3] =	stream.indirect.gather [hbm4b:s3+s13], $0x80, s10, s13, $0xb8;
	[tilespmem:$0x19400] =	vst v63  }
0x8b: {  	_ =	swait.ge [sflag:s19], $0xC8  }
0x8c: {  	[sflag:s19] =	ssyncset.done $0x0  }
0x8d: {  	[sflag:s19] =	ssyncadd.s32 $0xFFFFFF38  }
0x8e: {  	[tilespmem:s20], [sflag:$0x4] =	stream.indirect.gather [hbm4b:s3+s13], $0x80, s11, s13, $0xb8;
	[tilespmem:$0x19400] =	vst v63  }
0x8f: {  	_ =	swait.ge [sflag:s21], $0x6400  }
0x90: {  	s6 =	rddreg [dreg:$0x2];
	[sflag:s21] =	ssyncset.done $0x0  }
0x91: {  	[sflag:s21] =	ssyncadd.s32 $0xFFFF9C00;
	s0 =	sadd.s32 s28, s6  }
0x92: {  	[hbm4b:s0+s2] =	stream.linear.scatter [tilespmem:s14], [sflag:$0x9], $0x6400, $0x38;
	[tilespmem:$0x19400] =	vst v63  }
0x93: {  	_ =	swait.ge [sflag:s22], $0x6400  }
0x94: {  	[sflag:s22] =	ssyncset.done $0x0  }
0x95: {  	[sflag:s22] =	ssyncadd.s32 $0xFFFF9C00  }
0x96: {  	_ =	swait.ge [sflag:s23], $0x6400  }
0x97: {  	s29 =	rddreg [dreg:$0x3];
	[sflag:s23] =	ssyncset.done $0x0  }
0x98: {  	s1 =	sadd.s32 s28, s29;
	[sflag:s23] =	ssyncadd.s32 $0xFFFF9C00  }
0x99: {  	[hbm4b:s1+s2] =	stream.linear.scatter [tilespmem:s16], [sflag:$0x9], $0x6400, $0x38;
	[tilespmem:$0x19400] =	vst v63  }
0x9a: {  	_ =	swait.ge [sflag:s22], $0x6400  }
0x9b: {  	[sflag:s22] =	ssyncset.done $0x0  }
0x9c: {  	[sflag:s22] =	ssyncadd.s32 $0xFFFF9C00  }
0x9d: {  	_ =	swait.ge [sflag:s24], $0x6400  }
0x9e: {  	[sflag:s24] =	ssyncset.done $0x0  }
0x9f: {  	s0 =	sadd.s32 $0xC80, s0;
	[sflag:s24] =	ssyncadd.s32 $0xFFFF9C00  }
0xa0: {  	[hbm4b:s0+s2] =	stream.linear.scatter [tilespmem:s18], [sflag:$0x9], $0x6400, $0x38;
	[tilespmem:$0x19400] =	vst v63  }
0xa1: {  	_ =	swait.ge [sflag:s22], $0x6400  }
0xa2: {  	[sflag:s22] =	ssyncset.done $0x0  }
0xa3: {  	[sflag:s22] =	ssyncadd.s32 $0xFFFF9C00  }
0xa4: {  	_ =	swait.ge [sflag:s25], $0x6400  }
0xa5: {  	[sflag:s25] =	ssyncset.done $0x0  }
0xa6: {  	s30 =	sadd.s32 $0xC80, s1;
	[sflag:s25] =	ssyncadd.s32 $0xFFFF9C00  }
0xa7: {  	[hbm4b:s30+s2] =	stream.linear.scatter [tilespmem:s20], [sflag:$0x9], $0x6400, $0x38;
	[tilespmem:$0x19400] =	vst v63  }
0xa8: {  	_ =	swait.ge [sflag:s22], $0x6400  }
0xa9: {  	s26 =	sadd.s32 $0x1, s26;
	s31 =	rddreg [dreg:$0x4]  }
0xaa: {  	p0 =	sne.s32 s26, s31  }
.Ltmp1:
0xab: {  	_ = 	snop;
	(pc) =	sbr.rel @p0 .LBB2_1-.Ltmp1, $3  }
0xac: {  	_ =	sdelay $0x1  }
0xad: {  	[sflag:s22] =	ssyncset.done $0x0  }
0xae: {  	[sflag:s22] =	ssyncadd.s32 $0xFFFF9C00  }
0xaf: {  	_ =	sfence.sel $0x180000  }
0xb0: {  	[bflag:$0x0] =	sbarrier.arrive $0xFFFF  }
0xb1: {  	_ =	strace $0x90000059  }
0xb2: {  	s0 =	stileid.u32;
	[bflag:$0x2] =	sbarrier.arrive $0xFFFF  }
0xb3: {  	p0 =	sne.s32 s0, $0x0;
	s0 =	rddreg [dreg:$0x1]  }
0xb4: {  	s0 =	sadd.s32 @!p0 $0x100000, s0  }
0xb5: {  	[sflag:s0] =	ssyncadd.tile.s32 @!p0 $0x1;
	_ =	shalt  }
.Lfunc_end2:
_tile_overlayer_lowered:
.L_overlay_start_2:
0xb6: {  	(tag) =	ssettag $0x2  }
0xb7: {  	s0 =	rddreg [dreg:$0x0];
	s2 =	stileid.u32  }
0xb8: {  	s1 =	rddreg [dreg:$0x1];
	p0 =	sne.s32 s2, $0x0  }
0xb9: {  	s3 =	rddreg [dreg:$0x2];
	[bflag:$0x3] =	sbarrier.arrive $0xFFFF;
	s2 =	simm.s32 @!p0 $0x1C09  }
0xba: {  	[timem:s3], [sflag:s2] =	dma.local @!p0 [hbm:s0], s1  }
0xbb: {  	s0 =	simm.s32 @!p0 $0x9  }
0xbc: {  	_ =	swait.ge @!p0 [sflag:s0], s1  }
0xbd: {  	s1 =	ssub.s32 @!p0 $0x0, s1;
	[sflag:s0] =	ssyncset.done @!p0 $0x0  }
0xbe: {  	[sflag:s0] =	ssyncadd.s32 @!p0 s1  }
0xbf: {  	[bflag:$0x3] =	sbarrier.arrive $0xFFFF  }
0xc0: {  	_ =	shalt  }

// kernel: kernel.34.cloned.1.call-start
scs
__scs_entry_jumppad:
0x0: {  	(pc) =	sbr.rel $0x88, $3  }
0x1: {  	(tag) =	ssettag $0x0;
	lr =	simm.s32 $0x1  }
0x2: {  	[smem:$0x3F87] =	sst lr;
	_ =	strace $0xD0000000  }
0x3: {  	_ = 	snop  }
0x4: {  	_ = 	snop  }
0x5: {  	_ = 	snop  }
0x6: {  	_ = 	snop  }
0x7: {  	_ = 	snop  }
__scs_overlays_trampoline_lowered:
0x8: {  	[smem:$0x3F96] =	sst s0  }
0x9: {  	[smem:$0x3F97] =	sst s1  }
0xa: {  	[smem:$0x3F98] =	sst s2  }
0xb: {  	[smem:$0x3F99] =	sst s3  }
0xc: {  	[smem:$0x3F9A] =	sst s4  }
0xd: {  	[smem:$0x3F9B] =	sst s5  }
0xe: {  	[smem:$0x3F9C] =	sst s6  }
0xf: {  	[smem:$0x3F9D] =	sst s7  }
0x10: {  	[smem:$0x3F9E] =	sst s8  }
0x11: {  	[smem:$0x3F9F] =	sst s9;
	s0 =	simm.s32 @!p0 $0x0  }
0x12: {  	s1 =	sld [smem:$0x3F85];
	s0 =	simm.s32 @p0 $0x1  }
0x13: {  	[smem:$0x3FA0] =	sst s0;
	s0 =	simm.s32 @!p1 $0x0  }
0x14: {  	s2 =	sld [smem:$0x3F84];
	s0 =	simm.s32 @p1 $0x1  }
0x15: {  	[smem:$0x3FA1] =	sst s0;
	s0 =	simm.s32 @!p2 $0x0  }
0x16: {  	s3 =	sld [smem:$0x3FDB];
	s0 =	simm.s32 @p2 $0x1  }
0x17: {  	s4 =	simm.s32 $0x1BF5;
	[smem:$0x3FA3] =	sst s0  }
0x18: {  	s0 =	sld [smem:$0x3F86];
	_ =	swait.ge [sflag:s4], $0x0  }
0x19: {  	s7 =	sld [smem:$0x3F87]  }
0x1a: {  	s8 =	sadd.s32 $0xFFFFE003, lr  }
0x1b: {  	s9 =	sadd.s32 $0xFFFFFEF7, lr;
	s5 =	simm.s32 $0xFFFFFFFF;
	p2 =	slt.u32 s8, $0xFFFFF086  }
0x1c: {  	p1 =	slt.u32 s9, $0xF7A;
	s5 =	simm.s32 @!p2 $0x0  }
0x1d: {  	s5 =	simm.s32 @p1 $0x1;
	p0 =	seq.s32 s7, s2  }
0x1e: {  	s7 =	smul.u32 @!p0 $0xF7A, s2;
	p2 =	seq.s32 @!p0 s5, $0x0  }
0x1f: {  	s9 =	smul.u32 $0xF7A, s1;
	s8 =	simm.s32 @!p0 $0x1BF5;
	p2 =	por !p2, p0  }
0x20: {  	[sflag:s8] =	ssyncset.s32 @!p0 $0xFFFFF086;
	s6 =	sadd.s32 @!p0 s3, s7;
	s7 =	simm.s32 @!p0 $0x108  }
0x21: {  	s3 =	sadd.s32 s3, s9;
	s6 =	sadd.s32 @!p0 $0x88, s6;
	s7 =	simm.s32 @p2 $0x1082  }
0x22: {  	[simem:s7], [sflag:s8] =	dma.local @!p0 [hbm:s6], $0xF7A  }
0x23: {  	s9 =	sor.u32 $0xD0000000, s2;
	s6 =	simm.s32 $0x108;
	_ =	swait.ge @!p0 [sflag:s8], $0x0  }
0x24: {  	s3 =	sadd.s32 $0x88, s3;
	s6 =	simm.s32 @!p1 $0x1082;
	[sflag:s4] =	ssyncset.s32 $0xFFFFF086  }
0x25: {  	[simem:s6], [sflag:s4] =	dma.local [hbm:s3], $0xF7A  }
0x26: {  	[smem:$0x3F87] =	sst s1;
	(tag) =	ssettag s2;
	_ =	strace s9  }
0x27: {  	s1 =	sld [smem:$0x3F97]  }
0x28: {  	s2 =	sld [smem:$0x3F98]  }
0x29: {  	s4 =	sld [smem:$0x3F9A]  }
0x2a: {  	p0 =	seq.s32 s5, $0x0;
	s5 =	sld [smem:$0x3F9B]  }
0x2b: {  	s6 =	sld [smem:$0x3F9C]  }
0x2c: {  	s7 =	sld [smem:$0x3F9D]  }
0x2d: {  	s3 =	simm.s32 $0x108;
	s8 =	sld [smem:$0x3F9E]  }
0x2e: {  	s3 =	simm.s32 @!p0 $0x1082;
	s9 =	sld [smem:$0x3F9F]  }
0x2f: {  	lr =	sadd.s32 s0, s3;
	s0 =	sld [smem:$0x3F96]  }
0x30: {  	s3 =	sld [smem:$0x3F99]  }
0x31: {  	[smem:$0x3FA2] =	sst s10  }
0x32: {  	s10 =	sld [smem:$0x3FA0];
	_ =	sdelay $0x3  }
0x33: {  	p0 =	seq.s32 s10, $0x1;
	s10 =	sld [smem:$0x3FA2];
	_ =	sdelay $0x3  }
0x34: {  	[smem:$0x3FA2] =	sst s10  }
0x35: {  	s10 =	sld [smem:$0x3FA1];
	_ =	sdelay $0x3  }
0x36: {  	p1 =	seq.s32 s10, $0x1;
	s10 =	sld [smem:$0x3FA2];
	_ =	sdelay $0x3  }
0x37: {  	[smem:$0x3FA2] =	sst s10  }
0x38: {  	s10 =	sld [smem:$0x3FA3]  }
0x39: {  	_ = 	snop;
	(pc) =	sbr.ind lr, $3  }
0x3a: {  	_ = 	snop  }
0x3b: {  	_ = 	snop  }
0x3c: {  	p2 =	seq.s32 s10, $0x1;
	s10 =	sld [smem:$0x3FA2]  }
0x3d: {  	_ =	shalt  }
0x3e: {  	_ =	shalt  }
0x3f: {  	_ =	shalt  }
0x40: {  	_ =	shalt  }
0x41: {  	_ =	shalt  }
0x42: {  	_ =	shalt  }
0x43: {  	_ =	shalt  }
0x44: {  	_ =	shalt  }
0x45: {  	_ =	shalt  }
0x46: {  	_ =	shalt  }
0x47: {  	_ =	shalt  }
0x48: {  	_ =	shalt  }
0x49: {  	_ =	shalt  }
0x4a: {  	_ =	shalt  }
0x4b: {  	_ =	shalt  }
0x4c: {  	_ =	shalt  }
0x4d: {  	_ =	shalt  }
0x4e: {  	_ =	shalt  }
0x4f: {  	_ =	shalt  }
0x50: {  	_ =	shalt  }
0x51: {  	_ =	shalt  }
0x52: {  	_ =	shalt  }
0x53: {  	_ =	shalt  }
0x54: {  	_ =	shalt  }
0x55: {  	_ =	shalt  }
0x56: {  	_ =	shalt  }
0x57: {  	_ =	shalt  }
0x58: {  	_ =	shalt  }
0x59: {  	_ =	shalt  }
0x5a: {  	_ =	shalt  }
0x5b: {  	_ =	shalt  }
0x5c: {  	_ =	shalt  }
0x5d: {  	_ =	shalt  }
0x5e: {  	_ =	shalt  }
0x5f: {  	_ =	shalt  }
0x60: {  	_ =	shalt  }
0x61: {  	_ =	shalt  }
0x62: {  	_ =	shalt  }
0x63: {  	_ =	shalt  }
0x64: {  	_ =	shalt  }
0x65: {  	_ =	shalt  }
0x66: {  	_ =	shalt  }
0x67: {  	_ =	shalt  }
0x68: {  	_ =	shalt  }
0x69: {  	_ =	shalt  }
0x6a: {  	_ =	shalt  }
0x6b: {  	_ =	shalt  }
0x6c: {  	_ =	shalt  }
0x6d: {  	_ =	shalt  }
0x6e: {  	_ =	shalt  }
0x6f: {  	_ =	shalt  }
0x70: {  	_ =	shalt  }
0x71: {  	_ =	shalt  }
0x72: {  	_ =	shalt  }
0x73: {  	_ =	shalt  }
0x74: {  	_ =	shalt  }
0x75: {  	_ =	shalt  }
0x76: {  	_ =	shalt  }
0x77: {  	_ =	shalt  }
0x78: {  	_ =	shalt  }
0x79: {  	_ =	shalt  }
0x7a: {  	_ =	shalt  }
0x7b: {  	_ =	shalt  }
0x7c: {  	_ =	shalt  }
0x7d: {  	_ =	shalt  }
0x7e: {  	_ =	shalt  }
0x7f: {  	_ =	shalt  }
0x80: {  	_ =	shalt  }
0x81: {  	_ =	shalt  }
0x82: {  	_ =	shalt  }
0x83: {  	_ =	shalt  }
0x84: {  	_ =	shalt  }
0x85: {  	_ =	shalt  }
0x86: {  	_ =	shalt  }
0x87: {  	_ =	shalt  }
.Lfunc_end0:
.L_simem_size_0:
called_computation.6_lowered:
.L_overlay_start_0:
0x88: {  	s2 =	sld [smem:$0x3FD9]  }
0x89: {  	s3 =	sld [smem:$0x3FFE];
	_ =	sdelay $0x1  }
0x8a: {  	s1 =	srdreg.scid  }
0x8b: {  	s0 =	sand.u32 $0x1, s1  }
0x8c: {  	s17 =	sshll.u32 s0, $0xA;
	s2 =	sadd.s32 s3, s2  }
0x8d: {  	s2 =	sadd.s32 s2, s17  }
0x8e: {  	[smem:$0x3FAE] =	sst s2  }
0x8f: {  	_ = 	snop  }
0x90: {  	s18 =	sld [smem:$0x3FD0];
	(tm) =	ssettm $0x1  }
0x91: {  	s19 =	sld [smem:$0x3FFB];
	_ =	sdelay $0x3  }
0x92: {  	_ =	strace s19  }
0x93: {  	s2 =	sld [smem:$0x3FFC];
	_ =	sdelay $0x3  }
0x94: {  	_ =	strace s2  }
0x95: {  	s2 =	sld [smem:$0x3FFD];
	_ =	sdelay $0x3  }
0x96: {  	_ =	strace s2  }
0x97: {  	_ =	strace $0x8FFFFFFF  }
0x98: {  	s20 =	sld [smem:$0x3FDB];
	_ =	sdelay $0x1  }
0x99: {  	s4 =	simm.s32 $_scs_section_size  }
0x9a: {  	s5 =	simm.s32 $_size__tile_overlayer_lowered;
	s6 =	simm.s32 $_tile_overlayer_lowered  }
0x9b: {  	s7 =	simm.s32 $0x1BFF;
	s21 =	sshll.u32 s6, $0x1;
	s4 =	sadd.s32 s4, s20  }
0x9c: {  	s22 =	simm.s32 $0x0;
	s5 =	sshll.u32 s5, $0x1;
	s6 =	sadd.s32 s21, s4  }
0x9d: {  	[timem:s22], [sflag:s7] =	dma.local [hbm:s6], s5  }
0x9e: {  	_ =	swait.ge [sflag:s7], s5  }
0x9f: {  	s5 =	ssub.s32 $0x0, s5;
	[sflag:s7] =	ssyncset.done $0x0  }
0xa0: {  	[sflag:s7] =	ssyncadd.s32 s5;
	_ =	sdelay $0x1  }
0xa1: {  	s23 =	simm.s32 $0x1B8B  }
0xa2: {  	_ =	swait.ge [sflag:s23], $0x1  }
0xa3: {  	[sflag:s23] =	ssyncset.done $0x0  }
0xa4: {  	[sflag:s23] =	ssyncadd.s32 $0xFFFFFFFF  }
0xa5: {  	s5 =	sld [smem:$0x0]  }
0xa6: {  	s6 =	sand.u32 $0xFFFFFFFE, s1  }
0xa7: {  	p0 =	sne.s32 s1, s6  }
0xa8: {  	s6 =	sshll.u32 @p0 s6, $0xE  }
0xa9: {  	s6 =	sadd.s32 @p0 $0x11B8D, s6;
	s7 =	sshll.u32 @p0 s5, $0x11  }
0xaa: {  	s6 =	sor.u32 @p0 s7, s6  }
0xab: {  	[sflag:s6] =	ssyncadd.remote.s32 @p0 $0x1;
	_ =	sdelay $0x1  }
0xac: {  	s6 =	simm.s32 @p0 $0x1B8D  }
0xad: {  	_ =	swait.eq @p0 [sflag:s6], $0x1  }
0xae: {  	[sflag:s6] =	ssyncadd.s32 @p0 $0xFFFFFFFF  }
0xaf: {  	s7 =	sshll.u32 @!p0 s1, $0xE  }
0xb0: {  	s7 =	sor.u32 @!p0 $0x4000, s7;
	s6 =	simm.s32 @!p0 $0x1B8D  }
0xb1: {  	s5 =	sshll.u32 @!p0 s5, $0x11;
	s7 =	sadd.s32 @!p0 $0x11B8D, s7;
	_ =	swait.eq @!p0 [sflag:s6], $0x1  }
0xb2: {  	s5 =	sor.u32 @!p0 s5, s7;
	[sflag:s6] =	ssyncadd.s32 @!p0 $0xFFFFFFFF  }
0xb3: {  	s25 =	simm.s32 $0x1B8E;
	s24 =	sld [smem:$0x3FFE];
	[sflag:s5] =	ssyncadd.remote.s32 @!p0 $0x1  }
0xb4: {  	s26 =	simm.s32 $execute0_lowered;
	[smem:$0x3FD2] =	sst s25  }
0xb5: {  	s6 =	sshll.u32 s26, $0x1;
	_ =	strace $0x8000005B;
	[dreg:$0x1] =	wrdreg $0xFFFFFFFF  }
0xb6: {  	s28 =	simm.s32 $_size_execute0_lowered;
	s4 =	sadd.s32 s4, s6;
	[dreg:$0x0] =	wrdreg $0x0  }
0xb7: {  	s6 =	sshll.u32 s28, $0x1;
	[dreg:$0x2] =	wrdreg s4  }
0xb8: {  	[dreg:$0x3] =	wrdreg s6  }
0xb9: {  	[dreg:$0x4] =	wrdreg $0xC0  }
0xba: {  	_ =	task [dreg:s22], $0x5FFFF  }
0xbb: {  	[dreg:$0x1] =	wrdreg $0xFFFFFFFF  }
0xbc: {  	[dreg:$0x0] =	wrdreg $0x60  }
0xbd: {  	[dreg:$0x2] =	wrdreg s18  }
0xbe: {  	[dreg:$0x3] =	wrdreg s24  }
0xbf: {  	[dreg:$0x4] =	wrdreg $0xA2000  }
0xc0: {  	[dreg:$0x5] =	wrdreg $0xA  }
0xc1: {  	_ =	task.clear_ibuf [dreg:s22], $0x6FFFF;
	_ =	strace $0x9000005B  }
0xc2: {  	s29 =	simm.s32 $0xA;
	_ =	strace $0x8000005D  }
0xc3: {  	_ =	swait.ge [sflag:s29], $0x1  }
0xc4: {  	[sflag:s29] =	ssyncadd.s32 $0xFFFFFFFF  }
0xc5: {  	_ =	strace $0x9000005D  }
0xc6: {  	_ =	sfence  }
0xc7: {  	s30 =	sld [smem:$0x0];
	_ =	sdelay $0x2  }
0xc8: {  	s31 =	sshll.u32 s1, $0xD;
	s1 =	sshrl.u32 s1, $0x2  }
0xc9: {  	s4 =	sand.u32 $0x4000, s31;
	s1 =	sadd.s32 s1, s30  }
0xca: {  	s0 =	sor.u32 s4, s0;
	s1 =	sshll.u32 s1, $0x11  }
0xcb: {  	s0 =	sor.u32 s1, s0  }
0xcc: {  	s0 =	sadd.s32 $0x8F2B, s0  }
0xcd: {  	[sflag:s0] =	ssyncadd.remote.s32 $0x1  }
0xce: {  	_ =	sfence.sel $0xFFFF  }
0xcf: {  	[dreg:$0x0] =	wrdreg $0xFFFFFFFF;
	(pc) =	sbr.abs _section_cstart, $3  }
0xd0: {  	[dreg:$0x1] =	wrdreg $0xFFFFFFFF  }
0xd1: {  	_ =	task.clear_ibuf [dreg:s22], $0x2FFFF;
	_ =	strace $0x9FFFFFFF  }
0xd2: {  	(tm) =	ssettm $0x7FFFFFFF  }
0xd3: {  	_ =	shalt  }
tec
execute0_lowered:
.L_overlay_start_1:
0x0: {  	(tag) =	ssettag $0x1  }
0x1: {  	s1 =	rddreg [dreg:$0x0]  }
0x2: {  	s0 =	rddreg [dreg:$0x1]  }
0x3: {  	s3 =	rddreg [dreg:$0x2];
	s4 =	simm.s32 $0x0  }
0x4: {  	s5 =	stileid.u32;
	s9 =	srdreg.scid;
	s28 =	simm.s32 $0x7  }
0x5: {  	s29 =	simm.s32 $0x5200;
	s30 =	simm.s32 $0x8;
	s31 =	simm.s32 $0x7A00  }
0x6: {  	[smem:$0x7FF] =	sst s4;
	s2 =	smul.u32 $0x2780, s5;
	s14 =	sadd.s32 $0x11800, s0  }
0x7: {  	s16 =	sadd.s32 $0x7A00, s0;
	s7 =	sadd.s32 $0x1437E00, s0;
	s10 =	smul.u32 $0x4F000, s5  }
0x8: {  	s8 =	sadd.s32 $0x1919E00, s0;
	s9 =	sand.u32 $0x1, s9;
	s17 =	smul.u32 $0x4E200, s5  }
0x9: {  	s11 =	sshll.u32 s5, $0x1;
	s21 =	smul.u32 $0x4E20, s5;
	_ =	strace $0x8000005C  }
0xa: {  	s12 =	smul.u32 $0x27800, s9;
	s13 =	ssub.s32 $0x2, s9;
	[dreg:$0x6] =	wrdreg s14  }
0xb: {  	s11 =	sor.u32 s9, s11;
	s19 =	smul.u32 $0x27100, s9;
	[dreg:$0x7] =	wrdreg s16  }
0xc: {  	s9 =	smul.u32 $0x2710, s9;
	s6 =	sadd.s32 s2, s0;
	s10 =	sshrl.u32 s10, $0x2  }
0xd: {  	s15 =	sshrl.u32 s13, $0x1;
	s11 =	smul.u32 $0x2710, s11;
	s10 =	sadd.s32 s10, s3  }
0xe: {  	s0 =	sadd.s32 s12, s0;
	s6 =	sadd.s32 $0x2F800, s6;
	[dreg:$0x8] =	wrdreg s10  }
0xf: {  	s26 =	ssub.s32 s13, s15;
	[dreg:$0x9] =	wrdreg s6;
	s10 =	sshll.u32 s5, $0x6  }
0x10: {  	s11 =	sadd.s32 $0x26C0, s11;
	s0 =	sadd.s32 $0xA1B000, s0;
	s25 =	smax.u32 s26, $0x1  }
0x11: {  	s24 =	sor.u32 $0x1C09, s10;
	s15 =	sshrl.u32 s11, $0x3;
	s10 =	sshll.u32 s11, $0x4  }
0x12: {  	[dreg:$0xf] =	wrdreg s25;
	s0 =	sadd.s32 s2, s0;
	s25 =	simm.s32 $0x100  }
0x13: {  	s2 =	simm.s32 $0x2;
	s18 =	sadd.s32 s14, s15;
	[dreg:$0x10] =	wrdreg s0  }
0x14: {  	s6 =	sadd.s32 s16, s15;
	s20 =	sadd.s32 s7, s10;
	[dreg:$0xa] =	wrdreg s24  }
0x15: {  	s22 =	sadd.s32 s8, s10;
	s7 =	sadd.s32 s17, s7;
	[dreg:$0xb] =	wrdreg s18  }
0x16: {  	s8 =	sadd.s32 s17, s8;
	s17 =	simm.s32 $0x9;
	[dreg:$0xc] =	wrdreg s6  }
0x17: {  	s0 =	simm.s32 $0x1;
	s10 =	simm.s32 $0x0;
	[dreg:$0xd] =	wrdreg s20  }
0x18: {  	[dreg:$0xe] =	wrdreg s22;
	s7 =	sadd.s32 s19, s7;
	s23 =	sadd.s32 s19, s8  }
0x19: {  	s6 =	sadd.s32 s9, s21;
	s18 =	simm.s32 $0x80;
	s19 =	simm.s32 $0x5  }
0x1a: {  	s20 =	simm.s32 $0x50;
	s21 =	simm.s32 $0x200;
	[dreg:$0x4] =	wrdreg s7  }
0x1b: {  	s22 =	simm.s32 $0x6;
	s8 =	simm.s32 $0x4;
	[dreg:$0x5] =	wrdreg s23  }
0x1c: {  	s26 =	sadd.s32 $0x50, s6;
	s15 =	sshrl.u32 s6, $0x3;
	s23 =	simm.s32 $0x2A00  }
0x1d: {  	s7 =	simm.s32 $0x3;
	s16 =	sshrl.u32 s26, $0x3;
	s26 =	simm.s32 $0x180  }
.LBB2_1:
0x1e: {  	s5 =	rddreg [dreg:$0x8]  }
0x1f: {  	s14 =	rddreg [dreg:$0x9];
	s11 =	sshrl.u32 s5, $0x3  }
0x20: {  	[spmem:s11], [sflag:s24] =	dma.local [hbm:s14], $0x2780  }
0x21: {  	_ =	swait.ge [sflag:s17], $0x2780  }
0x22: {  	[sflag:s17] =	ssyncset.done $0x0  }
0x23: {  	[sflag:s17] =	ssyncadd.s32 $0xFFFFD880  }
0x24: {  	[bflag:$0x0] =	sbarrier.arrive $0xFFFF  }
0x25: {  	s5 =	rddreg [dreg:$0x6]  }
0x26: {  	s14 =	rddreg [dreg:$0x7];
	s6 =	sadd.s32 s5, s15  }
0x27: {  	[tilespmem:s4], [sflag:$0x5] =	stream.linear.gather [hbm4b:s6+s4], $0x50, $0x38;
	[tilespmem:$0x1DE00] =	vst v63  }
0x28: {  	s24 =	sadd.s32 s14, s15  }
0x29: {  	[tilespmem:s18], [sflag:$0x6] =	stream.linear.gather [hbm4b:s24+s4], $0x50, $0x38;
	[tilespmem:$0x1DE00] =	vst v63  }
0x2a: {  	_ =	swait.ge [sflag:s19], $0x50  }
0x2b: {  	[sflag:s19] =	ssyncset.done $0x0  }
0x2c: {  	[sflag:s19] =	ssyncadd.s32 $0xFFFFFFB0  }
0x2d: {  	[tilespmem:s21], [sflag:$0x1] =	stream.indirect.gather [hbm4b:s1+s20], $0x80, s4, s20, $0xb8;
	[tilespmem:$0x1DE00] =	vst v63  }
0x2e: {  	_ =	swait.ge [sflag:s22], $0x50  }
0x2f: {  	[sflag:s22] =	ssyncset.done $0x0  }
0x30: {  	[sflag:s22] =	ssyncadd.s32 $0xFFFFFFB0  }
0x31: {  	[tilespmem:s23], [sflag:$0x2] =	stream.indirect.gather [hbm4b:s1+s20], $0x80, s18, s20, $0xb8;
	[tilespmem:$0x1DE00] =	vst v63  }
0x32: {  	s9 =	sadd.s32 s5, s16  }
0x33: {  	[tilespmem:s25], [sflag:$0x7] =	stream.linear.gather [hbm4b:s9+s4], $0x50, $0x38;
	[tilespmem:$0x1DE00] =	vst v63  }
0x34: {  	s12 =	sadd.s32 s14, s16  }
0x35: {  	[tilespmem:s26], [sflag:$0x8] =	stream.linear.gather [hbm4b:s12+s4], $0x50, $0x38;
	[tilespmem:$0x1DE00] =	vst v63  }
0x36: {  	_ =	swait.ge [sflag:s28], $0x50  }
0x37: {  	[sflag:s28] =	ssyncset.done $0x0  }
0x38: {  	[sflag:s28] =	ssyncadd.s32 $0xFFFFFFB0  }
0x39: {  	[tilespmem:s29], [sflag:$0x3] =	stream.indirect.gather [hbm4b:s1+s20], $0x80, s25, s20, $0xb8;
	[tilespmem:$0x1DE00] =	vst v63  }
0x3a: {  	_ =	swait.ge [sflag:s30], $0x50  }
0x3b: {  	[sflag:s30] =	ssyncset.done $0x0  }
0x3c: {  	[sflag:s30] =	ssyncadd.s32 $0xFFFFFFB0  }
0x3d: {  	[tilespmem:s31], [sflag:$0x4] =	stream.indirect.gather [hbm4b:s1+s20], $0x80, s26, s20, $0xb8;
	[tilespmem:$0x1DE00] =	vst v63  }
0x3e: {  	_ =	swait.ge [sflag:s0], $0x2800  }
0x3f: {  	s13 =	rddreg [dreg:$0x4];
	[sflag:s0] =	ssyncset.done $0x0  }
0x40: {  	[sflag:s0] =	ssyncadd.s32 $0xFFFFD800;
	s6 =	sadd.s32 $0x0, s13  }
0x41: {  	[hbm4b:s6+s4] =	stream.linear.scatter [tilespmem:s21], [sflag:$0x9], $0x2800, $0x38;
	[tilespmem:$0x1DE00] =	vst v63  }
0x42: {  	_ =	swait.ge [sflag:s17], $0x2800  }
0x43: {  	[sflag:s17] =	ssyncset.done $0x0  }
0x44: {  	[sflag:s17] =	ssyncadd.s32 $0xFFFFD800  }
0x45: {  	[spmem:s3] =	stream.indirect.scatter.add.f32 [tilespmem:s21], [sflag:$0x9], $0x80, s18, s20, $0xb8;
	[tilespmem:$0x1DE00] =	vst v63  }
0x46: {  	_ =	swait.ge [sflag:s17], $0x2800  }
0x47: {  	[sflag:s17] =	ssyncset.done $0x0  }
0x48: {  	[sflag:s17] =	ssyncadd.s32 $0xFFFFD800  }
0x49: {  	_ =	swait.ge [sflag:s2], $0x2800  }
0x4a: {  	s9 =	rddreg [dreg:$0x5];
	[sflag:s2] =	ssyncset.done $0x0  }
0x4b: {  	[sflag:s2] =	ssyncadd.s32 $0xFFFFD800;
	s9 =	sadd.s32 $0x0, s9  }
0x4c: {  	[hbm4b:s9+s4] =	stream.linear.scatter [tilespmem:s23], [sflag:$0x9], $0x2800, $0x38;
	[tilespmem:$0x1DE00] =	vst v63  }
0x4d: {  	_ =	swait.ge [sflag:s17], $0x2800  }
0x4e: {  	[sflag:s17] =	ssyncset.done $0x0  }
0x4f: {  	[sflag:s17] =	ssyncadd.s32 $0xFFFFD800  }
0x50: {  	_ =	swait.ge [sflag:s7], $0x2800  }
0x51: {  	[sflag:s7] =	ssyncset.done $0x0  }
0x52: {  	s6 =	sadd.s32 $0x500, s6;
	[sflag:s7] =	ssyncadd.s32 $0xFFFFD800  }
0x53: {  	[hbm4b:s6+s4] =	stream.linear.scatter [tilespmem:s29], [sflag:$0x9], $0x2800, $0x38;
	[tilespmem:$0x1DE00] =	vst v63  }
0x54: {  	_ =	swait.ge [sflag:s17], $0x2800  }
0x55: {  	[sflag:s17] =	ssyncset.done $0x0  }
0x56: {  	[sflag:s17] =	ssyncadd.s32 $0xFFFFD800  }
0x57: {  	[spmem:s3] =	stream.indirect.scatter.add.f32 [tilespmem:s29], [sflag:$0x9], $0x80, s26, s20, $0xb8;
	[tilespmem:$0x1DE00] =	vst v63  }
0x58: {  	_ =	swait.ge [sflag:s17], $0x2800  }
0x59: {  	[sflag:s17] =	ssyncset.done $0x0  }
0x5a: {  	[sflag:s17] =	ssyncadd.s32 $0xFFFFD800  }
0x5b: {  	_ =	swait.ge [sflag:s8], $0x2800  }
0x5c: {  	[sflag:s8] =	ssyncset.done $0x0  }
0x5d: {  	s24 =	sadd.s32 $0x500, s9;
	[sflag:s8] =	ssyncadd.s32 $0xFFFFD800  }
0x5e: {  	[hbm4b:s24+s4] =	stream.linear.scatter [tilespmem:s31], [sflag:$0x9], $0x2800, $0x38;
	[tilespmem:$0x1DE00] =	vst v63  }
0x5f: {  	s12 =	simm.s32 $0xA00;
	s13 =	sadd.s32 $0x14, s5;
	_ =	swait.ge [sflag:s17], $0x2800  }
0x60: {  	s6 =	smov.u32 s14;
	s24 =	simm.s32 $0x1400;
	[sflag:s17] =	ssyncset.done $0x0  }
.LBB2_2:
0x61: {  	s5 =	sadd.s32 s13, s15;
	[sflag:s17] =	ssyncadd.s32 $0xFFFFD800;
	s6 =	sadd.s32 $0x14, s6  }
0x62: {  	[tilespmem:s4], [sflag:$0x5] =	stream.linear.gather [hbm4b:s5+s4], $0x50, $0x38;
	[tilespmem:$0x1DE00] =	vst v63  }
0x63: {  	s14 =	sadd.s32 s6, s15  }
0x64: {  	[tilespmem:s18], [sflag:$0x6] =	stream.linear.gather [hbm4b:s14+s4], $0x50, $0x38;
	[tilespmem:$0x1DE00] =	vst v63  }
0x65: {  	_ =	swait.ge [sflag:s19], $0x50  }
0x66: {  	[sflag:s19] =	ssyncset.done $0x0  }
0x67: {  	[sflag:s19] =	ssyncadd.s32 $0xFFFFFFB0  }
0x68: {  	[tilespmem:s21], [sflag:$0x1] =	stream.indirect.gather [hbm4b:s1+s20], $0x80, s4, s20, $0xb8;
	[tilespmem:$0x1DE00] =	vst v63  }
0x69: {  	_ =	swait.ge [sflag:s22], $0x50  }
0x6a: {  	[sflag:s22] =	ssyncset.done $0x0  }
0x6b: {  	[sflag:s22] =	ssyncadd.s32 $0xFFFFFFB0  }
0x6c: {  	[tilespmem:s23], [sflag:$0x2] =	stream.indirect.gather [hbm4b:s1+s20], $0x80, s18, s20, $0xb8;
	[tilespmem:$0x1DE00] =	vst v63  }
0x6d: {  	s14 =	sadd.s32 s13, s16  }
0x6e: {  	[tilespmem:s25], [sflag:$0x7] =	stream.linear.gather [hbm4b:s14+s4], $0x50, $0x38;
	[tilespmem:$0x1DE00] =	vst v63  }
0x6f: {  	s14 =	sadd.s32 s6, s16  }
0x70: {  	[tilespmem:s26], [sflag:$0x8] =	stream.linear.gather [hbm4b:s14+s4], $0x50, $0x38;
	[tilespmem:$0x1DE00] =	vst v63  }
0x71: {  	_ =	swait.ge [sflag:s28], $0x50  }
0x72: {  	[sflag:s28] =	ssyncset.done $0x0  }
0x73: {  	[sflag:s28] =	ssyncadd.s32 $0xFFFFFFB0  }
0x74: {  	[tilespmem:s29], [sflag:$0x3] =	stream.indirect.gather [hbm4b:s1+s20], $0x80, s25, s20, $0xb8;
	[tilespmem:$0x1DE00] =	vst v63  }
0x75: {  	_ =	swait.ge [sflag:s30], $0x50  }
0x76: {  	[sflag:s30] =	ssyncset.done $0x0  }
0x77: {  	[sflag:s30] =	ssyncadd.s32 $0xFFFFFFB0  }
0x78: {  	[tilespmem:s31], [sflag:$0x4] =	stream.indirect.gather [hbm4b:s1+s20], $0x80, s26, s20, $0xb8;
	[tilespmem:$0x1DE00] =	vst v63  }
0x79: {  	_ =	swait.ge [sflag:s0], $0x2800  }
0x7a: {  	s14 =	rddreg [dreg:$0x4];
	[sflag:s0] =	ssyncset.done $0x0  }
0x7b: {  	[sflag:s0] =	ssyncadd.s32 $0xFFFFD800;
	s5 =	sadd.s32 s12, s14  }
0x7c: {  	[hbm4b:s5+s4] =	stream.linear.scatter [tilespmem:s21], [sflag:$0x9], $0x2800, $0x38;
	[tilespmem:$0x1DE00] =	vst v63  }
0x7d: {  	_ =	swait.ge [sflag:s17], $0x2800  }
0x7e: {  	[sflag:s17] =	ssyncset.done $0x0  }
0x7f: {  	[sflag:s17] =	ssyncadd.s32 $0xFFFFD800  }
0x80: {  	[spmem:s3] =	stream.indirect.scatter.add.f32 [tilespmem:s21], [sflag:$0x9], $0x80, s18, s20, $0xb8;
	[tilespmem:$0x1DE00] =	vst v63  }
0x81: {  	_ =	swait.ge [sflag:s17], $0x2800  }
0x82: {  	[sflag:s17] =	ssyncset.done $0x0  }
0x83: {  	[sflag:s17] =	ssyncadd.s32 $0xFFFFD800  }
0x84: {  	_ =	swait.ge [sflag:s2], $0x2800  }
0x85: {  	s14 =	rddreg [dreg:$0x5];
	[sflag:s2] =	ssyncset.done $0x0  }
0x86: {  	[sflag:s2] =	ssyncadd.s32 $0xFFFFD800;
	s14 =	sadd.s32 s12, s14  }
0x87: {  	[hbm4b:s14+s4] =	stream.linear.scatter [tilespmem:s23], [sflag:$0x9], $0x2800, $0x38;
	[tilespmem:$0x1DE00] =	vst v63  }
0x88: {  	_ =	swait.ge [sflag:s17], $0x2800  }
0x89: {  	[sflag:s17] =	ssyncset.done $0x0  }
0x8a: {  	[sflag:s17] =	ssyncadd.s32 $0xFFFFD800  }
0x8b: {  	_ =	swait.ge [sflag:s7], $0x2800  }
0x8c: {  	[sflag:s7] =	ssyncset.done $0x0  }
0x8d: {  	s5 =	sadd.s32 $0x500, s5;
	[sflag:s7] =	ssyncadd.s32 $0xFFFFD800  }
0x8e: {  	[hbm4b:s5+s4] =	stream.linear.scatter [tilespmem:s29], [sflag:$0x9], $0x2800, $0x38;
	[tilespmem:$0x1DE00] =	vst v63  }
0x8f: {  	_ =	swait.ge [sflag:s17], $0x2800  }
0x90: {  	[sflag:s17] =	ssyncset.done $0x0  }
0x91: {  	[sflag:s17] =	ssyncadd.s32 $0xFFFFD800  }
0x92: {  	[spmem:s3] =	stream.indirect.scatter.add.f32 [tilespmem:s29], [sflag:$0x9], $0x80, s26, s20, $0xb8;
	[tilespmem:$0x1DE00] =	vst v63  }
0x93: {  	_ =	swait.ge [sflag:s17], $0x2800  }
0x94: {  	[sflag:s17] =	ssyncset.done $0x0  }
0x95: {  	[sflag:s17] =	ssyncadd.s32 $0xFFFFD800  }
0x96: {  	p0 =	sne.s32 s24, $0x26200;
	_ =	swait.ge [sflag:s8], $0x2800  }
.Ltmp0:
0x97: {  	[sflag:s8] =	ssyncset.done $0x0;
	(pc) =	sbr.rel @p0 .LBB2_2-.Ltmp0, $4  }
0x98: {  	s14 =	sadd.s32 $0x500, s14;
	[sflag:s8] =	ssyncadd.s32 $0xFFFFD800  }
0x99: {  	[hbm4b:s14+s4] =	stream.linear.scatter [tilespmem:s31], [sflag:$0x9], $0x2800, $0x38;
	[tilespmem:$0x1DE00] =	vst v63  }
0x9a: {  	s9 =	smov.u32 s24;
	s24 =	sadd.s32 $0xA00, s24;
	_ =	swait.ge [sflag:s17], $0x2800  }
0x9b: {  	s13 =	sadd.s32 $0x14, s13;
	s12 =	smov.u32 s9;
	[sflag:s17] =	ssyncset.done $0x0  }
0x9c: {  	s5 =	sadd.s32 s13, s15;
	[sflag:s17] =	ssyncadd.s32 $0xFFFFD800;
	s6 =	sadd.s32 $0x14, s6  }
0x9d: {  	[tilespmem:s4], [sflag:$0x5] =	stream.linear.gather [hbm4b:s5+s4], $0x50, $0x38;
	[tilespmem:$0x1DE00] =	vst v63  }
0x9e: {  	s14 =	sadd.s32 s6, s15  }
0x9f: {  	[tilespmem:s18], [sflag:$0x6] =	stream.linear.gather [hbm4b:s14+s4], $0x50, $0x38;
	[tilespmem:$0x1DE00] =	vst v63  }
0xa0: {  	_ =	swait.ge [sflag:s19], $0x50  }
0xa1: {  	[sflag:s19] =	ssyncset.done $0x0  }
0xa2: {  	[sflag:s19] =	ssyncadd.s32 $0xFFFFFFB0  }
0xa3: {  	[tilespmem:s21], [sflag:$0x1] =	stream.indirect.gather [hbm4b:s1+s20], $0x80, s4, s20, $0xb8;
	[tilespmem:$0x1DE00] =	vst v63  }
0xa4: {  	_ =	swait.ge [sflag:s22], $0x50  }
0xa5: {  	[sflag:s22] =	ssyncset.done $0x0  }
0xa6: {  	[sflag:s22] =	ssyncadd.s32 $0xFFFFFFB0  }
0xa7: {  	[tilespmem:s23], [sflag:$0x2] =	stream.indirect.gather [hbm4b:s1+s20], $0x80, s18, s20, $0xb8;
	[tilespmem:$0x1DE00] =	vst v63  }
0xa8: {  	s24 =	sadd.s32 s13, s16  }
0xa9: {  	[tilespmem:s25], [sflag:$0x7] =	stream.linear.gather [hbm4b:s24+s4], $0x50, $0x38;
	[tilespmem:$0x1DE00] =	vst v63  }
0xaa: {  	s6 =	sadd.s32 s6, s16  }
0xab: {  	[tilespmem:s26], [sflag:$0x8] =	stream.linear.gather [hbm4b:s6+s4], $0x50, $0x38;
	[tilespmem:$0x1DE00] =	vst v63  }
0xac: {  	_ =	swait.ge [sflag:s28], $0x50  }
0xad: {  	[sflag:s28] =	ssyncset.done $0x0  }
0xae: {  	[sflag:s28] =	ssyncadd.s32 $0xFFFFFFB0  }
0xaf: {  	[tilespmem:s29], [sflag:$0x3] =	stream.indirect.gather [hbm4b:s1+s20], $0x80, s25, s20, $0xb8;
	[tilespmem:$0x1DE00] =	vst v63  }
0xb0: {  	_ =	swait.ge [sflag:s30], $0x50  }
0xb1: {  	[sflag:s30] =	ssyncset.done $0x0  }
0xb2: {  	[sflag:s30] =	ssyncadd.s32 $0xFFFFFFB0  }
0xb3: {  	[tilespmem:s31], [sflag:$0x4] =	stream.indirect.gather [hbm4b:s1+s20], $0x80, s26, s20, $0xb8;
	[tilespmem:$0x1DE00] =	vst v63  }
0xb4: {  	_ =	swait.ge [sflag:s0], $0x2800  }
0xb5: {  	s9 =	rddreg [dreg:$0x4];
	[sflag:s0] =	ssyncset.done $0x0  }
0xb6: {  	[sflag:s0] =	ssyncadd.s32 $0xFFFFD800;
	s5 =	sadd.s32 s12, s9  }
0xb7: {  	[hbm4b:s5+s4] =	stream.linear.scatter [tilespmem:s21], [sflag:$0x9], $0x2800, $0x38;
	[tilespmem:$0x1DE00] =	vst v63  }
0xb8: {  	_ =	swait.ge [sflag:s17], $0x2800  }
0xb9: {  	[sflag:s17] =	ssyncset.done $0x0  }
0xba: {  	[sflag:s17] =	ssyncadd.s32 $0xFFFFD800  }
0xbb: {  	[spmem:s3] =	stream.indirect.scatter.add.f32 [tilespmem:s21], [sflag:$0x9], $0x80, s18, s20, $0xb8;
	[tilespmem:$0x1DE00] =	vst v63  }
0xbc: {  	_ =	swait.ge [sflag:s17], $0x2800  }
0xbd: {  	[sflag:s17] =	ssyncset.done $0x0  }
0xbe: {  	[sflag:s17] =	ssyncadd.s32 $0xFFFFD800  }
0xbf: {  	_ =	swait.ge [sflag:s2], $0x2800  }
0xc0: {  	s13 =	rddreg [dreg:$0x5];
	[sflag:s2] =	ssyncset.done $0x0  }
0xc1: {  	s6 =	sadd.s32 s12, s13;
	[sflag:s2] =	ssyncadd.s32 $0xFFFFD800  }
0xc2: {  	[hbm4b:s6+s4] =	stream.linear.scatter [tilespmem:s23], [sflag:$0x9], $0x2800, $0x38;
	[tilespmem:$0x1DE00] =	vst v63  }
0xc3: {  	_ =	swait.ge [sflag:s17], $0x2800  }
0xc4: {  	[sflag:s17] =	ssyncset.done $0x0  }
0xc5: {  	[sflag:s17] =	ssyncadd.s32 $0xFFFFD800  }
0xc6: {  	_ =	swait.ge [sflag:s7], $0x2800  }
0xc7: {  	[sflag:s7] =	ssyncset.done $0x0  }
0xc8: {  	s5 =	sadd.s32 $0x500, s5;
	[sflag:s7] =	ssyncadd.s32 $0xFFFFD800  }
0xc9: {  	[hbm4b:s5+s4] =	stream.linear.scatter [tilespmem:s29], [sflag:$0x9], $0x2800, $0x38;
	[tilespmem:$0x1DE00] =	vst v63  }
0xca: {  	_ =	swait.ge [sflag:s17], $0x2800  }
0xcb: {  	[sflag:s17] =	ssyncset.done $0x0  }
0xcc: {  	[sflag:s17] =	ssyncadd.s32 $0xFFFFD800  }
0xcd: {  	[spmem:s3] =	stream.indirect.scatter.add.f32 [tilespmem:s29], [sflag:$0x9], $0x80, s26, s20, $0xb8;
	[tilespmem:$0x1DE00] =	vst v63  }
0xce: {  	_ =	swait.ge [sflag:s17], $0x2800  }
0xcf: {  	[sflag:s17] =	ssyncset.done $0x0  }
0xd0: {  	[sflag:s17] =	ssyncadd.s32 $0xFFFFD800  }
0xd1: {  	_ =	swait.ge [sflag:s8], $0x2800  }
0xd2: {  	[sflag:s8] =	ssyncset.done $0x0  }
0xd3: {  	s14 =	sadd.s32 $0x500, s6;
	[sflag:s8] =	ssyncadd.s32 $0xFFFFD800  }
0xd4: {  	[hbm4b:s14+s4] =	stream.linear.scatter [tilespmem:s31], [sflag:$0x9], $0x2800, $0x38;
	[tilespmem:$0x1DE00] =	vst v63  }
0xd5: {  	_ =	swait.ge [sflag:s17], $0x2800  }
0xd6: {  	[sflag:s17] =	ssyncset.done $0x0  }
0xd7: {  	s24 =	rddreg [dreg:$0xb];
	[sflag:s17] =	ssyncadd.s32 $0xFFFFD800  }
0xd8: {  	[tilespmem:s4], [sflag:$0x5] =	stream.linear.gather [hbm4b:s24+s4], $0x50, $0x38;
	[tilespmem:$0x1DE00] =	vst v63  }
0xd9: {  	s6 =	rddreg [dreg:$0xc]  }
0xda: {  	[tilespmem:s18], [sflag:$0x6] =	stream.linear.gather [hbm4b:s6+s4], $0x50, $0x38;
	[tilespmem:$0x1DE00] =	vst v63  }
0xdb: {  	_ =	swait.ge [sflag:s19], $0x50  }
0xdc: {  	[sflag:s19] =	ssyncset.done $0x0  }
0xdd: {  	[sflag:s19] =	ssyncadd.s32 $0xFFFFFFB0  }
0xde: {  	[tilespmem:s21], [sflag:$0x1] =	stream.indirect.gather [hbm4b:s1+s20], $0x80, s4, s20, $0xb8;
	[tilespmem:$0x1DE00] =	vst v63  }
0xdf: {  	_ =	swait.ge [sflag:s22], $0x50  }
0xe0: {  	[sflag:s22] =	ssyncset.done $0x0  }
0xe1: {  	[sflag:s22] =	ssyncadd.s32 $0xFFFFFFB0  }
0xe2: {  	[tilespmem:s23], [sflag:$0x2] =	stream.indirect.gather [hbm4b:s1+s20], $0x80, s18, s20, $0xb8;
	[tilespmem:$0x1DE00] =	vst v63  }
0xe3: {  	_ =	swait.ge [sflag:s0], $0x2800  }
0xe4: {  	[sflag:s0] =	ssyncset.done $0x0  }
0xe5: {  	s9 =	rddreg [dreg:$0xd];
	[sflag:s0] =	ssyncadd.s32 $0xFFFFD800  }
0xe6: {  	[hbm4b:s9+s4] =	stream.linear.scatter [tilespmem:s21], [sflag:$0x9], $0x2800, $0x38;
	[tilespmem:$0x1DE00] =	vst v63  }
0xe7: {  	_ =	swait.ge [sflag:s17], $0x2800  }
0xe8: {  	[sflag:s17] =	ssyncset.done $0x0  }
0xe9: {  	[sflag:s17] =	ssyncadd.s32 $0xFFFFD800  }
0xea: {  	[spmem:s3] =	stream.indirect.scatter.add.f32 [tilespmem:s21], [sflag:$0x9], $0x80, s18, s20, $0xb8;
	[tilespmem:$0x1DE00] =	vst v63  }
0xeb: {  	_ =	swait.ge [sflag:s17], $0x2800  }
0xec: {  	[sflag:s17] =	ssyncset.done $0x0  }
0xed: {  	[sflag:s17] =	ssyncadd.s32 $0xFFFFD800  }
0xee: {  	_ =	swait.ge [sflag:s2], $0x2800  }
0xef: {  	[sflag:s2] =	ssyncset.done $0x0  }
0xf0: {  	s12 =	rddreg [dreg:$0xe];
	[sflag:s2] =	ssyncadd.s32 $0xFFFFD800  }
0xf1: {  	[hbm4b:s12+s4] =	stream.linear.scatter [tilespmem:s23], [sflag:$0x9], $0x2800, $0x38;
	[tilespmem:$0x1DE00] =	vst v63  }
0xf2: {  	_ =	swait.ge [sflag:s17], $0x2800  }
0xf3: {  	[sflag:s17] =	ssyncset.done $0x0  }
0xf4: {  	[sflag:s17] =	ssyncadd.s32 $0xFFFFD800  }
0xf5: {  	[bflag:$0x0] =	sbarrier.arrive $0xFFFF  }
0xf6: {  	s24 =	rddreg [dreg:$0xa]  }
0xf7: {  	s13 =	rddreg [dreg:$0x10]  }
0xf8: {  	[hbm:s13], [sflag:s24] =	dma.local [spmem:s11], $0x2780  }
0xf9: {  	_ =	swait.ge [sflag:s17], $0x2780  }
0xfa: {  	s10 =	sadd.s32 $0x1, s10;
	s14 =	rddreg [dreg:$0xf]  }
0xfb: {  	p0 =	sne.s32 s10, s14  }
.Ltmp1:
0xfc: {  	_ = 	snop;
	(pc) =	sbr.rel @p0 .LBB2_1-.Ltmp1, $3  }
0xfd: {  	_ =	sdelay $0x1  }
0xfe: {  	[sflag:s17] =	ssyncset.done $0x0  }
0xff: {  	[sflag:s17] =	ssyncadd.s32 $0xFFFFD880  }
0x100: {  	_ =	sfence.sel $0x180000  }
0x101: {  	[bflag:$0x0] =	sbarrier.arrive $0xFFFF  }
0x102: {  	_ =	strace $0x9000005C  }
0x103: {  	s0 =	stileid.u32;
	[bflag:$0x2] =	sbarrier.arrive $0xFFFF  }
0x104: {  	p0 =	sne.s32 s0, $0x0;
	s0 =	rddreg [dreg:$0x3]  }
0x105: {  	s0 =	sadd.s32 @!p0 $0x100000, s0  }
0x106: {  	[sflag:s0] =	ssyncadd.tile.s32 @!p0 $0x1;
	_ =	shalt  }
.Lfunc_end2:
_tile_overlayer_lowered:
.L_overlay_start_2:
0x107: {  	(tag) =	ssettag $0x2  }
0x108: {  	s0 =	rddreg [dreg:$0x0];
	s2 =	stileid.u32  }
0x109: {  	s1 =	rddreg [dreg:$0x1];
	p0 =	sne.s32 s2, $0x0  }
0x10a: {  	s3 =	rddreg [dreg:$0x2];
	[bflag:$0x3] =	sbarrier.arrive $0xFFFF;
	s2 =	simm.s32 @!p0 $0x1C09  }
0x10b: {  	[timem:s3], [sflag:s2] =	dma.local @!p0 [hbm:s0], s1  }
0x10c: {  	s0 =	simm.s32 @!p0 $0x9  }
0x10d: {  	_ =	swait.ge @!p0 [sflag:s0], s1  }
0x10e: {  	s1 =	ssub.s32 @!p0 $0x0, s1;
	[sflag:s0] =	ssyncset.done @!p0 $0x0  }
0x10f: {  	[sflag:s0] =	ssyncadd.s32 @!p0 s1  }
0x110: {  	[bflag:$0x3] =	sbarrier.arrive $0xFFFF  }
0x111: {  	_ =	shalt  }

// kernel: kernel.37.cloned.1.call-start
scs
__scs_entry_jumppad:
0x0: {  	(pc) =	sbr.rel $0x88, $3  }
0x1: {  	(tag) =	ssettag $0x0;
	lr =	simm.s32 $0x1  }
0x2: {  	[smem:$0x3F87] =	sst lr;
	_ =	strace $0xD0000000  }
0x3: {  	_ = 	snop  }
0x4: {  	_ = 	snop  }
0x5: {  	_ = 	snop  }
0x6: {  	_ = 	snop  }
0x7: {  	_ = 	snop  }
__scs_overlays_trampoline_lowered:
0x8: {  	[smem:$0x3F96] =	sst s0  }
0x9: {  	[smem:$0x3F97] =	sst s1  }
0xa: {  	[smem:$0x3F98] =	sst s2  }
0xb: {  	[smem:$0x3F99] =	sst s3  }
0xc: {  	[smem:$0x3F9A] =	sst s4  }
0xd: {  	[smem:$0x3F9B] =	sst s5  }
0xe: {  	[smem:$0x3F9C] =	sst s6  }
0xf: {  	[smem:$0x3F9D] =	sst s7  }
0x10: {  	[smem:$0x3F9E] =	sst s8  }
0x11: {  	[smem:$0x3F9F] =	sst s9;
	s0 =	simm.s32 @!p0 $0x0  }
0x12: {  	s1 =	sld [smem:$0x3F85];
	s0 =	simm.s32 @p0 $0x1  }
0x13: {  	[smem:$0x3FA0] =	sst s0;
	s0 =	simm.s32 @!p1 $0x0  }
0x14: {  	s2 =	sld [smem:$0x3F84];
	s0 =	simm.s32 @p1 $0x1  }
0x15: {  	[smem:$0x3FA1] =	sst s0;
	s0 =	simm.s32 @!p2 $0x0  }
0x16: {  	s3 =	sld [smem:$0x3FDB];
	s0 =	simm.s32 @p2 $0x1  }
0x17: {  	s4 =	simm.s32 $0x1BF5;
	[smem:$0x3FA3] =	sst s0  }
0x18: {  	s0 =	sld [smem:$0x3F86];
	_ =	swait.ge [sflag:s4], $0x0  }
0x19: {  	s7 =	sld [smem:$0x3F87]  }
0x1a: {  	s8 =	sadd.s32 $0xFFFFE003, lr  }
0x1b: {  	s9 =	sadd.s32 $0xFFFFFEF7, lr;
	s5 =	simm.s32 $0xFFFFFFFF;
	p2 =	slt.u32 s8, $0xFFFFF086  }
0x1c: {  	p1 =	slt.u32 s9, $0xF7A;
	s5 =	simm.s32 @!p2 $0x0  }
0x1d: {  	s5 =	simm.s32 @p1 $0x1;
	p0 =	seq.s32 s7, s2  }
0x1e: {  	s7 =	smul.u32 @!p0 $0xF7A, s2;
	p2 =	seq.s32 @!p0 s5, $0x0  }
0x1f: {  	s9 =	smul.u32 $0xF7A, s1;
	s8 =	simm.s32 @!p0 $0x1BF5;
	p2 =	por !p2, p0  }
0x20: {  	[sflag:s8] =	ssyncset.s32 @!p0 $0xFFFFF086;
	s6 =	sadd.s32 @!p0 s3, s7;
	s7 =	simm.s32 @!p0 $0x108  }
0x21: {  	s3 =	sadd.s32 s3, s9;
	s6 =	sadd.s32 @!p0 $0x88, s6;
	s7 =	simm.s32 @p2 $0x1082  }
0x22: {  	[simem:s7], [sflag:s8] =	dma.local @!p0 [hbm:s6], $0xF7A  }
0x23: {  	s9 =	sor.u32 $0xD0000000, s2;
	s6 =	simm.s32 $0x108;
	_ =	swait.ge @!p0 [sflag:s8], $0x0  }
0x24: {  	s3 =	sadd.s32 $0x88, s3;
	s6 =	simm.s32 @!p1 $0x1082;
	[sflag:s4] =	ssyncset.s32 $0xFFFFF086  }
0x25: {  	[simem:s6], [sflag:s4] =	dma.local [hbm:s3], $0xF7A  }
0x26: {  	[smem:$0x3F87] =	sst s1;
	(tag) =	ssettag s2;
	_ =	strace s9  }
0x27: {  	s1 =	sld [smem:$0x3F97]  }
0x28: {  	s2 =	sld [smem:$0x3F98]  }
0x29: {  	s4 =	sld [smem:$0x3F9A]  }
0x2a: {  	p0 =	seq.s32 s5, $0x0;
	s5 =	sld [smem:$0x3F9B]  }
0x2b: {  	s6 =	sld [smem:$0x3F9C]  }
0x2c: {  	s7 =	sld [smem:$0x3F9D]  }
0x2d: {  	s3 =	simm.s32 $0x108;
	s8 =	sld [smem:$0x3F9E]  }
0x2e: {  	s3 =	simm.s32 @!p0 $0x1082;
	s9 =	sld [smem:$0x3F9F]  }
0x2f: {  	lr =	sadd.s32 s0, s3;
	s0 =	sld [smem:$0x3F96]  }
0x30: {  	s3 =	sld [smem:$0x3F99]  }
0x31: {  	[smem:$0x3FA2] =	sst s10  }
0x32: {  	s10 =	sld [smem:$0x3FA0];
	_ =	sdelay $0x3  }
0x33: {  	p0 =	seq.s32 s10, $0x1;
	s10 =	sld [smem:$0x3FA2];
	_ =	sdelay $0x3  }
0x34: {  	[smem:$0x3FA2] =	sst s10  }
0x35: {  	s10 =	sld [smem:$0x3FA1];
	_ =	sdelay $0x3  }
0x36: {  	p1 =	seq.s32 s10, $0x1;
	s10 =	sld [smem:$0x3FA2];
	_ =	sdelay $0x3  }
0x37: {  	[smem:$0x3FA2] =	sst s10  }
0x38: {  	s10 =	sld [smem:$0x3FA3]  }
0x39: {  	_ = 	snop;
	(pc) =	sbr.ind lr, $3  }
0x3a: {  	_ = 	snop  }
0x3b: {  	_ = 	snop  }
0x3c: {  	p2 =	seq.s32 s10, $0x1;
	s10 =	sld [smem:$0x3FA2]  }
0x3d: {  	_ =	shalt  }
0x3e: {  	_ =	shalt  }
0x3f: {  	_ =	shalt  }
0x40: {  	_ =	shalt  }
0x41: {  	_ =	shalt  }
0x42: {  	_ =	shalt  }
0x43: {  	_ =	shalt  }
0x44: {  	_ =	shalt  }
0x45: {  	_ =	shalt  }
0x46: {  	_ =	shalt  }
0x47: {  	_ =	shalt  }
0x48: {  	_ =	shalt  }
0x49: {  	_ =	shalt  }
0x4a: {  	_ =	shalt  }
0x4b: {  	_ =	shalt  }
0x4c: {  	_ =	shalt  }
0x4d: {  	_ =	shalt  }
0x4e: {  	_ =	shalt  }
0x4f: {  	_ =	shalt  }
0x50: {  	_ =	shalt  }
0x51: {  	_ =	shalt  }
0x52: {  	_ =	shalt  }
0x53: {  	_ =	shalt  }
0x54: {  	_ =	shalt  }
0x55: {  	_ =	shalt  }
0x56: {  	_ =	shalt  }
0x57: {  	_ =	shalt  }
0x58: {  	_ =	shalt  }
0x59: {  	_ =	shalt  }
0x5a: {  	_ =	shalt  }
0x5b: {  	_ =	shalt  }
0x5c: {  	_ =	shalt  }
0x5d: {  	_ =	shalt  }
0x5e: {  	_ =	shalt  }
0x5f: {  	_ =	shalt  }
0x60: {  	_ =	shalt  }
0x61: {  	_ =	shalt  }
0x62: {  	_ =	shalt  }
0x63: {  	_ =	shalt  }
0x64: {  	_ =	shalt  }
0x65: {  	_ =	shalt  }
0x66: {  	_ =	shalt  }
0x67: {  	_ =	shalt  }
0x68: {  	_ =	shalt  }
0x69: {  	_ =	shalt  }
0x6a: {  	_ =	shalt  }
0x6b: {  	_ =	shalt  }
0x6c: {  	_ =	shalt  }
0x6d: {  	_ =	shalt  }
0x6e: {  	_ =	shalt  }
0x6f: {  	_ =	shalt  }
0x70: {  	_ =	shalt  }
0x71: {  	_ =	shalt  }
0x72: {  	_ =	shalt  }
0x73: {  	_ =	shalt  }
0x74: {  	_ =	shalt  }
0x75: {  	_ =	shalt  }
0x76: {  	_ =	shalt  }
0x77: {  	_ =	shalt  }
0x78: {  	_ =	shalt  }
0x79: {  	_ =	shalt  }
0x7a: {  	_ =	shalt  }
0x7b: {  	_ =	shalt  }
0x7c: {  	_ =	shalt  }
0x7d: {  	_ =	shalt  }
0x7e: {  	_ =	shalt  }
0x7f: {  	_ =	shalt  }
0x80: {  	_ =	shalt  }
0x81: {  	_ =	shalt  }
0x82: {  	_ =	shalt  }
0x83: {  	_ =	shalt  }
0x84: {  	_ =	shalt  }
0x85: {  	_ =	shalt  }
0x86: {  	_ =	shalt  }
0x87: {  	_ =	shalt  }
.Lfunc_end0:
.L_simem_size_0:
called_computation.7_lowered:
.L_overlay_start_0:
0x88: {  	s2 =	sld [smem:$0x3FD9]  }
0x89: {  	s3 =	sld [smem:$0x3FFE];
	_ =	sdelay $0x1  }
0x8a: {  	s1 =	srdreg.scid  }
0x8b: {  	s0 =	sand.u32 $0x1, s1  }
0x8c: {  	s16 =	sshll.u32 s0, $0xA;
	s2 =	sadd.s32 s3, s2  }
0x8d: {  	s2 =	sadd.s32 s2, s16  }
0x8e: {  	[smem:$0x3FAE] =	sst s2  }
0x8f: {  	_ = 	snop  }
0x90: {  	(tm) =	ssettm $0x1  }
0x91: {  	s17 =	sld [smem:$0x3FFB];
	_ =	sdelay $0x3  }
0x92: {  	_ =	strace s17  }
0x93: {  	s2 =	sld [smem:$0x3FFC];
	_ =	sdelay $0x3  }
0x94: {  	_ =	strace s2  }
0x95: {  	s2 =	sld [smem:$0x3FFD];
	_ =	sdelay $0x3  }
0x96: {  	_ =	strace s2  }
0x97: {  	_ =	strace $0x8FFFFFFF  }
0x98: {  	s18 =	sld [smem:$0x3FDB];
	_ =	sdelay $0x1  }
0x99: {  	s19 =	simm.s32 $_scs_section_size  }
0x9a: {  	s4 =	simm.s32 $_size__tile_overlayer_lowered;
	s5 =	simm.s32 $_tile_overlayer_lowered  }
0x9b: {  	s22 =	simm.s32 $0x1BFF;
	s21 =	sshll.u32 s5, $0x1;
	s2 =	sadd.s32 s19, s18  }
0x9c: {  	s6 =	simm.s32 $0x0;
	s20 =	sshll.u32 s4, $0x1;
	s4 =	sadd.s32 s21, s2  }
0x9d: {  	[timem:s6], [sflag:s22] =	dma.local [hbm:s4], s20  }
0x9e: {  	_ =	swait.ge [sflag:s22], s20  }
0x9f: {  	s3 =	ssub.s32 $0x0, s20;
	[sflag:s22] =	ssyncset.done $0x0  }
0xa0: {  	[sflag:s22] =	ssyncadd.s32 s3;
	_ =	sdelay $0x1  }
0xa1: {  	s23 =	simm.s32 $0x1B8B  }
0xa2: {  	_ =	swait.ge [sflag:s23], $0x1  }
0xa3: {  	[sflag:s23] =	ssyncset.done $0x0  }
0xa4: {  	s25 =	simm.s32 $0x1B8E;
	s24 =	sld [smem:$0x3FFE];
	[sflag:s23] =	ssyncadd.s32 $0xFFFFFFFF  }
0xa5: {  	s26 =	simm.s32 $execute0_lowered;
	[smem:$0x3FD2] =	sst s25  }
0xa6: {  	s4 =	sshll.u32 s26, $0x1;
	_ =	strace $0x8000005E;
	[dreg:$0x1] =	wrdreg $0xFFFFFFFF  }
0xa7: {  	s28 =	simm.s32 $_size_execute0_lowered;
	s2 =	sadd.s32 s2, s4;
	[dreg:$0x0] =	wrdreg $0x0  }
0xa8: {  	s4 =	sshll.u32 s28, $0x1;
	[dreg:$0x2] =	wrdreg s2  }
0xa9: {  	[dreg:$0x3] =	wrdreg s4  }
0xaa: {  	[dreg:$0x4] =	wrdreg $0xC0  }
0xab: {  	_ =	task [dreg:s6], $0x5FFFF  }
0xac: {  	[dreg:$0x1] =	wrdreg $0xFFFFFFFF  }
0xad: {  	[dreg:$0x0] =	wrdreg $0x60  }
0xae: {  	[dreg:$0x2] =	wrdreg s24  }
0xaf: {  	[dreg:$0x3] =	wrdreg $0x66000  }
0xb0: {  	[dreg:$0x4] =	wrdreg $0x9  }
0xb1: {  	_ =	task.clear_ibuf [dreg:s6], $0x5FFFF;
	_ =	strace $0x9000005E  }
0xb2: {  	s29 =	simm.s32 $0x9;
	_ =	strace $0x80000060  }
0xb3: {  	_ =	swait.ge [sflag:s29], $0x1  }
0xb4: {  	[sflag:s29] =	ssyncadd.s32 $0xFFFFFFFF  }
0xb5: {  	_ =	strace $0x90000060  }
0xb6: {  	_ =	sfence  }
0xb7: {  	s30 =	sld [smem:$0x0];
	_ =	sdelay $0x2  }
0xb8: {  	s31 =	sshll.u32 s1, $0xD;
	s1 =	sshrl.u32 s1, $0x2  }
0xb9: {  	s3 =	sand.u32 $0x4000, s31;
	s1 =	sadd.s32 s1, s30  }
0xba: {  	s0 =	sor.u32 s3, s0;
	s1 =	sshll.u32 s1, $0x11  }
0xbb: {  	s0 =	sor.u32 s1, s0  }
0xbc: {  	s0 =	sadd.s32 $0x8F2B, s0  }
0xbd: {  	[sflag:s0] =	ssyncadd.remote.s32 $0x1  }
0xbe: {  	_ =	sfence.sel $0xFFFF  }
0xbf: {  	[dreg:$0x0] =	wrdreg $0xFFFFFFFF;
	(pc) =	sbr.abs _section_cstart, $3  }
0xc0: {  	[dreg:$0x1] =	wrdreg $0xFFFFFFFF  }
0xc1: {  	_ =	task.clear_ibuf [dreg:s6], $0x2FFFF;
	_ =	strace $0x9FFFFFFF  }
0xc2: {  	(tm) =	ssettm $0x7FFFFFFF  }
0xc3: {  	_ =	shalt  }
tec
execute0_lowered:
.L_overlay_start_1:
0x0: {  	(tag) =	ssettag $0x1  }
0x1: {  	s4 =	rddreg [dreg:$0x0]  }
0x2: {  	s2 =	rddreg [dreg:$0x1];
	s1 =	stileid.u32  }
0x3: {  	s0 =	rddreg [dreg:$0x2];
	s3 =	simm.s32 $0x0;
	s5 =	smul.u32 $0x4E200, s1  }
0x4: {  	s6 =	srdreg.scid;
	s15 =	simm.s32 $0x1;
	s18 =	smul.u32 $0x2780, s1  }
0x5: {  	s16 =	simm.s32 $0xC8;
	s17 =	simm.s32 $0x3;
	s23 =	smul.u32 $0x4F000, s1  }
0x6: {  	[smem:$0x7FF] =	sst s3;
	s6 =	sand.u32 $0x1, s6;
	s12 =	smul.u32 $0x4E20, s1  }
0x7: {  	s9 =	sadd.s32 $0x7A00, s4;
	s25 =	sshll.u32 s1, $0x6;
	s7 =	smul.u32 $0x27800, s6  }
0x8: {  	_ =	strace $0x8000005F;
	s24 =	ssub.s32 $0x2, s6;
	s14 =	smul.u32 $0x2710, s6  }
0x9: {  	s26 =	smul.u32 $0x27100, s6;
	s8 =	sadd.s32 s5, s4;
	s10 =	sadd.s32 s18, s4  }
0xa: {  	s11 =	sshrl.u32 s24, $0x1;
	s5 =	sshrl.u32 s23, $0x2;
	s7 =	sadd.s32 s7, s4  }
0xb: {  	s11 =	ssub.s32 s24, s11;
	s13 =	sadd.s32 s5, s2;
	s4 =	sadd.s32 $0x2F800, s10  }
0xc: {  	s5 =	sor.u32 $0x1C04, s25;
	s12 =	sadd.s32 s14, s12;
	s28 =	sadd.s32 s26, s8  }
0xd: {  	s14 =	simm.s32 $0x2;
	s19 =	sadd.s32 $0xA6A000, s7;
	s6 =	smax.u32 s11, $0x1  }
0xe: {  	s29 =	sadd.s32 $0xC8, s12;
	s7 =	sadd.s32 $0x539000, s28;
	s30 =	sshrl.u32 s12, $0x3  }
0xf: {  	s10 =	sshrl.u32 s13, $0x3;
	s11 =	simm.s32 $0x4;
	s12 =	simm.s32 $0x6400  }
0x10: {  	s13 =	simm.s32 $0x6500;
	s31 =	sshrl.u32 s29, $0x3;
	s8 =	sadd.s32 s30, s9  }
0x11: {  	s18 =	sadd.s32 s18, s19;
	s19 =	simm.s32 $0x0;
	s9 =	sadd.s32 s31, s9  }
.LBB2_1:
0x12: {  	[spmem:s10], [sflag:s5] =	dma.local [hbm:s4], $0x2780  }
0x13: {  	_ =	swait.ge [sflag:s11], $0x2780  }
0x14: {  	[sflag:s11] =	ssyncset.done $0x0  }
0x15: {  	[sflag:s11] =	ssyncadd.s32 $0xFFFFD880  }
0x16: {  	s20 =	sadd.s32 $0x0, s8;
	[bflag:$0x0] =	sbarrier.arrive $0xFFFF  }
0x17: {  	[tilespmem:s12], [sflag:$0x2] =	stream.linear.gather [hbm4b:s20+s3], $0xC8, $0x38;
	[tilespmem:$0x1A200] =	vst v63  }
0x18: {  	s30 =	sadd.s32 $0x0, s9  }
0x19: {  	[tilespmem:s13], [sflag:$0x3] =	stream.linear.gather [hbm4b:s30+s3], $0xC8, $0x38;
	[tilespmem:$0x1A200] =	vst v63  }
0x1a: {  	_ = 	snop  }
0x1b: {  	[tilespmem:s3], [sflag:$0x1] =	stream.linear.gather [hbm4b:s7+s3], $0x6400, $0x38;
	[tilespmem:$0x1A200] =	vst v63  }
0x1c: {  	_ =	swait.ge [sflag:s14], $0xC8  }
0x1d: {  	[sflag:s14] =	ssyncset.done $0x0  }
0x1e: {  	[sflag:s14] =	ssyncadd.s32 $0xFFFFFF38  }
0x1f: {  	_ =	swait.ge [sflag:s15], $0x6400  }
0x20: {  	[sflag:s15] =	ssyncset.done $0x0  }
0x21: {  	[sflag:s15] =	ssyncadd.s32 $0xFFFF9C00  }
0x22: {  	[spmem:s2] =	stream.indirect.scatter.add.f32 [tilespmem:s3], [sflag:$0x4], $0x80, s12, s16, $0xb8;
	[tilespmem:$0x1A200] =	vst v63  }
0x23: {  	_ =	swait.ge [sflag:s11], $0x6400  }
0x24: {  	[sflag:s11] =	ssyncset.done $0x0  }
0x25: {  	s31 =	sadd.s32 $0xC80, s7;
	[sflag:s11] =	ssyncadd.s32 $0xFFFF9C00  }
0x26: {  	[tilespmem:s3], [sflag:$0x1] =	stream.linear.gather [hbm4b:s31+s3], $0x6400, $0x38;
	[tilespmem:$0x1A200] =	vst v63  }
0x27: {  	_ =	swait.ge [sflag:s17], $0xC8  }
0x28: {  	[sflag:s17] =	ssyncset.done $0x0  }
0x29: {  	[sflag:s17] =	ssyncadd.s32 $0xFFFFFF38  }
0x2a: {  	_ =	swait.ge [sflag:s15], $0x6400  }
0x2b: {  	[sflag:s15] =	ssyncset.done $0x0  }
0x2c: {  	[sflag:s15] =	ssyncadd.s32 $0xFFFF9C00  }
0x2d: {  	[spmem:s2] =	stream.indirect.scatter.add.f32 [tilespmem:s3], [sflag:$0x4], $0x80, s13, s16, $0xb8;
	[tilespmem:$0x1A200] =	vst v63  }
0x2e: {  	s21 =	simm.s32 $0x32;
	_ =	swait.ge [sflag:s11], $0x6400  }
0x2f: {  	s22 =	simm.s32 $0x64;
	s20 =	sadd.s32 $0x1900, s7;
	[sflag:s11] =	ssyncset.done $0x0  }
.LBB2_2:
0x30: {  	s23 =	sadd.s32 s21, s8  }
0x31: {  	[sflag:s11] =	ssyncadd.s32 $0xFFFF9C00;
	s24 =	smov.u32 s22;
	s25 =	sadd.s32 $0x32, s22  }
0x32: {  	[tilespmem:s12], [sflag:$0x2] =	stream.linear.gather [hbm4b:s23+s3], $0xC8, $0x38;
	[tilespmem:$0x1A200] =	vst v63  }
0x33: {  	p0 =	sne.s32 s22, $0x4B0;
	s22 =	sadd.s32 s21, s9;
	s21 =	smov.u32 s24  }
0x34: {  	[tilespmem:s13], [sflag:$0x3] =	stream.linear.gather [hbm4b:s22+s3], $0xC8, $0x38;
	[tilespmem:$0x1A200] =	vst v63  }
0x35: {  	_ = 	snop  }
0x36: {  	[tilespmem:s3], [sflag:$0x1] =	stream.linear.gather [hbm4b:s20+s3], $0x6400, $0x38;
	[tilespmem:$0x1A200] =	vst v63  }
0x37: {  	_ =	swait.ge [sflag:s14], $0xC8  }
0x38: {  	[sflag:s14] =	ssyncset.done $0x0  }
0x39: {  	[sflag:s14] =	ssyncadd.s32 $0xFFFFFF38  }
0x3a: {  	_ =	swait.ge [sflag:s15], $0x6400  }
0x3b: {  	[sflag:s15] =	ssyncset.done $0x0  }
0x3c: {  	[sflag:s15] =	ssyncadd.s32 $0xFFFF9C00  }
0x3d: {  	[spmem:s2] =	stream.indirect.scatter.add.f32 [tilespmem:s3], [sflag:$0x4], $0x80, s12, s16, $0xb8;
	[tilespmem:$0x1A200] =	vst v63  }
0x3e: {  	_ =	swait.ge [sflag:s11], $0x6400  }
0x3f: {  	[sflag:s11] =	ssyncset.done $0x0  }
0x40: {  	s22 =	sadd.s32 $0xC80, s20;
	[sflag:s11] =	ssyncadd.s32 $0xFFFF9C00  }
0x41: {  	[tilespmem:s3], [sflag:$0x1] =	stream.linear.gather [hbm4b:s22+s3], $0x6400, $0x38;
	[tilespmem:$0x1A200] =	vst v63  }
0x42: {  	_ =	swait.ge [sflag:s17], $0xC8  }
0x43: {  	[sflag:s17] =	ssyncset.done $0x0  }
0x44: {  	[sflag:s17] =	ssyncadd.s32 $0xFFFFFF38  }
0x45: {  	_ =	swait.ge [sflag:s15], $0x6400  }
.Ltmp0:
0x46: {  	[sflag:s15] =	ssyncset.done $0x0;
	(pc) =	sbr.rel @p0 .LBB2_2-.Ltmp0, $4  }
0x47: {  	[sflag:s15] =	ssyncadd.s32 $0xFFFF9C00  }
0x48: {  	[spmem:s2] =	stream.indirect.scatter.add.f32 [tilespmem:s3], [sflag:$0x4], $0x80, s13, s16, $0xb8;
	[tilespmem:$0x1A200] =	vst v63  }
0x49: {  	_ =	swait.ge [sflag:s11], $0x6400  }
0x4a: {  	s20 =	sadd.s32 $0x1900, s20;
	s22 =	smov.u32 s25;
	[sflag:s11] =	ssyncset.done $0x0  }
0x4b: {  	s22 =	sadd.s32 s21, s8;
	[sflag:s11] =	ssyncadd.s32 $0xFFFF9C00  }
0x4c: {  	[tilespmem:s12], [sflag:$0x2] =	stream.linear.gather [hbm4b:s22+s3], $0xC8, $0x38;
	[tilespmem:$0x1A200] =	vst v63  }
0x4d: {  	s30 =	sadd.s32 s21, s9  }
0x4e: {  	[tilespmem:s13], [sflag:$0x3] =	stream.linear.gather [hbm4b:s30+s3], $0xC8, $0x38;
	[tilespmem:$0x1A200] =	vst v63  }
0x4f: {  	_ = 	snop  }
0x50: {  	[tilespmem:s3], [sflag:$0x1] =	stream.linear.gather [hbm4b:s20+s3], $0x6400, $0x38;
	[tilespmem:$0x1A200] =	vst v63  }
0x51: {  	_ =	swait.ge [sflag:s14], $0xC8  }
0x52: {  	[sflag:s14] =	ssyncset.done $0x0  }
0x53: {  	[sflag:s14] =	ssyncadd.s32 $0xFFFFFF38  }
0x54: {  	_ =	swait.ge [sflag:s15], $0x6400  }
0x55: {  	[sflag:s15] =	ssyncset.done $0x0  }
0x56: {  	[sflag:s15] =	ssyncadd.s32 $0xFFFF9C00  }
0x57: {  	[spmem:s2] =	stream.indirect.scatter.add.f32 [tilespmem:s3], [sflag:$0x4], $0x80, s12, s16, $0xb8;
	[tilespmem:$0x1A200] =	vst v63  }
0x58: {  	_ =	swait.ge [sflag:s11], $0x6400  }
0x59: {  	[sflag:s11] =	ssyncset.done $0x0  }
0x5a: {  	s31 =	sadd.s32 $0xC80, s20;
	[sflag:s11] =	ssyncadd.s32 $0xFFFF9C00  }
0x5b: {  	[tilespmem:s3], [sflag:$0x1] =	stream.linear.gather [hbm4b:s31+s3], $0x6400, $0x38;
	[tilespmem:$0x1A200] =	vst v63  }
0x5c: {  	_ =	swait.ge [sflag:s17], $0xC8  }
0x5d: {  	[sflag:s17] =	ssyncset.done $0x0  }
0x5e: {  	[sflag:s17] =	ssyncadd.s32 $0xFFFFFF38  }
0x5f: {  	_ =	swait.ge [sflag:s15], $0x6400  }
0x60: {  	[sflag:s15] =	ssyncset.done $0x0  }
0x61: {  	[sflag:s15] =	ssyncadd.s32 $0xFFFF9C00  }
0x62: {  	[spmem:s2] =	stream.indirect.scatter.add.f32 [tilespmem:s3], [sflag:$0x4], $0x80, s13, s16, $0xb8;
	[tilespmem:$0x1A200] =	vst v63  }
0x63: {  	_ =	swait.ge [sflag:s11], $0x6400  }
0x64: {  	s19 =	sadd.s32 $0x1, s19;
	[sflag:s11] =	ssyncset.done $0x0  }
0x65: {  	p0 =	sne.s32 s19, s6;
	[sflag:s11] =	ssyncadd.s32 $0xFFFF9C00  }
.Ltmp1:
0x66: {  	[bflag:$0x0] =	sbarrier.arrive $0xFFFF;
	(pc) =	sbr.rel @p0 .LBB2_1-.Ltmp1, $4  }
0x67: {  	[hbm:s18], [sflag:s5] =	dma.local [spmem:s10], $0x2780  }
0x68: {  	_ =	swait.ge [sflag:s11], $0x2780  }
0x69: {  	[sflag:s11] =	ssyncset.done $0x0  }
0x6a: {  	[sflag:s11] =	ssyncadd.s32 $0xFFFFD880  }
0x6b: {  	_ =	sfence.sel $0x180000  }
0x6c: {  	[bflag:$0x0] =	sbarrier.arrive $0xFFFF  }
0x6d: {  	p0 =	sne.s32 s1, $0x0;
	_ =	strace $0x9000005F  }
0x6e: {  	s0 =	sadd.s32 @!p0 $0x100000, s0;
	[bflag:$0x2] =	sbarrier.arrive $0xFFFF  }
0x6f: {  	[sflag:s0] =	ssyncadd.tile.s32 @!p0 $0x1;
	_ =	shalt  }
.Lfunc_end2:
_tile_overlayer_lowered:
.L_overlay_start_2:
0x70: {  	(tag) =	ssettag $0x2  }
0x71: {  	s0 =	rddreg [dreg:$0x0];
	s2 =	stileid.u32  }
0x72: {  	s1 =	rddreg [dreg:$0x1];
	p0 =	sne.s32 s2, $0x0  }
0x73: {  	s3 =	rddreg [dreg:$0x2];
	[bflag:$0x3] =	sbarrier.arrive $0xFFFF;
	s2 =	simm.s32 @!p0 $0x1C04  }
0x74: {  	[timem:s3], [sflag:s2] =	dma.local @!p0 [hbm:s0], s1  }
0x75: {  	s0 =	simm.s32 @!p0 $0x4  }
0x76: {  	_ =	swait.ge @!p0 [sflag:s0], s1  }
0x77: {  	s1 =	ssub.s32 @!p0 $0x0, s1;
	[sflag:s0] =	ssyncset.done @!p0 $0x0  }
0x78: {  	[sflag:s0] =	ssyncadd.s32 @!p0 s1  }
0x79: {  	[bflag:$0x3] =	sbarrier.arrive $0xFFFF  }
0x7a: {  	_ =	shalt  }

// kernel: kernel.40.cloned.1.call-start
scs
__scs_entry_jumppad:
0x0: {  	(pc) =	sbr.rel $0x88, $3  }
0x1: {  	(tag) =	ssettag $0x0;
	lr =	simm.s32 $0x1  }
0x2: {  	[smem:$0x3F87] =	sst lr;
	_ =	strace $0xD0000000  }
0x3: {  	_ = 	snop  }
0x4: {  	_ = 	snop  }
0x5: {  	_ = 	snop  }
0x6: {  	_ = 	snop  }
0x7: {  	_ = 	snop  }
__scs_overlays_trampoline_lowered:
0x8: {  	[smem:$0x3F96] =	sst s0  }
0x9: {  	[smem:$0x3F97] =	sst s1  }
0xa: {  	[smem:$0x3F98] =	sst s2  }
0xb: {  	[smem:$0x3F99] =	sst s3  }
0xc: {  	[smem:$0x3F9A] =	sst s4  }
0xd: {  	[smem:$0x3F9B] =	sst s5  }
0xe: {  	[smem:$0x3F9C] =	sst s6  }
0xf: {  	[smem:$0x3F9D] =	sst s7  }
0x10: {  	[smem:$0x3F9E] =	sst s8  }
0x11: {  	[smem:$0x3F9F] =	sst s9;
	s0 =	simm.s32 @!p0 $0x0  }
0x12: {  	s1 =	sld [smem:$0x3F85];
	s0 =	simm.s32 @p0 $0x1  }
0x13: {  	[smem:$0x3FA0] =	sst s0;
	s0 =	simm.s32 @!p1 $0x0  }
0x14: {  	s2 =	sld [smem:$0x3F84];
	s0 =	simm.s32 @p1 $0x1  }
0x15: {  	[smem:$0x3FA1] =	sst s0;
	s0 =	simm.s32 @!p2 $0x0  }
0x16: {  	s3 =	sld [smem:$0x3FDB];
	s0 =	simm.s32 @p2 $0x1  }
0x17: {  	s4 =	simm.s32 $0x1BF5;
	[smem:$0x3FA3] =	sst s0  }
0x18: {  	s0 =	sld [smem:$0x3F86];
	_ =	swait.ge [sflag:s4], $0x0  }
0x19: {  	s7 =	sld [smem:$0x3F87]  }
0x1a: {  	s8 =	sadd.s32 $0xFFFFE003, lr  }
0x1b: {  	s9 =	sadd.s32 $0xFFFFFEF7, lr;
	s5 =	simm.s32 $0xFFFFFFFF;
	p2 =	slt.u32 s8, $0xFFFFF086  }
0x1c: {  	p1 =	slt.u32 s9, $0xF7A;
	s5 =	simm.s32 @!p2 $0x0  }
0x1d: {  	s5 =	simm.s32 @p1 $0x1;
	p0 =	seq.s32 s7, s2  }
0x1e: {  	s7 =	smul.u32 @!p0 $0xF7A, s2;
	p2 =	seq.s32 @!p0 s5, $0x0  }
0x1f: {  	s9 =	smul.u32 $0xF7A, s1;
	s8 =	simm.s32 @!p0 $0x1BF5;
	p2 =	por !p2, p0  }
0x20: {  	[sflag:s8] =	ssyncset.s32 @!p0 $0xFFFFF086;
	s6 =	sadd.s32 @!p0 s3, s7;
	s7 =	simm.s32 @!p0 $0x108  }
0x21: {  	s3 =	sadd.s32 s3, s9;
	s6 =	sadd.s32 @!p0 $0x88, s6;
	s7 =	simm.s32 @p2 $0x1082  }
0x22: {  	[simem:s7], [sflag:s8] =	dma.local @!p0 [hbm:s6], $0xF7A  }
0x23: {  	s9 =	sor.u32 $0xD0000000, s2;
	s6 =	simm.s32 $0x108;
	_ =	swait.ge @!p0 [sflag:s8], $0x0  }
0x24: {  	s3 =	sadd.s32 $0x88, s3;
	s6 =	simm.s32 @!p1 $0x1082;
	[sflag:s4] =	ssyncset.s32 $0xFFFFF086  }
0x25: {  	[simem:s6], [sflag:s4] =	dma.local [hbm:s3], $0xF7A  }
0x26: {  	[smem:$0x3F87] =	sst s1;
	(tag) =	ssettag s2;
	_ =	strace s9  }
0x27: {  	s1 =	sld [smem:$0x3F97]  }
0x28: {  	s2 =	sld [smem:$0x3F98]  }
0x29: {  	s4 =	sld [smem:$0x3F9A]  }
0x2a: {  	p0 =	seq.s32 s5, $0x0;
	s5 =	sld [smem:$0x3F9B]  }
0x2b: {  	s6 =	sld [smem:$0x3F9C]  }
0x2c: {  	s7 =	sld [smem:$0x3F9D]  }
0x2d: {  	s3 =	simm.s32 $0x108;
	s8 =	sld [smem:$0x3F9E]  }
0x2e: {  	s3 =	simm.s32 @!p0 $0x1082;
	s9 =	sld [smem:$0x3F9F]  }
0x2f: {  	lr =	sadd.s32 s0, s3;
	s0 =	sld [smem:$0x3F96]  }
0x30: {  	s3 =	sld [smem:$0x3F99]  }
0x31: {  	[smem:$0x3FA2] =	sst s10  }
0x32: {  	s10 =	sld [smem:$0x3FA0];
	_ =	sdelay $0x3  }
0x33: {  	p0 =	seq.s32 s10, $0x1;
	s10 =	sld [smem:$0x3FA2];
	_ =	sdelay $0x3  }
0x34: {  	[smem:$0x3FA2] =	sst s10  }
0x35: {  	s10 =	sld [smem:$0x3FA1];
	_ =	sdelay $0x3  }
0x36: {  	p1 =	seq.s32 s10, $0x1;
	s10 =	sld [smem:$0x3FA2];
	_ =	sdelay $0x3  }
0x37: {  	[smem:$0x3FA2] =	sst s10  }
0x38: {  	s10 =	sld [smem:$0x3FA3]  }
0x39: {  	_ = 	snop;
	(pc) =	sbr.ind lr, $3  }
0x3a: {  	_ = 	snop  }
0x3b: {  	_ = 	snop  }
0x3c: {  	p2 =	seq.s32 s10, $0x1;
	s10 =	sld [smem:$0x3FA2]  }
0x3d: {  	_ =	shalt  }
0x3e: {  	_ =	shalt  }
0x3f: {  	_ =	shalt  }
0x40: {  	_ =	shalt  }
0x41: {  	_ =	shalt  }
0x42: {  	_ =	shalt  }
0x43: {  	_ =	shalt  }
0x44: {  	_ =	shalt  }
0x45: {  	_ =	shalt  }
0x46: {  	_ =	shalt  }
0x47: {  	_ =	shalt  }
0x48: {  	_ =	shalt  }
0x49: {  	_ =	shalt  }
0x4a: {  	_ =	shalt  }
0x4b: {  	_ =	shalt  }
0x4c: {  	_ =	shalt  }
0x4d: {  	_ =	shalt  }
0x4e: {  	_ =	shalt  }
0x4f: {  	_ =	shalt  }
0x50: {  	_ =	shalt  }
0x51: {  	_ =	shalt  }
0x52: {  	_ =	shalt  }
0x53: {  	_ =	shalt  }
0x54: {  	_ =	shalt  }
0x55: {  	_ =	shalt  }
0x56: {  	_ =	shalt  }
0x57: {  	_ =	shalt  }
0x58: {  	_ =	shalt  }
0x59: {  	_ =	shalt  }
0x5a: {  	_ =	shalt  }
0x5b: {  	_ =	shalt  }
0x5c: {  	_ =	shalt  }
0x5d: {  	_ =	shalt  }
0x5e: {  	_ =	shalt  }
0x5f: {  	_ =	shalt  }
0x60: {  	_ =	shalt  }
0x61: {  	_ =	shalt  }
0x62: {  	_ =	shalt  }
0x63: {  	_ =	shalt  }
0x64: {  	_ =	shalt  }
0x65: {  	_ =	shalt  }
0x66: {  	_ =	shalt  }
0x67: {  	_ =	shalt  }
0x68: {  	_ =	shalt  }
0x69: {  	_ =	shalt  }
0x6a: {  	_ =	shalt  }
0x6b: {  	_ =	shalt  }
0x6c: {  	_ =	shalt  }
0x6d: {  	_ =	shalt  }
0x6e: {  	_ =	shalt  }
0x6f: {  	_ =	shalt  }
0x70: {  	_ =	shalt  }
0x71: {  	_ =	shalt  }
0x72: {  	_ =	shalt  }
0x73: {  	_ =	shalt  }
0x74: {  	_ =	shalt  }
0x75: {  	_ =	shalt  }
0x76: {  	_ =	shalt  }
0x77: {  	_ =	shalt  }
0x78: {  	_ =	shalt  }
0x79: {  	_ =	shalt  }
0x7a: {  	_ =	shalt  }
0x7b: {  	_ =	shalt  }
0x7c: {  	_ =	shalt  }
0x7d: {  	_ =	shalt  }
0x7e: {  	_ =	shalt  }
0x7f: {  	_ =	shalt  }
0x80: {  	_ =	shalt  }
0x81: {  	_ =	shalt  }
0x82: {  	_ =	shalt  }
0x83: {  	_ =	shalt  }
0x84: {  	_ =	shalt  }
0x85: {  	_ =	shalt  }
0x86: {  	_ =	shalt  }
0x87: {  	_ =	shalt  }
.Lfunc_end0:
.L_simem_size_0:
called_computation.8_lowered:
.L_overlay_start_0:
0x88: {  	s2 =	sld [smem:$0x3FD9]  }
0x89: {  	s3 =	sld [smem:$0x3FFE];
	_ =	sdelay $0x1  }
0x8a: {  	s1 =	srdreg.scid  }
0x8b: {  	s0 =	sand.u32 $0x1, s1  }
0x8c: {  	s17 =	sshll.u32 s0, $0xA;
	s2 =	sadd.s32 s3, s2  }
0x8d: {  	s2 =	sadd.s32 s2, s17  }
0x8e: {  	[smem:$0x3FAE] =	sst s2  }
0x8f: {  	_ = 	snop  }
0x90: {  	(tm) =	ssettm $0x1  }
0x91: {  	s18 =	sld [smem:$0x3FFB];
	_ =	sdelay $0x3  }
0x92: {  	_ =	strace s18  }
0x93: {  	s2 =	sld [smem:$0x3FFC];
	_ =	sdelay $0x3  }
0x94: {  	_ =	strace s2  }
0x95: {  	s2 =	sld [smem:$0x3FFD];
	_ =	sdelay $0x3  }
0x96: {  	_ =	strace s2  }
0x97: {  	_ =	strace $0x8FFFFFFF  }
0x98: {  	s19 =	sld [smem:$0x3FDB];
	_ =	sdelay $0x1  }
0x99: {  	s20 =	simm.s32 $_scs_section_size  }
0x9a: {  	s4 =	simm.s32 $_size__tile_overlayer_lowered;
	s5 =	simm.s32 $_tile_overlayer_lowered  }
0x9b: {  	s6 =	simm.s32 $0x1BFF;
	s21 =	sshll.u32 s5, $0x1;
	s3 =	sadd.s32 s20, s19  }
0x9c: {  	s22 =	simm.s32 $0x0;
	s4 =	sshll.u32 s4, $0x1;
	s5 =	sadd.s32 s21, s3  }
0x9d: {  	[timem:s22], [sflag:s6] =	dma.local [hbm:s5], s4  }
0x9e: {  	_ =	swait.ge [sflag:s6], s4  }
0x9f: {  	s4 =	ssub.s32 $0x0, s4;
	[sflag:s6] =	ssyncset.done $0x0  }
0xa0: {  	[sflag:s6] =	ssyncadd.s32 s4;
	_ =	sdelay $0x1  }
0xa1: {  	s23 =	simm.s32 $0x1B8B  }
0xa2: {  	_ =	swait.ge [sflag:s23], $0x1  }
0xa3: {  	[sflag:s23] =	ssyncset.done $0x0  }
0xa4: {  	[sflag:s23] =	ssyncadd.s32 $0xFFFFFFFF  }
0xa5: {  	s4 =	sld [smem:$0x0]  }
0xa6: {  	s5 =	sand.u32 $0xFFFFFFFE, s1  }
0xa7: {  	p0 =	sne.s32 s1, s5  }
0xa8: {  	s5 =	sshll.u32 @p0 s5, $0xE  }
0xa9: {  	s5 =	sadd.s32 @p0 $0x11B8D, s5;
	s6 =	sshll.u32 @p0 s4, $0x11  }
0xaa: {  	s5 =	sor.u32 @p0 s6, s5  }
0xab: {  	[sflag:s5] =	ssyncadd.remote.s32 @p0 $0x1;
	_ =	sdelay $0x1  }
0xac: {  	s5 =	simm.s32 @p0 $0x1B8D  }
0xad: {  	_ =	swait.eq @p0 [sflag:s5], $0x1  }
0xae: {  	[sflag:s5] =	ssyncadd.s32 @p0 $0xFFFFFFFF  }
0xaf: {  	s6 =	sshll.u32 @!p0 s1, $0xE  }
0xb0: {  	s6 =	sor.u32 @!p0 $0x4000, s6;
	s5 =	simm.s32 @!p0 $0x1B8D  }
0xb1: {  	s4 =	sshll.u32 @!p0 s4, $0x11;
	s6 =	sadd.s32 @!p0 $0x11B8D, s6;
	_ =	swait.eq @!p0 [sflag:s5], $0x1  }
0xb2: {  	s4 =	sor.u32 @!p0 s4, s6;
	[sflag:s5] =	ssyncadd.s32 @!p0 $0xFFFFFFFF  }
0xb3: {  	s25 =	simm.s32 $0x1B8E;
	s24 =	sld [smem:$0x3FFE];
	[sflag:s4] =	ssyncadd.remote.s32 @!p0 $0x1  }
0xb4: {  	s26 =	simm.s32 $execute0_lowered;
	[smem:$0x3FD2] =	sst s25  }
0xb5: {  	s5 =	sshll.u32 s26, $0x1;
	_ =	strace $0x80000061;
	[dreg:$0x1] =	wrdreg $0xFFFFFFFF  }
0xb6: {  	s28 =	simm.s32 $_size_execute0_lowered;
	s3 =	sadd.s32 s3, s5;
	[dreg:$0x0] =	wrdreg $0x0  }
0xb7: {  	s5 =	sshll.u32 s28, $0x1;
	[dreg:$0x2] =	wrdreg s3  }
0xb8: {  	[dreg:$0x3] =	wrdreg s5  }
0xb9: {  	[dreg:$0x4] =	wrdreg $0xC0  }
0xba: {  	_ =	task [dreg:s22], $0x5FFFF  }
0xbb: {  	[dreg:$0x1] =	wrdreg $0xFFFFFFFF  }
0xbc: {  	[dreg:$0x0] =	wrdreg $0x60  }
0xbd: {  	[dreg:$0x2] =	wrdreg s24  }
0xbe: {  	[dreg:$0x3] =	wrdreg $0x66000  }
0xbf: {  	[dreg:$0x4] =	wrdreg $0xA  }
0xc0: {  	_ =	task.clear_ibuf [dreg:s22], $0x5FFFF;
	_ =	strace $0x90000061  }
0xc1: {  	s29 =	simm.s32 $0xA;
	_ =	strace $0x80000063  }
0xc2: {  	_ =	swait.ge [sflag:s29], $0x1  }
0xc3: {  	[sflag:s29] =	ssyncadd.s32 $0xFFFFFFFF  }
0xc4: {  	_ =	strace $0x90000063  }
0xc5: {  	_ =	sfence  }
0xc6: {  	s30 =	sld [smem:$0x0];
	_ =	sdelay $0x2  }
0xc7: {  	s31 =	sshll.u32 s1, $0xD;
	s1 =	sshrl.u32 s1, $0x2  }
0xc8: {  	s4 =	sand.u32 $0x4000, s31;
	s1 =	sadd.s32 s1, s30  }
0xc9: {  	s0 =	sor.u32 s4, s0;
	s1 =	sshll.u32 s1, $0x11  }
0xca: {  	s0 =	sor.u32 s1, s0  }
0xcb: {  	s0 =	sadd.s32 $0x8F2B, s0  }
0xcc: {  	[sflag:s0] =	ssyncadd.remote.s32 $0x1  }
0xcd: {  	_ =	sfence.sel $0xFFFF  }
0xce: {  	[dreg:$0x0] =	wrdreg $0xFFFFFFFF;
	(pc) =	sbr.abs _section_cstart, $3  }
0xcf: {  	[dreg:$0x1] =	wrdreg $0xFFFFFFFF  }
0xd0: {  	_ =	task.clear_ibuf [dreg:s22], $0x2FFFF;
	_ =	strace $0x9FFFFFFF  }
0xd1: {  	(tm) =	ssettm $0x7FFFFFFF  }
tec
execute0_lowered:
.L_overlay_start_1:
0x0: {  	(tag) =	ssettag $0x1  }
0x1: {  	s4 =	rddreg [dreg:$0x0]  }
0x2: {  	s2 =	rddreg [dreg:$0x1];
	s1 =	stileid.u32  }
0x3: {  	s0 =	rddreg [dreg:$0x2];
	s3 =	simm.s32 $0x0;
	s5 =	smul.u32 $0x4E200, s1  }
0x4: {  	s6 =	srdreg.scid;
	s15 =	simm.s32 $0x1;
	s18 =	smul.u32 $0x2780, s1  }
0x5: {  	s16 =	simm.s32 $0xC8;
	s17 =	simm.s32 $0x3;
	s23 =	smul.u32 $0x4F000, s1  }
0x6: {  	[smem:$0x7FF] =	sst s3;
	s6 =	sand.u32 $0x1, s6;
	s12 =	smul.u32 $0x4E20, s1  }
0x7: {  	s9 =	sadd.s32 $0x7A00, s4;
	s25 =	sshll.u32 s1, $0x6;
	s7 =	smul.u32 $0x27800, s6  }
0x8: {  	_ =	strace $0x80000062;
	s24 =	ssub.s32 $0x2, s6;
	s14 =	smul.u32 $0x2710, s6  }
0x9: {  	s26 =	smul.u32 $0x27100, s6;
	s8 =	sadd.s32 s5, s4;
	s10 =	sadd.s32 s18, s4  }
0xa: {  	s11 =	sshrl.u32 s24, $0x1;
	s5 =	sshrl.u32 s23, $0x2;
	s7 =	sadd.s32 s7, s4  }
0xb: {  	s11 =	ssub.s32 s24, s11;
	s13 =	sadd.s32 s5, s2;
	s4 =	sadd.s32 $0x2F800, s10  }
0xc: {  	s5 =	sor.u32 $0x1C04, s25;
	s12 =	sadd.s32 s14, s12;
	s28 =	sadd.s32 s26, s8  }
0xd: {  	s14 =	simm.s32 $0x2;
	s19 =	sadd.s32 $0xAB9000, s7;
	s6 =	smax.u32 s11, $0x1  }
0xe: {  	s29 =	sadd.s32 $0xC8, s12;
	s7 =	sadd.s32 $0x101B000, s28;
	s30 =	sshrl.u32 s12, $0x3  }
0xf: {  	s10 =	sshrl.u32 s13, $0x3;
	s11 =	simm.s32 $0x4;
	s12 =	simm.s32 $0x6400  }
0x10: {  	s13 =	simm.s32 $0x6500;
	s31 =	sshrl.u32 s29, $0x3;
	s8 =	sadd.s32 s30, s9  }
0x11: {  	s18 =	sadd.s32 s18, s19;
	s19 =	simm.s32 $0x0;
	s9 =	sadd.s32 s31, s9  }
.LBB2_1:
0x12: {  	[spmem:s10], [sflag:s5] =	dma.local [hbm:s4], $0x2780  }
0x13: {  	_ =	swait.ge [sflag:s11], $0x2780  }
0x14: {  	[sflag:s11] =	ssyncset.done $0x0  }
0x15: {  	[sflag:s11] =	ssyncadd.s32 $0xFFFFD880  }
0x16: {  	s20 =	sadd.s32 $0x0, s8;
	[bflag:$0x0] =	sbarrier.arrive $0xFFFF  }
0x17: {  	[tilespmem:s12], [sflag:$0x2] =	stream.linear.gather [hbm4b:s20+s3], $0xC8, $0x38;
	[tilespmem:$0x1A200] =	vst v63  }
0x18: {  	s30 =	sadd.s32 $0x0, s9  }
0x19: {  	[tilespmem:s13], [sflag:$0x3] =	stream.linear.gather [hbm4b:s30+s3], $0xC8, $0x38;
	[tilespmem:$0x1A200] =	vst v63  }
0x1a: {  	_ = 	snop  }
0x1b: {  	[tilespmem:s3], [sflag:$0x1] =	stream.linear.gather [hbm4b:s7+s3], $0x6400, $0x38;
	[tilespmem:$0x1A200] =	vst v63  }
0x1c: {  	_ =	swait.ge [sflag:s14], $0xC8  }
0x1d: {  	[sflag:s14] =	ssyncset.done $0x0  }
0x1e: {  	[sflag:s14] =	ssyncadd.s32 $0xFFFFFF38  }
0x1f: {  	_ =	swait.ge [sflag:s15], $0x6400  }
0x20: {  	[sflag:s15] =	ssyncset.done $0x0  }
0x21: {  	[sflag:s15] =	ssyncadd.s32 $0xFFFF9C00  }
0x22: {  	[spmem:s2] =	stream.indirect.scatter.add.f32 [tilespmem:s3], [sflag:$0x4], $0x80, s12, s16, $0xb8;
	[tilespmem:$0x1A200] =	vst v63  }
0x23: {  	_ =	swait.ge [sflag:s11], $0x6400  }
0x24: {  	[sflag:s11] =	ssyncset.done $0x0  }
0x25: {  	s31 =	sadd.s32 $0xC80, s7;
	[sflag:s11] =	ssyncadd.s32 $0xFFFF9C00  }
0x26: {  	[tilespmem:s3], [sflag:$0x1] =	stream.linear.gather [hbm4b:s31+s3], $0x6400, $0x38;
	[tilespmem:$0x1A200] =	vst v63  }
0x27: {  	_ =	swait.ge [sflag:s17], $0xC8  }
0x28: {  	[sflag:s17] =	ssyncset.done $0x0  }
0x29: {  	[sflag:s17] =	ssyncadd.s32 $0xFFFFFF38  }
0x2a: {  	_ =	swait.ge [sflag:s15], $0x6400  }
0x2b: {  	[sflag:s15] =	ssyncset.done $0x0  }
0x2c: {  	[sflag:s15] =	ssyncadd.s32 $0xFFFF9C00  }
0x2d: {  	[spmem:s2] =	stream.indirect.scatter.add.f32 [tilespmem:s3], [sflag:$0x4], $0x80, s13, s16, $0xb8;
	[tilespmem:$0x1A200] =	vst v63  }
0x2e: {  	s21 =	simm.s32 $0x32;
	_ =	swait.ge [sflag:s11], $0x6400  }
0x2f: {  	s22 =	simm.s32 $0x64;
	s20 =	sadd.s32 $0x1900, s7;
	[sflag:s11] =	ssyncset.done $0x0  }
.LBB2_2:
0x30: {  	s23 =	sadd.s32 s21, s8  }
0x31: {  	[sflag:s11] =	ssyncadd.s32 $0xFFFF9C00;
	s24 =	smov.u32 s22;
	s25 =	sadd.s32 $0x32, s22  }
0x32: {  	[tilespmem:s12], [sflag:$0x2] =	stream.linear.gather [hbm4b:s23+s3], $0xC8, $0x38;
	[tilespmem:$0x1A200] =	vst v63  }
0x33: {  	p0 =	sne.s32 s22, $0x4B0;
	s22 =	sadd.s32 s21, s9;
	s21 =	smov.u32 s24  }
0x34: {  	[tilespmem:s13], [sflag:$0x3] =	stream.linear.gather [hbm4b:s22+s3], $0xC8, $0x38;
	[tilespmem:$0x1A200] =	vst v63  }
0x35: {  	_ = 	snop  }
0x36: {  	[tilespmem:s3], [sflag:$0x1] =	stream.linear.gather [hbm4b:s20+s3], $0x6400, $0x38;
	[tilespmem:$0x1A200] =	vst v63  }
0x37: {  	_ =	swait.ge [sflag:s14], $0xC8  }
0x38: {  	[sflag:s14] =	ssyncset.done $0x0  }
0x39: {  	[sflag:s14] =	ssyncadd.s32 $0xFFFFFF38  }
0x3a: {  	_ =	swait.ge [sflag:s15], $0x6400  }
0x3b: {  	[sflag:s15] =	ssyncset.done $0x0  }
0x3c: {  	[sflag:s15] =	ssyncadd.s32 $0xFFFF9C00  }
0x3d: {  	[spmem:s2] =	stream.indirect.scatter.add.f32 [tilespmem:s3], [sflag:$0x4], $0x80, s12, s16, $0xb8;
	[tilespmem:$0x1A200] =	vst v63  }
0x3e: {  	_ =	swait.ge [sflag:s11], $0x6400  }
0x3f: {  	[sflag:s11] =	ssyncset.done $0x0  }
0x40: {  	s22 =	sadd.s32 $0xC80, s20;
	[sflag:s11] =	ssyncadd.s32 $0xFFFF9C00  }
0x41: {  	[tilespmem:s3], [sflag:$0x1] =	stream.linear.gather [hbm4b:s22+s3], $0x6400, $0x38;
	[tilespmem:$0x1A200] =	vst v63  }
0x42: {  	_ =	swait.ge [sflag:s17], $0xC8  }
0x43: {  	[sflag:s17] =	ssyncset.done $0x0  }
0x44: {  	[sflag:s17] =	ssyncadd.s32 $0xFFFFFF38  }
0x45: {  	_ =	swait.ge [sflag:s15], $0x6400  }
.Ltmp0:
0x46: {  	[sflag:s15] =	ssyncset.done $0x0;
	(pc) =	sbr.rel @p0 .LBB2_2-.Ltmp0, $4  }
0x47: {  	[sflag:s15] =	ssyncadd.s32 $0xFFFF9C00  }
0x48: {  	[spmem:s2] =	stream.indirect.scatter.add.f32 [tilespmem:s3], [sflag:$0x4], $0x80, s13, s16, $0xb8;
	[tilespmem:$0x1A200] =	vst v63  }
0x49: {  	_ =	swait.ge [sflag:s11], $0x6400  }
0x4a: {  	s20 =	sadd.s32 $0x1900, s20;
	s22 =	smov.u32 s25;
	[sflag:s11] =	ssyncset.done $0x0  }
0x4b: {  	s22 =	sadd.s32 s21, s8;
	[sflag:s11] =	ssyncadd.s32 $0xFFFF9C00  }
0x4c: {  	[tilespmem:s12], [sflag:$0x2] =	stream.linear.gather [hbm4b:s22+s3], $0xC8, $0x38;
	[tilespmem:$0x1A200] =	vst v63  }
0x4d: {  	s30 =	sadd.s32 s21, s9  }
0x4e: {  	[tilespmem:s13], [sflag:$0x3] =	stream.linear.gather [hbm4b:s30+s3], $0xC8, $0x38;
	[tilespmem:$0x1A200] =	vst v63  }
0x4f: {  	_ = 	snop  }
0x50: {  	[tilespmem:s3], [sflag:$0x1] =	stream.linear.gather [hbm4b:s20+s3], $0x6400, $0x38;
	[tilespmem:$0x1A200] =	vst v63  }
0x51: {  	_ =	swait.ge [sflag:s14], $0xC8  }
0x52: {  	[sflag:s14] =	ssyncset.done $0x0  }
0x53: {  	[sflag:s14] =	ssyncadd.s32 $0xFFFFFF38  }
0x54: {  	_ =	swait.ge [sflag:s15], $0x6400  }
0x55: {  	[sflag:s15] =	ssyncset.done $0x0  }
0x56: {  	[sflag:s15] =	ssyncadd.s32 $0xFFFF9C00  }
0x57: {  	[spmem:s2] =	stream.indirect.scatter.add.f32 [tilespmem:s3], [sflag:$0x4], $0x80, s12, s16, $0xb8;
	[tilespmem:$0x1A200] =	vst v63  }
0x58: {  	_ =	swait.ge [sflag:s11], $0x6400  }
0x59: {  	[sflag:s11] =	ssyncset.done $0x0  }
0x5a: {  	s31 =	sadd.s32 $0xC80, s20;
	[sflag:s11] =	ssyncadd.s32 $0xFFFF9C00  }
0x5b: {  	[tilespmem:s3], [sflag:$0x1] =	stream.linear.gather [hbm4b:s31+s3], $0x6400, $0x38;
	[tilespmem:$0x1A200] =	vst v63  }
0x5c: {  	_ =	swait.ge [sflag:s17], $0xC8  }
0x5d: {  	[sflag:s17] =	ssyncset.done $0x0  }
0x5e: {  	[sflag:s17] =	ssyncadd.s32 $0xFFFFFF38  }
0x5f: {  	_ =	swait.ge [sflag:s15], $0x6400  }
0x60: {  	[sflag:s15] =	ssyncset.done $0x0  }
0x61: {  	[sflag:s15] =	ssyncadd.s32 $0xFFFF9C00  }
0x62: {  	[spmem:s2] =	stream.indirect.scatter.add.f32 [tilespmem:s3], [sflag:$0x4], $0x80, s13, s16, $0xb8;
	[tilespmem:$0x1A200] =	vst v63  }
0x63: {  	_ =	swait.ge [sflag:s11], $0x6400  }
0x64: {  	s19 =	sadd.s32 $0x1, s19;
	[sflag:s11] =	ssyncset.done $0x0  }
0x65: {  	p0 =	sne.s32 s19, s6;
	[sflag:s11] =	ssyncadd.s32 $0xFFFF9C00  }
.Ltmp1:
0x66: {  	[bflag:$0x0] =	sbarrier.arrive $0xFFFF;
	(pc) =	sbr.rel @p0 .LBB2_1-.Ltmp1, $4  }
0x67: {  	[hbm:s18], [sflag:s5] =	dma.local [spmem:s10], $0x2780  }
0x68: {  	_ =	swait.ge [sflag:s11], $0x2780  }
0x69: {  	[sflag:s11] =	ssyncset.done $0x0  }
0x6a: {  	[sflag:s11] =	ssyncadd.s32 $0xFFFFD880  }
0x6b: {  	_ =	sfence.sel $0x180000  }
0x6c: {  	[bflag:$0x0] =	sbarrier.arrive $0xFFFF  }
0x6d: {  	p0 =	sne.s32 s1, $0x0;
	_ =	strace $0x90000062  }
0x6e: {  	s0 =	sadd.s32 @!p0 $0x100000, s0;
	[bflag:$0x2] =	sbarrier.arrive $0xFFFF  }
0x6f: {  	[sflag:s0] =	ssyncadd.tile.s32 @!p0 $0x1;
	_ =	shalt  }
.Lfunc_end2:
_tile_overlayer_lowered:
.L_overlay_start_2:
0x70: {  	(tag) =	ssettag $0x2  }
0x71: {  	s0 =	rddreg [dreg:$0x0];
	s2 =	stileid.u32  }
0x72: {  	s1 =	rddreg [dreg:$0x1];
	p0 =	sne.s32 s2, $0x0  }
0x73: {  	s3 =	rddreg [dreg:$0x2];
	[bflag:$0x3] =	sbarrier.arrive $0xFFFF;
	s2 =	simm.s32 @!p0 $0x1C04  }
0x74: {  	[timem:s3], [sflag:s2] =	dma.local @!p0 [hbm:s0], s1  }
0x75: {  	s0 =	simm.s32 @!p0 $0x4  }
0x76: {  	_ =	swait.ge @!p0 [sflag:s0], s1  }
0x77: {  	s1 =	ssub.s32 @!p0 $0x0, s1;
	[sflag:s0] =	ssyncset.done @!p0 $0x0  }
0x78: {  	[sflag:s0] =	ssyncadd.s32 @!p0 s1  }
0x79: {  	[bflag:$0x3] =	sbarrier.arrive $0xFFFF  }
0x7a: {  	_ =	shalt  }

// kernel: scatter_offload_async_start.1
scs
__scs_entry_jumppad:
0x0: {  	(pc) =	sbr.rel $0x88, $3  }
0x1: {  	(tag) =	ssettag $0x0;
	lr =	simm.s32 $0x1  }
0x2: {  	[smem:$0x3F87] =	sst lr;
	_ =	strace $0xD0000000  }
0x3: {  	_ = 	snop  }
0x4: {  	_ = 	snop  }
0x5: {  	_ = 	snop  }
0x6: {  	_ = 	snop  }
0x7: {  	_ = 	snop  }
__scs_overlays_trampoline_lowered:
0x8: {  	[smem:$0x3F96] =	sst s0  }
0x9: {  	[smem:$0x3F97] =	sst s1  }
0xa: {  	[smem:$0x3F98] =	sst s2  }
0xb: {  	[smem:$0x3F99] =	sst s3  }
0xc: {  	[smem:$0x3F9A] =	sst s4  }
0xd: {  	[smem:$0x3F9B] =	sst s5  }
0xe: {  	[smem:$0x3F9C] =	sst s6  }
0xf: {  	[smem:$0x3F9D] =	sst s7  }
0x10: {  	[smem:$0x3F9E] =	sst s8  }
0x11: {  	[smem:$0x3F9F] =	sst s9;
	s0 =	simm.s32 @!p0 $0x0  }
0x12: {  	s1 =	sld [smem:$0x3F85];
	s0 =	simm.s32 @p0 $0x1  }
0x13: {  	[smem:$0x3FA0] =	sst s0;
	s0 =	simm.s32 @!p1 $0x0  }
0x14: {  	s2 =	sld [smem:$0x3F84];
	s0 =	simm.s32 @p1 $0x1  }
0x15: {  	[smem:$0x3FA1] =	sst s0;
	s0 =	simm.s32 @!p2 $0x0  }
0x16: {  	s3 =	sld [smem:$0x3FDB];
	s0 =	simm.s32 @p2 $0x1  }
0x17: {  	s4 =	simm.s32 $0x1BF5;
	[smem:$0x3FA3] =	sst s0  }
0x18: {  	s0 =	sld [smem:$0x3F86];
	_ =	swait.ge [sflag:s4], $0x0  }
0x19: {  	s7 =	sld [smem:$0x3F87]  }
0x1a: {  	s8 =	sadd.s32 $0xFFFFE003, lr  }
0x1b: {  	s9 =	sadd.s32 $0xFFFFFEF7, lr;
	s5 =	simm.s32 $0xFFFFFFFF;
	p2 =	slt.u32 s8, $0xFFFFF086  }
0x1c: {  	p1 =	slt.u32 s9, $0xF7A;
	s5 =	simm.s32 @!p2 $0x0  }
0x1d: {  	s5 =	simm.s32 @p1 $0x1;
	p0 =	seq.s32 s7, s2  }
0x1e: {  	s7 =	smul.u32 @!p0 $0xF7A, s2;
	p2 =	seq.s32 @!p0 s5, $0x0  }
0x1f: {  	s9 =	smul.u32 $0xF7A, s1;
	s8 =	simm.s32 @!p0 $0x1BF5;
	p2 =	por !p2, p0  }
0x20: {  	[sflag:s8] =	ssyncset.s32 @!p0 $0xFFFFF086;
	s6 =	sadd.s32 @!p0 s3, s7;
	s7 =	simm.s32 @!p0 $0x108  }
0x21: {  	s3 =	sadd.s32 s3, s9;
	s6 =	sadd.s32 @!p0 $0x88, s6;
	s7 =	simm.s32 @p2 $0x1082  }
0x22: {  	[simem:s7], [sflag:s8] =	dma.local @!p0 [hbm:s6], $0xF7A  }
0x23: {  	s9 =	sor.u32 $0xD0000000, s2;
	s6 =	simm.s32 $0x108;
	_ =	swait.ge @!p0 [sflag:s8], $0x0  }
0x24: {  	s3 =	sadd.s32 $0x88, s3;
	s6 =	simm.s32 @!p1 $0x1082;
	[sflag:s4] =	ssyncset.s32 $0xFFFFF086  }
0x25: {  	[simem:s6], [sflag:s4] =	dma.local [hbm:s3], $0xF7A  }
0x26: {  	[smem:$0x3F87] =	sst s1;
	(tag) =	ssettag s2;
	_ =	strace s9  }
0x27: {  	s1 =	sld [smem:$0x3F97]  }
0x28: {  	s2 =	sld [smem:$0x3F98]  }
0x29: {  	s4 =	sld [smem:$0x3F9A]  }
0x2a: {  	p0 =	seq.s32 s5, $0x0;
	s5 =	sld [smem:$0x3F9B]  }
0x2b: {  	s6 =	sld [smem:$0x3F9C]  }
0x2c: {  	s7 =	sld [smem:$0x3F9D]  }
0x2d: {  	s3 =	simm.s32 $0x108;
	s8 =	sld [smem:$0x3F9E]  }
0x2e: {  	s3 =	simm.s32 @!p0 $0x1082;
	s9 =	sld [smem:$0x3F9F]  }
0x2f: {  	lr =	sadd.s32 s0, s3;
	s0 =	sld [smem:$0x3F96]  }
0x30: {  	s3 =	sld [smem:$0x3F99]  }
0x31: {  	[smem:$0x3FA2] =	sst s10  }
0x32: {  	s10 =	sld [smem:$0x3FA0];
	_ =	sdelay $0x3  }
0x33: {  	p0 =	seq.s32 s10, $0x1;
	s10 =	sld [smem:$0x3FA2];
	_ =	sdelay $0x3  }
0x34: {  	[smem:$0x3FA2] =	sst s10  }
0x35: {  	s10 =	sld [smem:$0x3FA1];
	_ =	sdelay $0x3  }
0x36: {  	p1 =	seq.s32 s10, $0x1;
	s10 =	sld [smem:$0x3FA2];
	_ =	sdelay $0x3  }
0x37: {  	[smem:$0x3FA2] =	sst s10  }
0x38: {  	s10 =	sld [smem:$0x3FA3]  }
0x39: {  	_ = 	snop;
	(pc) =	sbr.ind lr, $3  }
0x3a: {  	_ = 	snop  }
0x3b: {  	_ = 	snop  }
0x3c: {  	p2 =	seq.s32 s10, $0x1;
	s10 =	sld [smem:$0x3FA2]  }
0x3d: {  	_ =	shalt  }
0x3e: {  	_ =	shalt  }
0x3f: {  	_ =	shalt  }
0x40: {  	_ =	shalt  }
0x41: {  	_ =	shalt  }
0x42: {  	_ =	shalt  }
0x43: {  	_ =	shalt  }
0x44: {  	_ =	shalt  }
0x45: {  	_ =	shalt  }
0x46: {  	_ =	shalt  }
0x47: {  	_ =	shalt  }
0x48: {  	_ =	shalt  }
0x49: {  	_ =	shalt  }
0x4a: {  	_ =	shalt  }
0x4b: {  	_ =	shalt  }
0x4c: {  	_ =	shalt  }
0x4d: {  	_ =	shalt  }
0x4e: {  	_ =	shalt  }
0x4f: {  	_ =	shalt  }
0x50: {  	_ =	shalt  }
0x51: {  	_ =	shalt  }
0x52: {  	_ =	shalt  }
0x53: {  	_ =	shalt  }
0x54: {  	_ =	shalt  }
0x55: {  	_ =	shalt  }
0x56: {  	_ =	shalt  }
0x57: {  	_ =	shalt  }
0x58: {  	_ =	shalt  }
0x59: {  	_ =	shalt  }
0x5a: {  	_ =	shalt  }
0x5b: {  	_ =	shalt  }
0x5c: {  	_ =	shalt  }
0x5d: {  	_ =	shalt  }
0x5e: {  	_ =	shalt  }
0x5f: {  	_ =	shalt  }
0x60: {  	_ =	shalt  }
0x61: {  	_ =	shalt  }
0x62: {  	_ =	shalt  }
0x63: {  	_ =	shalt  }
0x64: {  	_ =	shalt  }
0x65: {  	_ =	shalt  }
0x66: {  	_ =	shalt  }
0x67: {  	_ =	shalt  }
0x68: {  	_ =	shalt  }
0x69: {  	_ =	shalt  }
0x6a: {  	_ =	shalt  }
0x6b: {  	_ =	shalt  }
0x6c: {  	_ =	shalt  }
0x6d: {  	_ =	shalt  }
0x6e: {  	_ =	shalt  }
0x6f: {  	_ =	shalt  }
0x70: {  	_ =	shalt  }
0x71: {  	_ =	shalt  }
0x72: {  	_ =	shalt  }
0x73: {  	_ =	shalt  }
0x74: {  	_ =	shalt  }
0x75: {  	_ =	shalt  }
0x76: {  	_ =	shalt  }
0x77: {  	_ =	shalt  }
0x78: {  	_ =	shalt  }
0x79: {  	_ =	shalt  }
0x7a: {  	_ =	shalt  }
0x7b: {  	_ =	shalt  }
0x7c: {  	_ =	shalt  }
0x7d: {  	_ =	shalt  }
0x7e: {  	_ =	shalt  }
0x7f: {  	_ =	shalt  }
0x80: {  	_ =	shalt  }
0x81: {  	_ =	shalt  }
0x82: {  	_ =	shalt  }
0x83: {  	_ =	shalt  }
0x84: {  	_ =	shalt  }
0x85: {  	_ =	shalt  }
0x86: {  	_ =	shalt  }
0x87: {  	_ =	shalt  }
.Lfunc_end0:
.L_simem_size_0:
called_computation.1_lowered:
.L_overlay_start_0:
0x88: {  	s0 =	sld [smem:$0x3FD9]  }
0x89: {  	s1 =	sld [smem:$0x3FFE];
	_ =	sdelay $0x3  }
0x8a: {  	s0 =	sadd.s32 s1, s0  }
0x8b: {  	[smem:$0x3FAE] =	sst s0  }
0x8c: {  	_ = 	snop  }
0x8d: {  	(tm) =	ssettm $0x1  }
0x8e: {  	s15 =	sld [smem:$0x3FFB];
	_ =	sdelay $0x3  }
0x8f: {  	_ =	strace s15  }
0x90: {  	s0 =	sld [smem:$0x3FFC];
	_ =	sdelay $0x3  }
0x91: {  	_ =	strace s0  }
0x92: {  	s0 =	sld [smem:$0x3FFD];
	_ =	sdelay $0x3  }
0x93: {  	_ =	strace s0  }
0x94: {  	_ =	strace $0x8FFFFFFF  }
0x95: {  	s16 =	sld [smem:$0x3FDB];
	_ =	sdelay $0x1  }
0x96: {  	s17 =	simm.s32 $_scs_section_size  }
0x97: {  	s2 =	simm.s32 $_size__tile_overlayer_lowered;
	s3 =	simm.s32 $_tile_overlayer_lowered  }
0x98: {  	s20 =	simm.s32 $0x1BFF;
	s19 =	sshll.u32 s3, $0x1;
	s0 =	sadd.s32 s17, s16  }
0x99: {  	s4 =	simm.s32 $0x0;
	s18 =	sshll.u32 s2, $0x1;
	s2 =	sadd.s32 s19, s0  }
0x9a: {  	[timem:s4], [sflag:s20] =	dma.local [hbm:s2], s18  }
0x9b: {  	_ =	swait.ge [sflag:s20], s18  }
0x9c: {  	s1 =	ssub.s32 $0x0, s18;
	[sflag:s20] =	ssyncset.done $0x0  }
0x9d: {  	[sflag:s20] =	ssyncadd.s32 s1;
	_ =	sdelay $0x1  }
0x9e: {  	s21 =	simm.s32 $0x1B8B  }
0x9f: {  	_ =	swait.ge [sflag:s21], $0x1  }
0xa0: {  	[sflag:s21] =	ssyncset.done $0x0  }
0xa1: {  	s23 =	simm.s32 $0x1B8E;
	s22 =	sld [smem:$0x3FFE];
	[sflag:s21] =	ssyncadd.s32 $0xFFFFFFFF  }
0xa2: {  	s24 =	simm.s32 $execute0_lowered;
	[smem:$0x3FD2] =	sst s23  }
0xa3: {  	s2 =	sshll.u32 s24, $0x1;
	_ =	strace $0x8000004F;
	[dreg:$0x1] =	wrdreg $0xFFFFFFFF  }
0xa4: {  	s25 =	simm.s32 $_size_execute0_lowered;
	s0 =	sadd.s32 s0, s2;
	[dreg:$0x0] =	wrdreg $0x0  }
0xa5: {  	s2 =	sshll.u32 s25, $0x1;
	[dreg:$0x2] =	wrdreg s0  }
0xa6: {  	[dreg:$0x3] =	wrdreg s2  }
0xa7: {  	[dreg:$0x4] =	wrdreg $0xC0  }
0xa8: {  	_ =	task [dreg:s4], $0x5FFFF  }
0xa9: {  	[dreg:$0x1] =	wrdreg $0xFFFFFFFF  }
0xaa: {  	[dreg:$0x0] =	wrdreg $0x60  }
0xab: {  	[dreg:$0x2] =	wrdreg s22  }
0xac: {  	[dreg:$0x3] =	wrdreg $0x9  }
0xad: {  	_ =	task.clear_ibuf [dreg:s4], $0x4FFFF;
	_ =	strace $0x9000004F  }
0xae: {  	s26 =	simm.s32 $0x9;
	_ =	strace $0x80000051  }
0xaf: {  	_ =	swait.ge [sflag:s26], $0x1  }
0xb0: {  	[sflag:s26] =	ssyncadd.s32 $0xFFFFFFFF  }
0xb1: {  	_ =	strace $0x90000051  }
0xb2: {  	_ =	sfence  }
0xb3: {  	s28 =	sld [smem:$0x0];
	_ =	sdelay $0x1  }
0xb4: {  	s29 =	srdreg.scid  }
0xb5: {  	s30 =	sshll.u32 s29, $0xD;
	s31 =	sshrl.u32 s29, $0x2  }
0xb6: {  	s1 =	sand.u32 $0x1, s29;
	s2 =	sand.u32 $0x4000, s30;
	s0 =	sadd.s32 s31, s28  }
0xb7: {  	s1 =	sor.u32 s2, s1;
	s0 =	sshll.u32 s0, $0x11  }
0xb8: {  	s0 =	sor.u32 s0, s1  }
0xb9: {  	s0 =	sadd.s32 $0x8F2B, s0  }
0xba: {  	[sflag:s0] =	ssyncadd.remote.s32 $0x1  }
0xbb: {  	_ =	sfence.sel $0xFFFF  }
0xbc: {  	[dreg:$0x0] =	wrdreg $0xFFFFFFFF;
	(pc) =	sbr.abs _section_cstart, $3  }
0xbd: {  	[dreg:$0x1] =	wrdreg $0xFFFFFFFF  }
0xbe: {  	_ =	task.clear_ibuf [dreg:s4], $0x2FFFF;
	_ =	strace $0x9FFFFFFF  }
0xbf: {  	(tm) =	ssettm $0x7FFFFFFF  }
tec
execute0_lowered:
.L_overlay_start_1:
0x0: {  	(tag) =	ssettag $0x1  }
0x1: {  	s0 =	rddreg [dreg:$0x0];
	_ =	strace $0x80000050;
	s15 =	stileid.u32  }
0x2: {  	s2 =	simm.s32 $0x1;
	s1 =	smin.u32 s15, $0x8;
	s3 =	sshll.u32 s15, $0x1  }
0x3: {  	v1 =	vimm.s32 $0xFFFFFFFF;
	[sflag:s2] =	ssyncpa.u1 $0x0;
	s1 =	sadd.s32 s1, s3  }
0x4: {  	p0 =	slt.u32 s15, $0x8;
	[tilespmem:$0x10] =	vst v1;
	s4 =	smul.u32 $0x1F40, s1;
	s1 =	simm.s32 $0x5DC0  }
0x5: {  	v0 =	vimm.f32 $0.0e+00;
	[tilespmem:$0x20] =	vst v1;
	s1 =	simm.s32 @!p0 $0x3E80  }
0x6: {  	[tilespmem:$0x30] =	vst v0;
	s1 =	sadd.s32 s1, s4  }
0x7: {  	[tilespmem:$0x40] =	vst v0;
	s5 =	smin.u32 s1, $0x4E200  }
0x8: {  	s7 =	simm.s32 $0x2;
	s8 =	simm.s32 $0x8;
	[tilespmem:$0x50] =	vst v0;
	s9 =	ssub.s32 s5, s4  }
0x9: {  	s31 =	simm.s32 $0x9;
	s16 =	simm.s32 $0x0;
	[tilespmem:$0x60] =	vst v1;
	p0 =	sgt.s32 s9, $0x0  }
0xa: {  	s17 =	simm.s32 $0xF0;
	s18 =	simm.s32 $0xFFFFFFFF;
	[tilespmem:$0x70] =	vst v1;
	s9 =	simm.s32 @!p0 $0x0  }
0xb: {  	s19 =	simm.s32 $0xFFFFC280;
	s20 =	simm.s32 $0xFFFFFFFE;
	[tilespmem:$0x80] =	vst v1;
	s30 =	smulhi.u32 $0x10624DD3, s9  }
0xc: {  	s21 =	simm.s32 $0xF;
	s25 =	simm.s32 $0x0;
	s24 =	simm.s32 $0x0;
	v1 =	vimm.s32 $0x0;
	[tilespmem:$0xB0] =	vst v0  }
0xd: {  	s6 =	sadd.s32 $0x1B600, s0;
	s15 =	sshllo.u32 s15, $0x1;
	[tilespmem:$0x90] =	vst v1;
	s10 =	sshrl.u32 s30, $0x9  }
0xe: {  	[tilespmem:$0xA0] =	vst v1;
	[sflag:s7] =	ssyncpa.u1 $0x0;
	s7 =	simm.s32 $0x7;
	s11 =	smul.u32 $0x1F40, s10  }
.Ltmp0:
0xf: {  	s13 =	sor.u32 $0x80, s3;
	[sflag:s7] =	ssyncpa.u1 $0x0;
	(pc) =	sbr.rel .LBB2_1-.Ltmp0, $4  }
0x10: {  	s14 =	sor.u32 $0x81, s3;
	[sflag:s8] =	ssyncpa.u1 $0x0;
	p0 =	sne.s32 s9, s11  }
0x11: {  	s23 =	smov.u32 s4;
	s1 =	sadd.s32 $0x2F200, s0;
	s2 =	simm.s32 @!p0 $0x0  }
0x12: {  	vm0 =	vmmov $0xffff;
	v2 =	vlaneseq.u32;
	[sflag:s31] =	ssyncpa.u1 $0x0;
	s9 =	sadd.s32 $0xA6A000, s0;
	s10 =	sadd.s32 s2, s10  }
0x13: {  	vm1 =	vmxor vm1, vm1;
	vm2 =	vmmov $0x1;
	vm3 =	vcmask $0x3F3C;
	p0 =	por $0x0, $0x0;
	s11 =	sadd.s32 $0x1, s10;
	s12 =	sadd.s32 $0x2, s10  }
.LBB2_9:
0x14: {  	p1 =	slt.u32 s24, $0x3  }
0x15: {  	s0 =	simm.s32 @!p1 $0x2  }
0x16: {  	_ =	swait.ge @!p1 [sflag:s0], $0x1F40  }
0x17: {  	[sflag:s0] =	ssyncset.done @!p1 $0x0  }
0x18: {  	[sflag:s0] =	ssyncadd.s32 @!p1 $0xFFFFE0C0;
	s0 =	simm.s32 @!p1 $0x9  }
0x19: {  	_ =	swait.ge @!p1 [sflag:s0], $0x10  }
0x1a: {  	[sflag:s0] =	ssyncset.done @!p1 $0x0  }
0x1b: {  	[sflag:s0] =	ssyncadd.s32 @!p1 $0xFFFFFFF0;
	p1 =	sne.s32 s24, s12  }
.Ltmp1:
0x1c: {  	s2 =	sadd.s32 $0x1F40, s23;
	(pc) =	sbr.rel @!p1 .LBB2_10-.Ltmp1, $4  }
0x1d: {  	s22 =	smov.u32 s4;
	s31 =	sadd.s32 $0x1, s24;
	s17 =	sadd.s32 $0x1F40, s17  }
0x1e: {  	s18 =	sadd.s32 $0x1, s18;
	s25 =	smov.u32 s23;
	p2 =	slt.s32 s2, s5  }
0x1f: {  	p0 =	por !p0, !p0;
	s19 =	sadd.s32 $0x1F40, s19;
	s22 =	smov.u32 @p2 s2  }
0x20: {  	s20 =	sadd.s32 $0x1, s20;
	s23 =	smov.u32 s22;
	s24 =	smov.u32 s31  }
.LBB2_1:
0x21: {  	p1 =	sge.u32 s24, s10  }
0x22: {  	s0 =	smulhi.u32 @!p1 $0xAAAAAAAB, s24;
	_ =	sdelay $0x1  }
0x23: {  	s0 =	sshrl.u32 @!p1 s0, $0x1  }
0x24: {  	s0 =	smul.u32 @!p1 $0x3, s0;
	_ =	sdelay $0x1  }
0x25: {  	s0 =	ssub.s32 @!p1 s24, s0  }
0x26: {  	s0 =	smul.u32 @!p1 $0x7D00, s0;
	_ =	sdelay $0x1  }
0x27: {  	s2 =	sshrl.u32 @!p1 s23, $0x3;
	s0 =	sshrl.u32 @!p1 s0, $0x2  }
0x28: {  	s22 =	sand.u32 @!p1 $0x7, s23;
	s2 =	sadd.s32 @!p1 s6, s2;
	s0 =	sadd.s32 @!p1 $0x100, s0  }
0x29: {  	[tilespmem:s0], [sflag:$0x7] =	stream.linear.gather @!p1 [hbm4b:s2+s22], $0x1F40, $0x38;
	[tilespmem:$0x11A60] =	vst v63  }
0x2a: {  	s0 =	sadd.s32 $0xFFFFFFFF, s24  }
0x2b: {  	p1 =	sge.u32 s0, s10  }
.Ltmp2:
0x2c: {  	_ = 	snop;
	(pc) =	sbr.rel @p1 .LBB2_5-.Ltmp2, $1  }
0x2d: {  	_ =	sdelay $0x3  }
0x2e: {  	s2 =	smulhi.u32 $0xAAAAAAAB, s0;
	_ =	sdelay $0x1  }
0x2f: {  	s2 =	sshrl.u32 s2, $0x1  }
0x30: {  	s2 =	smul.u32 $0x3, s2;
	_ =	sdelay $0x1  }
0x31: {  	s2 =	ssub.s32 s0, s2  }
0x32: {  	s2 =	smul.u32 $0x7D00, s2  }
0x33: {  	_ =	swait.ge [sflag:s7], $0x1F40  }
0x34: {  	[sflag:s7] =	ssyncset.done $0x0;
	s2 =	sshrl.u32 s2, $0x2  }
0x35: {  	[sflag:s7] =	ssyncadd.s32 $0xFFFFE0C0;
	(ifvalue) =	ssetifvalue $0xFFFFFFFF;
	v3 =	vld.msk [tilespmem:s2+$0x100 ss:$0x1], $0xffff;
	_ =	sdelay $0x2  }
0x36: {  	s30 =	smulhi.u32 $0xAAAAAAAB, s18;
	p1 =	sne.s32 s24, $0x1  }
0x37: {  	v4 =	vimm.s32 @!p1 $0x0  }
0x38: {  	s2 =	sshrl.u32 s30, $0x1;
	v4 =	vperm.xlane @!p1 v3, v4  }
0x39: {  	s22 =	sshll.u32 s24, $0x4;
	s2 =	smul.u32 $0xFFFE8900, s2;
	vm4 =	vlt.u32 v3, $0x2800  }
0x3a: {  	s22 =	sand.u32 $0x10, s22;
	v3 =	vnsel vm4, $0xFFFFFFFE, v3;
	vm4 =	vlt.u32 @!p1 v4, $0x2800  }
0x3b: {  	s2 =	sshra.s32 s2, $0x2;
	[tilespmem:s22+$0x60] =	vst v3;
	v3 =	vnsel @!p1 vm4, $0xFFFFFFFE, v4  }
0x3c: {  	s28 =	sadd.s32 s2, s17;
	[tilespmem:$0x80] =	vst @!p1 v3  }
0x3d: {  	v3 =	vld.msk [tilespmem:s28+$0x0 ss:$0x1], $0xffff;
	_ =	sdelay $0x4  }
0x3e: {  	(xrf1) =	vunique.msk.u32 $0xffff, v3;
	_ =	sdelay $0xd  }
0x3f: {  	v4 =	vimm.s32 $0xFFFFFFFF;
	v5, _, _ =	vpop (xrf1)  }
0x40: {  	vm5 =	vne.s32 v3, v4;
	vm4 =	veq.s32 v5, v2  }
0x41: {  	vm6 =	vlt.u32 v3, $0x2800;
	vm4 =	vmand vm5, vm4  }
0x42: {  	vm4 =	vmand vm6, vm4  }
0x43: {  	v4 =	vnsel vm4, $0xFFFFFFFF, v3  }
0x44: {  	s31 =	sand.u32 $0x1, s0  }
0x45: {  	s0 =	simm.s32 $0x1F40;
	p1 =	seq.s32 s31, $0x1  }
0x46: {  	s0 =	simm.s32 @!p1 $0x0  }
0x47: {  	s26 =	sadd.s32 $0x7DF0, s0;
	(ifvalue) =	ssetifvalue $0xFFFFFFFF  }
0x48: {  	v3 =	vperm.xlane v3, v1;
	[tilespmem:s26], [sflag:$0x8] =	stream.indirect_vreg.gather [hbm4b:s1+s16], $0x1, v4, vm0, $0x4038;
	v4 =	vnsel vm6, $0xFFFFFFFE, v4;
	[tilespmem:$0x11A60] =	vst v63  }
0x49: {  	s2 =	simm.s32 $0x0;
	s22 =	sadd.s32 $0xFFFFFFF0, s28;
	[tilespmem:s28+$0x0] =	vst v4  }
.LBB2_3:
0x4a: {  	v4 =	vld.msk [tilespmem:s22+$0x0 ss:$0x1], $0xffff;
	s2 =	sadd.s32 $0x10, s2;
	v5 =	vmov v3;
	s28 =	smov.u32 s22  }
0x4b: {  	p1 =	slt.u32 s2, $0x1F30;
	_ =	sdelay $0x4  }
0x4c: {  	v3 =	vperm.xlane v4, v1;
	(xrf1) =	vunique.msk.u32 $0xffff, v4;
	_ =	sdelay $0xd  }
0x4d: {  	v6, _, _ =	vpop (xrf1)  }
0x4e: {  	vm5 =	vne.s32 v4, v5;
	vm4 =	veq.s32 v6, v2  }
0x4f: {  	vm6 =	vlt.u32 v4, $0x2800;
	vm4 =	vmand vm5, vm4  }
0x50: {  	vm4 =	vmand vm6, vm4  }
0x51: {  	v4 =	vnsel vm4, $0xFFFFFFFF, v4  }
.Ltmp3:
0x52: {  	v5 =	vnsel vm6, $0xFFFFFFFE, v4;
	(pc) =	sbr.rel @p1 .LBB2_3-.Ltmp3, $3  }
0x53: {  	_ =	sdelay $0x1  }
0x54: {  	s22 =	sadd.s32 $0xFFFFFFF0, s22;
	s26 =	sadd.s32 $0xFFFFFFF0, s26;
	(ifvalue) =	ssetifvalue $0xFFFFFFFF  }
0x55: {  	[tilespmem:s26], [sflag:$0x8] =	stream.indirect_vreg.gather [hbm4b:s1+s16], $0x1, v4, vm0, $0x4038;
	[tilespmem:s28+$0x0] =	vst v5  }
0x56: {  	s2 =	sshrl.u32 s25, $0x3  }
0x57: {  	s0 =	sadd.s32 $0x9D40, s0;
	s2 =	sadd.s32 s9, s2  }
0x58: {  	[tilespmem:s0], [sflag:$0x8] =	stream.linear.gather [hbm:s2], $0x1F40, $0x38;
	[tilespmem:$0x11A60] =	vst v63  }
.LBB2_5:
0x59: {  	p1 =	slt.u32 s24, $0x2  }
0x5a: {  	p2 =	sge.u32 @!p1 s24, s12  }
0x5b: {  	p1 =	por p1, p2  }
.Ltmp4:
0x5c: {  	_ = 	snop;
	(pc) =	sbr.rel @p1 .LBB2_9-.Ltmp4, $1  }
0x5d: {  	_ =	sdelay $0x3  }
0x5e: {  	s0 =	sadd.s32 $0xFFFFFFFE, s24  }
0x5f: {  	s2 =	smulhi.u32 $0xAAAAAAAB, s0;
	_ =	sdelay $0x1  }
0x60: {  	s2 =	sshrl.u32 s2, $0x1  }
0x61: {  	s2 =	smul.u32 $0x3, s2;
	_ =	sdelay $0x1  }
0x62: {  	s0 =	ssub.s32 s0, s2  }
0x63: {  	_ =	swait.ge [sflag:s8], $0x3E80;
	s0 =	smul.u32 $0x1F40, s0  }
0x64: {  	p1 =	sne.s32 s24, s11;
	[sflag:s8] =	ssyncset.done $0x0  }
0x65: {  	[sflag:s8] =	ssyncadd.s32 $0xFFFFC180;
	s2 =	sadd.s32 @!p1 $0x203F, s0  }
0x66: {  	[spmem:s14] =	stream.linear.scatter @!p1 [tilespmem:s2], [sflag:$0x1], $0x1, $0x38;
	[tilespmem:$0x11A60] =	vst v63  }
0x67: {  	s2 =	simm.s32 @!p1 $0x1  }
0x68: {  	_ =	swait.ge @!p1 [sflag:s2], $0x1  }
0x69: {  	s22 =	sshll.u32 s24, $0x4;
	[sflag:s2] =	ssyncset.done @!p1 $0x0  }
0x6a: {  	s25 =	sand.u32 $0x10, s22;
	[sflag:s2] =	ssyncadd.s32 @!p1 $0xFFFFFFFF  }
0x6b: {  	s2 =	sxor.u32 $0x10, s25;
	v4 =	vld [tilespmem:s25+$0x10]  }
0x6c: {  	v5 =	vld [tilespmem:s2+$0x60]  }
0x6d: {  	v3 =	vld [tilespmem:$0x80];
	_ =	sdelay $0x2  }
0x6e: {  	(v2sf) =	vpush v4, $0x0  }
0x6f: {  	(v2sf) =	vpush v5, $0x0  }
0x70: {  	(v2sf) =	vpush v3, $0x0;
	_ =	sdelay $0xc  }
0x71: {  	s22 =	spop (v2sf)  }
0x72: {  	s26 =	spop (v2sf)  }
0x73: {  	s28 =	spop (v2sf)  }
0x74: {  	p2 =	seq.s32 s22, s26;
	p3 =	seq.s32 s28, s22  }
0x75: {  	p3 =	por p2, p3  }
0x76: {  	s26 =	sand.u32 $0x1, s24;
	v4 =	vpsel p3, $0xFFFFFFFF, v4  }
0x77: {  	s29 =	smul.u32 $0x1F40, s26;
	[tilespmem:s25+$0x10] =	vst.msk $0x1, v4  }
0x78: {  	v4 =	vld [tilespmem:$0x30]  }
0x79: {  	v5 =	vld [tilespmem:s29+$0x9D40]  }
0x7a: {  	v6 =	vld [tilespmem:s25+$0x40];
	_ =	sdelay $0x3  }
0x7b: {  	vm4 =	vmmov vm1;
	v5 =	vadd.f32 v5, v4  }
0x7c: {  	vm5 =	vmmov vm2;
	vm4 =	vmmov @p2 vm2;
	s22 =	sshll.u32 s26, $0x4;
	v4 =	vadd.f32 v6, v4  }
0x7d: {  	s26 =	sor.u32 $0x11A40, s22;
	vm5 =	vmmov @p3 vm1;
	[tilespmem:s29+$0x9D40] =	vst.msk vm4, v5  }
0x7e: {  	[tilespmem:s26+$0x0] =	vst.msk vm5, v4  }
0x7f: {  	v4 =	vld [tilespmem:s29+$0x7DF0];
	_ =	sdelay $0x3  }
0x80: {  	v5 =	vimm.f32 $0.0e+00  }
0x81: {  	v4 =	vshift.insert v4, v5, s21  }
0x82: {  	s22 =	sor.u32 $0x40, s2  }
0x83: {  	[tilespmem:s22+$0x0] =	vst.msk $0x1, v4  }
0x84: {  	[tilespmem:s29+$0x7DFF] =	vst.msk $0x1, v5  }
0x85: {  	v4 =	vld [tilespmem:s0+$0x2030];
	_ =	sdelay $0x1  }
0x86: {  	s22 =	smulhi.u32 $0xAAAAAAAB, s20;
	s0 =	simm.s32 $0x1  }
0x87: {  	s0 =	simm.s32 @!p0 $0x0  }
0x88: {  	s22 =	sshrl.u32 s22, $0x1;
	s0 =	smul.u32 $0x7D00, s0  }
0x89: {  	s22 =	smul.u32 $0xFFFE8900, s22;
	v4 =	vshift.insert v4, v1, s21  }
0x8a: {  	s0 =	sshrl.u32 s0, $0x2  }
0x8b: {  	s22 =	sshra.s32 s22, $0x2;
	s30 =	sadd.s32 $0x9D40, s0;
	[tilespmem:s2+$0x10] =	vst.msk $0x1, v4  }
0x8c: {  	s22 =	sadd.s32 s22, s19;
	v6 =	vld [tilespmem:s30+$0x0]  }
0x8d: {  	v7 =	vld [tilespmem:s22+$0x0];
	_ =	sdelay $0x3  }
0x8e: {  	v5 =	vadd.f32 v6, v5  }
0x8f: {  	vm4 =	vne.s32 v7, $0xFFFFFFFF  }
0x90: {  	(xrf2) =	vadd.seg.scan.f32 vm4, v5;
	_ =	sdelay $0x3  }
0x91: {  	s31 =	sadd.s32 $0x5EC0, s0;
	v5 =	vperm.xlane v4, v1  }
0x92: {  	v6 =	vld [tilespmem:s31+$0x0]  }
0x93: {  	vm5 =	veq.s32 v7, v3;
	vm6 =	veq.s32 v7, v5  }
0x94: {  	vm7 =	vgt.u32 v7, $0xFFFFFFFD;
	vm6 =	vmor vm6, vm5  }
0x95: {  	vm6 =	vmor vm6, vm7  }
0x96: {  	v9 =	vld [tilespmem:$0xA0];
	v7 =	vsel vm6, $0xFFFFFFFF, v7  }
0x97: {  	v10 =	vld [tilespmem:$0x90];
	v6 =	vsel vm5, $0x0, v6;
	v8, _, _ =	vpop (xrf2)  }
0x98: {  	v6 =	vadd.f32 v8, v6  }
0x99: {  	s0 =	sadd.s32 $0xDBC0, s0  }
0x9a: {  	vm4 =	vmand vm4, vm3;
	[tilespmem:s0+$0x0] =	vst v6;
	(ifvalue) =	ssetifvalue $0xFFFFFFFF  }
0x9b: {  	vm6 =	veq.s32 v9, $0x1;
	[hbm4b:s1+s16] =	stream.indirect_vreg.scatter [tilespmem:s0], [sflag:$0x2], $0x1, v7, vm0, $0x4038;
	v7 =	vsel vm4, $0x0, v8;
	[tilespmem:$0x11A60] =	vst v63  }
0x9c: {  	s2 =	simm.s32 $0x0;
	s22 =	sadd.s32 $0x10, s22;
	vm4 =	vmor vm6, vm5;
	v6 =	vsel vm5, v8, v10;
	v7 =	vshift.insert v7, v0, s21  }
.LBB2_7:
0x9d: {  	v8 =	vld [tilespmem:s22+$0x0];
	s30 =	sadd.s32 $0x10, s30  }
0x9e: {  	s31 =	sadd.s32 $0x10, s31;
	v9 =	vld [tilespmem:s30+$0x0]  }
0x9f: {  	s2 =	sadd.s32 $0x10, s2;
	v10 =	vld [tilespmem:s31+$0x0]  }
0xa0: {  	p2 =	slt.u32 s2, $0x1F30;
	_ =	sdelay $0x2  }
0xa1: {  	v7 =	vadd.f32 v9, v7  }
0xa2: {  	vm5 =	vne.s32 v8, $0xFFFFFFFF  }
0xa3: {  	vm6 =	vmand vm5, vm3;
	(xrf2) =	vadd.seg.scan.f32 vm5, v7;
	_ =	sdelay $0x5  }
0xa4: {  	vm7 =	veq.s32 v8, v5;
	vm5 =	veq.s32 v8, v3  }
0xa5: {  	vm8 =	vgt.u32 v8, $0xFFFFFFFD;
	vm4 =	vmor vm4, vm5;
	vm7 =	vmor vm7, vm5  }
0xa6: {  	vm7 =	vmor vm7, vm8  }
0xa7: {  	v8 =	vsel vm7, $0xFFFFFFFF, v8  }
.Ltmp5:
0xa8: {  	v7 =	vsel vm5, $0x0, v10;
	v9, _, _ =	vpop (xrf2);
	(pc) =	sbr.rel @p2 .LBB2_7-.Ltmp5, $4  }
0xa9: {  	v6 =	vsel vm5, v9, v6;
	v10 =	vadd.f32 v9, v7;
	v7 =	vsel vm6, $0x0, v9  }
0xaa: {  	s0 =	sadd.s32 $0x10, s0;
	v7 =	vshift.insert v7, v0, s21  }
0xab: {  	s22 =	sadd.s32 $0x10, s22;
	[tilespmem:s0+$0x0] =	vst v10;
	(ifvalue) =	ssetifvalue $0xFFFFFFFF  }
0xac: {  	[hbm4b:s1+s16] =	stream.indirect_vreg.scatter [tilespmem:s0], [sflag:$0x2], $0x1, v8, vm0, $0x4038;
	[tilespmem:$0x11A60] =	vst v63  }
0xad: {  	v3 =	vld [tilespmem:s29+$0xFAF0];
	_ =	sdelay $0x4  }
0xae: {  	v3 =	vshift.insert v3, v0, s21  }
0xaf: {  	s0 =	simm.s32 $0x30  }
0xb0: {  	[tilespmem:s0+$0x0] =	vst.msk $0x1, v3  }
0xb1: {  	v3 =	vsel vm4, $0x1, v1;
	[tilespmem:$0x90] =	vst v6  }
0xb2: {  	s0 =	sadd.s32 @!p1 $0xFAFF, s29;
	[tilespmem:$0xA0] =	vst v3  }
0xb3: {  	[spmem:s15] =	stream.linear.scatter @!p1 [tilespmem:s0], [sflag:$0x1], $0x1, $0x38;
	[tilespmem:$0x11A60] =	vst v63  }
0xb4: {  	s0 =	simm.s32 @!p1 $0x1  }
0xb5: {  	v3 =	vmctz.xlane @!p1 vm4;
	_ =	swait.ge @!p1 [sflag:s0], $0x1  }
0xb6: {  	(v2sf) =	vpush @!p1 v4, $0x0  }
0xb7: {  	(v2sf) =	vpush @!p1 v3, $0x0;
	_ =	sdelay $0xd  }
0xb8: {  	s2 =	spop @!p1 (v2sf)  }
0xb9: {  	s22 =	spop @!p1 (v2sf)  }
0xba: {  	p2 =	sne.s32 @!p1 s28, s2;
	p3 =	slt.s32 @!p1 s22, $0xF  }
0xbb: {  	[sflag:s0] =	ssyncset.done @!p1 $0x0;
	p2 =	por p2, p1;
	p3 =	por !p3, p1  }
0xbc: {  	[sflag:s0] =	ssyncadd.s32 @!p1 $0xFFFFFFFF;
	v3 =	vimm.s32 @!p2 $0xFFFFFFFF;
	s22 =	simm.s32 @p3 $0xF  }
0xbd: {  	[tilespmem:$0x80] =	vst @!p2 v3;
	s2 =	sadd.s32 @!p1 $0x90, s22  }
0xbe: {  	[spmem:s3] =	stream.linear.scatter @!p1 [tilespmem:s2], [sflag:$0x1], $0x1, $0x38;
	[tilespmem:$0x11A60] =	vst v63  }
0xbf: {  	_ =	swait.ge @!p1 [sflag:s0], $0x1  }
0xc0: {  	[sflag:s0] =	ssyncset.done @!p1 $0x0  }
0xc1: {  	s2 =	simm.s32 @!p1 $0x80;
	[sflag:s0] =	ssyncadd.s32 @!p1 $0xFFFFFFFF  }
0xc2: {  	[spmem:s13] =	stream.linear.scatter @!p1 [tilespmem:s2], [sflag:$0x1], $0x1, $0x38;
	[tilespmem:$0x11A60] =	vst v63  }
0xc3: {  	_ =	swait.ge @!p1 [sflag:s0], $0x1  }
0xc4: {  	[sflag:s0] =	ssyncset.done @!p1 $0x0  }
0xc5: {  	[sflag:s0] =	ssyncadd.s32 @!p1 $0xFFFFFFFF;
	(ifvalue) =	ssetifvalue $0xFFFFFFFF;
	v3 =	vld [tilespmem:s25+$0x10];
	_ =	sdelay $0x3  }
.Ltmp6:
0xc6: {  	_ = 	snop;
	(pc) =	sbr.rel .LBB2_9-.Ltmp6, $3  }
0xc7: {  	_ =	sdelay $0x1  }
0xc8: {  	(ifvalue) =	ssetifvalue $0xFFFFFFFF  }
0xc9: {  	[hbm4b:s1+s16] =	stream.indirect_vreg.scatter [tilespmem:s26], [sflag:$0x9], $0x1, v3, vm0, $0x4038;
	[tilespmem:$0x11A60] =	vst v63  }
.LBB2_10:
0xca: {  	_ =	sfence.sel $0x180000  }
0xcb: {  	s0 =	simm.s32 $0x7;
	[bflag:$0x0] =	sbarrier.arrive $0xFFFF  }
0xcc: {  	s26 =	simm.s32 $0x8;
	[sflag:s0] =	ssyncpa.u1 $0x1  }
0xcd: {  	s28 =	simm.s32 $0x9;
	[sflag:s26] =	ssyncpa.u1 $0x1  }
0xce: {  	[sflag:s28] =	ssyncpa.u1 $0x1  }
0xcf: {  	_ =	sfence.stream.spmem  }
0xd0: {  	s29 =	simm.s32 $0x3;
	[bflag:$0x0] =	sbarrier.arrive $0xFFFF  }
0xd1: {  	s30 =	simm.s32 $0x4;
	[sflag:s29] =	ssyncpa.u1 $0x1  }
0xd2: {  	s31 =	simm.s32 $0x3C;
	s2 =	stileid.u32;
	[sflag:s30] =	ssyncpa.u1 $0x1  }
0xd3: {  	p0 =	sne.s32 s2, $0x0;
	[sflag:s31] =	ssyncpa.u1 $0x1  }
0xd4: {  	s0 =	simm.s32 @p0 $0x1;
	_ =	sfence @p0  }
0xd5: {  	[sflag:s0] =	ssyncpa.u1 @p0 $0x1;
	s0 =	simm.s32 @p0 $0x2  }
0xd6: {  	[sflag:s0] =	ssyncpa.u1 @p0 $0x1  }
0xd7: {  	_ =	strace @p0 $0x90000050  }
0xd8: {  	[bflag:$0x2] =	sbarrier.arrive @p0 $0xFFFF  }
0xd9: {  	_ =	shalt @p0  }
.LBB2_11:
0xda: {  	_ =	sfence.stream.spmem;
	s0 =	simm.s32 $0x5  }
0xdb: {  	s2 =	simm.s32 $0x80;
	s3 =	simm.s32 $0xC0;
	[sflag:s0] =	ssyncpa.u1 $0x0  }
0xdc: {  	[tilespmem:s3], [sflag:$0x5] =	stream.linear.gather [spmem:s2], $0x20, $0x38;
	[tilespmem:$0x11A60] =	vst v63  }
0xdd: {  	s2 =	simm.s32 $0x0;
	s3 =	simm.s32 $0xE0  }
0xde: {  	[tilespmem:s3], [sflag:$0x5] =	stream.linear.gather [spmem:s2], $0x20, $0x38;
	[tilespmem:$0x11A60] =	vst v63  }
.Ltmp7:
0xdf: {  	_ = 	snop;
	(pc) =	sbr.rel .LBB2_12-.Ltmp7, $4  }
0xe0: {  	_ =	swait.ge [sflag:s0], $0x40  }
0xe1: {  	[sflag:s0] =	ssyncset.done $0x0  }
0xe2: {  	s31 =	simm.s32 $0x6;
	[sflag:s0] =	ssyncadd.s32 $0xFFFFFFC0  }
0xe3: {  	s4 =	simm.s32 $0x0;
	[sflag:s31] =	ssyncpa.u1 $0x0  }
.LBB2_17:
0xe4: {  	p0 =	sgt.u32 s5, $0x27FF  }
0xe5: {  	s0 =	sshrl.u32 @!p0 s5, $0x3  }
0xe6: {  	s5 =	sand.u32 @!p0 $0x7, s5;
	s6 =	simm.s32 @!p0 $0xB0;
	s0 =	sadd.s32 @!p0 s1, s0  }
0xe7: {  	[tilespmem:s6], [sflag:$0x6] =	stream.linear.gather @!p0 [hbm4b:s0+s5], $0x1, $0x38;
	[tilespmem:$0x11A60] =	vst v63  }
0xe8: {  	s0 =	simm.s32 @!p0 $0x6  }
0xe9: {  	_ =	swait.ge @!p0 [sflag:s0], $0x1  }
0xea: {  	[sflag:s0] =	ssyncset.done @!p0 $0x0  }
0xeb: {  	[sflag:s0] =	ssyncadd.s32 @!p0 $0xFFFFFFFF  }
0xec: {  	v2 =	vmov @!p0 s4;
	v1 =	vld.msk @!p0 [tilespmem:$0xB0], $0x1;
	_ =	sdelay $0x3  }
0xed: {  	s0 =	simm.s32 @!p0 $0xE0  }
0xee: {  	[tilespmem:v2+s0+$0x0], v1 =	vst.idx.ret.add.f32.msk @!p0 $0x1, v1  }
0xef: {  	[tilespmem:s2+$0xC0] =	vst.msk $0x1, v0  }
0xf0: {  	v0 =	vld.msk [tilespmem:s4+$0xE0], $0x1;
	_ =	sdelay $0x4  }
0xf1: {  	[tilespmem:s2+$0xE0] =	vst.msk $0x1, v0;
	s2 =	sadd.s32 $0x1, s2  }
.LBB2_19:
0xf2: {  	s4 =	sadd.s32 $0x1, s4  }
0xf3: {  	p0 =	sne.s32 s4, $0x20  }
.Ltmp8:
0xf4: {  	_ = 	snop;
	(pc) =	sbr.rel @!p0 .LBB2_20-.Ltmp8, $1  }
0xf5: {  	_ =	sdelay $0x3  }
.LBB2_12:
0xf6: {  	v0 =	vld.msk [tilespmem:s4+$0xC0], $0x1;
	_ =	sdelay $0x4  }
0xf7: {  	(v2sf) =	vpush v0, $0x0;
	_ =	sdelay $0xe  }
0xf8: {  	s5 =	spop (v2sf)  }
0xf9: {  	p0 =	seq.s32 s5, $0xFFFFFFFF  }
.Ltmp9:
0xfa: {  	_ = 	snop;
	(pc) =	sbr.rel @p0 .LBB2_19-.Ltmp9, $1  }
0xfb: {  	_ =	sdelay $0x3  }
0xfc: {  	p0 =	slt.s32 s2, $0x1  }
.Ltmp10:
0xfd: {  	_ = 	snop;
	(pc) =	sbr.rel @p0 .LBB2_17-.Ltmp10, $1  }
0xfe: {  	_ =	sdelay $0x3  }
0xff: {  	s0 =	simm.s32 $0xC0;
	p0 =	por $0x0, $0x0  }
0x100: {  	v1 =	vld.msk @!p0 [tilespmem:s0+$0x0], $0x1;
	_ =	sdelay $0x4  }
0x101: {  	(v2sf) =	vpush @!p0 v1, $0x0;
	_ =	sdelay $0xd  }
0x102: {  	p2 =	sne.s32 s2, $0x1  }
.Ltmp11:
0x103: {  	s6 =	spop @!p0 (v2sf);
	(pc) =	sbr.rel @!p2 .LBB2_16-.Ltmp11, $4  }
0x104: {  	p1 =	seq.s32 @!p0 s5, s6  }
0x105: {  	s6 =	simm.s32 $0x0;
	p1 =	por !p1, p0  }
0x106: {  	s8 =	simm.s32 $0xFFFFFFFF;
	s6 =	simm.s32 @p1 $0xFFFFFFFF  }
0x107: {  	s7 =	simm.s32 $0x1;
	s6 =	smov.u32 @p0 s8  }
.LBB2_15:
0x108: {  	s8 =	smov.u32 s6;
	p0 =	sne.s32 s6, $0xFFFFFFFF  }
0x109: {  	s0 =	sadd.s32 $0x1, s0;
	s6 =	smov.u32 s7;
	s7 =	sadd.s32 $0x1, s7  }
0x10a: {  	p1 =	sne.s32 s2, s7;
	v1 =	vld.msk @!p0 [tilespmem:s0+$0x0], $0x1;
	_ =	sdelay $0x4  }
0x10b: {  	(v2sf) =	vpush @!p0 v1, $0x0;
	_ =	sdelay $0xe  }
.Ltmp12:
0x10c: {  	s9 =	spop @!p0 (v2sf);
	(pc) =	sbr.rel @p1 .LBB2_15-.Ltmp12, $4  }
0x10d: {  	p2 =	seq.s32 @!p0 s5, s9  }
0x10e: {  	p2 =	por !p2, p0  }
0x10f: {  	s6 =	simm.s32 @p2 $0xFFFFFFFF  }
0x110: {  	s6 =	smov.u32 @p0 s8  }
.LBB2_16:
0x111: {  	p0 =	sne.s32 s6, $0xFFFFFFFF  }
.Ltmp13:
0x112: {  	_ = 	snop;
	(pc) =	sbr.rel @!p0 .LBB2_17-.Ltmp13, $1  }
0x113: {  	_ =	sdelay $0x3  }
0x114: {  	v0 =	vld.msk [tilespmem:s4+$0xE0], $0x1;
	v1 =	vmov s6  }
.Ltmp14:
0x115: {  	_ = 	snop;
	(pc) =	sbr.rel .LBB2_19-.Ltmp14, $2  }
0x116: {  	_ =	sdelay $0x2  }
0x117: {  	[tilespmem:v1+s3+$0x0], v0 =	vst.idx.ret.add.f32.msk $0x1, v0  }
.LBB2_20:
0x118: {  	p0 =	slt.s32 s2, $0x1  }
.Ltmp15:
0x119: {  	_ = 	snop;
	(pc) =	sbr.rel @p0 .LBB2_24-.Ltmp15, $3  }
0x11a: {  	_ =	sdelay $0x1  }
0x11b: {  	s0 =	simm.s32 $0x6  }
0x11c: {  	s3 =	simm.s32 $0x0;
	[sflag:s0] =	ssyncpa.u1 $0x1  }
0x11d: {  	s0 =	simm.s32 $0xC0  }
0x11e: {  	v0 =	vld.msk [tilespmem:s0+$0x0], $0x1;
	_ =	sdelay $0x4  }
0x11f: {  	(v2sf) =	vpush v0, $0x0;
	_ =	sdelay $0xe  }
0x120: {  	s2 =	sadd.s32 $0xFFFFFFFF, s2;
	s4 =	spop (v2sf)  }
0x121: {  	p1 =	sne.s32 s2, $0x0;
	p0 =	sgt.u32 s4, $0x27FF  }
.Ltmp16:
0x122: {  	s5 =	sshrl.u32 @!p0 s4, $0x3;
	(pc) =	sbr.rel @!p1 .LBB2_23-.Ltmp16, $4  }
0x123: {  	s0 =	simm.s32 $0xE0;
	s4 =	sand.u32 @!p0 $0x7, s4;
	s5 =	sadd.s32 @!p0 s1, s5  }
0x124: {  	[hbm4b:s5+s4] =	stream.linear.scatter @!p0 [tilespmem:s0], [sflag:$0x5], $0x1, $0x38;
	[tilespmem:$0x11A60] =	vst v63  }
0x125: {  	s5 =	simm.s32 $0x0  }
0x126: {  	s4 =	simm.s32 $0xC1;
	s5 =	simm.s32 @!p0 $0x4  }
.LBB2_22:
0x127: {  	v0 =	vld.msk [tilespmem:s4+$0x0], $0x1;
	s2 =	sadd.s32 $0xFFFFFFFF, s2;
	s3 =	sadd.s32 s3, s5  }
0x128: {  	p0 =	sne.s32 s2, $0x0;
	_ =	sdelay $0x3  }
0x129: {  	(v2sf) =	vpush v0, $0x0;
	_ =	sdelay $0xe  }
.Ltmp17:
0x12a: {  	s6 =	spop (v2sf);
	(pc) =	sbr.rel @p0 .LBB2_22-.Ltmp17, $4  }
0x12b: {  	s5 =	simm.s32 $0x0;
	p1 =	sgt.u32 s6, $0x27FF  }
0x12c: {  	s0 =	sadd.s32 $0x1, s0;
	s5 =	simm.s32 @!p1 $0x4;
	s7 =	sshrl.u32 @!p1 s6, $0x3  }
0x12d: {  	s4 =	sadd.s32 $0x1, s4;
	s6 =	sand.u32 @!p1 $0x7, s6;
	s7 =	sadd.s32 @!p1 s1, s7  }
0x12e: {  	[hbm4b:s7+s6] =	stream.linear.scatter @!p1 [tilespmem:s0], [sflag:$0x5], $0x1, $0x38;
	[tilespmem:$0x11A60] =	vst v63  }
.LBB2_23:
0x12f: {  	s0 =	sadd.s32 s3, s5  }
0x130: {  	s3 =	sshrl.u32 s0, $0x2  }
.LBB2_24:
0x131: {  	s0 =	simm.s32 $0x5  }
0x132: {  	_ =	swait.ge [sflag:s0], s3  }
0x133: {  	s1 =	ssub.s32 $0x0, s3;
	[sflag:s0] =	ssyncset.done $0x0  }
0x134: {  	[sflag:s0] =	ssyncadd.s32 s1  }
0x135: {  	[sflag:s0] =	ssyncpa.u1 $0x1  }
0x136: {  	s29 =	simm.s32 $0x1;
	_ =	sfence  }
0x137: {  	s30 =	simm.s32 $0x2;
	[sflag:s29] =	ssyncpa.u1 $0x1  }
0x138: {  	[sflag:s30] =	ssyncpa.u1 $0x1  }
0x139: {  	_ =	strace $0x90000050  }
0x13a: {  	[bflag:$0x2] =	sbarrier.arrive $0xFFFF  }
0x13b: {  	s31 =	rddreg [dreg:$0x1]  }
0x13c: {  	s0 =	sadd.s32 $0x100000, s31  }
0x13d: {  	[sflag:s0] =	ssyncadd.tile.s32 $0x1;
	_ =	shalt  }
.Lfunc_end2:
_tile_overlayer_lowered:
.L_overlay_start_2:
0x13e: {  	(tag) =	ssettag $0x2  }
0x13f: {  	s0 =	rddreg [dreg:$0x0];
	s2 =	stileid.u32  }
0x140: {  	s1 =	rddreg [dreg:$0x1];
	p0 =	sne.s32 s2, $0x0  }
0x141: {  	s3 =	rddreg [dreg:$0x2];
	[bflag:$0x3] =	sbarrier.arrive $0xFFFF;
	s2 =	simm.s32 @!p0 $0x1C01  }
0x142: {  	[timem:s3], [sflag:s2] =	dma.local @!p0 [hbm:s0], s1  }
0x143: {  	s0 =	simm.s32 @!p0 $0x1  }
0x144: {  	_ =	swait.ge @!p0 [sflag:s0], s1  }
0x145: {  	s1 =	ssub.s32 @!p0 $0x0, s1;
	[sflag:s0] =	ssyncset.done @!p0 $0x0  }
0x146: {  	[sflag:s0] =	ssyncadd.s32 @!p0 s1  }
0x147: {  	[bflag:$0x3] =	sbarrier.arrive $0xFFFF  }
0x148: {  	_ =	shalt  }

// kernel: scatter_offload_async_start
scs
__scs_entry_jumppad:
0x0: {  	(pc) =	sbr.rel $0x88, $3  }
0x1: {  	(tag) =	ssettag $0x0;
	lr =	simm.s32 $0x1  }
0x2: {  	[smem:$0x3F87] =	sst lr;
	_ =	strace $0xD0000000  }
0x3: {  	_ = 	snop  }
0x4: {  	_ = 	snop  }
0x5: {  	_ = 	snop  }
0x6: {  	_ = 	snop  }
0x7: {  	_ = 	snop  }
__scs_overlays_trampoline_lowered:
0x8: {  	[smem:$0x3F96] =	sst s0  }
0x9: {  	[smem:$0x3F97] =	sst s1  }
0xa: {  	[smem:$0x3F98] =	sst s2  }
0xb: {  	[smem:$0x3F99] =	sst s3  }
0xc: {  	[smem:$0x3F9A] =	sst s4  }
0xd: {  	[smem:$0x3F9B] =	sst s5  }
0xe: {  	[smem:$0x3F9C] =	sst s6  }
0xf: {  	[smem:$0x3F9D] =	sst s7  }
0x10: {  	[smem:$0x3F9E] =	sst s8  }
0x11: {  	[smem:$0x3F9F] =	sst s9;
	s0 =	simm.s32 @!p0 $0x0  }
0x12: {  	s1 =	sld [smem:$0x3F85];
	s0 =	simm.s32 @p0 $0x1  }
0x13: {  	[smem:$0x3FA0] =	sst s0;
	s0 =	simm.s32 @!p1 $0x0  }
0x14: {  	s2 =	sld [smem:$0x3F84];
	s0 =	simm.s32 @p1 $0x1  }
0x15: {  	[smem:$0x3FA1] =	sst s0;
	s0 =	simm.s32 @!p2 $0x0  }
0x16: {  	s3 =	sld [smem:$0x3FDB];
	s0 =	simm.s32 @p2 $0x1  }
0x17: {  	s4 =	simm.s32 $0x1BF5;
	[smem:$0x3FA3] =	sst s0  }
0x18: {  	s0 =	sld [smem:$0x3F86];
	_ =	swait.ge [sflag:s4], $0x0  }
0x19: {  	s7 =	sld [smem:$0x3F87]  }
0x1a: {  	s8 =	sadd.s32 $0xFFFFE003, lr  }
0x1b: {  	s9 =	sadd.s32 $0xFFFFFEF7, lr;
	s5 =	simm.s32 $0xFFFFFFFF;
	p2 =	slt.u32 s8, $0xFFFFF086  }
0x1c: {  	p1 =	slt.u32 s9, $0xF7A;
	s5 =	simm.s32 @!p2 $0x0  }
0x1d: {  	s5 =	simm.s32 @p1 $0x1;
	p0 =	seq.s32 s7, s2  }
0x1e: {  	s7 =	smul.u32 @!p0 $0xF7A, s2;
	p2 =	seq.s32 @!p0 s5, $0x0  }
0x1f: {  	s9 =	smul.u32 $0xF7A, s1;
	s8 =	simm.s32 @!p0 $0x1BF5;
	p2 =	por !p2, p0  }
0x20: {  	[sflag:s8] =	ssyncset.s32 @!p0 $0xFFFFF086;
	s6 =	sadd.s32 @!p0 s3, s7;
	s7 =	simm.s32 @!p0 $0x108  }
0x21: {  	s3 =	sadd.s32 s3, s9;
	s6 =	sadd.s32 @!p0 $0x88, s6;
	s7 =	simm.s32 @p2 $0x1082  }
0x22: {  	[simem:s7], [sflag:s8] =	dma.local @!p0 [hbm:s6], $0xF7A  }
0x23: {  	s9 =	sor.u32 $0xD0000000, s2;
	s6 =	simm.s32 $0x108;
	_ =	swait.ge @!p0 [sflag:s8], $0x0  }
0x24: {  	s3 =	sadd.s32 $0x88, s3;
	s6 =	simm.s32 @!p1 $0x1082;
	[sflag:s4] =	ssyncset.s32 $0xFFFFF086  }
0x25: {  	[simem:s6], [sflag:s4] =	dma.local [hbm:s3], $0xF7A  }
0x26: {  	[smem:$0x3F87] =	sst s1;
	(tag) =	ssettag s2;
	_ =	strace s9  }
0x27: {  	s1 =	sld [smem:$0x3F97]  }
0x28: {  	s2 =	sld [smem:$0x3F98]  }
0x29: {  	s4 =	sld [smem:$0x3F9A]  }
0x2a: {  	p0 =	seq.s32 s5, $0x0;
	s5 =	sld [smem:$0x3F9B]  }
0x2b: {  	s6 =	sld [smem:$0x3F9C]  }
0x2c: {  	s7 =	sld [smem:$0x3F9D]  }
0x2d: {  	s3 =	simm.s32 $0x108;
	s8 =	sld [smem:$0x3F9E]  }
0x2e: {  	s3 =	simm.s32 @!p0 $0x1082;
	s9 =	sld [smem:$0x3F9F]  }
0x2f: {  	lr =	sadd.s32 s0, s3;
	s0 =	sld [smem:$0x3F96]  }
0x30: {  	s3 =	sld [smem:$0x3F99]  }
0x31: {  	[smem:$0x3FA2] =	sst s10  }
0x32: {  	s10 =	sld [smem:$0x3FA0];
	_ =	sdelay $0x3  }
0x33: {  	p0 =	seq.s32 s10, $0x1;
	s10 =	sld [smem:$0x3FA2];
	_ =	sdelay $0x3  }
0x34: {  	[smem:$0x3FA2] =	sst s10  }
0x35: {  	s10 =	sld [smem:$0x3FA1];
	_ =	sdelay $0x3  }
0x36: {  	p1 =	seq.s32 s10, $0x1;
	s10 =	sld [smem:$0x3FA2];
	_ =	sdelay $0x3  }
0x37: {  	[smem:$0x3FA2] =	sst s10  }
0x38: {  	s10 =	sld [smem:$0x3FA3]  }
0x39: {  	_ = 	snop;
	(pc) =	sbr.ind lr, $3  }
0x3a: {  	_ = 	snop  }
0x3b: {  	_ = 	snop  }
0x3c: {  	p2 =	seq.s32 s10, $0x1;
	s10 =	sld [smem:$0x3FA2]  }
0x3d: {  	_ =	shalt  }
0x3e: {  	_ =	shalt  }
0x3f: {  	_ =	shalt  }
0x40: {  	_ =	shalt  }
0x41: {  	_ =	shalt  }
0x42: {  	_ =	shalt  }
0x43: {  	_ =	shalt  }
0x44: {  	_ =	shalt  }
0x45: {  	_ =	shalt  }
0x46: {  	_ =	shalt  }
0x47: {  	_ =	shalt  }
0x48: {  	_ =	shalt  }
0x49: {  	_ =	shalt  }
0x4a: {  	_ =	shalt  }
0x4b: {  	_ =	shalt  }
0x4c: {  	_ =	shalt  }
0x4d: {  	_ =	shalt  }
0x4e: {  	_ =	shalt  }
0x4f: {  	_ =	shalt  }
0x50: {  	_ =	shalt  }
0x51: {  	_ =	shalt  }
0x52: {  	_ =	shalt  }
0x53: {  	_ =	shalt  }
0x54: {  	_ =	shalt  }
0x55: {  	_ =	shalt  }
0x56: {  	_ =	shalt  }
0x57: {  	_ =	shalt  }
0x58: {  	_ =	shalt  }
0x59: {  	_ =	shalt  }
0x5a: {  	_ =	shalt  }
0x5b: {  	_ =	shalt  }
0x5c: {  	_ =	shalt  }
0x5d: {  	_ =	shalt  }
0x5e: {  	_ =	shalt  }
0x5f: {  	_ =	shalt  }
0x60: {  	_ =	shalt  }
0x61: {  	_ =	shalt  }
0x62: {  	_ =	shalt  }
0x63: {  	_ =	shalt  }
0x64: {  	_ =	shalt  }
0x65: {  	_ =	shalt  }
0x66: {  	_ =	shalt  }
0x67: {  	_ =	shalt  }
0x68: {  	_ =	shalt  }
0x69: {  	_ =	shalt  }
0x6a: {  	_ =	shalt  }
0x6b: {  	_ =	shalt  }
0x6c: {  	_ =	shalt  }
0x6d: {  	_ =	shalt  }
0x6e: {  	_ =	shalt  }
0x6f: {  	_ =	shalt  }
0x70: {  	_ =	shalt  }
0x71: {  	_ =	shalt  }
0x72: {  	_ =	shalt  }
0x73: {  	_ =	shalt  }
0x74: {  	_ =	shalt  }
0x75: {  	_ =	shalt  }
0x76: {  	_ =	shalt  }
0x77: {  	_ =	shalt  }
0x78: {  	_ =	shalt  }
0x79: {  	_ =	shalt  }
0x7a: {  	_ =	shalt  }
0x7b: {  	_ =	shalt  }
0x7c: {  	_ =	shalt  }
0x7d: {  	_ =	shalt  }
0x7e: {  	_ =	shalt  }
0x7f: {  	_ =	shalt  }
0x80: {  	_ =	shalt  }
0x81: {  	_ =	shalt  }
0x82: {  	_ =	shalt  }
0x83: {  	_ =	shalt  }
0x84: {  	_ =	shalt  }
0x85: {  	_ =	shalt  }
0x86: {  	_ =	shalt  }
0x87: {  	_ =	shalt  }
.Lfunc_end0:
.L_simem_size_0:
called_computation_lowered:
.L_overlay_start_0:
0x88: {  	s0 =	sld [smem:$0x3FD9]  }
0x89: {  	s1 =	sld [smem:$0x3FFE];
	_ =	sdelay $0x3  }
0x8a: {  	s0 =	sadd.s32 s1, s0  }
0x8b: {  	[smem:$0x3FAE] =	sst s0  }
0x8c: {  	_ = 	snop  }
0x8d: {  	s14 =	sld [smem:$0x3FD0];
	(tm) =	ssettm $0x1  }
0x8e: {  	s15 =	sld [smem:$0x3FFB];
	_ =	sdelay $0x3  }
0x8f: {  	_ =	strace s15  }
0x90: {  	s0 =	sld [smem:$0x3FFC];
	_ =	sdelay $0x3  }
0x91: {  	_ =	strace s0  }
0x92: {  	s0 =	sld [smem:$0x3FFD];
	_ =	sdelay $0x3  }
0x93: {  	_ =	strace s0  }
0x94: {  	_ =	strace $0x8FFFFFFF  }
0x95: {  	s16 =	sld [smem:$0x3FDB];
	_ =	sdelay $0x1  }
0x96: {  	s2 =	simm.s32 $_scs_section_size  }
0x97: {  	s3 =	simm.s32 $_size__tile_overlayer_lowered;
	s4 =	simm.s32 $_tile_overlayer_lowered  }
0x98: {  	s5 =	simm.s32 $0x1BFF;
	s17 =	sshll.u32 s4, $0x1;
	s2 =	sadd.s32 s2, s16  }
0x99: {  	s18 =	simm.s32 $0x0;
	s3 =	sshll.u32 s3, $0x1;
	s4 =	sadd.s32 s17, s2  }
0x9a: {  	[timem:s18], [sflag:s5] =	dma.local [hbm:s4], s3  }
0x9b: {  	_ =	swait.ge [sflag:s5], s3  }
0x9c: {  	s3 =	ssub.s32 $0x0, s3;
	[sflag:s5] =	ssyncset.done $0x0  }
0x9d: {  	[sflag:s5] =	ssyncadd.s32 s3;
	_ =	sdelay $0x1  }
0x9e: {  	s19 =	simm.s32 $0x1B8B  }
0x9f: {  	_ =	swait.ge [sflag:s19], $0x1  }
0xa0: {  	[sflag:s19] =	ssyncset.done $0x0  }
0xa1: {  	s21 =	simm.s32 $0x1B8E;
	s20 =	sld [smem:$0x3FFE];
	[sflag:s19] =	ssyncadd.s32 $0xFFFFFFFF  }
0xa2: {  	s22 =	simm.s32 $execute0_lowered;
	[smem:$0x3FD2] =	sst s21  }
0xa3: {  	s4 =	sshll.u32 s22, $0x1;
	_ =	strace $0x80000046;
	[dreg:$0x1] =	wrdreg $0xFFFFFFFF  }
0xa4: {  	s23 =	simm.s32 $_size_execute0_lowered;
	s4 =	sadd.s32 s2, s4;
	[dreg:$0x0] =	wrdreg $0x0  }
0xa5: {  	s5 =	sshll.u32 s23, $0x1;
	[dreg:$0x2] =	wrdreg s4  }
0xa6: {  	[dreg:$0x3] =	wrdreg s5  }
0xa7: {  	[dreg:$0x4] =	wrdreg $0xC0  }
0xa8: {  	s24 =	simm.s32 $execute1_lowered;
	_ =	task [dreg:s18], $0x5FFFF  }
0xa9: {  	s4 =	sshll.u32 s24, $0x1;
	[dreg:$0x1] =	wrdreg $0xFFFFFFFF  }
0xaa: {  	s2 =	sadd.s32 s2, s4;
	[dreg:$0x0] =	wrdreg $0x60  }
0xab: {  	[dreg:$0x2] =	wrdreg s2  }
0xac: {  	[dreg:$0x3] =	wrdreg s20  }
0xad: {  	[dreg:$0x4] =	wrdreg $0x9  }
0xae: {  	_ =	task.clear_ibuf [dreg:s18], $0x5FFFF;
	_ =	strace $0x90000046  }
0xaf: {  	s25 =	simm.s32 $0x9;
	_ =	strace $0x80000048  }
0xb0: {  	_ =	swait.ge [sflag:s25], $0x1  }
0xb1: {  	[sflag:s25] =	ssyncadd.s32 $0xFFFFFFFF  }
0xb2: {  	_ =	strace $0x90000048  }
0xb3: {  	_ =	strace $0x80000049;
	[dreg:$0x1] =	wrdreg $0xFFFFFFFF  }
0xb4: {  	[dreg:$0x0] =	wrdreg $0x2030  }
0xb5: {  	[dreg:$0x2] =	wrdreg s20  }
0xb6: {  	[dreg:$0x3] =	wrdreg s14  }
0xb7: {  	[dreg:$0x4] =	wrdreg $0xA  }
0xb8: {  	_ =	task.clear_ibuf [dreg:s18], $0x5FFFF;
	_ =	strace $0x90000049  }
0xb9: {  	s26 =	simm.s32 $0xA;
	_ =	strace $0x8000004B  }
0xba: {  	_ =	swait.ge [sflag:s26], $0x1  }
0xbb: {  	[sflag:s26] =	ssyncadd.s32 $0xFFFFFFFF  }
0xbc: {  	_ =	strace $0x9000004B  }
0xbd: {  	_ =	sfence  }
0xbe: {  	s28 =	sld [smem:$0x0];
	_ =	sdelay $0x1  }
0xbf: {  	s29 =	srdreg.scid  }
0xc0: {  	s30 =	sshll.u32 s29, $0xD;
	s31 =	sshrl.u32 s29, $0x2  }
0xc1: {  	s3 =	sand.u32 $0x4000, s30;
	s2 =	sand.u32 $0x1, s29;
	s1 =	sadd.s32 s31, s28  }
0xc2: {  	s2 =	sor.u32 s3, s2;
	s1 =	sshll.u32 s1, $0x11  }
0xc3: {  	s1 =	sor.u32 s1, s2  }
0xc4: {  	s1 =	sadd.s32 $0x8F2B, s1  }
0xc5: {  	[sflag:s1] =	ssyncadd.remote.s32 $0x1  }
0xc6: {  	_ =	sfence.sel $0xFFFF  }
0xc7: {  	[dreg:$0x0] =	wrdreg $0xFFFFFFFF;
	(pc) =	sbr.abs _section_cstart, $3  }
0xc8: {  	[dreg:$0x1] =	wrdreg $0xFFFFFFFF  }
0xc9: {  	_ =	task.clear_ibuf [dreg:s18], $0x2FFFF;
	_ =	strace $0x9FFFFFFF  }
0xca: {  	(tm) =	ssettm $0x7FFFFFFF  }
0xcb: {  	_ =	shalt  }
tec
execute0_lowered:
.L_overlay_start_1:
0x0: {  	(tag) =	ssettag $0x1  }
0x1: {  	s2 =	rddreg [dreg:$0x0]  }
0x2: {  	s4 =	rddreg [dreg:$0x1]  }
0x3: {  	s0 =	rddreg [dreg:$0x2];
	s3 =	stileid.u32  }
0x4: {  	[bflag:$0x3] =	sbarrier.arrive $0xFFFF;
	s1 =	simm.s32 $_size_execute1_lowered;
	p0 =	sne.s32 s3, $0x0  }
0x5: {  	s1 =	sshll.u32 s1, $0x1;
	s5 =	simm.s32 @!p0 $0x1C3F;
	s6 =	simm.s32 @!p0 $0x4060  }
0x6: {  	[timem:s6], [sflag:s5] =	dma.local @!p0 [hbm:s2], s1  }
0x7: {  	s2 =	smul.u32 $0x280, s3  }
.Ltmp0:
0x8: {  	s31 =	simm.s32 $0x2;
	s7 =	simm.s32 $0x280;
	(pc) =	sbr.rel .LBB2_1-.Ltmp0, $4  }
0x9: {  	s8 =	simm.s32 $0x780;
	s10 =	simm.s32 $0x0;
	s9 =	simm.s32 $0x0  }
0xa: {  	s3 =	simm.s32 $0x1;
	_ =	strace $0x80000047;
	s30 =	sshrl.u32 s2, $0x3  }
0xb: {  	s6 =	simm.s32 $0x0;
	[sflag:s3] =	ssyncpa.u1 $0x0;
	s5 =	sadd.s32 s30, s4  }
0xc: {  	s4 =	sadd.s32 $0x2F800, s4;
	[sflag:s31] =	ssyncpa.u1 $0x0;
	s5 =	sadd.s32 $0x2F200, s5  }
.LBB2_8:
0xd: {  	p1 =	seq.s32 s9, $0x2  }
.Ltmp1:
0xe: {  	_ = 	snop;
	(pc) =	sbr.rel @p1 .LBB2_10-.Ltmp1, $1  }
0xf: {  	_ =	sdelay $0x3  }
.LBB2_9:
0x10: {  	s9 =	sadd.s32 $0x1, s9;
	s10 =	smov.u32 s2  }
.LBB2_1:
0x11: {  	p1 =	sne.s32 s9, $0x0  }
.Ltmp2:
0x12: {  	_ = 	snop;
	(pc) =	sbr.rel @!p1 .LBB2_2-.Ltmp2, $1  }
0x13: {  	_ =	sdelay $0x3  }
0x14: {  	s11 =	sand.u32 $0x1, s9  }
0x15: {  	p1 =	seq.s32 s11, $0x0  }
.Ltmp3:
0x16: {  	_ = 	snop;
	(pc) =	sbr.rel @p1 .LBB2_8-.Ltmp3, $1  }
0x17: {  	_ =	sdelay $0x3  }
0x18: {  	_ =	swait.ge [sflag:s3], $0x280  }
0x19: {  	[sflag:s3] =	ssyncset.done $0x0  }
0x1a: {  	s11 =	simm.s32 $0x0;
	p1 =	por $0x1, $0x1;
	[sflag:s3] =	ssyncadd.s32 $0xFFFFFD80  }
.LBB2_5:
0x1b: {  	v0 =	vld [tilespmem:s11+$0x280]  }
0x1c: {  	v1 =	vld [tilespmem:s11+$0x290]  }
0x1d: {  	v2 =	vld [tilespmem:s11+$0x2A0]  }
0x1e: {  	v3 =	vld [tilespmem:s11+$0x2B0]  }
0x1f: {  	v4 =	vld [tilespmem:s11+$0x2C0]  }
0x20: {  	v53 =	vld [tilespmem:s11+$0x2D0];
	[tilespmem:s11+$0x780] =	vst v0  }
0x21: {  	v54 =	vld [tilespmem:s11+$0x2E0];
	[tilespmem:s11+$0x790] =	vst v1  }
0x22: {  	v55 =	vld [tilespmem:s11+$0x2F0];
	[tilespmem:s11+$0x7A0] =	vst v2  }
0x23: {  	v56 =	vld [tilespmem:s11+$0x300];
	[tilespmem:s11+$0x7B0] =	vst v3  }
0x24: {  	v57 =	vld [tilespmem:s11+$0x310];
	[tilespmem:s11+$0x7C0] =	vst v4  }
0x25: {  	v58 =	vld [tilespmem:s11+$0x320];
	[tilespmem:s11+$0x7D0] =	vst v53  }
0x26: {  	v59 =	vld [tilespmem:s11+$0x330];
	[tilespmem:s11+$0x7E0] =	vst v54  }
0x27: {  	v60 =	vld [tilespmem:s11+$0x340];
	[tilespmem:s11+$0x7F0] =	vst v55  }
0x28: {  	v61 =	vld [tilespmem:s11+$0x350];
	[tilespmem:s11+$0x800] =	vst v56  }
0x29: {  	v62 =	vld [tilespmem:s11+$0x360];
	[tilespmem:s11+$0x810] =	vst v57  }
0x2a: {  	v63 =	vld [tilespmem:s11+$0x370];
	p2 =	por p1, p1;
	[tilespmem:s11+$0x820] =	vst v58  }
.Ltmp4:
0x2b: {  	[tilespmem:s11+$0x830] =	vst v59;
	(pc) =	sbr.rel @p2 .LBB2_5-.Ltmp4, $4  }
0x2c: {  	[tilespmem:s11+$0x840] =	vst v60  }
0x2d: {  	[tilespmem:s11+$0x850] =	vst v61  }
0x2e: {  	s12 =	simm.s32 $0x1F0;
	s13 =	simm.s32 $0x980;
	[tilespmem:s11+$0x860] =	vst v62  }
0x2f: {  	s14 =	simm.s32 $0x480;
	p1 =	por $0x0, $0x0;
	[tilespmem:s11+$0x870] =	vst v63;
	s11 =	simm.s32 $0x100  }
.LBB2_6:
0x30: {  	s12 =	sadd.s32 $0x10, s12  }
0x31: {  	v0 =	vld [tilespmem:s14+$0x0];
	p1 =	slt.u32 s12, $0x270  }
.Ltmp5:
0x32: {  	_ = 	snop;
	(pc) =	sbr.rel @p1 .LBB2_6-.Ltmp5, $2  }
0x33: {  	_ =	sdelay $0x2  }
0x34: {  	s14 =	sadd.s32 $0x10, s14;
	[tilespmem:s13+$0x0] =	vst v0;
	s13 =	sadd.s32 $0x10, s13  }
.Ltmp6:
0x35: {  	(pc) =	sbr.rel .LBB2_8-.Ltmp6, $4  }
0x36: {  	_ = 	snop  }
0x37: {  	s10 =	sshrl.u32 s10, $0x3  }
0x38: {  	s10 =	sadd.s32 s4, s10  }
0x39: {  	[hbm4b:s10+s6] =	stream.linear.scatter [tilespmem:s8], [sflag:$0x2], $0x280, $0x38;
	[tilespmem:$0xA00] =	vst v63  }
.LBB2_2:
.Ltmp7:
0x3a: {  	(pc) =	sbr.rel .LBB2_9-.Ltmp7, $2  }
0x3b: {  	_ =	sdelay $0x2  }
0x3c: {  	[tilespmem:s7], [sflag:$0x1] =	stream.linear.gather [hbm4b:s5+s6], $0x280, $0x38;
	[tilespmem:$0xA00] =	vst v63  }
.LBB2_10:
0x3d: {  	s2 =	simm.s32 $0x2  }
0x3e: {  	_ =	swait.ge [sflag:s2], $0x280  }
0x3f: {  	[sflag:s2] =	ssyncset.done $0x0  }
0x40: {  	[sflag:s2] =	ssyncadd.s32 $0xFFFFFD80  }
0x41: {  	_ =	sfence.sel $0x180000  }
0x42: {  	s3 =	simm.s32 $0x1;
	[bflag:$0x0] =	sbarrier.arrive $0xFFFF  }
0x43: {  	[sflag:s3] =	ssyncpa.u1 $0x1  }
0x44: {  	[sflag:s2] =	ssyncpa.u1 $0x1  }
0x45: {  	_ =	strace $0x90000047  }
0x46: {  	s0 =	sadd.s32 @!p0 $0x100000, s0;
	[bflag:$0x2] =	sbarrier.arrive $0xFFFF  }
0x47: {  	[sflag:s0] =	ssyncadd.tile.s32 @!p0 $0x1;
	s0 =	simm.s32 @!p0 $0x3F  }
0x48: {  	_ =	swait.ge @!p0 [sflag:s0], s1  }
0x49: {  	s1 =	ssub.s32 @!p0 $0x0, s1;
	[sflag:s0] =	ssyncset.done @!p0 $0x0  }
0x4a: {  	[sflag:s0] =	ssyncadd.s32 @!p0 s1  }
0x4b: {  	[bflag:$0x3] =	sbarrier.arrive $0xFFFF  }
0x4c: {  	_ =	shalt  }
.Lfunc_end2:
execute1_lowered:
.L_overlay_start_2:
0x4d: {  	(tag) =	ssettag $0x2  }
0x4e: {  	s0 =	rddreg [dreg:$0x0]  }
0x4f: {  	s3 =	rddreg [dreg:$0x1];
	_ =	strace $0x8000004A;
	s15 =	stileid.u32  }
0x50: {  	s2 =	simm.s32 $0x1;
	s1 =	smin.u32 s15, $0x8;
	s4 =	sshll.u32 s15, $0x1  }
0x51: {  	v1 =	vimm.s32 $0xFFFFFFFF;
	[sflag:s2] =	ssyncpa.u1 $0x0;
	s1 =	sadd.s32 s1, s4  }
0x52: {  	p0 =	slt.u32 s15, $0x8;
	[tilespmem:$0x10] =	vst v1;
	s5 =	smul.u32 $0x1F40, s1;
	s1 =	simm.s32 $0x5DC0  }
0x53: {  	v0 =	vimm.f32 $0.0e+00;
	[tilespmem:$0x20] =	vst v1;
	s1 =	simm.s32 @!p0 $0x3E80  }
0x54: {  	[tilespmem:$0x30] =	vst v0;
	s1 =	sadd.s32 s1, s5  }
0x55: {  	[tilespmem:$0x40] =	vst v0;
	s6 =	smin.u32 s1, $0x4E200  }
0x56: {  	s7 =	simm.s32 $0x2;
	[tilespmem:$0x50] =	vst v0;
	s9 =	ssub.s32 s6, s5  }
0x57: {  	s8 =	simm.s32 $0x8;
	s31 =	simm.s32 $0x9;
	[tilespmem:$0x60] =	vst v1;
	p0 =	sgt.s32 s9, $0x0  }
0x58: {  	s16 =	simm.s32 $0x0;
	s17 =	simm.s32 $0xF0;
	[tilespmem:$0x70] =	vst v1;
	s9 =	simm.s32 @!p0 $0x0  }
0x59: {  	s18 =	simm.s32 $0xFFFFFFFF;
	s19 =	simm.s32 $0xFFFFC280;
	[tilespmem:$0x80] =	vst v1;
	s30 =	smulhi.u32 $0x10624DD3, s9  }
0x5a: {  	s20 =	simm.s32 $0xFFFFFFFE;
	s21 =	simm.s32 $0xF;
	s25 =	simm.s32 $0x0;
	v1 =	vimm.s32 $0x0;
	[tilespmem:$0xB0] =	vst v0  }
0x5b: {  	s24 =	simm.s32 $0x0;
	s15 =	sshllo.u32 s15, $0x1;
	[tilespmem:$0x90] =	vst v1;
	s10 =	sshrl.u32 s30, $0x9  }
0x5c: {  	[tilespmem:$0xA0] =	vst v1;
	[sflag:s7] =	ssyncpa.u1 $0x0;
	s7 =	simm.s32 $0x7;
	s11 =	smul.u32 $0x1F40, s10  }
.Ltmp8:
0x5d: {  	s13 =	sor.u32 $0x80, s4;
	[sflag:s7] =	ssyncpa.u1 $0x0;
	(pc) =	sbr.rel .LBB3_1-.Ltmp8, $4  }
0x5e: {  	s14 =	sor.u32 $0x81, s4;
	[sflag:s8] =	ssyncpa.u1 $0x0;
	p0 =	sne.s32 s9, s11  }
0x5f: {  	s23 =	smov.u32 s5;
	s1 =	sadd.s32 $0x2F800, s0;
	s2 =	simm.s32 @!p0 $0x0  }
0x60: {  	vm0 =	vmmov $0xffff;
	v2 =	vlaneseq.u32;
	[sflag:s31] =	ssyncpa.u1 $0x0;
	s9 =	sadd.s32 $0x25400, s0;
	s10 =	sadd.s32 s2, s10  }
0x61: {  	vm1 =	vmxor vm1, vm1;
	vm2 =	vmmov $0x1;
	vm3 =	vcmask $0x3F3C;
	p0 =	por $0x0, $0x0;
	s11 =	sadd.s32 $0x1, s10;
	s12 =	sadd.s32 $0x2, s10  }
.LBB3_9:
0x62: {  	p1 =	slt.u32 s24, $0x3  }
0x63: {  	s0 =	simm.s32 @!p1 $0x2  }
0x64: {  	_ =	swait.ge @!p1 [sflag:s0], $0x1F40  }
0x65: {  	[sflag:s0] =	ssyncset.done @!p1 $0x0  }
0x66: {  	[sflag:s0] =	ssyncadd.s32 @!p1 $0xFFFFE0C0;
	s0 =	simm.s32 @!p1 $0x9  }
0x67: {  	_ =	swait.ge @!p1 [sflag:s0], $0x10  }
0x68: {  	[sflag:s0] =	ssyncset.done @!p1 $0x0  }
0x69: {  	[sflag:s0] =	ssyncadd.s32 @!p1 $0xFFFFFFF0;
	p1 =	sne.s32 s24, s12  }
.Ltmp9:
0x6a: {  	s2 =	sadd.s32 $0x1F40, s23;
	(pc) =	sbr.rel @!p1 .LBB3_10-.Ltmp9, $4  }
0x6b: {  	s22 =	smov.u32 s5;
	s31 =	sadd.s32 $0x1, s24;
	s17 =	sadd.s32 $0x1F40, s17  }
0x6c: {  	s18 =	sadd.s32 $0x1, s18;
	s25 =	smov.u32 s23;
	p2 =	slt.s32 s2, s6  }
0x6d: {  	p0 =	por !p0, !p0;
	s19 =	sadd.s32 $0x1F40, s19;
	s22 =	smov.u32 @p2 s2  }
0x6e: {  	s20 =	sadd.s32 $0x1, s20;
	s23 =	smov.u32 s22;
	s24 =	smov.u32 s31  }
.LBB3_1:
0x6f: {  	p1 =	sge.u32 s24, s10  }
0x70: {  	s0 =	smulhi.u32 @!p1 $0xAAAAAAAB, s24;
	_ =	sdelay $0x1  }
0x71: {  	s0 =	sshrl.u32 @!p1 s0, $0x1  }
0x72: {  	s0 =	smul.u32 @!p1 $0x3, s0;
	_ =	sdelay $0x1  }
0x73: {  	s0 =	ssub.s32 @!p1 s24, s0  }
0x74: {  	s0 =	smul.u32 @!p1 $0x7D00, s0;
	_ =	sdelay $0x1  }
0x75: {  	s2 =	sshrl.u32 @!p1 s23, $0x3;
	s0 =	sshrl.u32 @!p1 s0, $0x2  }
0x76: {  	s22 =	sand.u32 @!p1 $0x7, s23;
	s2 =	sadd.s32 @!p1 s3, s2;
	s0 =	sadd.s32 @!p1 $0x100, s0  }
0x77: {  	[tilespmem:s0], [sflag:$0x7] =	stream.linear.gather @!p1 [hbm4b:s2+s22], $0x1F40, $0x38;
	[tilespmem:$0x11A60] =	vst v63  }
0x78: {  	s0 =	sadd.s32 $0xFFFFFFFF, s24  }
0x79: {  	p1 =	sge.u32 s0, s10  }
.Ltmp10:
0x7a: {  	_ = 	snop;
	(pc) =	sbr.rel @p1 .LBB3_5-.Ltmp10, $1  }
0x7b: {  	_ =	sdelay $0x3  }
0x7c: {  	s2 =	smulhi.u32 $0xAAAAAAAB, s0;
	_ =	sdelay $0x1  }
0x7d: {  	s2 =	sshrl.u32 s2, $0x1  }
0x7e: {  	s2 =	smul.u32 $0x3, s2;
	_ =	sdelay $0x1  }
0x7f: {  	s2 =	ssub.s32 s0, s2  }
0x80: {  	s2 =	smul.u32 $0x7D00, s2  }
0x81: {  	_ =	swait.ge [sflag:s7], $0x1F40  }
0x82: {  	[sflag:s7] =	ssyncset.done $0x0;
	s2 =	sshrl.u32 s2, $0x2  }
0x83: {  	[sflag:s7] =	ssyncadd.s32 $0xFFFFE0C0;
	(ifvalue) =	ssetifvalue $0xFFFFFFFF;
	v3 =	vld.msk [tilespmem:s2+$0x100 ss:$0x1], $0xffff;
	_ =	sdelay $0x2  }
0x84: {  	s30 =	smulhi.u32 $0xAAAAAAAB, s18;
	p1 =	sne.s32 s24, $0x1  }
0x85: {  	v4 =	vimm.s32 @!p1 $0x0  }
0x86: {  	s2 =	sshrl.u32 s30, $0x1;
	v4 =	vperm.xlane @!p1 v3, v4  }
0x87: {  	s22 =	sshll.u32 s24, $0x4;
	s2 =	smul.u32 $0xFFFE8900, s2;
	vm4 =	vlt.u32 v3, $0x2800  }
0x88: {  	s22 =	sand.u32 $0x10, s22;
	v3 =	vnsel vm4, $0xFFFFFFFE, v3;
	vm4 =	vlt.u32 @!p1 v4, $0x2800  }
0x89: {  	s2 =	sshra.s32 s2, $0x2;
	[tilespmem:s22+$0x60] =	vst v3;
	v3 =	vnsel @!p1 vm4, $0xFFFFFFFE, v4  }
0x8a: {  	s28 =	sadd.s32 s2, s17;
	[tilespmem:$0x80] =	vst @!p1 v3  }
0x8b: {  	v3 =	vld.msk [tilespmem:s28+$0x0 ss:$0x1], $0xffff;
	_ =	sdelay $0x4  }
0x8c: {  	(xrf1) =	vunique.msk.u32 $0xffff, v3;
	_ =	sdelay $0xd  }
0x8d: {  	v4 =	vimm.s32 $0xFFFFFFFF;
	v5, _, _ =	vpop (xrf1)  }
0x8e: {  	vm5 =	vne.s32 v3, v4;
	vm4 =	veq.s32 v5, v2  }
0x8f: {  	vm6 =	vlt.u32 v3, $0x2800;
	vm4 =	vmand vm5, vm4  }
0x90: {  	vm4 =	vmand vm6, vm4  }
0x91: {  	v4 =	vnsel vm4, $0xFFFFFFFF, v3  }
0x92: {  	s31 =	sand.u32 $0x1, s0  }
0x93: {  	s0 =	simm.s32 $0x1F40;
	p1 =	seq.s32 s31, $0x1  }
0x94: {  	s0 =	simm.s32 @!p1 $0x0  }
0x95: {  	s26 =	sadd.s32 $0x7DF0, s0;
	(ifvalue) =	ssetifvalue $0xFFFFFFFF  }
0x96: {  	v3 =	vperm.xlane v3, v1;
	[tilespmem:s26], [sflag:$0x8] =	stream.indirect_vreg.gather [hbm4b:s1+s16], $0x1, v4, vm0, $0x4038;
	v4 =	vnsel vm6, $0xFFFFFFFE, v4;
	[tilespmem:$0x11A60] =	vst v63  }
0x97: {  	s2 =	simm.s32 $0x0;
	s22 =	sadd.s32 $0xFFFFFFF0, s28;
	[tilespmem:s28+$0x0] =	vst v4  }
.LBB3_3:
0x98: {  	v4 =	vld.msk [tilespmem:s22+$0x0 ss:$0x1], $0xffff;
	s2 =	sadd.s32 $0x10, s2;
	v5 =	vmov v3;
	s28 =	smov.u32 s22  }
0x99: {  	p1 =	slt.u32 s2, $0x1F30;
	_ =	sdelay $0x4  }
0x9a: {  	v3 =	vperm.xlane v4, v1;
	(xrf1) =	vunique.msk.u32 $0xffff, v4;
	_ =	sdelay $0xd  }
0x9b: {  	v6, _, _ =	vpop (xrf1)  }
0x9c: {  	vm5 =	vne.s32 v4, v5;
	vm4 =	veq.s32 v6, v2  }
0x9d: {  	vm6 =	vlt.u32 v4, $0x2800;
	vm4 =	vmand vm5, vm4  }
0x9e: {  	vm4 =	vmand vm6, vm4  }
0x9f: {  	v4 =	vnsel vm4, $0xFFFFFFFF, v4  }
.Ltmp11:
0xa0: {  	v5 =	vnsel vm6, $0xFFFFFFFE, v4;
	(pc) =	sbr.rel @p1 .LBB3_3-.Ltmp11, $3  }
0xa1: {  	_ =	sdelay $0x1  }
0xa2: {  	s22 =	sadd.s32 $0xFFFFFFF0, s22;
	s26 =	sadd.s32 $0xFFFFFFF0, s26;
	(ifvalue) =	ssetifvalue $0xFFFFFFFF  }
0xa3: {  	[tilespmem:s26], [sflag:$0x8] =	stream.indirect_vreg.gather [hbm4b:s1+s16], $0x1, v4, vm0, $0x4038;
	[tilespmem:s28+$0x0] =	vst v5  }
0xa4: {  	s2 =	sshrl.u32 s25, $0x3  }
0xa5: {  	s0 =	sadd.s32 $0x9D40, s0;
	s2 =	sadd.s32 s9, s2  }
0xa6: {  	[tilespmem:s0], [sflag:$0x8] =	stream.linear.gather [hbm:s2], $0x1F40, $0x38;
	[tilespmem:$0x11A60] =	vst v63  }
.LBB3_5:
0xa7: {  	p1 =	slt.u32 s24, $0x2  }
0xa8: {  	p2 =	sge.u32 @!p1 s24, s12  }
0xa9: {  	p1 =	por p1, p2  }
.Ltmp12:
0xaa: {  	_ = 	snop;
	(pc) =	sbr.rel @p1 .LBB3_9-.Ltmp12, $1  }
0xab: {  	_ =	sdelay $0x3  }
0xac: {  	s0 =	sadd.s32 $0xFFFFFFFE, s24  }
0xad: {  	s2 =	smulhi.u32 $0xAAAAAAAB, s0;
	_ =	sdelay $0x1  }
0xae: {  	s2 =	sshrl.u32 s2, $0x1  }
0xaf: {  	s2 =	smul.u32 $0x3, s2;
	_ =	sdelay $0x1  }
0xb0: {  	s0 =	ssub.s32 s0, s2  }
0xb1: {  	_ =	swait.ge [sflag:s8], $0x3E80;
	s0 =	smul.u32 $0x1F40, s0  }
0xb2: {  	p1 =	sne.s32 s24, s11;
	[sflag:s8] =	ssyncset.done $0x0  }
0xb3: {  	[sflag:s8] =	ssyncadd.s32 $0xFFFFC180;
	s2 =	sadd.s32 @!p1 $0x203F, s0  }
0xb4: {  	[spmem:s14] =	stream.linear.scatter @!p1 [tilespmem:s2], [sflag:$0x1], $0x1, $0x38;
	[tilespmem:$0x11A60] =	vst v63  }
0xb5: {  	s2 =	simm.s32 @!p1 $0x1  }
0xb6: {  	_ =	swait.ge @!p1 [sflag:s2], $0x1  }
0xb7: {  	s22 =	sshll.u32 s24, $0x4;
	[sflag:s2] =	ssyncset.done @!p1 $0x0  }
0xb8: {  	s25 =	sand.u32 $0x10, s22;
	[sflag:s2] =	ssyncadd.s32 @!p1 $0xFFFFFFFF  }
0xb9: {  	s2 =	sxor.u32 $0x10, s25;
	v4 =	vld [tilespmem:s25+$0x10]  }
0xba: {  	v5 =	vld [tilespmem:s2+$0x60]  }
0xbb: {  	v3 =	vld [tilespmem:$0x80];
	_ =	sdelay $0x2  }
0xbc: {  	(v2sf) =	vpush v4, $0x0  }
0xbd: {  	(v2sf) =	vpush v5, $0x0  }
0xbe: {  	(v2sf) =	vpush v3, $0x0;
	_ =	sdelay $0xc  }
0xbf: {  	s22 =	spop (v2sf)  }
0xc0: {  	s26 =	spop (v2sf)  }
0xc1: {  	s28 =	spop (v2sf)  }
0xc2: {  	p2 =	seq.s32 s22, s26;
	p3 =	seq.s32 s28, s22  }
0xc3: {  	p3 =	por p2, p3  }
0xc4: {  	s26 =	sand.u32 $0x1, s24;
	v4 =	vpsel p3, $0xFFFFFFFF, v4  }
0xc5: {  	s29 =	smul.u32 $0x1F40, s26;
	[tilespmem:s25+$0x10] =	vst.msk $0x1, v4  }
0xc6: {  	v4 =	vld [tilespmem:$0x30]  }
0xc7: {  	v5 =	vld [tilespmem:s29+$0x9D40]  }
0xc8: {  	v6 =	vld [tilespmem:s25+$0x40];
	_ =	sdelay $0x3  }
0xc9: {  	vm4 =	vmmov vm1;
	v5 =	vadd.f32 v5, v4  }
0xca: {  	vm5 =	vmmov vm2;
	vm4 =	vmmov @p2 vm2;
	s22 =	sshll.u32 s26, $0x4;
	v4 =	vadd.f32 v6, v4  }
0xcb: {  	s26 =	sor.u32 $0x11A40, s22;
	vm5 =	vmmov @p3 vm1;
	[tilespmem:s29+$0x9D40] =	vst.msk vm4, v5  }
0xcc: {  	[tilespmem:s26+$0x0] =	vst.msk vm5, v4  }
0xcd: {  	v4 =	vld [tilespmem:s29+$0x7DF0];
	_ =	sdelay $0x3  }
0xce: {  	v5 =	vimm.f32 $0.0e+00  }
0xcf: {  	v4 =	vshift.insert v4, v5, s21  }
0xd0: {  	s22 =	sor.u32 $0x40, s2  }
0xd1: {  	[tilespmem:s22+$0x0] =	vst.msk $0x1, v4  }
0xd2: {  	[tilespmem:s29+$0x7DFF] =	vst.msk $0x1, v5  }
0xd3: {  	v4 =	vld [tilespmem:s0+$0x2030];
	_ =	sdelay $0x1  }
0xd4: {  	s22 =	smulhi.u32 $0xAAAAAAAB, s20;
	s0 =	simm.s32 $0x1  }
0xd5: {  	s0 =	simm.s32 @!p0 $0x0  }
0xd6: {  	s22 =	sshrl.u32 s22, $0x1;
	s0 =	smul.u32 $0x7D00, s0  }
0xd7: {  	s22 =	smul.u32 $0xFFFE8900, s22;
	v4 =	vshift.insert v4, v1, s21  }
0xd8: {  	s0 =	sshrl.u32 s0, $0x2  }
0xd9: {  	s22 =	sshra.s32 s22, $0x2;
	s30 =	sadd.s32 $0x9D40, s0;
	[tilespmem:s2+$0x10] =	vst.msk $0x1, v4  }
0xda: {  	s22 =	sadd.s32 s22, s19;
	v6 =	vld [tilespmem:s30+$0x0]  }
0xdb: {  	v7 =	vld [tilespmem:s22+$0x0];
	_ =	sdelay $0x3  }
0xdc: {  	v5 =	vadd.f32 v6, v5  }
0xdd: {  	vm4 =	vne.s32 v7, $0xFFFFFFFF  }
0xde: {  	(xrf2) =	vadd.seg.scan.f32 vm4, v5;
	_ =	sdelay $0x3  }
0xdf: {  	s31 =	sadd.s32 $0x5EC0, s0;
	v5 =	vperm.xlane v4, v1  }
0xe0: {  	v6 =	vld [tilespmem:s31+$0x0]  }
0xe1: {  	vm5 =	veq.s32 v7, v3;
	vm6 =	veq.s32 v7, v5  }
0xe2: {  	vm7 =	vgt.u32 v7, $0xFFFFFFFD;
	vm6 =	vmor vm6, vm5  }
0xe3: {  	vm6 =	vmor vm6, vm7  }
0xe4: {  	v9 =	vld [tilespmem:$0xA0];
	v7 =	vsel vm6, $0xFFFFFFFF, v7  }
0xe5: {  	v10 =	vld [tilespmem:$0x90];
	v6 =	vsel vm5, $0x0, v6;
	v8, _, _ =	vpop (xrf2)  }
0xe6: {  	v6 =	vadd.f32 v8, v6  }
0xe7: {  	s0 =	sadd.s32 $0xDBC0, s0  }
0xe8: {  	vm4 =	vmand vm4, vm3;
	[tilespmem:s0+$0x0] =	vst v6;
	(ifvalue) =	ssetifvalue $0xFFFFFFFF  }
0xe9: {  	vm6 =	veq.s32 v9, $0x1;
	[hbm4b:s1+s16] =	stream.indirect_vreg.scatter [tilespmem:s0], [sflag:$0x2], $0x1, v7, vm0, $0x4038;
	v7 =	vsel vm4, $0x0, v8;
	[tilespmem:$0x11A60] =	vst v63  }
0xea: {  	s2 =	simm.s32 $0x0;
	s22 =	sadd.s32 $0x10, s22;
	vm4 =	vmor vm6, vm5;
	v6 =	vsel vm5, v8, v10;
	v7 =	vshift.insert v7, v0, s21  }
.LBB3_7:
0xeb: {  	v8 =	vld [tilespmem:s22+$0x0];
	s30 =	sadd.s32 $0x10, s30  }
0xec: {  	s31 =	sadd.s32 $0x10, s31;
	v9 =	vld [tilespmem:s30+$0x0]  }
0xed: {  	s2 =	sadd.s32 $0x10, s2;
	v10 =	vld [tilespmem:s31+$0x0]  }
0xee: {  	p2 =	slt.u32 s2, $0x1F30;
	_ =	sdelay $0x2  }
0xef: {  	v7 =	vadd.f32 v9, v7  }
0xf0: {  	vm5 =	vne.s32 v8, $0xFFFFFFFF  }
0xf1: {  	vm6 =	vmand vm5, vm3;
	(xrf2) =	vadd.seg.scan.f32 vm5, v7;
	_ =	sdelay $0x5  }
0xf2: {  	vm7 =	veq.s32 v8, v5;
	vm5 =	veq.s32 v8, v3  }
0xf3: {  	vm8 =	vgt.u32 v8, $0xFFFFFFFD;
	vm4 =	vmor vm4, vm5;
	vm7 =	vmor vm7, vm5  }
0xf4: {  	vm7 =	vmor vm7, vm8  }
0xf5: {  	v8 =	vsel vm7, $0xFFFFFFFF, v8  }
.Ltmp13:
0xf6: {  	v7 =	vsel vm5, $0x0, v10;
	v9, _, _ =	vpop (xrf2);
	(pc) =	sbr.rel @p2 .LBB3_7-.Ltmp13, $4  }
0xf7: {  	v6 =	vsel vm5, v9, v6;
	v10 =	vadd.f32 v9, v7;
	v7 =	vsel vm6, $0x0, v9  }
0xf8: {  	s0 =	sadd.s32 $0x10, s0;
	v7 =	vshift.insert v7, v0, s21  }
0xf9: {  	s22 =	sadd.s32 $0x10, s22;
	[tilespmem:s0+$0x0] =	vst v10;
	(ifvalue) =	ssetifvalue $0xFFFFFFFF  }
0xfa: {  	[hbm4b:s1+s16] =	stream.indirect_vreg.scatter [tilespmem:s0], [sflag:$0x2], $0x1, v8, vm0, $0x4038;
	[tilespmem:$0x11A60] =	vst v63  }
0xfb: {  	v3 =	vld [tilespmem:s29+$0xFAF0];
	_ =	sdelay $0x4  }
0xfc: {  	v3 =	vshift.insert v3, v0, s21  }
0xfd: {  	s0 =	simm.s32 $0x30  }
0xfe: {  	[tilespmem:s0+$0x0] =	vst.msk $0x1, v3  }
0xff: {  	v3 =	vsel vm4, $0x1, v1;
	[tilespmem:$0x90] =	vst v6  }
0x100: {  	s0 =	sadd.s32 @!p1 $0xFAFF, s29;
	[tilespmem:$0xA0] =	vst v3  }
0x101: {  	[spmem:s15] =	stream.linear.scatter @!p1 [tilespmem:s0], [sflag:$0x1], $0x1, $0x38;
	[tilespmem:$0x11A60] =	vst v63  }
0x102: {  	s0 =	simm.s32 @!p1 $0x1  }
0x103: {  	v3 =	vmctz.xlane @!p1 vm4;
	_ =	swait.ge @!p1 [sflag:s0], $0x1  }
0x104: {  	(v2sf) =	vpush @!p1 v4, $0x0  }
0x105: {  	(v2sf) =	vpush @!p1 v3, $0x0;
	_ =	sdelay $0xd  }
0x106: {  	s2 =	spop @!p1 (v2sf)  }
0x107: {  	s22 =	spop @!p1 (v2sf)  }
0x108: {  	p2 =	sne.s32 @!p1 s28, s2;
	p3 =	slt.s32 @!p1 s22, $0xF  }
0x109: {  	[sflag:s0] =	ssyncset.done @!p1 $0x0;
	p2 =	por p2, p1;
	p3 =	por !p3, p1  }
0x10a: {  	[sflag:s0] =	ssyncadd.s32 @!p1 $0xFFFFFFFF;
	v3 =	vimm.s32 @!p2 $0xFFFFFFFF;
	s22 =	simm.s32 @p3 $0xF  }
0x10b: {  	[tilespmem:$0x80] =	vst @!p2 v3;
	s2 =	sadd.s32 @!p1 $0x90, s22  }
0x10c: {  	[spmem:s4] =	stream.linear.scatter @!p1 [tilespmem:s2], [sflag:$0x1], $0x1, $0x38;
	[tilespmem:$0x11A60] =	vst v63  }
0x10d: {  	_ =	swait.ge @!p1 [sflag:s0], $0x1  }
0x10e: {  	[sflag:s0] =	ssyncset.done @!p1 $0x0  }
0x10f: {  	s2 =	simm.s32 @!p1 $0x80;
	[sflag:s0] =	ssyncadd.s32 @!p1 $0xFFFFFFFF  }
0x110: {  	[spmem:s13] =	stream.linear.scatter @!p1 [tilespmem:s2], [sflag:$0x1], $0x1, $0x38;
	[tilespmem:$0x11A60] =	vst v63  }
0x111: {  	_ =	swait.ge @!p1 [sflag:s0], $0x1  }
0x112: {  	[sflag:s0] =	ssyncset.done @!p1 $0x0  }
0x113: {  	[sflag:s0] =	ssyncadd.s32 @!p1 $0xFFFFFFFF;
	(ifvalue) =	ssetifvalue $0xFFFFFFFF;
	v3 =	vld [tilespmem:s25+$0x10];
	_ =	sdelay $0x3  }
.Ltmp14:
0x114: {  	_ = 	snop;
	(pc) =	sbr.rel .LBB3_9-.Ltmp14, $3  }
0x115: {  	_ =	sdelay $0x1  }
0x116: {  	(ifvalue) =	ssetifvalue $0xFFFFFFFF  }
0x117: {  	[hbm4b:s1+s16] =	stream.indirect_vreg.scatter [tilespmem:s26], [sflag:$0x9], $0x1, v3, vm0, $0x4038;
	[tilespmem:$0x11A60] =	vst v63  }
.LBB3_10:
0x118: {  	_ =	sfence.sel $0x180000  }
0x119: {  	s0 =	simm.s32 $0x7;
	[bflag:$0x0] =	sbarrier.arrive $0xFFFF  }
0x11a: {  	s26 =	simm.s32 $0x8;
	[sflag:s0] =	ssyncpa.u1 $0x1  }
0x11b: {  	s28 =	simm.s32 $0x9;
	[sflag:s26] =	ssyncpa.u1 $0x1  }
0x11c: {  	[sflag:s28] =	ssyncpa.u1 $0x1  }
0x11d: {  	_ =	sfence.stream.spmem  }
0x11e: {  	s29 =	simm.s32 $0x3;
	[bflag:$0x0] =	sbarrier.arrive $0xFFFF  }
0x11f: {  	s30 =	simm.s32 $0x4;
	[sflag:s29] =	ssyncpa.u1 $0x1  }
0x120: {  	s31 =	simm.s32 $0x3C;
	s2 =	stileid.u32;
	[sflag:s30] =	ssyncpa.u1 $0x1  }
0x121: {  	p0 =	sne.s32 s2, $0x0;
	[sflag:s31] =	ssyncpa.u1 $0x1  }
0x122: {  	s0 =	simm.s32 @p0 $0x1;
	_ =	sfence @p0  }
0x123: {  	[sflag:s0] =	ssyncpa.u1 @p0 $0x1;
	s0 =	simm.s32 @p0 $0x2  }
0x124: {  	[sflag:s0] =	ssyncpa.u1 @p0 $0x1  }
0x125: {  	_ =	strace @p0 $0x9000004A  }
0x126: {  	[bflag:$0x2] =	sbarrier.arrive @p0 $0xFFFF  }
0x127: {  	_ =	shalt @p0  }
.LBB3_11:
0x128: {  	_ =	sfence.stream.spmem;
	s0 =	simm.s32 $0x5  }
0x129: {  	s2 =	simm.s32 $0x80;
	s3 =	simm.s32 $0xC0;
	[sflag:s0] =	ssyncpa.u1 $0x0  }
0x12a: {  	[tilespmem:s3], [sflag:$0x5] =	stream.linear.gather [spmem:s2], $0x20, $0x38;
	[tilespmem:$0x11A60] =	vst v63  }
0x12b: {  	s2 =	simm.s32 $0x0;
	s3 =	simm.s32 $0xE0  }
0x12c: {  	[tilespmem:s3], [sflag:$0x5] =	stream.linear.gather [spmem:s2], $0x20, $0x38;
	[tilespmem:$0x11A60] =	vst v63  }
.Ltmp15:
0x12d: {  	_ = 	snop;
	(pc) =	sbr.rel .LBB3_12-.Ltmp15, $4  }
0x12e: {  	_ =	swait.ge [sflag:s0], $0x40  }
0x12f: {  	[sflag:s0] =	ssyncset.done $0x0  }
0x130: {  	s31 =	simm.s32 $0x6;
	[sflag:s0] =	ssyncadd.s32 $0xFFFFFFC0  }
0x131: {  	s4 =	simm.s32 $0x0;
	[sflag:s31] =	ssyncpa.u1 $0x0  }
.LBB3_17:
0x132: {  	p0 =	sgt.u32 s5, $0x27FF  }
0x133: {  	s0 =	sshrl.u32 @!p0 s5, $0x3  }
0x134: {  	s5 =	sand.u32 @!p0 $0x7, s5;
	s6 =	simm.s32 @!p0 $0xB0;
	s0 =	sadd.s32 @!p0 s1, s0  }
0x135: {  	[tilespmem:s6], [sflag:$0x6] =	stream.linear.gather @!p0 [hbm4b:s0+s5], $0x1, $0x38;
	[tilespmem:$0x11A60] =	vst v63  }
0x136: {  	s0 =	simm.s32 @!p0 $0x6  }
0x137: {  	_ =	swait.ge @!p0 [sflag:s0], $0x1  }
0x138: {  	[sflag:s0] =	ssyncset.done @!p0 $0x0  }
0x139: {  	[sflag:s0] =	ssyncadd.s32 @!p0 $0xFFFFFFFF  }
0x13a: {  	v2 =	vmov @!p0 s4;
	v1 =	vld.msk @!p0 [tilespmem:$0xB0], $0x1;
	_ =	sdelay $0x3  }
0x13b: {  	s0 =	simm.s32 @!p0 $0xE0  }
0x13c: {  	[tilespmem:v2+s0+$0x0], v1 =	vst.idx.ret.add.f32.msk @!p0 $0x1, v1  }
0x13d: {  	[tilespmem:s2+$0xC0] =	vst.msk $0x1, v0  }
0x13e: {  	v0 =	vld.msk [tilespmem:s4+$0xE0], $0x1;
	_ =	sdelay $0x4  }
0x13f: {  	[tilespmem:s2+$0xE0] =	vst.msk $0x1, v0;
	s2 =	sadd.s32 $0x1, s2  }
.LBB3_19:
0x140: {  	s4 =	sadd.s32 $0x1, s4  }
0x141: {  	p0 =	sne.s32 s4, $0x20  }
.Ltmp16:
0x142: {  	_ = 	snop;
	(pc) =	sbr.rel @!p0 .LBB3_20-.Ltmp16, $1  }
0x143: {  	_ =	sdelay $0x3  }
.LBB3_12:
0x144: {  	v0 =	vld.msk [tilespmem:s4+$0xC0], $0x1;
	_ =	sdelay $0x4  }
0x145: {  	(v2sf) =	vpush v0, $0x0;
	_ =	sdelay $0xe  }
0x146: {  	s5 =	spop (v2sf)  }
0x147: {  	p0 =	seq.s32 s5, $0xFFFFFFFF  }
.Ltmp17:
0x148: {  	_ = 	snop;
	(pc) =	sbr.rel @p0 .LBB3_19-.Ltmp17, $1  }
0x149: {  	_ =	sdelay $0x3  }
0x14a: {  	p0 =	slt.s32 s2, $0x1  }
.Ltmp18:
0x14b: {  	_ = 	snop;
	(pc) =	sbr.rel @p0 .LBB3_17-.Ltmp18, $1  }
0x14c: {  	_ =	sdelay $0x3  }
0x14d: {  	s0 =	simm.s32 $0xC0;
	p0 =	por $0x0, $0x0  }
0x14e: {  	v1 =	vld.msk @!p0 [tilespmem:s0+$0x0], $0x1;
	_ =	sdelay $0x4  }
0x14f: {  	(v2sf) =	vpush @!p0 v1, $0x0;
	_ =	sdelay $0xd  }
0x150: {  	p2 =	sne.s32 s2, $0x1  }
.Ltmp19:
0x151: {  	s6 =	spop @!p0 (v2sf);
	(pc) =	sbr.rel @!p2 .LBB3_16-.Ltmp19, $4  }
0x152: {  	p1 =	seq.s32 @!p0 s5, s6  }
0x153: {  	s6 =	simm.s32 $0x0;
	p1 =	por !p1, p0  }
0x154: {  	s8 =	simm.s32 $0xFFFFFFFF;
	s6 =	simm.s32 @p1 $0xFFFFFFFF  }
0x155: {  	s7 =	simm.s32 $0x1;
	s6 =	smov.u32 @p0 s8  }
.LBB3_15:
0x156: {  	s8 =	smov.u32 s6;
	p0 =	sne.s32 s6, $0xFFFFFFFF  }
0x157: {  	s0 =	sadd.s32 $0x1, s0;
	s6 =	smov.u32 s7;
	s7 =	sadd.s32 $0x1, s7  }
0x158: {  	p1 =	sne.s32 s2, s7;
	v1 =	vld.msk @!p0 [tilespmem:s0+$0x0], $0x1;
	_ =	sdelay $0x4  }
0x159: {  	(v2sf) =	vpush @!p0 v1, $0x0;
	_ =	sdelay $0xe  }
.Ltmp20:
0x15a: {  	s9 =	spop @!p0 (v2sf);
	(pc) =	sbr.rel @p1 .LBB3_15-.Ltmp20, $4  }
0x15b: {  	p2 =	seq.s32 @!p0 s5, s9  }
0x15c: {  	p2 =	por !p2, p0  }
0x15d: {  	s6 =	simm.s32 @p2 $0xFFFFFFFF  }
0x15e: {  	s6 =	smov.u32 @p0 s8  }
.LBB3_16:
0x15f: {  	p0 =	sne.s32 s6, $0xFFFFFFFF  }
.Ltmp21:
0x160: {  	_ = 	snop;
	(pc) =	sbr.rel @!p0 .LBB3_17-.Ltmp21, $1  }
0x161: {  	_ =	sdelay $0x3  }
0x162: {  	v0 =	vld.msk [tilespmem:s4+$0xE0], $0x1;
	v1 =	vmov s6  }
.Ltmp22:
0x163: {  	_ = 	snop;
	(pc) =	sbr.rel .LBB3_19-.Ltmp22, $2  }
0x164: {  	_ =	sdelay $0x2  }
0x165: {  	[tilespmem:v1+s3+$0x0], v0 =	vst.idx.ret.add.f32.msk $0x1, v0  }
.LBB3_20:
0x166: {  	p0 =	slt.s32 s2, $0x1  }
.Ltmp23:
0x167: {  	_ = 	snop;
	(pc) =	sbr.rel @p0 .LBB3_24-.Ltmp23, $3  }
0x168: {  	_ =	sdelay $0x1  }
0x169: {  	s0 =	simm.s32 $0x6  }
0x16a: {  	s3 =	simm.s32 $0x0;
	[sflag:s0] =	ssyncpa.u1 $0x1  }
0x16b: {  	s0 =	simm.s32 $0xC0  }
0x16c: {  	v0 =	vld.msk [tilespmem:s0+$0x0], $0x1;
	_ =	sdelay $0x4  }
0x16d: {  	(v2sf) =	vpush v0, $0x0;
	_ =	sdelay $0xe  }
0x16e: {  	s2 =	sadd.s32 $0xFFFFFFFF, s2;
	s4 =	spop (v2sf)  }
0x16f: {  	p1 =	sne.s32 s2, $0x0;
	p0 =	sgt.u32 s4, $0x27FF  }
.Ltmp24:
0x170: {  	s5 =	sshrl.u32 @!p0 s4, $0x3;
	(pc) =	sbr.rel @!p1 .LBB3_23-.Ltmp24, $4  }
0x171: {  	s0 =	simm.s32 $0xE0;
	s4 =	sand.u32 @!p0 $0x7, s4;
	s5 =	sadd.s32 @!p0 s1, s5  }
0x172: {  	[hbm4b:s5+s4] =	stream.linear.scatter @!p0 [tilespmem:s0], [sflag:$0x5], $0x1, $0x38;
	[tilespmem:$0x11A60] =	vst v63  }
0x173: {  	s5 =	simm.s32 $0x0  }
0x174: {  	s4 =	simm.s32 $0xC1;
	s5 =	simm.s32 @!p0 $0x4  }
.LBB3_22:
0x175: {  	v0 =	vld.msk [tilespmem:s4+$0x0], $0x1;
	s2 =	sadd.s32 $0xFFFFFFFF, s2;
	s3 =	sadd.s32 s3, s5  }
0x176: {  	p0 =	sne.s32 s2, $0x0;
	_ =	sdelay $0x3  }
0x177: {  	(v2sf) =	vpush v0, $0x0;
	_ =	sdelay $0xe  }
.Ltmp25:
0x178: {  	s6 =	spop (v2sf);
	(pc) =	sbr.rel @p0 .LBB3_22-.Ltmp25, $4  }
0x179: {  	s5 =	simm.s32 $0x0;
	p1 =	sgt.u32 s6, $0x27FF  }
0x17a: {  	s0 =	sadd.s32 $0x1, s0;
	s5 =	simm.s32 @!p1 $0x4;
	s7 =	sshrl.u32 @!p1 s6, $0x3  }
0x17b: {  	s4 =	sadd.s32 $0x1, s4;
	s6 =	sand.u32 @!p1 $0x7, s6;
	s7 =	sadd.s32 @!p1 s1, s7  }
0x17c: {  	[hbm4b:s7+s6] =	stream.linear.scatter @!p1 [tilespmem:s0], [sflag:$0x5], $0x1, $0x38;
	[tilespmem:$0x11A60] =	vst v63  }
.LBB3_23:
0x17d: {  	s0 =	sadd.s32 s3, s5  }
0x17e: {  	s3 =	sshrl.u32 s0, $0x2  }
.LBB3_24:
0x17f: {  	s0 =	simm.s32 $0x5  }
0x180: {  	_ =	swait.ge [sflag:s0], s3  }
0x181: {  	s1 =	ssub.s32 $0x0, s3;
	[sflag:s0] =	ssyncset.done $0x0  }
0x182: {  	[sflag:s0] =	ssyncadd.s32 s1  }
0x183: {  	[sflag:s0] =	ssyncpa.u1 $0x1  }
0x184: {  	s29 =	simm.s32 $0x1;
	_ =	sfence  }
0x185: {  	s30 =	simm.s32 $0x2;
	[sflag:s29] =	ssyncpa.u1 $0x1  }
0x186: {  	[sflag:s30] =	ssyncpa.u1 $0x1  }
0x187: {  	_ =	strace $0x9000004A  }
0x188: {  	[bflag:$0x2] =	sbarrier.arrive $0xFFFF  }
0x189: {  	s31 =	rddreg [dreg:$0x2]  }
0x18a: {  	s0 =	sadd.s32 $0x100000, s31  }
0x18b: {  	[sflag:s0] =	ssyncadd.tile.s32 $0x1;
	_ =	shalt  }
.Lfunc_end3:
_tile_overlayer_lowered:
.L_overlay_start_3:
0x18c: {  	(tag) =	ssettag $0x3  }
0x18d: {  	s0 =	rddreg [dreg:$0x0];
	s2 =	stileid.u32  }
0x18e: {  	s1 =	rddreg [dreg:$0x1];
	p0 =	sne.s32 s2, $0x0  }
0x18f: {  	s3 =	rddreg [dreg:$0x2];
	[bflag:$0x3] =	sbarrier.arrive $0xFFFF;
	s2 =	simm.s32 @!p0 $0x1C01  }
0x190: {  	[timem:s3], [sflag:s2] =	dma.local @!p0 [hbm:s0], s1  }
0x191: {  	s0 =	simm.s32 @!p0 $0x1  }
0x192: {  	_ =	swait.ge @!p0 [sflag:s0], s1  }
0x193: {  	s1 =	ssub.s32 @!p0 $0x0, s1;
	[sflag:s0] =	ssyncset.done @!p0 $0x0  }
0x194: {  	[sflag:s0] =	ssyncadd.s32 @!p0 s1  }
0x195: {  	[bflag:$0x3] =	sbarrier.arrive $0xFFFF  }
0x196: {  	_ =	shalt  }

</sc_bundles>
